<compile_context>
chip_gen: v7x
topology: tpu7x:2x2x1
jax: 0.10.2.dev20260603
libtpu: 0.0.44.dev20260713+nightly
codegen_flags: <defaults>
</compile_context>

<pallas_src>
import functools

import jax
import jax.numpy as jnp
from jax import lax
from jax.experimental import pallas as pl
from jax.experimental.pallas import tpu as pltpu
from jax.experimental.pallas import tpu_sc as plsc

A_DIM = 512
T_DIM = 2048
STEPS = 16
N_ARR = 16
GROUPS = 32

NW = 32
ARR_ELEMS = A_DIM * T_DIM
PER_W = ARR_ELEMS // 4
CHUNK = 32768
NCH = PER_W // CHUNK
UNROLL = 8


def _sc_scan_body(a_hbm, b_hbm, va_hbm, fa_hbm, ga_hbm, vb_hbm, fb_hbm,
                  gb_hbm, buf0, buf1, vout, fout, gout, sem0, sem1):
    cid = lax.axis_index("c")
    sid = lax.axis_index("s")
    wid = sid * 2 + cid
    base = wid * PER_W
    cbase0 = (wid & 3) * PER_W
    lane = lax.iota(jnp.int32, 16)
    bufs = [buf0, buf1]
    sems = [sem0, sem1]
    srcs = [a_hbm] * NCH + [b_hbm] * NCH
    ninf = jnp.full((16,), -jnp.inf, jnp.float32)
    z16 = jnp.zeros((16,), jnp.float32)

    def start(ch):
        g = ch % NCH
        return pltpu.async_copy(
            srcs[ch].at[pl.ds(pl.multiple_of(base + g * CHUNK, 8), CHUNK)],
            bufs[ch % 2], sems[ch % 2])

    cp = start(0)
    outs = [(va_hbm, fa_hbm, ga_hbm), (vb_hbm, fb_hbm, gb_hbm)]
    for phase in range(2):
        top_v = ninf
        top_i = jnp.full((16,), 2**31 - 1, jnp.int32)
        thr = jnp.float32(-jnp.inf)
        gsums = z16
        for g in range(NCH):
            ch = phase * NCH + g
            if ch + 1 < 2 * NCH:
                nxt = start(ch + 1)
            else:
                nxt = None
            cp.wait()
            buf = bufs[ch % 2]

            def inner(i, carry, buf=buf):
                s0, s1, m0, m1 = carry
                b0 = i * (16 * UNROLL)
                for u in range(0, UNROLL, 2):
                    v0 = buf[pl.ds(b0 + u * 16, 16)]
                    v1 = buf[pl.ds(b0 + (u + 1) * 16, 16)]
                    s0 = s0 + v0 * v0
                    m0 = jnp.maximum(m0, v0)
                    s1 = s1 + v1 * v1
                    m1 = jnp.maximum(m1, v1)
                return s0, s1, m0, m1

            s0, s1, m0, m1 = lax.fori_loop(
                0, (CHUNK // 16) // UNROLL, inner, (z16, z16, ninf, ninf))
            gsums = jnp.where(lane == g, gsums + jnp.sum(s0 + s1), gsums)
            cmax = jnp.max(jnp.maximum(m0, m1))
            cbase = cbase0 + g * CHUNK

            def rescan(carry, buf=buf, cbase=cbase):
                def body(i, c):
                    tv, ti, th = c
                    v = buf[pl.ds(i * 16, 16)]
                    m = jnp.max(v)

                    def do(c2):
                        tv2, ti2, _ = c2
                        inc_i = lane + (cbase + i * 16)
                        sv, si = plsc.sort_key_val(v, inc_i, descending=True)
                        take = (sv > tv2) | ((sv == tv2) & (si < ti2))
                        nv = jnp.where(take, sv, tv2)
                        ni = jnp.where(take, si, ti2)
                        nv, ni = plsc.sort_key_val(nv, ni, descending=False)
                        return nv, ni, jnp.min(nv)

                    return lax.cond(m > th, do, lambda c2: c2, (tv, ti, th))

                return lax.fori_loop(0, CHUNK // 16, body, carry)

            top_v, top_i, thr = lax.cond(
                cmax > thr, rescan, lambda c: c, (top_v, top_i, thr))
            cp = nxt

        v_hbm, f_hbm, g_hbm = outs[phase]
        vout[...] = top_v
        fout[...] = top_i
        gout[...] = gsums
        pltpu.sync_copy(vout, v_hbm.at[wid])
        pltpu.sync_copy(fout, f_hbm.at[wid])
        pltpu.sync_copy(gout, g_hbm.at[wid])


@functools.cache
def _get_sc_scan():
  return functools.partial(
    pl.kernel,
    mesh=plsc.VectorSubcoreMesh(core_axis_name="c", subcore_axis_name="s"),
    compiler_params=pltpu.CompilerParams(needs_layout_passes=False),
    out_type=[
        jax.ShapeDtypeStruct((NW, 16), jnp.float32),
        jax.ShapeDtypeStruct((NW, 16), jnp.int32),
        jax.ShapeDtypeStruct((NW, 16), jnp.float32),
        jax.ShapeDtypeStruct((NW, 16), jnp.float32),
        jax.ShapeDtypeStruct((NW, 16), jnp.int32),
        jax.ShapeDtypeStruct((NW, 16), jnp.float32),
    ],
    scratch_types=[
        pltpu.VMEM((CHUNK,), jnp.float32),
        pltpu.VMEM((CHUNK,), jnp.float32),
        pltpu.VMEM((16,), jnp.float32),
        pltpu.VMEM((16,), jnp.int32),
        pltpu.VMEM((16,), jnp.float32),
        pltpu.SemaphoreType.DMA,
        pltpu.SemaphoreType.DMA,
    ],
  )(_sc_scan_body)


NCAND = 4 * STEPS
Q_ALL = N_ARR * NCAND
P_ALL = N_ARR * STEPS


def _merge_body(cv_ref, cvr_ref, cf_ref, cfr_ref, vals_ref, flats_ref):
    cv = cv_ref[...]
    cvr = cvr_ref[...]
    cf = cf_ref[...]
    cfr = cfr_ref[...]

    p_io = lax.broadcasted_iota(jnp.int32, (Q_ALL, 1), 0)
    q_io = lax.broadcasted_iota(jnp.int32, (1, Q_ALL), 1)
    same = (p_io >> 6) == (q_io >> 6)
    beats = same & ((cv > cvr) | ((cv == cvr) & (cf < cfr)))
    rank_row = jnp.sum(beats.astype(jnp.int32), axis=0, keepdims=True)

    e_io = lax.broadcasted_iota(jnp.int32, (P_ALL, 1), 0)
    sel2 = ((q_io >> 6) == (e_io >> 4)) & (rank_row == (e_io & 15))
    vals = jnp.sum(jnp.where(sel2, cvr, 0.0), axis=1, keepdims=True)
    flats = jnp.sum(jnp.where(sel2, cfr, 0), axis=1, keepdims=True)
    vals_ref[...] = vals
    flats_ref[...] = flats


def _order_body(rows_ref, kc_ref, kr_ref, vals16_ref, grp16_ref, gsum_ref,
                out_ref):
    rows = rows_ref[...]
    keys_col = kc_ref[...]
    keys_row = kr_ref[...]

    pp_io = lax.broadcasted_iota(jnp.int32, (P_ALL, 1), 0)
    qq_io = lax.broadcasted_iota(jnp.int32, (1, P_ALL), 1)
    same_s = (pp_io >> 4) == (qq_io >> 4)
    beats_s = same_s & ((keys_col < keys_row) |
                        ((keys_col == keys_row) & (pp_io < qq_io)))
    rank_s = jnp.sum(beats_s.astype(jnp.int32), axis=0, keepdims=True)
    perm = (same_s & (rank_s == (pp_io & 15))).astype(jnp.float32)
    sorted_rows = lax.dot_general(perm, rows, (((1,), (0,)), ((), ())),
                                  preferred_element_type=jnp.float32)

    half = P_ALL // 2
    diff = sorted_rows[:half, :] - sorted_rows[half:, :]
    mse = jnp.sum(diff * diff) / float(half * 128)

    g_io = lax.broadcasted_iota(jnp.int32, (1, GROUPS), 1)
    removed = jnp.zeros((N_ARR, GROUPS), jnp.float32)
    for k in range(STEPS):
        vk = vals16_ref[:, k:k + 1]
        gk = grp16_ref[:, k:k + 1]
        removed = removed + jnp.where(g_io == gk, vk * vk, 0.0)
    resid = jnp.maximum(gsum_ref[...] - removed, 0.0)
    norm = jnp.sqrt(resid)
    nh = N_ARR // 2
    nmean = jnp.sum(jnp.abs(norm[:nh, :] - norm[nh:, :])) / float(nh * GROUPS)
    out_ref[...] = jnp.full((1, 1), mse + nmean, jnp.float32)


def kernel(a, b, emb_table, ord_w):
    af = a.reshape(-1)
    bf = b.reshape(-1)
    cva, cfa, gsa, cvb, cfb, gsb = _get_sc_scan()(af, bf)
    cv = jnp.concatenate([cva, cvb], axis=0)
    cf = jnp.concatenate([cfa, cfb], axis=0)
    gs = jnp.concatenate([gsa, gsb], axis=0)

    vals, flats = pl.pallas_call(
        _merge_body,
        out_shape=[
            jax.ShapeDtypeStruct((P_ALL, 1), jnp.float32),
            jax.ShapeDtypeStruct((P_ALL, 1), jnp.int32),
        ],
    )(
        cv.reshape(Q_ALL, 1),
        cv.reshape(1, Q_ALL),
        cf.reshape(Q_ALL, 1),
        cf.reshape(1, Q_ALL),
    )
    gsum = gs.reshape(N_ARR, 4, 16)[:, :, :8].reshape(N_ARR, GROUPS)

    v = vals[:, 0]
    fl = flats[:, 0]
    atom = fl >> 11
    t = fl & (T_DIM - 1)
    pos_idx = jnp.where(v > 0, t,
                        jnp.where(v == 0, 0, jnp.where(t != 0, 0, 1)))
    atom_idx = jnp.where(v > 0, atom,
                         jnp.where(v == 0, 0, jnp.where(atom != 0, 0, 1)))
    rng = jnp.linspace(0.0, 1.0, T_DIM)
    pos = rng[pos_idx] * 20.0
    onehot = (atom_idx[:, None] ==
              jnp.arange(A_DIM)[None, :]).astype(jnp.float32)
    emb_rows = onehot @ emb_table
    rows = jnp.concatenate(
        [pos[:, None], vals, emb_rows], axis=1)
    keys = (rows.reshape(N_ARR, STEPS, 128) @ ord_w).reshape(P_ALL)

    out = pl.pallas_call(
        _order_body,
        out_shape=jax.ShapeDtypeStruct((1, 1), jnp.float32),
    )(rows, keys.reshape(P_ALL, 1), keys.reshape(1, P_ALL),
      vals.reshape(N_ARR, STEPS), (flats >> 15).reshape(N_ARR, STEPS), gsum)
    return out[0, 0]

# --- scband reference (transcript-rebuilt; emitter-appended) ---
"""Pipeline reference for scband-sparse-coding-loss-42606075576971 (READ-ONLY COPY).

The authoritative reference and input builder live on the scoring server;
editing this copy changes nothing except your own understanding.
"""

import jax, jax.numpy as jnp
import numpy as np

N_SAMPLES = 32768
STEPS = 16


def soft_dirac(x, axis=-1):
    sm = jax.nn.softmax(x, axis=axis)
    idx = jnp.expand_dims(jnp.argmax(sm, axis=axis), axis)
    n = x.shape[axis]
    shp = [1] * x.ndim
    shp[axis] = n
    hard = (jnp.arange(n).reshape(shp) == idx).astype(sm.dtype)
    return sm + jax.lax.stop_gradient(hard - sm)


def sparsify(fm, n_to_keep=1):
    B, A, T = fm.shape
    flat = fm.reshape(B, A * T)
    values, indices = jax.lax.top_k(flat, n_to_keep)
    sparse = jnp.zeros_like(flat).at[jnp.arange(B)[:, None], indices].set(values)
    return sparse.reshape(B, A, T), indices, values


def extract_atom_embedding(fm_sparse, values, emb_table):
    B, A, T = fm_sparse.shape
    position = jnp.sum(fm_sparse, axis=1, keepdims=True)
    position = soft_dirac(position, axis=-1)
    rng = jnp.linspace(0.0, 1.0, T)
    position = position * rng[None, None, :]
    position = jnp.sum(position, axis=(1, 2)).reshape(B, 1) * 20.0
    v = values.reshape(B, 1)
    a = jnp.sum(fm_sparse, axis=-1, keepdims=True)
    a = soft_dirac(a, axis=1).reshape(B, A)
    a = a @ emb_table
    return jnp.concatenate([position, v, a], axis=-1)[:, None, :]


def encode(x, emb_table):
    residual = x
    embs = []
    for _ in range(STEPS):
        fm_s, idx, vals = sparsify(residual, 1)
        embs.append(extract_atom_embedding(fm_s, vals, emb_table))
        residual = residual - fm_s
    return jnp.concatenate(embs, axis=1), residual


def canonical_ordering(e, w):
    keys = e @ w
    order = jnp.argsort(keys, axis=1)
    return jnp.take_along_axis(e, order[:, :, None], axis=1)


def setup_inputs(seed: int = 0):
    key = jax.random.key(seed)
    k1, k2, k3, k4 = jax.random.split(key, 4)
    a = jax.random.normal(k1, (8, 512, 2048), dtype=jnp.float32)
    b = jax.random.normal(k2, (8, 512, 2048), dtype=jnp.float32)
    emb_table = jax.random.normal(k3, (512, 126), dtype=jnp.float32) * 0.1
    ord_w = jax.random.normal(k4, (128,), dtype=jnp.float32)
    return {"a": a, "b": b, "emb_table": emb_table, "ord_w": ord_w}


def reference(a, b, emb_table, ord_w):
    ae, a_res = encode(a, emb_table)
    ae = canonical_ordering(ae, ord_w)
    be, b_res = encode(b, emb_table)
    be = canonical_ordering(be, ord_w)
    a_norm = jnp.linalg.norm(a_res.reshape(-1, N_SAMPLES), axis=-1)
    b_norm = jnp.linalg.norm(b_res.reshape(-1, N_SAMPLES), axis=-1)
    return jnp.mean((ae - be) ** 2) + jnp.mean(jnp.abs(a_norm - b_norm))

if __name__ == "__main__":
    import jax
    _d = setup_inputs()
    print(jax.jit(kernel)(*tuple(_d.values())))

</pallas_src>

<mosaic_0001>
#map = affine_map<(d0, d1) -> (0)>
#map1 = affine_map<(d0, d1) -> (0, 0)>
module attributes {stable_mosaic.version = 14 : i64} {
  func.func @_sc_scan_body(%arg0: i32, %arg1: i32, %arg2: memref<8388608xf32, #tpu.memory_space<hbm>>, %arg3: memref<8388608xf32, #tpu.memory_space<hbm>>, %arg4: memref<32x16xf32, #tpu.memory_space<hbm>>, %arg5: memref<32x16xi32, #tpu.memory_space<hbm>>, %arg6: memref<32x16xf32, #tpu.memory_space<hbm>>, %arg7: memref<32x16xf32, #tpu.memory_space<hbm>>, %arg8: memref<32x16xi32, #tpu.memory_space<hbm>>, %arg9: memref<32x16xf32, #tpu.memory_space<hbm>>, %arg10: memref<32768xf32, #tpu.memory_space<vmem>>, %arg11: memref<32768xf32, #tpu.memory_space<vmem>>, %arg12: memref<16xf32, #tpu.memory_space<vmem>>, %arg13: memref<16xi32, #tpu.memory_space<vmem>>, %arg14: memref<16xf32, #tpu.memory_space<vmem>>, %arg15: memref<!tpu.dma_semaphore, #tpu.memory_space<semaphore_mem>>, %arg16: memref<!tpu.dma_semaphore, #tpu.memory_space<semaphore_mem>>) attributes {dimension_semantics = [#tpu.dimension_semantics<core_parallel>, #tpu.dimension_semantics<subcore_parallel>], iteration_bounds = array<i64: 2, 16>, scalar_prefetch = 0 : i64, scratch_operands = 7 : i64, tpu.core_type = #tpu.core_type<sc_vector_subcore>, window_params = [{transform_indices = #map}, {transform_indices = #map}, {transform_indices = #map1}, {transform_indices = #map1}, {transform_indices = #map1}, {transform_indices = #map1}, {transform_indices = #map1}, {transform_indices = #map1}]} {
    %mul3A = arith.constant 2 : i32
    %mul3A_0 = arith.muli %arg1, %mul3A : i32
    %add3A = arith.addi %mul3A_0, %arg0 : i32
    %mul3A_1 = arith.constant 262144 : i32
    %mul3A_2 = arith.muli %add3A, %mul3A_1 : i32
    %and3A = arith.constant 3 : i32
    %and3A_3 = arith.andi %add3A, %and3A : i32
    %mul3A_4 = arith.constant 262144 : i32
    %mul3A_5 = arith.muli %and3A_3, %mul3A_4 : i32
    %iota3A = tpu.iota {dimensions = array<i32: 0>} : vector<16xi32>
    %broadcast_in_dim3A = arith.constant 0xFF800000 : f32
    %broadcast_in_dim3A_6 = vector.broadcast %broadcast_in_dim3A : f32 to vector<16xf32>
    %broadcast_in_dim3A_7 = arith.constant 0.000000e+00 : f32
    %broadcast_in_dim3A_8 = vector.broadcast %broadcast_in_dim3A_7 : f32 to vector<16xf32>
    %add3A_9 = arith.constant 0 : i32
    %add3A_10 = arith.addi %mul3A_2, %add3A_9 : i32
    %multiple_of3A = tpu.assume_multiple %add3A_10, 8 : i32
    %dma_start3A = tpu.memref_slice %arg2[%multiple_of3A] : memref<8388608xf32, #tpu.memory_space<hbm>> -> memref<32768xf32, #tpu.memory_space<hbm>>
    %dma_start3A_11 = tpu.memref_slice %arg2[%multiple_of3A] : memref<8388608xf32, #tpu.memory_space<hbm>> -> memref<32768xf32, #tpu.memory_space<hbm>>
    tpu.enqueue_dma source(%dma_start3A_11 : memref<32768xf32, #tpu.memory_space<hbm>>) target(%arg10 : memref<32768xf32, #tpu.memory_space<vmem>>) target_semaphore(%arg15 : memref<!tpu.dma_semaphore, #tpu.memory_space<semaphore_mem>>)
    %broadcast_in_dim3A_12 = arith.constant 2147483647 : i32
    %broadcast_in_dim3A_13 = vector.broadcast %broadcast_in_dim3A_12 : i32 to vector<16xi32>
    %add3A_14 = arith.constant 32768 : i32
    %add3A_15 = arith.addi %mul3A_2, %add3A_14 : i32
    %multiple_of3A_16 = tpu.assume_multiple %add3A_15, 8 : i32
    %dma_start3A_17 = tpu.memref_slice %arg2[%multiple_of3A_16] : memref<8388608xf32, #tpu.memory_space<hbm>> -> memref<32768xf32, #tpu.memory_space<hbm>>
    %dma_start3A_18 = tpu.memref_slice %arg2[%multiple_of3A_16] : memref<8388608xf32, #tpu.memory_space<hbm>> -> memref<32768xf32, #tpu.memory_space<hbm>>
    tpu.enqueue_dma source(%dma_start3A_18 : memref<32768xf32, #tpu.memory_space<hbm>>) target(%arg11 : memref<32768xf32, #tpu.memory_space<vmem>>) target_semaphore(%arg16 : memref<!tpu.dma_semaphore, #tpu.memory_space<semaphore_mem>>)
    %dma_wait3A = tpu.memref_slice %arg2[%multiple_of3A] : memref<8388608xf32, #tpu.memory_space<hbm>> -> memref<32768xf32, #tpu.memory_space<hbm>>
    %dma_wait3A_19 = tpu.memref_slice %arg2[%multiple_of3A] : memref<8388608xf32, #tpu.memory_space<hbm>> -> memref<32768xf32, #tpu.memory_space<hbm>>
    tpu.wait_dma2 semaphore(%arg15 : memref<!tpu.dma_semaphore, #tpu.memory_space<semaphore_mem>>) src(%dma_wait3A_19 : memref<32768xf32, #tpu.memory_space<hbm>>) dst(%arg10 : memref<32768xf32, #tpu.memory_space<vmem>>)
    %scan3A = arith.constant 0 : i32
    %scan3A_20 = arith.constant 256 : i32
    %scan3A_21 = arith.addi %scan3A, %scan3A_20 : i32
    %scan3A_22 = arith.constant 1 : i32
    %scan3A_23:4 = scf.for %scan3A_592 = %scan3A to %scan3A_21 step %scan3A_22 iter_args(%scan3A_593 = %broadcast_in_dim3A_8, %scan3A_594 = %broadcast_in_dim3A_8, %scan3A_595 = %broadcast_in_dim3A_6, %scan3A_596 = %broadcast_in_dim3A_6) -> (vector<16xf32>, vector<16xf32>, vector<16xf32>, vector<16xf32>)  : i32 {
      %mul3A_597 = arith.constant 128 : i32
      %mul3A_598 = arith.muli %scan3A_592, %mul3A_597 : i32
      %add3A_599 = arith.constant 0 : i32
      %add3A_600 = arith.addi %mul3A_598, %add3A_599 : i32
      %get3A = arith.index_cast %add3A_600 : i32 to index
      %get3A_601 = tpu.vector_load %arg10[%get3A] {strides = array<i32>} : memref<32768xf32, #tpu.memory_space<vmem>>, vector<16xf32>,
      %add3A_602 = arith.constant 16 : i32
      %add3A_603 = arith.addi %mul3A_598, %add3A_602 : i32
      %get3A_604 = arith.index_cast %add3A_603 : i32 to index
      %get3A_605 = tpu.vector_load %arg10[%get3A_604] {strides = array<i32>} : memref<32768xf32, #tpu.memory_space<vmem>>, vector<16xf32>,
      %mul3A_606 = arith.mulf %get3A_601, %get3A_601 : vector<16xf32>
      %add3A_607 = arith.addf %scan3A_593, %mul3A_606 : vector<16xf32>
      %max3A_608 = arith.maximumf %scan3A_595, %get3A_601 : vector<16xf32>
      %mul3A_609 = arith.mulf %get3A_605, %get3A_605 : vector<16xf32>
      %add3A_610 = arith.addf %scan3A_594, %mul3A_609 : vector<16xf32>
      %max3A_611 = arith.maximumf %scan3A_596, %get3A_605 : vector<16xf32>
      %add3A_612 = arith.constant 32 : i32
      %add3A_613 = arith.addi %mul3A_598, %add3A_612 : i32
      %get3A_614 = arith.index_cast %add3A_613 : i32 to index
      %get3A_615 = tpu.vector_load %arg10[%get3A_614] {strides = array<i32>} : memref<32768xf32, #tpu.memory_space<vmem>>, vector<16xf32>,
      %add3A_616 = arith.constant 48 : i32
      %add3A_617 = arith.addi %mul3A_598, %add3A_616 : i32
      %get3A_618 = arith.index_cast %add3A_617 : i32 to index
      %get3A_619 = tpu.vector_load %arg10[%get3A_618] {strides = array<i32>} : memref<32768xf32, #tpu.memory_space<vmem>>, vector<16xf32>,
      %mul3A_620 = arith.mulf %get3A_615, %get3A_615 : vector<16xf32>
      %add3A_621 = arith.addf %add3A_607, %mul3A_620 : vector<16xf32>
      %max3A_622 = arith.maximumf %max3A_608, %get3A_615 : vector<16xf32>
      %mul3A_623 = arith.mulf %get3A_619, %get3A_619 : vector<16xf32>
      %add3A_624 = arith.addf %add3A_610, %mul3A_623 : vector<16xf32>
      %max3A_625 = arith.maximumf %max3A_611, %get3A_619 : vector<16xf32>
      %add3A_626 = arith.constant 64 : i32
      %add3A_627 = arith.addi %mul3A_598, %add3A_626 : i32
      %get3A_628 = arith.index_cast %add3A_627 : i32 to index
      %get3A_629 = tpu.vector_load %arg10[%get3A_628] {strides = array<i32>} : memref<32768xf32, #tpu.memory_space<vmem>>, vector<16xf32>,
      %add3A_630 = arith.constant 80 : i32
      %add3A_631 = arith.addi %mul3A_598, %add3A_630 : i32
      %get3A_632 = arith.index_cast %add3A_631 : i32 to index
      %get3A_633 = tpu.vector_load %arg10[%get3A_632] {strides = array<i32>} : memref<32768xf32, #tpu.memory_space<vmem>>, vector<16xf32>,
      %mul3A_634 = arith.mulf %get3A_629, %get3A_629 : vector<16xf32>
      %add3A_635 = arith.addf %add3A_621, %mul3A_634 : vector<16xf32>
      %max3A_636 = arith.maximumf %max3A_622, %get3A_629 : vector<16xf32>
      %mul3A_637 = arith.mulf %get3A_633, %get3A_633 : vector<16xf32>
      %add3A_638 = arith.addf %add3A_624, %mul3A_637 : vector<16xf32>
      %max3A_639 = arith.maximumf %max3A_625, %get3A_633 : vector<16xf32>
      %add3A_640 = arith.constant 96 : i32
      %add3A_641 = arith.addi %mul3A_598, %add3A_640 : i32
      %get3A_642 = arith.index_cast %add3A_641 : i32 to index
      %get3A_643 = tpu.vector_load %arg10[%get3A_642] {strides = array<i32>} : memref<32768xf32, #tpu.memory_space<vmem>>, vector<16xf32>,
      %add3A_644 = arith.constant 112 : i32
      %add3A_645 = arith.addi %mul3A_598, %add3A_644 : i32
      %get3A_646 = arith.index_cast %add3A_645 : i32 to index
      %get3A_647 = tpu.vector_load %arg10[%get3A_646] {strides = array<i32>} : memref<32768xf32, #tpu.memory_space<vmem>>, vector<16xf32>,
      %mul3A_648 = arith.mulf %get3A_643, %get3A_643 : vector<16xf32>
      %add3A_649 = arith.addf %add3A_635, %mul3A_648 : vector<16xf32>
      %max3A_650 = arith.maximumf %max3A_636, %get3A_643 : vector<16xf32>
      %mul3A_651 = arith.mulf %get3A_647, %get3A_647 : vector<16xf32>
      %add3A_652 = arith.addf %add3A_638, %mul3A_651 : vector<16xf32>
      %max3A_653 = arith.maximumf %max3A_639, %get3A_647 : vector<16xf32>
      scf.yield %add3A_649, %add3A_652, %max3A_650, %max3A_653 : vector<16xf32>, vector<16xf32>, vector<16xf32>, vector<16xf32>
    }
    %scan3A_24 = arith.constant 256 : i32
    %eq3A = arith.constant 0 : i32
    %eq3A_25 = vector.broadcast %eq3A : i32 to vector<16xi32>
    %eq3A_26 = arith.cmpi eq, %iota3A, %eq3A_25 : vector<16xi32>
    %add3A_27 = arith.addf %scan3A_23#0, %scan3A_23#1 : vector<16xf32>
    %reduce_sum3A = arith.constant true
    %reduce_sum3A_28 = vector.broadcast %reduce_sum3A : i1 to vector<16xi1>
    %reduce_sum3A_29 = tpu.scan <sum>, %add3A_27 masked %reduce_sum3A_28 : vector<16xf32>, vector<16xi1> -> vector<16xf32>
    %reduce_sum3A_30 = vector.extract %reduce_sum3A_29[15] : f32 from vector<16xf32>
    %add3A_31 = vector.broadcast %reduce_sum3A_30 : f32 to vector<16xf32>
    %add3A_32 = arith.addf %broadcast_in_dim3A_8, %add3A_31 : vector<16xf32>
    %select_n3A = arith.select %eq3A_26, %add3A_32, %broadcast_in_dim3A_8 : vector<16xi1>, vector<16xf32>
    %max3A = arith.maximumf %scan3A_23#2, %scan3A_23#3 : vector<16xf32>
    %reduce_max3A = arith.constant true
    %reduce_max3A_33 = vector.broadcast %reduce_max3A : i1 to vector<16xi1>
    %reduce_max3A_34 = tpu.scan <max>, %max3A masked %reduce_max3A_33 : vector<16xf32>, vector<16xi1> -> vector<16xf32>
    %reduce_max3A_35 = vector.extract %reduce_max3A_34[15] : f32 from vector<16xf32>
    %add3A_36 = arith.constant 0 : i32
    %add3A_37 = arith.addi %mul3A_5, %add3A_36 : i32
    %gt3A = arith.constant 0xFF800000 : f32
    %gt3A_38 = arith.cmpf ogt, %reduce_max3A_35, %gt3A : f32
    %convert_element_type3A = arith.extui %gt3A_38 : i1 to i32
    %cond3A = arith.constant 0xFF800000 : f32
    %cond3A_39 = arith.constant 0 : i32
    %cond3A_40 = arith.cmpi ne, %convert_element_type3A, %cond3A_39 : i32
    %cond3A_41:3 = scf.if %cond3A_40 -> (vector<16xf32>, vector<16xi32>, f32) {
      %scan3A_592 = arith.constant 0 : i32
      %scan3A_593 = arith.constant 2048 : i32
      %scan3A_594 = arith.addi %scan3A_592, %scan3A_593 : i32
      %scan3A_595 = arith.constant 1 : i32
      %scan3A_596:3 = scf.for %scan3A_598 = %scan3A_592 to %scan3A_594 step %scan3A_595 iter_args(%scan3A_599 = %broadcast_in_dim3A_6, %scan3A_600 = %broadcast_in_dim3A_13, %scan3A_601 = %cond3A) -> (vector<16xf32>, vector<16xi32>, f32)  : i32 {
        %mul3A_602 = arith.constant 16 : i32
        %mul3A_603 = arith.muli %scan3A_598, %mul3A_602 : i32
        %get3A = arith.index_cast %mul3A_603 : i32 to index
        %get3A_604 = tpu.vector_load %arg10[%get3A] {strides = array<i32>} : memref<32768xf32, #tpu.memory_space<vmem>>, vector<16xf32>,
        %reduce_max3A_605 = arith.constant true
        %reduce_max3A_606 = vector.broadcast %reduce_max3A_605 : i1 to vector<16xi1>
        %reduce_max3A_607 = tpu.scan <max>, %get3A_604 masked %reduce_max3A_606 : vector<16xf32>, vector<16xi1> -> vector<16xf32>
        %reduce_max3A_608 = vector.extract %reduce_max3A_607[15] : f32 from vector<16xf32>
        %gt3A_609 = arith.cmpf ogt, %reduce_max3A_608, %scan3A_601 : f32
        %convert_element_type3A_610 = arith.extui %gt3A_609 : i1 to i32
        %cond3A_611 = arith.constant 0 : i32
        %cond3A_612 = arith.cmpi ne, %convert_element_type3A_610, %cond3A_611 : i32
        %cond3A_613:3 = scf.if %cond3A_612 -> (vector<16xf32>, vector<16xi32>, f32) {
          %mul3A_614 = arith.constant 16 : i32
          %mul3A_615 = arith.muli %scan3A_598, %mul3A_614 : i32
          %add3A_616 = arith.addi %add3A_37, %mul3A_615 : i32
          %add3A_617 = vector.broadcast %add3A_616 : i32 to vector<16xi32>
          %add3A_618 = arith.addi %iota3A, %add3A_617 : vector<16xi32>
          %masked_sort3A = arith.constant dense<true> : vector<16xi1>
          %masked_sort3A_619, %masked_sort3A_620, %masked_sort3A_621 = tpu.sort %get3A_604, %add3A_618 masked %masked_sort3A {descending = true} : (vector<16xf32>, vector<16xi32>, vector<16xi1>) -> (vector<16xi1>, vector<16xf32>, vector<16xi32>)
          %gt3A_622 = arith.cmpf ogt, %masked_sort3A_620, %scan3A_599 : vector<16xf32>
          %eq3A_623 = arith.cmpf oeq, %masked_sort3A_620, %scan3A_599 : vector<16xf32>
          %lt3A = arith.cmpi slt, %masked_sort3A_621, %scan3A_600 : vector<16xi32>
          %and3A_624 = arith.andi %eq3A_623, %lt3A : vector<16xi1>
          %or3A = arith.ori %gt3A_622, %and3A_624 : vector<16xi1>
          %select_n3A_625 = arith.select %or3A, %masked_sort3A_620, %scan3A_599 : vector<16xi1>, vector<16xf32>
          %select_n3A_626 = arith.select %or3A, %masked_sort3A_621, %scan3A_600 : vector<16xi1>, vector<16xi32>
          %masked_sort3A_627 = arith.constant dense<true> : vector<16xi1>
          %masked_sort3A_628, %masked_sort3A_629, %masked_sort3A_630 = tpu.sort %select_n3A_625, %select_n3A_626 masked %masked_sort3A_627 : (vector<16xf32>, vector<16xi32>, vector<16xi1>) -> (vector<16xi1>, vector<16xf32>, vector<16xi32>)
          %reduce_min3A = arith.constant true
          %reduce_min3A_631 = vector.broadcast %reduce_min3A : i1 to vector<16xi1>
          %reduce_min3A_632 = tpu.scan <min>, %masked_sort3A_629 masked %reduce_min3A_631 : vector<16xf32>, vector<16xi1> -> vector<16xf32>
          %reduce_min3A_633 = vector.extract %reduce_min3A_632[15] : f32 from vector<16xf32>
          scf.yield %masked_sort3A_629, %masked_sort3A_630, %reduce_min3A_633 : vector<16xf32>, vector<16xi32>, f32
        } else {
          scf.yield %scan3A_599, %scan3A_600, %scan3A_601 : vector<16xf32>, vector<16xi32>, f32
        }
        scf.yield %cond3A_613#0, %cond3A_613#1, %cond3A_613#2 : vector<16xf32>, vector<16xi32>, f32
      }
      %scan3A_597 = arith.constant 2048 : i32
      scf.yield %scan3A_596#0, %scan3A_596#1, %scan3A_596#2 : vector<16xf32>, vector<16xi32>, f32
    } else {
      scf.yield %broadcast_in_dim3A_6, %broadcast_in_dim3A_13, %cond3A : vector<16xf32>, vector<16xi32>, f32
    }
    %add3A_42 = arith.constant 65536 : i32
    %add3A_43 = arith.addi %mul3A_2, %add3A_42 : i32
    %multiple_of3A_44 = tpu.assume_multiple %add3A_43, 8 : i32
    %dma_start3A_45 = tpu.memref_slice %arg2[%multiple_of3A_44] : memref<8388608xf32, #tpu.memory_space<hbm>> -> memref<32768xf32, #tpu.memory_space<hbm>>
    %dma_start3A_46 = tpu.memref_slice %arg2[%multiple_of3A_44] : memref<8388608xf32, #tpu.memory_space<hbm>> -> memref<32768xf32, #tpu.memory_space<hbm>>
    tpu.enqueue_dma source(%dma_start3A_46 : memref<32768xf32, #tpu.memory_space<hbm>>) target(%arg10 : memref<32768xf32, #tpu.memory_space<vmem>>) target_semaphore(%arg15 : memref<!tpu.dma_semaphore, #tpu.memory_space<semaphore_mem>>)
    %dma_wait3A_47 = tpu.memref_slice %arg2[%multiple_of3A_16] : memref<8388608xf32, #tpu.memory_space<hbm>> -> memref<32768xf32, #tpu.memory_space<hbm>>
    %dma_wait3A_48 = tpu.memref_slice %arg2[%multiple_of3A_16] : memref<8388608xf32, #tpu.memory_space<hbm>> -> memref<32768xf32, #tpu.memory_space<hbm>>
    tpu.wait_dma2 semaphore(%arg16 : memref<!tpu.dma_semaphore, #tpu.memory_space<semaphore_mem>>) src(%dma_wait3A_48 : memref<32768xf32, #tpu.memory_space<hbm>>) dst(%arg11 : memref<32768xf32, #tpu.memory_space<vmem>>)
    %scan3A_49 = arith.constant 0 : i32
    %scan3A_50 = arith.constant 256 : i32
    %scan3A_51 = arith.addi %scan3A_49, %scan3A_50 : i32
    %scan3A_52 = arith.constant 1 : i32
    %scan3A_53:4 = scf.for %scan3A_592 = %scan3A_49 to %scan3A_51 step %scan3A_52 iter_args(%scan3A_593 = %broadcast_in_dim3A_8, %scan3A_594 = %broadcast_in_dim3A_8, %scan3A_595 = %broadcast_in_dim3A_6, %scan3A_596 = %broadcast_in_dim3A_6) -> (vector<16xf32>, vector<16xf32>, vector<16xf32>, vector<16xf32>)  : i32 {
      %mul3A_597 = arith.constant 128 : i32
      %mul3A_598 = arith.muli %scan3A_592, %mul3A_597 : i32
      %add3A_599 = arith.constant 0 : i32
      %add3A_600 = arith.addi %mul3A_598, %add3A_599 : i32
      %get3A = arith.index_cast %add3A_600 : i32 to index
      %get3A_601 = tpu.vector_load %arg11[%get3A] {strides = array<i32>} : memref<32768xf32, #tpu.memory_space<vmem>>, vector<16xf32>,
      %add3A_602 = arith.constant 16 : i32
      %add3A_603 = arith.addi %mul3A_598, %add3A_602 : i32
      %get3A_604 = arith.index_cast %add3A_603 : i32 to index
      %get3A_605 = tpu.vector_load %arg11[%get3A_604] {strides = array<i32>} : memref<32768xf32, #tpu.memory_space<vmem>>, vector<16xf32>,
      %mul3A_606 = arith.mulf %get3A_601, %get3A_601 : vector<16xf32>
      %add3A_607 = arith.addf %scan3A_593, %mul3A_606 : vector<16xf32>
      %max3A_608 = arith.maximumf %scan3A_595, %get3A_601 : vector<16xf32>
      %mul3A_609 = arith.mulf %get3A_605, %get3A_605 : vector<16xf32>
      %add3A_610 = arith.addf %scan3A_594, %mul3A_609 : vector<16xf32>
      %max3A_611 = arith.maximumf %scan3A_596, %get3A_605 : vector<16xf32>
      %add3A_612 = arith.constant 32 : i32
      %add3A_613 = arith.addi %mul3A_598, %add3A_612 : i32
      %get3A_614 = arith.index_cast %add3A_613 : i32 to index
      %get3A_615 = tpu.vector_load %arg11[%get3A_614] {strides = array<i32>} : memref<32768xf32, #tpu.memory_space<vmem>>, vector<16xf32>,
      %add3A_616 = arith.constant 48 : i32
      %add3A_617 = arith.addi %mul3A_598, %add3A_616 : i32
      %get3A_618 = arith.index_cast %add3A_617 : i32 to index
      %get3A_619 = tpu.vector_load %arg11[%get3A_618] {strides = array<i32>} : memref<32768xf32, #tpu.memory_space<vmem>>, vector<16xf32>,
      %mul3A_620 = arith.mulf %get3A_615, %get3A_615 : vector<16xf32>
      %add3A_621 = arith.addf %add3A_607, %mul3A_620 : vector<16xf32>
      %max3A_622 = arith.maximumf %max3A_608, %get3A_615 : vector<16xf32>
      %mul3A_623 = arith.mulf %get3A_619, %get3A_619 : vector<16xf32>
      %add3A_624 = arith.addf %add3A_610, %mul3A_623 : vector<16xf32>
      %max3A_625 = arith.maximumf %max3A_611, %get3A_619 : vector<16xf32>
      %add3A_626 = arith.constant 64 : i32
      %add3A_627 = arith.addi %mul3A_598, %add3A_626 : i32
      %get3A_628 = arith.index_cast %add3A_627 : i32 to index
      %get3A_629 = tpu.vector_load %arg11[%get3A_628] {strides = array<i32>} : memref<32768xf32, #tpu.memory_space<vmem>>, vector<16xf32>,
      %add3A_630 = arith.constant 80 : i32
      %add3A_631 = arith.addi %mul3A_598, %add3A_630 : i32
      %get3A_632 = arith.index_cast %add3A_631 : i32 to index
      %get3A_633 = tpu.vector_load %arg11[%get3A_632] {strides = array<i32>} : memref<32768xf32, #tpu.memory_space<vmem>>, vector<16xf32>,
      %mul3A_634 = arith.mulf %get3A_629, %get3A_629 : vector<16xf32>
      %add3A_635 = arith.addf %add3A_621, %mul3A_634 : vector<16xf32>
      %max3A_636 = arith.maximumf %max3A_622, %get3A_629 : vector<16xf32>
      %mul3A_637 = arith.mulf %get3A_633, %get3A_633 : vector<16xf32>
      %add3A_638 = arith.addf %add3A_624, %mul3A_637 : vector<16xf32>
      %max3A_639 = arith.maximumf %max3A_625, %get3A_633 : vector<16xf32>
      %add3A_640 = arith.constant 96 : i32
      %add3A_641 = arith.addi %mul3A_598, %add3A_640 : i32
      %get3A_642 = arith.index_cast %add3A_641 : i32 to index
      %get3A_643 = tpu.vector_load %arg11[%get3A_642] {strides = array<i32>} : memref<32768xf32, #tpu.memory_space<vmem>>, vector<16xf32>,
      %add3A_644 = arith.constant 112 : i32
      %add3A_645 = arith.addi %mul3A_598, %add3A_644 : i32
      %get3A_646 = arith.index_cast %add3A_645 : i32 to index
      %get3A_647 = tpu.vector_load %arg11[%get3A_646] {strides = array<i32>} : memref<32768xf32, #tpu.memory_space<vmem>>, vector<16xf32>,
      %mul3A_648 = arith.mulf %get3A_643, %get3A_643 : vector<16xf32>
      %add3A_649 = arith.addf %add3A_635, %mul3A_648 : vector<16xf32>
      %max3A_650 = arith.maximumf %max3A_636, %get3A_643 : vector<16xf32>
      %mul3A_651 = arith.mulf %get3A_647, %get3A_647 : vector<16xf32>
      %add3A_652 = arith.addf %add3A_638, %mul3A_651 : vector<16xf32>
      %max3A_653 = arith.maximumf %max3A_639, %get3A_647 : vector<16xf32>
      scf.yield %add3A_649, %add3A_652, %max3A_650, %max3A_653 : vector<16xf32>, vector<16xf32>, vector<16xf32>, vector<16xf32>
    }
    %scan3A_54 = arith.constant 256 : i32
    %eq3A_55 = arith.constant 1 : i32
    %eq3A_56 = vector.broadcast %eq3A_55 : i32 to vector<16xi32>
    %eq3A_57 = arith.cmpi eq, %iota3A, %eq3A_56 : vector<16xi32>
    %add3A_58 = arith.addf %scan3A_53#0, %scan3A_53#1 : vector<16xf32>
    %reduce_sum3A_59 = arith.constant true
    %reduce_sum3A_60 = vector.broadcast %reduce_sum3A_59 : i1 to vector<16xi1>
    %reduce_sum3A_61 = tpu.scan <sum>, %add3A_58 masked %reduce_sum3A_60 : vector<16xf32>, vector<16xi1> -> vector<16xf32>
    %reduce_sum3A_62 = vector.extract %reduce_sum3A_61[15] : f32 from vector<16xf32>
    %add3A_63 = vector.broadcast %reduce_sum3A_62 : f32 to vector<16xf32>
    %add3A_64 = arith.addf %select_n3A, %add3A_63 : vector<16xf32>
    %select_n3A_65 = arith.select %eq3A_57, %add3A_64, %select_n3A : vector<16xi1>, vector<16xf32>
    %max3A_66 = arith.maximumf %scan3A_53#2, %scan3A_53#3 : vector<16xf32>
    %reduce_max3A_67 = arith.constant true
    %reduce_max3A_68 = vector.broadcast %reduce_max3A_67 : i1 to vector<16xi1>
    %reduce_max3A_69 = tpu.scan <max>, %max3A_66 masked %reduce_max3A_68 : vector<16xf32>, vector<16xi1> -> vector<16xf32>
    %reduce_max3A_70 = vector.extract %reduce_max3A_69[15] : f32 from vector<16xf32>
    %add3A_71 = arith.constant 32768 : i32
    %add3A_72 = arith.addi %mul3A_5, %add3A_71 : i32
    %gt3A_73 = arith.cmpf ogt, %reduce_max3A_70, %cond3A_41#2 : f32
    %convert_element_type3A_74 = arith.extui %gt3A_73 : i1 to i32
    %cond3A_75 = arith.constant 0 : i32
    %cond3A_76 = arith.cmpi ne, %convert_element_type3A_74, %cond3A_75 : i32
    %cond3A_77:3 = scf.if %cond3A_76 -> (vector<16xf32>, vector<16xi32>, f32) {
      %scan3A_592 = arith.constant 0 : i32
      %scan3A_593 = arith.constant 2048 : i32
      %scan3A_594 = arith.addi %scan3A_592, %scan3A_593 : i32
      %scan3A_595 = arith.constant 1 : i32
      %scan3A_596:3 = scf.for %scan3A_598 = %scan3A_592 to %scan3A_594 step %scan3A_595 iter_args(%scan3A_599 = %cond3A_41#0, %scan3A_600 = %cond3A_41#1, %scan3A_601 = %cond3A_41#2) -> (vector<16xf32>, vector<16xi32>, f32)  : i32 {
        %mul3A_602 = arith.constant 16 : i32
        %mul3A_603 = arith.muli %scan3A_598, %mul3A_602 : i32
        %get3A = arith.index_cast %mul3A_603 : i32 to index
        %get3A_604 = tpu.vector_load %arg11[%get3A] {strides = array<i32>} : memref<32768xf32, #tpu.memory_space<vmem>>, vector<16xf32>,
        %reduce_max3A_605 = arith.constant true
        %reduce_max3A_606 = vector.broadcast %reduce_max3A_605 : i1 to vector<16xi1>
        %reduce_max3A_607 = tpu.scan <max>, %get3A_604 masked %reduce_max3A_606 : vector<16xf32>, vector<16xi1> -> vector<16xf32>
        %reduce_max3A_608 = vector.extract %reduce_max3A_607[15] : f32 from vector<16xf32>
        %gt3A_609 = arith.cmpf ogt, %reduce_max3A_608, %scan3A_601 : f32
        %convert_element_type3A_610 = arith.extui %gt3A_609 : i1 to i32
        %cond3A_611 = arith.constant 0 : i32
        %cond3A_612 = arith.cmpi ne, %convert_element_type3A_610, %cond3A_611 : i32
        %cond3A_613:3 = scf.if %cond3A_612 -> (vector<16xf32>, vector<16xi32>, f32) {
          %mul3A_614 = arith.constant 16 : i32
          %mul3A_615 = arith.muli %scan3A_598, %mul3A_614 : i32
          %add3A_616 = arith.addi %add3A_72, %mul3A_615 : i32
          %add3A_617 = vector.broadcast %add3A_616 : i32 to vector<16xi32>
          %add3A_618 = arith.addi %iota3A, %add3A_617 : vector<16xi32>
          %masked_sort3A = arith.constant dense<true> : vector<16xi1>
          %masked_sort3A_619, %masked_sort3A_620, %masked_sort3A_621 = tpu.sort %get3A_604, %add3A_618 masked %masked_sort3A {descending = true} : (vector<16xf32>, vector<16xi32>, vector<16xi1>) -> (vector<16xi1>, vector<16xf32>, vector<16xi32>)
          %gt3A_622 = arith.cmpf ogt, %masked_sort3A_620, %scan3A_599 : vector<16xf32>
          %eq3A_623 = arith.cmpf oeq, %masked_sort3A_620, %scan3A_599 : vector<16xf32>
          %lt3A = arith.cmpi slt, %masked_sort3A_621, %scan3A_600 : vector<16xi32>
          %and3A_624 = arith.andi %eq3A_623, %lt3A : vector<16xi1>
          %or3A = arith.ori %gt3A_622, %and3A_624 : vector<16xi1>
          %select_n3A_625 = arith.select %or3A, %masked_sort3A_620, %scan3A_599 : vector<16xi1>, vector<16xf32>
          %select_n3A_626 = arith.select %or3A, %masked_sort3A_621, %scan3A_600 : vector<16xi1>, vector<16xi32>
          %masked_sort3A_627 = arith.constant dense<true> : vector<16xi1>
          %masked_sort3A_628, %masked_sort3A_629, %masked_sort3A_630 = tpu.sort %select_n3A_625, %select_n3A_626 masked %masked_sort3A_627 : (vector<16xf32>, vector<16xi32>, vector<16xi1>) -> (vector<16xi1>, vector<16xf32>, vector<16xi32>)
          %reduce_min3A = arith.constant true
          %reduce_min3A_631 = vector.broadcast %reduce_min3A : i1 to vector<16xi1>
          %reduce_min3A_632 = tpu.scan <min>, %masked_sort3A_629 masked %reduce_min3A_631 : vector<16xf32>, vector<16xi1> -> vector<16xf32>
          %reduce_min3A_633 = vector.extract %reduce_min3A_632[15] : f32 from vector<16xf32>
          scf.yield %masked_sort3A_629, %masked_sort3A_630, %reduce_min3A_633 : vector<16xf32>, vector<16xi32>, f32
        } else {
          scf.yield %scan3A_599, %scan3A_600, %scan3A_601 : vector<16xf32>, vector<16xi32>, f32
        }
        scf.yield %cond3A_613#0, %cond3A_613#1, %cond3A_613#2 : vector<16xf32>, vector<16xi32>, f32
      }
      %scan3A_597 = arith.constant 2048 : i32
      scf.yield %scan3A_596#0, %scan3A_596#1, %scan3A_596#2 : vector<16xf32>, vector<16xi32>, f32
    } else {
      scf.yield %cond3A_41#0, %cond3A_41#1, %cond3A_41#2 : vector<16xf32>, vector<16xi32>, f32
    }
    %add3A_78 = arith.constant 98304 : i32
    %add3A_79 = arith.addi %mul3A_2, %add3A_78 : i32
    %multiple_of3A_80 = tpu.assume_multiple %add3A_79, 8 : i32
    %dma_start3A_81 = tpu.memref_slice %arg2[%multiple_of3A_80] : memref<8388608xf32, #tpu.memory_space<hbm>> -> memref<32768xf32, #tpu.memory_space<hbm>>
    %dma_start3A_82 = tpu.memref_slice %arg2[%multiple_of3A_80] : memref<8388608xf32, #tpu.memory_space<hbm>> -> memref<32768xf32, #tpu.memory_space<hbm>>
    tpu.enqueue_dma source(%dma_start3A_82 : memref<32768xf32, #tpu.memory_space<hbm>>) target(%arg11 : memref<32768xf32, #tpu.memory_space<vmem>>) target_semaphore(%arg16 : memref<!tpu.dma_semaphore, #tpu.memory_space<semaphore_mem>>)
    %dma_wait3A_83 = tpu.memref_slice %arg2[%multiple_of3A_44] : memref<8388608xf32, #tpu.memory_space<hbm>> -> memref<32768xf32, #tpu.memory_space<hbm>>
    %dma_wait3A_84 = tpu.memref_slice %arg2[%multiple_of3A_44] : memref<8388608xf32, #tpu.memory_space<hbm>> -> memref<32768xf32, #tpu.memory_space<hbm>>
    tpu.wait_dma2 semaphore(%arg15 : memref<!tpu.dma_semaphore, #tpu.memory_space<semaphore_mem>>) src(%dma_wait3A_84 : memref<32768xf32, #tpu.memory_space<hbm>>) dst(%arg10 : memref<32768xf32, #tpu.memory_space<vmem>>)
    %scan3A_85 = arith.constant 0 : i32
    %scan3A_86 = arith.constant 256 : i32
    %scan3A_87 = arith.addi %scan3A_85, %scan3A_86 : i32
    %scan3A_88 = arith.constant 1 : i32
    %scan3A_89:4 = scf.for %scan3A_592 = %scan3A_85 to %scan3A_87 step %scan3A_88 iter_args(%scan3A_593 = %broadcast_in_dim3A_8, %scan3A_594 = %broadcast_in_dim3A_8, %scan3A_595 = %broadcast_in_dim3A_6, %scan3A_596 = %broadcast_in_dim3A_6) -> (vector<16xf32>, vector<16xf32>, vector<16xf32>, vector<16xf32>)  : i32 {
      %mul3A_597 = arith.constant 128 : i32
      %mul3A_598 = arith.muli %scan3A_592, %mul3A_597 : i32
      %add3A_599 = arith.constant 0 : i32
      %add3A_600 = arith.addi %mul3A_598, %add3A_599 : i32
      %get3A = arith.index_cast %add3A_600 : i32 to index
      %get3A_601 = tpu.vector_load %arg10[%get3A] {strides = array<i32>} : memref<32768xf32, #tpu.memory_space<vmem>>, vector<16xf32>,
      %add3A_602 = arith.constant 16 : i32
      %add3A_603 = arith.addi %mul3A_598, %add3A_602 : i32
      %get3A_604 = arith.index_cast %add3A_603 : i32 to index
      %get3A_605 = tpu.vector_load %arg10[%get3A_604] {strides = array<i32>} : memref<32768xf32, #tpu.memory_space<vmem>>, vector<16xf32>,
      %mul3A_606 = arith.mulf %get3A_601, %get3A_601 : vector<16xf32>
      %add3A_607 = arith.addf %scan3A_593, %mul3A_606 : vector<16xf32>
      %max3A_608 = arith.maximumf %scan3A_595, %get3A_601 : vector<16xf32>
      %mul3A_609 = arith.mulf %get3A_605, %get3A_605 : vector<16xf32>
      %add3A_610 = arith.addf %scan3A_594, %mul3A_609 : vector<16xf32>
      %max3A_611 = arith.maximumf %scan3A_596, %get3A_605 : vector<16xf32>
      %add3A_612 = arith.constant 32 : i32
      %add3A_613 = arith.addi %mul3A_598, %add3A_612 : i32
      %get3A_614 = arith.index_cast %add3A_613 : i32 to index
      %get3A_615 = tpu.vector_load %arg10[%get3A_614] {strides = array<i32>} : memref<32768xf32, #tpu.memory_space<vmem>>, vector<16xf32>,
      %add3A_616 = arith.constant 48 : i32
      %add3A_617 = arith.addi %mul3A_598, %add3A_616 : i32
      %get3A_618 = arith.index_cast %add3A_617 : i32 to index
      %get3A_619 = tpu.vector_load %arg10[%get3A_618] {strides = array<i32>} : memref<32768xf32, #tpu.memory_space<vmem>>, vector<16xf32>,
      %mul3A_620 = arith.mulf %get3A_615, %get3A_615 : vector<16xf32>
      %add3A_621 = arith.addf %add3A_607, %mul3A_620 : vector<16xf32>
      %max3A_622 = arith.maximumf %max3A_608, %get3A_615 : vector<16xf32>
      %mul3A_623 = arith.mulf %get3A_619, %get3A_619 : vector<16xf32>
      %add3A_624 = arith.addf %add3A_610, %mul3A_623 : vector<16xf32>
      %max3A_625 = arith.maximumf %max3A_611, %get3A_619 : vector<16xf32>
      %add3A_626 = arith.constant 64 : i32
      %add3A_627 = arith.addi %mul3A_598, %add3A_626 : i32
      %get3A_628 = arith.index_cast %add3A_627 : i32 to index
      %get3A_629 = tpu.vector_load %arg10[%get3A_628] {strides = array<i32>} : memref<32768xf32, #tpu.memory_space<vmem>>, vector<16xf32>,
      %add3A_630 = arith.constant 80 : i32
      %add3A_631 = arith.addi %mul3A_598, %add3A_630 : i32
      %get3A_632 = arith.index_cast %add3A_631 : i32 to index
      %get3A_633 = tpu.vector_load %arg10[%get3A_632] {strides = array<i32>} : memref<32768xf32, #tpu.memory_space<vmem>>, vector<16xf32>,
      %mul3A_634 = arith.mulf %get3A_629, %get3A_629 : vector<16xf32>
      %add3A_635 = arith.addf %add3A_621, %mul3A_634 : vector<16xf32>
      %max3A_636 = arith.maximumf %max3A_622, %get3A_629 : vector<16xf32>
      %mul3A_637 = arith.mulf %get3A_633, %get3A_633 : vector<16xf32>
      %add3A_638 = arith.addf %add3A_624, %mul3A_637 : vector<16xf32>
      %max3A_639 = arith.maximumf %max3A_625, %get3A_633 : vector<16xf32>
      %add3A_640 = arith.constant 96 : i32
      %add3A_641 = arith.addi %mul3A_598, %add3A_640 : i32
      %get3A_642 = arith.index_cast %add3A_641 : i32 to index
      %get3A_643 = tpu.vector_load %arg10[%get3A_642] {strides = array<i32>} : memref<32768xf32, #tpu.memory_space<vmem>>, vector<16xf32>,
      %add3A_644 = arith.constant 112 : i32
      %add3A_645 = arith.addi %mul3A_598, %add3A_644 : i32
      %get3A_646 = arith.index_cast %add3A_645 : i32 to index
      %get3A_647 = tpu.vector_load %arg10[%get3A_646] {strides = array<i32>} : memref<32768xf32, #tpu.memory_space<vmem>>, vector<16xf32>,
      %mul3A_648 = arith.mulf %get3A_643, %get3A_643 : vector<16xf32>
      %add3A_649 = arith.addf %add3A_635, %mul3A_648 : vector<16xf32>
      %max3A_650 = arith.maximumf %max3A_636, %get3A_643 : vector<16xf32>
      %mul3A_651 = arith.mulf %get3A_647, %get3A_647 : vector<16xf32>
      %add3A_652 = arith.addf %add3A_638, %mul3A_651 : vector<16xf32>
      %max3A_653 = arith.maximumf %max3A_639, %get3A_647 : vector<16xf32>
      scf.yield %add3A_649, %add3A_652, %max3A_650, %max3A_653 : vector<16xf32>, vector<16xf32>, vector<16xf32>, vector<16xf32>
    }
    %scan3A_90 = arith.constant 256 : i32
    %eq3A_91 = arith.constant 2 : i32
    %eq3A_92 = vector.broadcast %eq3A_91 : i32 to vector<16xi32>
    %eq3A_93 = arith.cmpi eq, %iota3A, %eq3A_92 : vector<16xi32>
    %add3A_94 = arith.addf %scan3A_89#0, %scan3A_89#1 : vector<16xf32>
    %reduce_sum3A_95 = arith.constant true
    %reduce_sum3A_96 = vector.broadcast %reduce_sum3A_95 : i1 to vector<16xi1>
    %reduce_sum3A_97 = tpu.scan <sum>, %add3A_94 masked %reduce_sum3A_96 : vector<16xf32>, vector<16xi1> -> vector<16xf32>
    %reduce_sum3A_98 = vector.extract %reduce_sum3A_97[15] : f32 from vector<16xf32>
    %add3A_99 = vector.broadcast %reduce_sum3A_98 : f32 to vector<16xf32>
    %add3A_100 = arith.addf %select_n3A_65, %add3A_99 : vector<16xf32>
    %select_n3A_101 = arith.select %eq3A_93, %add3A_100, %select_n3A_65 : vector<16xi1>, vector<16xf32>
    %max3A_102 = arith.maximumf %scan3A_89#2, %scan3A_89#3 : vector<16xf32>
    %reduce_max3A_103 = arith.constant true
    %reduce_max3A_104 = vector.broadcast %reduce_max3A_103 : i1 to vector<16xi1>
    %reduce_max3A_105 = tpu.scan <max>, %max3A_102 masked %reduce_max3A_104 : vector<16xf32>, vector<16xi1> -> vector<16xf32>
    %reduce_max3A_106 = vector.extract %reduce_max3A_105[15] : f32 from vector<16xf32>
    %add3A_107 = arith.constant 65536 : i32
    %add3A_108 = arith.addi %mul3A_5, %add3A_107 : i32
    %gt3A_109 = arith.cmpf ogt, %reduce_max3A_106, %cond3A_77#2 : f32
    %convert_element_type3A_110 = arith.extui %gt3A_109 : i1 to i32
    %cond3A_111 = arith.constant 0 : i32
    %cond3A_112 = arith.cmpi ne, %convert_element_type3A_110, %cond3A_111 : i32
    %cond3A_113:3 = scf.if %cond3A_112 -> (vector<16xf32>, vector<16xi32>, f32) {
      %scan3A_592 = arith.constant 0 : i32
      %scan3A_593 = arith.constant 2048 : i32
      %scan3A_594 = arith.addi %scan3A_592, %scan3A_593 : i32
      %scan3A_595 = arith.constant 1 : i32
      %scan3A_596:3 = scf.for %scan3A_598 = %scan3A_592 to %scan3A_594 step %scan3A_595 iter_args(%scan3A_599 = %cond3A_77#0, %scan3A_600 = %cond3A_77#1, %scan3A_601 = %cond3A_77#2) -> (vector<16xf32>, vector<16xi32>, f32)  : i32 {
        %mul3A_602 = arith.constant 16 : i32
        %mul3A_603 = arith.muli %scan3A_598, %mul3A_602 : i32
        %get3A = arith.index_cast %mul3A_603 : i32 to index
        %get3A_604 = tpu.vector_load %arg10[%get3A] {strides = array<i32>} : memref<32768xf32, #tpu.memory_space<vmem>>, vector<16xf32>,
        %reduce_max3A_605 = arith.constant true
        %reduce_max3A_606 = vector.broadcast %reduce_max3A_605 : i1 to vector<16xi1>
        %reduce_max3A_607 = tpu.scan <max>, %get3A_604 masked %reduce_max3A_606 : vector<16xf32>, vector<16xi1> -> vector<16xf32>
        %reduce_max3A_608 = vector.extract %reduce_max3A_607[15] : f32 from vector<16xf32>
        %gt3A_609 = arith.cmpf ogt, %reduce_max3A_608, %scan3A_601 : f32
        %convert_element_type3A_610 = arith.extui %gt3A_609 : i1 to i32
        %cond3A_611 = arith.constant 0 : i32
        %cond3A_612 = arith.cmpi ne, %convert_element_type3A_610, %cond3A_611 : i32
        %cond3A_613:3 = scf.if %cond3A_612 -> (vector<16xf32>, vector<16xi32>, f32) {
          %mul3A_614 = arith.constant 16 : i32
          %mul3A_615 = arith.muli %scan3A_598, %mul3A_614 : i32
          %add3A_616 = arith.addi %add3A_108, %mul3A_615 : i32
          %add3A_617 = vector.broadcast %add3A_616 : i32 to vector<16xi32>
          %add3A_618 = arith.addi %iota3A, %add3A_617 : vector<16xi32>
          %masked_sort3A = arith.constant dense<true> : vector<16xi1>
          %masked_sort3A_619, %masked_sort3A_620, %masked_sort3A_621 = tpu.sort %get3A_604, %add3A_618 masked %masked_sort3A {descending = true} : (vector<16xf32>, vector<16xi32>, vector<16xi1>) -> (vector<16xi1>, vector<16xf32>, vector<16xi32>)
          %gt3A_622 = arith.cmpf ogt, %masked_sort3A_620, %scan3A_599 : vector<16xf32>
          %eq3A_623 = arith.cmpf oeq, %masked_sort3A_620, %scan3A_599 : vector<16xf32>
          %lt3A = arith.cmpi slt, %masked_sort3A_621, %scan3A_600 : vector<16xi32>
          %and3A_624 = arith.andi %eq3A_623, %lt3A : vector<16xi1>
          %or3A = arith.ori %gt3A_622, %and3A_624 : vector<16xi1>
          %select_n3A_625 = arith.select %or3A, %masked_sort3A_620, %scan3A_599 : vector<16xi1>, vector<16xf32>
          %select_n3A_626 = arith.select %or3A, %masked_sort3A_621, %scan3A_600 : vector<16xi1>, vector<16xi32>
          %masked_sort3A_627 = arith.constant dense<true> : vector<16xi1>
          %masked_sort3A_628, %masked_sort3A_629, %masked_sort3A_630 = tpu.sort %select_n3A_625, %select_n3A_626 masked %masked_sort3A_627 : (vector<16xf32>, vector<16xi32>, vector<16xi1>) -> (vector<16xi1>, vector<16xf32>, vector<16xi32>)
          %reduce_min3A = arith.constant true
          %reduce_min3A_631 = vector.broadcast %reduce_min3A : i1 to vector<16xi1>
          %reduce_min3A_632 = tpu.scan <min>, %masked_sort3A_629 masked %reduce_min3A_631 : vector<16xf32>, vector<16xi1> -> vector<16xf32>
          %reduce_min3A_633 = vector.extract %reduce_min3A_632[15] : f32 from vector<16xf32>
          scf.yield %masked_sort3A_629, %masked_sort3A_630, %reduce_min3A_633 : vector<16xf32>, vector<16xi32>, f32
        } else {
          scf.yield %scan3A_599, %scan3A_600, %scan3A_601 : vector<16xf32>, vector<16xi32>, f32
        }
        scf.yield %cond3A_613#0, %cond3A_613#1, %cond3A_613#2 : vector<16xf32>, vector<16xi32>, f32
      }
      %scan3A_597 = arith.constant 2048 : i32
      scf.yield %scan3A_596#0, %scan3A_596#1, %scan3A_596#2 : vector<16xf32>, vector<16xi32>, f32
    } else {
      scf.yield %cond3A_77#0, %cond3A_77#1, %cond3A_77#2 : vector<16xf32>, vector<16xi32>, f32
    }
    %add3A_114 = arith.constant 131072 : i32
    %add3A_115 = arith.addi %mul3A_2, %add3A_114 : i32
    %multiple_of3A_116 = tpu.assume_multiple %add3A_115, 8 : i32
    %dma_start3A_117 = tpu.memref_slice %arg2[%multiple_of3A_116] : memref<8388608xf32, #tpu.memory_space<hbm>> -> memref<32768xf32, #tpu.memory_space<hbm>>
    %dma_start3A_118 = tpu.memref_slice %arg2[%multiple_of3A_116] : memref<8388608xf32, #tpu.memory_space<hbm>> -> memref<32768xf32, #tpu.memory_space<hbm>>
    tpu.enqueue_dma source(%dma_start3A_118 : memref<32768xf32, #tpu.memory_space<hbm>>) target(%arg10 : memref<32768xf32, #tpu.memory_space<vmem>>) target_semaphore(%arg15 : memref<!tpu.dma_semaphore, #tpu.memory_space<semaphore_mem>>)
    %dma_wait3A_119 = tpu.memref_slice %arg2[%multiple_of3A_80] : memref<8388608xf32, #tpu.memory_space<hbm>> -> memref<32768xf32, #tpu.memory_space<hbm>>
    %dma_wait3A_120 = tpu.memref_slice %arg2[%multiple_of3A_80] : memref<8388608xf32, #tpu.memory_space<hbm>> -> memref<32768xf32, #tpu.memory_space<hbm>>
    tpu.wait_dma2 semaphore(%arg16 : memref<!tpu.dma_semaphore, #tpu.memory_space<semaphore_mem>>) src(%dma_wait3A_120 : memref<32768xf32, #tpu.memory_space<hbm>>) dst(%arg11 : memref<32768xf32, #tpu.memory_space<vmem>>)
    %scan3A_121 = arith.constant 0 : i32
    %scan3A_122 = arith.constant 256 : i32
    %scan3A_123 = arith.addi %scan3A_121, %scan3A_122 : i32
    %scan3A_124 = arith.constant 1 : i32
    %scan3A_125:4 = scf.for %scan3A_592 = %scan3A_121 to %scan3A_123 step %scan3A_124 iter_args(%scan3A_593 = %broadcast_in_dim3A_8, %scan3A_594 = %broadcast_in_dim3A_8, %scan3A_595 = %broadcast_in_dim3A_6, %scan3A_596 = %broadcast_in_dim3A_6) -> (vector<16xf32>, vector<16xf32>, vector<16xf32>, vector<16xf32>)  : i32 {
      %mul3A_597 = arith.constant 128 : i32
      %mul3A_598 = arith.muli %scan3A_592, %mul3A_597 : i32
      %add3A_599 = arith.constant 0 : i32
      %add3A_600 = arith.addi %mul3A_598, %add3A_599 : i32
      %get3A = arith.index_cast %add3A_600 : i32 to index
      %get3A_601 = tpu.vector_load %arg11[%get3A] {strides = array<i32>} : memref<32768xf32, #tpu.memory_space<vmem>>, vector<16xf32>,
      %add3A_602 = arith.constant 16 : i32
      %add3A_603 = arith.addi %mul3A_598, %add3A_602 : i32
      %get3A_604 = arith.index_cast %add3A_603 : i32 to index
      %get3A_605 = tpu.vector_load %arg11[%get3A_604] {strides = array<i32>} : memref<32768xf32, #tpu.memory_space<vmem>>, vector<16xf32>,
      %mul3A_606 = arith.mulf %get3A_601, %get3A_601 : vector<16xf32>
      %add3A_607 = arith.addf %scan3A_593, %mul3A_606 : vector<16xf32>
      %max3A_608 = arith.maximumf %scan3A_595, %get3A_601 : vector<16xf32>
      %mul3A_609 = arith.mulf %get3A_605, %get3A_605 : vector<16xf32>
      %add3A_610 = arith.addf %scan3A_594, %mul3A_609 : vector<16xf32>
      %max3A_611 = arith.maximumf %scan3A_596, %get3A_605 : vector<16xf32>
      %add3A_612 = arith.constant 32 : i32
      %add3A_613 = arith.addi %mul3A_598, %add3A_612 : i32
      %get3A_614 = arith.index_cast %add3A_613 : i32 to index
      %get3A_615 = tpu.vector_load %arg11[%get3A_614] {strides = array<i32>} : memref<32768xf32, #tpu.memory_space<vmem>>, vector<16xf32>,
      %add3A_616 = arith.constant 48 : i32
      %add3A_617 = arith.addi %mul3A_598, %add3A_616 : i32
      %get3A_618 = arith.index_cast %add3A_617 : i32 to index
      %get3A_619 = tpu.vector_load %arg11[%get3A_618] {strides = array<i32>} : memref<32768xf32, #tpu.memory_space<vmem>>, vector<16xf32>,
      %mul3A_620 = arith.mulf %get3A_615, %get3A_615 : vector<16xf32>
      %add3A_621 = arith.addf %add3A_607, %mul3A_620 : vector<16xf32>
      %max3A_622 = arith.maximumf %max3A_608, %get3A_615 : vector<16xf32>
      %mul3A_623 = arith.mulf %get3A_619, %get3A_619 : vector<16xf32>
      %add3A_624 = arith.addf %add3A_610, %mul3A_623 : vector<16xf32>
      %max3A_625 = arith.maximumf %max3A_611, %get3A_619 : vector<16xf32>
      %add3A_626 = arith.constant 64 : i32
      %add3A_627 = arith.addi %mul3A_598, %add3A_626 : i32
      %get3A_628 = arith.index_cast %add3A_627 : i32 to index
      %get3A_629 = tpu.vector_load %arg11[%get3A_628] {strides = array<i32>} : memref<32768xf32, #tpu.memory_space<vmem>>, vector<16xf32>,
      %add3A_630 = arith.constant 80 : i32
      %add3A_631 = arith.addi %mul3A_598, %add3A_630 : i32
      %get3A_632 = arith.index_cast %add3A_631 : i32 to index
      %get3A_633 = tpu.vector_load %arg11[%get3A_632] {strides = array<i32>} : memref<32768xf32, #tpu.memory_space<vmem>>, vector<16xf32>,
      %mul3A_634 = arith.mulf %get3A_629, %get3A_629 : vector<16xf32>
      %add3A_635 = arith.addf %add3A_621, %mul3A_634 : vector<16xf32>
      %max3A_636 = arith.maximumf %max3A_622, %get3A_629 : vector<16xf32>
      %mul3A_637 = arith.mulf %get3A_633, %get3A_633 : vector<16xf32>
      %add3A_638 = arith.addf %add3A_624, %mul3A_637 : vector<16xf32>
      %max3A_639 = arith.maximumf %max3A_625, %get3A_633 : vector<16xf32>
      %add3A_640 = arith.constant 96 : i32
      %add3A_641 = arith.addi %mul3A_598, %add3A_640 : i32
      %get3A_642 = arith.index_cast %add3A_641 : i32 to index
      %get3A_643 = tpu.vector_load %arg11[%get3A_642] {strides = array<i32>} : memref<32768xf32, #tpu.memory_space<vmem>>, vector<16xf32>,
      %add3A_644 = arith.constant 112 : i32
      %add3A_645 = arith.addi %mul3A_598, %add3A_644 : i32
      %get3A_646 = arith.index_cast %add3A_645 : i32 to index
      %get3A_647 = tpu.vector_load %arg11[%get3A_646] {strides = array<i32>} : memref<32768xf32, #tpu.memory_space<vmem>>, vector<16xf32>,
      %mul3A_648 = arith.mulf %get3A_643, %get3A_643 : vector<16xf32>
      %add3A_649 = arith.addf %add3A_635, %mul3A_648 : vector<16xf32>
      %max3A_650 = arith.maximumf %max3A_636, %get3A_643 : vector<16xf32>
      %mul3A_651 = arith.mulf %get3A_647, %get3A_647 : vector<16xf32>
      %add3A_652 = arith.addf %add3A_638, %mul3A_651 : vector<16xf32>
      %max3A_653 = arith.maximumf %max3A_639, %get3A_647 : vector<16xf32>
      scf.yield %add3A_649, %add3A_652, %max3A_650, %max3A_653 : vector<16xf32>, vector<16xf32>, vector<16xf32>, vector<16xf32>
    }
    %scan3A_126 = arith.constant 256 : i32
    %eq3A_127 = arith.constant 3 : i32
    %eq3A_128 = vector.broadcast %eq3A_127 : i32 to vector<16xi32>
    %eq3A_129 = arith.cmpi eq, %iota3A, %eq3A_128 : vector<16xi32>
    %add3A_130 = arith.addf %scan3A_125#0, %scan3A_125#1 : vector<16xf32>
    %reduce_sum3A_131 = arith.constant true
    %reduce_sum3A_132 = vector.broadcast %reduce_sum3A_131 : i1 to vector<16xi1>
    %reduce_sum3A_133 = tpu.scan <sum>, %add3A_130 masked %reduce_sum3A_132 : vector<16xf32>, vector<16xi1> -> vector<16xf32>
    %reduce_sum3A_134 = vector.extract %reduce_sum3A_133[15] : f32 from vector<16xf32>
    %add3A_135 = vector.broadcast %reduce_sum3A_134 : f32 to vector<16xf32>
    %add3A_136 = arith.addf %select_n3A_101, %add3A_135 : vector<16xf32>
    %select_n3A_137 = arith.select %eq3A_129, %add3A_136, %select_n3A_101 : vector<16xi1>, vector<16xf32>
    %max3A_138 = arith.maximumf %scan3A_125#2, %scan3A_125#3 : vector<16xf32>
    %reduce_max3A_139 = arith.constant true
    %reduce_max3A_140 = vector.broadcast %reduce_max3A_139 : i1 to vector<16xi1>
    %reduce_max3A_141 = tpu.scan <max>, %max3A_138 masked %reduce_max3A_140 : vector<16xf32>, vector<16xi1> -> vector<16xf32>
    %reduce_max3A_142 = vector.extract %reduce_max3A_141[15] : f32 from vector<16xf32>
    %add3A_143 = arith.constant 98304 : i32
    %add3A_144 = arith.addi %mul3A_5, %add3A_143 : i32
    %gt3A_145 = arith.cmpf ogt, %reduce_max3A_142, %cond3A_113#2 : f32
    %convert_element_type3A_146 = arith.extui %gt3A_145 : i1 to i32
    %cond3A_147 = arith.constant 0 : i32
    %cond3A_148 = arith.cmpi ne, %convert_element_type3A_146, %cond3A_147 : i32
    %cond3A_149:3 = scf.if %cond3A_148 -> (vector<16xf32>, vector<16xi32>, f32) {
      %scan3A_592 = arith.constant 0 : i32
      %scan3A_593 = arith.constant 2048 : i32
      %scan3A_594 = arith.addi %scan3A_592, %scan3A_593 : i32
      %scan3A_595 = arith.constant 1 : i32
      %scan3A_596:3 = scf.for %scan3A_598 = %scan3A_592 to %scan3A_594 step %scan3A_595 iter_args(%scan3A_599 = %cond3A_113#0, %scan3A_600 = %cond3A_113#1, %scan3A_601 = %cond3A_113#2) -> (vector<16xf32>, vector<16xi32>, f32)  : i32 {
        %mul3A_602 = arith.constant 16 : i32
        %mul3A_603 = arith.muli %scan3A_598, %mul3A_602 : i32
        %get3A = arith.index_cast %mul3A_603 : i32 to index
        %get3A_604 = tpu.vector_load %arg11[%get3A] {strides = array<i32>} : memref<32768xf32, #tpu.memory_space<vmem>>, vector<16xf32>,
        %reduce_max3A_605 = arith.constant true
        %reduce_max3A_606 = vector.broadcast %reduce_max3A_605 : i1 to vector<16xi1>
        %reduce_max3A_607 = tpu.scan <max>, %get3A_604 masked %reduce_max3A_606 : vector<16xf32>, vector<16xi1> -> vector<16xf32>
        %reduce_max3A_608 = vector.extract %reduce_max3A_607[15] : f32 from vector<16xf32>
        %gt3A_609 = arith.cmpf ogt, %reduce_max3A_608, %scan3A_601 : f32
        %convert_element_type3A_610 = arith.extui %gt3A_609 : i1 to i32
        %cond3A_611 = arith.constant 0 : i32
        %cond3A_612 = arith.cmpi ne, %convert_element_type3A_610, %cond3A_611 : i32
        %cond3A_613:3 = scf.if %cond3A_612 -> (vector<16xf32>, vector<16xi32>, f32) {
          %mul3A_614 = arith.constant 16 : i32
          %mul3A_615 = arith.muli %scan3A_598, %mul3A_614 : i32
          %add3A_616 = arith.addi %add3A_144, %mul3A_615 : i32
          %add3A_617 = vector.broadcast %add3A_616 : i32 to vector<16xi32>
          %add3A_618 = arith.addi %iota3A, %add3A_617 : vector<16xi32>
          %masked_sort3A = arith.constant dense<true> : vector<16xi1>
          %masked_sort3A_619, %masked_sort3A_620, %masked_sort3A_621 = tpu.sort %get3A_604, %add3A_618 masked %masked_sort3A {descending = true} : (vector<16xf32>, vector<16xi32>, vector<16xi1>) -> (vector<16xi1>, vector<16xf32>, vector<16xi32>)
          %gt3A_622 = arith.cmpf ogt, %masked_sort3A_620, %scan3A_599 : vector<16xf32>
          %eq3A_623 = arith.cmpf oeq, %masked_sort3A_620, %scan3A_599 : vector<16xf32>
          %lt3A = arith.cmpi slt, %masked_sort3A_621, %scan3A_600 : vector<16xi32>
          %and3A_624 = arith.andi %eq3A_623, %lt3A : vector<16xi1>
          %or3A = arith.ori %gt3A_622, %and3A_624 : vector<16xi1>
          %select_n3A_625 = arith.select %or3A, %masked_sort3A_620, %scan3A_599 : vector<16xi1>, vector<16xf32>
          %select_n3A_626 = arith.select %or3A, %masked_sort3A_621, %scan3A_600 : vector<16xi1>, vector<16xi32>
          %masked_sort3A_627 = arith.constant dense<true> : vector<16xi1>
          %masked_sort3A_628, %masked_sort3A_629, %masked_sort3A_630 = tpu.sort %select_n3A_625, %select_n3A_626 masked %masked_sort3A_627 : (vector<16xf32>, vector<16xi32>, vector<16xi1>) -> (vector<16xi1>, vector<16xf32>, vector<16xi32>)
          %reduce_min3A = arith.constant true
          %reduce_min3A_631 = vector.broadcast %reduce_min3A : i1 to vector<16xi1>
          %reduce_min3A_632 = tpu.scan <min>, %masked_sort3A_629 masked %reduce_min3A_631 : vector<16xf32>, vector<16xi1> -> vector<16xf32>
          %reduce_min3A_633 = vector.extract %reduce_min3A_632[15] : f32 from vector<16xf32>
          scf.yield %masked_sort3A_629, %masked_sort3A_630, %reduce_min3A_633 : vector<16xf32>, vector<16xi32>, f32
        } else {
          scf.yield %scan3A_599, %scan3A_600, %scan3A_601 : vector<16xf32>, vector<16xi32>, f32
        }
        scf.yield %cond3A_613#0, %cond3A_613#1, %cond3A_613#2 : vector<16xf32>, vector<16xi32>, f32
      }
      %scan3A_597 = arith.constant 2048 : i32
      scf.yield %scan3A_596#0, %scan3A_596#1, %scan3A_596#2 : vector<16xf32>, vector<16xi32>, f32
    } else {
      scf.yield %cond3A_113#0, %cond3A_113#1, %cond3A_113#2 : vector<16xf32>, vector<16xi32>, f32
    }
    %add3A_150 = arith.constant 163840 : i32
    %add3A_151 = arith.addi %mul3A_2, %add3A_150 : i32
    %multiple_of3A_152 = tpu.assume_multiple %add3A_151, 8 : i32
    %dma_start3A_153 = tpu.memref_slice %arg2[%multiple_of3A_152] : memref<8388608xf32, #tpu.memory_space<hbm>> -> memref<32768xf32, #tpu.memory_space<hbm>>
    %dma_start3A_154 = tpu.memref_slice %arg2[%multiple_of3A_152] : memref<8388608xf32, #tpu.memory_space<hbm>> -> memref<32768xf32, #tpu.memory_space<hbm>>
    tpu.enqueue_dma source(%dma_start3A_154 : memref<32768xf32, #tpu.memory_space<hbm>>) target(%arg11 : memref<32768xf32, #tpu.memory_space<vmem>>) target_semaphore(%arg16 : memref<!tpu.dma_semaphore, #tpu.memory_space<semaphore_mem>>)
    %dma_wait3A_155 = tpu.memref_slice %arg2[%multiple_of3A_116] : memref<8388608xf32, #tpu.memory_space<hbm>> -> memref<32768xf32, #tpu.memory_space<hbm>>
    %dma_wait3A_156 = tpu.memref_slice %arg2[%multiple_of3A_116] : memref<8388608xf32, #tpu.memory_space<hbm>> -> memref<32768xf32, #tpu.memory_space<hbm>>
    tpu.wait_dma2 semaphore(%arg15 : memref<!tpu.dma_semaphore, #tpu.memory_space<semaphore_mem>>) src(%dma_wait3A_156 : memref<32768xf32, #tpu.memory_space<hbm>>) dst(%arg10 : memref<32768xf32, #tpu.memory_space<vmem>>)
    %scan3A_157 = arith.constant 0 : i32
    %scan3A_158 = arith.constant 256 : i32
    %scan3A_159 = arith.addi %scan3A_157, %scan3A_158 : i32
    %scan3A_160 = arith.constant 1 : i32
    %scan3A_161:4 = scf.for %scan3A_592 = %scan3A_157 to %scan3A_159 step %scan3A_160 iter_args(%scan3A_593 = %broadcast_in_dim3A_8, %scan3A_594 = %broadcast_in_dim3A_8, %scan3A_595 = %broadcast_in_dim3A_6, %scan3A_596 = %broadcast_in_dim3A_6) -> (vector<16xf32>, vector<16xf32>, vector<16xf32>, vector<16xf32>)  : i32 {
      %mul3A_597 = arith.constant 128 : i32
      %mul3A_598 = arith.muli %scan3A_592, %mul3A_597 : i32
      %add3A_599 = arith.constant 0 : i32
      %add3A_600 = arith.addi %mul3A_598, %add3A_599 : i32
      %get3A = arith.index_cast %add3A_600 : i32 to index
      %get3A_601 = tpu.vector_load %arg10[%get3A] {strides = array<i32>} : memref<32768xf32, #tpu.memory_space<vmem>>, vector<16xf32>,
      %add3A_602 = arith.constant 16 : i32
      %add3A_603 = arith.addi %mul3A_598, %add3A_602 : i32
      %get3A_604 = arith.index_cast %add3A_603 : i32 to index
      %get3A_605 = tpu.vector_load %arg10[%get3A_604] {strides = array<i32>} : memref<32768xf32, #tpu.memory_space<vmem>>, vector<16xf32>,
      %mul3A_606 = arith.mulf %get3A_601, %get3A_601 : vector<16xf32>
      %add3A_607 = arith.addf %scan3A_593, %mul3A_606 : vector<16xf32>
      %max3A_608 = arith.maximumf %scan3A_595, %get3A_601 : vector<16xf32>
      %mul3A_609 = arith.mulf %get3A_605, %get3A_605 : vector<16xf32>
      %add3A_610 = arith.addf %scan3A_594, %mul3A_609 : vector<16xf32>
      %max3A_611 = arith.maximumf %scan3A_596, %get3A_605 : vector<16xf32>
      %add3A_612 = arith.constant 32 : i32
      %add3A_613 = arith.addi %mul3A_598, %add3A_612 : i32
      %get3A_614 = arith.index_cast %add3A_613 : i32 to index
      %get3A_615 = tpu.vector_load %arg10[%get3A_614] {strides = array<i32>} : memref<32768xf32, #tpu.memory_space<vmem>>, vector<16xf32>,
      %add3A_616 = arith.constant 48 : i32
      %add3A_617 = arith.addi %mul3A_598, %add3A_616 : i32
      %get3A_618 = arith.index_cast %add3A_617 : i32 to index
      %get3A_619 = tpu.vector_load %arg10[%get3A_618] {strides = array<i32>} : memref<32768xf32, #tpu.memory_space<vmem>>, vector<16xf32>,
      %mul3A_620 = arith.mulf %get3A_615, %get3A_615 : vector<16xf32>
      %add3A_621 = arith.addf %add3A_607, %mul3A_620 : vector<16xf32>
      %max3A_622 = arith.maximumf %max3A_608, %get3A_615 : vector<16xf32>
      %mul3A_623 = arith.mulf %get3A_619, %get3A_619 : vector<16xf32>
      %add3A_624 = arith.addf %add3A_610, %mul3A_623 : vector<16xf32>
      %max3A_625 = arith.maximumf %max3A_611, %get3A_619 : vector<16xf32>
      %add3A_626 = arith.constant 64 : i32
      %add3A_627 = arith.addi %mul3A_598, %add3A_626 : i32
      %get3A_628 = arith.index_cast %add3A_627 : i32 to index
      %get3A_629 = tpu.vector_load %arg10[%get3A_628] {strides = array<i32>} : memref<32768xf32, #tpu.memory_space<vmem>>, vector<16xf32>,
      %add3A_630 = arith.constant 80 : i32
      %add3A_631 = arith.addi %mul3A_598, %add3A_630 : i32
      %get3A_632 = arith.index_cast %add3A_631 : i32 to index
      %get3A_633 = tpu.vector_load %arg10[%get3A_632] {strides = array<i32>} : memref<32768xf32, #tpu.memory_space<vmem>>, vector<16xf32>,
      %mul3A_634 = arith.mulf %get3A_629, %get3A_629 : vector<16xf32>
      %add3A_635 = arith.addf %add3A_621, %mul3A_634 : vector<16xf32>
      %max3A_636 = arith.maximumf %max3A_622, %get3A_629 : vector<16xf32>
      %mul3A_637 = arith.mulf %get3A_633, %get3A_633 : vector<16xf32>
      %add3A_638 = arith.addf %add3A_624, %mul3A_637 : vector<16xf32>
      %max3A_639 = arith.maximumf %max3A_625, %get3A_633 : vector<16xf32>
      %add3A_640 = arith.constant 96 : i32
      %add3A_641 = arith.addi %mul3A_598, %add3A_640 : i32
      %get3A_642 = arith.index_cast %add3A_641 : i32 to index
      %get3A_643 = tpu.vector_load %arg10[%get3A_642] {strides = array<i32>} : memref<32768xf32, #tpu.memory_space<vmem>>, vector<16xf32>,
      %add3A_644 = arith.constant 112 : i32
      %add3A_645 = arith.addi %mul3A_598, %add3A_644 : i32
      %get3A_646 = arith.index_cast %add3A_645 : i32 to index
      %get3A_647 = tpu.vector_load %arg10[%get3A_646] {strides = array<i32>} : memref<32768xf32, #tpu.memory_space<vmem>>, vector<16xf32>,
      %mul3A_648 = arith.mulf %get3A_643, %get3A_643 : vector<16xf32>
      %add3A_649 = arith.addf %add3A_635, %mul3A_648 : vector<16xf32>
      %max3A_650 = arith.maximumf %max3A_636, %get3A_643 : vector<16xf32>
      %mul3A_651 = arith.mulf %get3A_647, %get3A_647 : vector<16xf32>
      %add3A_652 = arith.addf %add3A_638, %mul3A_651 : vector<16xf32>
      %max3A_653 = arith.maximumf %max3A_639, %get3A_647 : vector<16xf32>
      scf.yield %add3A_649, %add3A_652, %max3A_650, %max3A_653 : vector<16xf32>, vector<16xf32>, vector<16xf32>, vector<16xf32>
    }
    %scan3A_162 = arith.constant 256 : i32
    %eq3A_163 = arith.constant 4 : i32
    %eq3A_164 = vector.broadcast %eq3A_163 : i32 to vector<16xi32>
    %eq3A_165 = arith.cmpi eq, %iota3A, %eq3A_164 : vector<16xi32>
    %add3A_166 = arith.addf %scan3A_161#0, %scan3A_161#1 : vector<16xf32>
    %reduce_sum3A_167 = arith.constant true
    %reduce_sum3A_168 = vector.broadcast %reduce_sum3A_167 : i1 to vector<16xi1>
    %reduce_sum3A_169 = tpu.scan <sum>, %add3A_166 masked %reduce_sum3A_168 : vector<16xf32>, vector<16xi1> -> vector<16xf32>
    %reduce_sum3A_170 = vector.extract %reduce_sum3A_169[15] : f32 from vector<16xf32>
    %add3A_171 = vector.broadcast %reduce_sum3A_170 : f32 to vector<16xf32>
    %add3A_172 = arith.addf %select_n3A_137, %add3A_171 : vector<16xf32>
    %select_n3A_173 = arith.select %eq3A_165, %add3A_172, %select_n3A_137 : vector<16xi1>, vector<16xf32>
    %max3A_174 = arith.maximumf %scan3A_161#2, %scan3A_161#3 : vector<16xf32>
    %reduce_max3A_175 = arith.constant true
    %reduce_max3A_176 = vector.broadcast %reduce_max3A_175 : i1 to vector<16xi1>
    %reduce_max3A_177 = tpu.scan <max>, %max3A_174 masked %reduce_max3A_176 : vector<16xf32>, vector<16xi1> -> vector<16xf32>
    %reduce_max3A_178 = vector.extract %reduce_max3A_177[15] : f32 from vector<16xf32>
    %add3A_179 = arith.constant 131072 : i32
    %add3A_180 = arith.addi %mul3A_5, %add3A_179 : i32
    %gt3A_181 = arith.cmpf ogt, %reduce_max3A_178, %cond3A_149#2 : f32
    %convert_element_type3A_182 = arith.extui %gt3A_181 : i1 to i32
    %cond3A_183 = arith.constant 0 : i32
    %cond3A_184 = arith.cmpi ne, %convert_element_type3A_182, %cond3A_183 : i32
    %cond3A_185:3 = scf.if %cond3A_184 -> (vector<16xf32>, vector<16xi32>, f32) {
      %scan3A_592 = arith.constant 0 : i32
      %scan3A_593 = arith.constant 2048 : i32
      %scan3A_594 = arith.addi %scan3A_592, %scan3A_593 : i32
      %scan3A_595 = arith.constant 1 : i32
      %scan3A_596:3 = scf.for %scan3A_598 = %scan3A_592 to %scan3A_594 step %scan3A_595 iter_args(%scan3A_599 = %cond3A_149#0, %scan3A_600 = %cond3A_149#1, %scan3A_601 = %cond3A_149#2) -> (vector<16xf32>, vector<16xi32>, f32)  : i32 {
        %mul3A_602 = arith.constant 16 : i32
        %mul3A_603 = arith.muli %scan3A_598, %mul3A_602 : i32
        %get3A = arith.index_cast %mul3A_603 : i32 to index
        %get3A_604 = tpu.vector_load %arg10[%get3A] {strides = array<i32>} : memref<32768xf32, #tpu.memory_space<vmem>>, vector<16xf32>,
        %reduce_max3A_605 = arith.constant true
        %reduce_max3A_606 = vector.broadcast %reduce_max3A_605 : i1 to vector<16xi1>
        %reduce_max3A_607 = tpu.scan <max>, %get3A_604 masked %reduce_max3A_606 : vector<16xf32>, vector<16xi1> -> vector<16xf32>
        %reduce_max3A_608 = vector.extract %reduce_max3A_607[15] : f32 from vector<16xf32>
        %gt3A_609 = arith.cmpf ogt, %reduce_max3A_608, %scan3A_601 : f32
        %convert_element_type3A_610 = arith.extui %gt3A_609 : i1 to i32
        %cond3A_611 = arith.constant 0 : i32
        %cond3A_612 = arith.cmpi ne, %convert_element_type3A_610, %cond3A_611 : i32
        %cond3A_613:3 = scf.if %cond3A_612 -> (vector<16xf32>, vector<16xi32>, f32) {
          %mul3A_614 = arith.constant 16 : i32
          %mul3A_615 = arith.muli %scan3A_598, %mul3A_614 : i32
          %add3A_616 = arith.addi %add3A_180, %mul3A_615 : i32
          %add3A_617 = vector.broadcast %add3A_616 : i32 to vector<16xi32>
          %add3A_618 = arith.addi %iota3A, %add3A_617 : vector<16xi32>
          %masked_sort3A = arith.constant dense<true> : vector<16xi1>
          %masked_sort3A_619, %masked_sort3A_620, %masked_sort3A_621 = tpu.sort %get3A_604, %add3A_618 masked %masked_sort3A {descending = true} : (vector<16xf32>, vector<16xi32>, vector<16xi1>) -> (vector<16xi1>, vector<16xf32>, vector<16xi32>)
          %gt3A_622 = arith.cmpf ogt, %masked_sort3A_620, %scan3A_599 : vector<16xf32>
          %eq3A_623 = arith.cmpf oeq, %masked_sort3A_620, %scan3A_599 : vector<16xf32>
          %lt3A = arith.cmpi slt, %masked_sort3A_621, %scan3A_600 : vector<16xi32>
          %and3A_624 = arith.andi %eq3A_623, %lt3A : vector<16xi1>
          %or3A = arith.ori %gt3A_622, %and3A_624 : vector<16xi1>
          %select_n3A_625 = arith.select %or3A, %masked_sort3A_620, %scan3A_599 : vector<16xi1>, vector<16xf32>
          %select_n3A_626 = arith.select %or3A, %masked_sort3A_621, %scan3A_600 : vector<16xi1>, vector<16xi32>
          %masked_sort3A_627 = arith.constant dense<true> : vector<16xi1>
          %masked_sort3A_628, %masked_sort3A_629, %masked_sort3A_630 = tpu.sort %select_n3A_625, %select_n3A_626 masked %masked_sort3A_627 : (vector<16xf32>, vector<16xi32>, vector<16xi1>) -> (vector<16xi1>, vector<16xf32>, vector<16xi32>)
          %reduce_min3A = arith.constant true
          %reduce_min3A_631 = vector.broadcast %reduce_min3A : i1 to vector<16xi1>
          %reduce_min3A_632 = tpu.scan <min>, %masked_sort3A_629 masked %reduce_min3A_631 : vector<16xf32>, vector<16xi1> -> vector<16xf32>
          %reduce_min3A_633 = vector.extract %reduce_min3A_632[15] : f32 from vector<16xf32>
          scf.yield %masked_sort3A_629, %masked_sort3A_630, %reduce_min3A_633 : vector<16xf32>, vector<16xi32>, f32
        } else {
          scf.yield %scan3A_599, %scan3A_600, %scan3A_601 : vector<16xf32>, vector<16xi32>, f32
        }
        scf.yield %cond3A_613#0, %cond3A_613#1, %cond3A_613#2 : vector<16xf32>, vector<16xi32>, f32
      }
      %scan3A_597 = arith.constant 2048 : i32
      scf.yield %scan3A_596#0, %scan3A_596#1, %scan3A_596#2 : vector<16xf32>, vector<16xi32>, f32
    } else {
      scf.yield %cond3A_149#0, %cond3A_149#1, %cond3A_149#2 : vector<16xf32>, vector<16xi32>, f32
    }
    %add3A_186 = arith.constant 196608 : i32
    %add3A_187 = arith.addi %mul3A_2, %add3A_186 : i32
    %multiple_of3A_188 = tpu.assume_multiple %add3A_187, 8 : i32
    %dma_start3A_189 = tpu.memref_slice %arg2[%multiple_of3A_188] : memref<8388608xf32, #tpu.memory_space<hbm>> -> memref<32768xf32, #tpu.memory_space<hbm>>
    %dma_start3A_190 = tpu.memref_slice %arg2[%multiple_of3A_188] : memref<8388608xf32, #tpu.memory_space<hbm>> -> memref<32768xf32, #tpu.memory_space<hbm>>
    tpu.enqueue_dma source(%dma_start3A_190 : memref<32768xf32, #tpu.memory_space<hbm>>) target(%arg10 : memref<32768xf32, #tpu.memory_space<vmem>>) target_semaphore(%arg15 : memref<!tpu.dma_semaphore, #tpu.memory_space<semaphore_mem>>)
    %dma_wait3A_191 = tpu.memref_slice %arg2[%multiple_of3A_152] : memref<8388608xf32, #tpu.memory_space<hbm>> -> memref<32768xf32, #tpu.memory_space<hbm>>
    %dma_wait3A_192 = tpu.memref_slice %arg2[%multiple_of3A_152] : memref<8388608xf32, #tpu.memory_space<hbm>> -> memref<32768xf32, #tpu.memory_space<hbm>>
    tpu.wait_dma2 semaphore(%arg16 : memref<!tpu.dma_semaphore, #tpu.memory_space<semaphore_mem>>) src(%dma_wait3A_192 : memref<32768xf32, #tpu.memory_space<hbm>>) dst(%arg11 : memref<32768xf32, #tpu.memory_space<vmem>>)
    %scan3A_193 = arith.constant 0 : i32
    %scan3A_194 = arith.constant 256 : i32
    %scan3A_195 = arith.addi %scan3A_193, %scan3A_194 : i32
    %scan3A_196 = arith.constant 1 : i32
    %scan3A_197:4 = scf.for %scan3A_592 = %scan3A_193 to %scan3A_195 step %scan3A_196 iter_args(%scan3A_593 = %broadcast_in_dim3A_8, %scan3A_594 = %broadcast_in_dim3A_8, %scan3A_595 = %broadcast_in_dim3A_6, %scan3A_596 = %broadcast_in_dim3A_6) -> (vector<16xf32>, vector<16xf32>, vector<16xf32>, vector<16xf32>)  : i32 {
      %mul3A_597 = arith.constant 128 : i32
      %mul3A_598 = arith.muli %scan3A_592, %mul3A_597 : i32
      %add3A_599 = arith.constant 0 : i32
      %add3A_600 = arith.addi %mul3A_598, %add3A_599 : i32
      %get3A = arith.index_cast %add3A_600 : i32 to index
      %get3A_601 = tpu.vector_load %arg11[%get3A] {strides = array<i32>} : memref<32768xf32, #tpu.memory_space<vmem>>, vector<16xf32>,
      %add3A_602 = arith.constant 16 : i32
      %add3A_603 = arith.addi %mul3A_598, %add3A_602 : i32
      %get3A_604 = arith.index_cast %add3A_603 : i32 to index
      %get3A_605 = tpu.vector_load %arg11[%get3A_604] {strides = array<i32>} : memref<32768xf32, #tpu.memory_space<vmem>>, vector<16xf32>,
      %mul3A_606 = arith.mulf %get3A_601, %get3A_601 : vector<16xf32>
      %add3A_607 = arith.addf %scan3A_593, %mul3A_606 : vector<16xf32>
      %max3A_608 = arith.maximumf %scan3A_595, %get3A_601 : vector<16xf32>
      %mul3A_609 = arith.mulf %get3A_605, %get3A_605 : vector<16xf32>
      %add3A_610 = arith.addf %scan3A_594, %mul3A_609 : vector<16xf32>
      %max3A_611 = arith.maximumf %scan3A_596, %get3A_605 : vector<16xf32>
      %add3A_612 = arith.constant 32 : i32
      %add3A_613 = arith.addi %mul3A_598, %add3A_612 : i32
      %get3A_614 = arith.index_cast %add3A_613 : i32 to index
      %get3A_615 = tpu.vector_load %arg11[%get3A_614] {strides = array<i32>} : memref<32768xf32, #tpu.memory_space<vmem>>, vector<16xf32>,
      %add3A_616 = arith.constant 48 : i32
      %add3A_617 = arith.addi %mul3A_598, %add3A_616 : i32
      %get3A_618 = arith.index_cast %add3A_617 : i32 to index
      %get3A_619 = tpu.vector_load %arg11[%get3A_618] {strides = array<i32>} : memref<32768xf32, #tpu.memory_space<vmem>>, vector<16xf32>,
      %mul3A_620 = arith.mulf %get3A_615, %get3A_615 : vector<16xf32>
      %add3A_621 = arith.addf %add3A_607, %mul3A_620 : vector<16xf32>
      %max3A_622 = arith.maximumf %max3A_608, %get3A_615 : vector<16xf32>
      %mul3A_623 = arith.mulf %get3A_619, %get3A_619 : vector<16xf32>
      %add3A_624 = arith.addf %add3A_610, %mul3A_623 : vector<16xf32>
      %max3A_625 = arith.maximumf %max3A_611, %get3A_619 : vector<16xf32>
      %add3A_626 = arith.constant 64 : i32
      %add3A_627 = arith.addi %mul3A_598, %add3A_626 : i32
      %get3A_628 = arith.index_cast %add3A_627 : i32 to index
      %get3A_629 = tpu.vector_load %arg11[%get3A_628] {strides = array<i32>} : memref<32768xf32, #tpu.memory_space<vmem>>, vector<16xf32>,
      %add3A_630 = arith.constant 80 : i32
      %add3A_631 = arith.addi %mul3A_598, %add3A_630 : i32
      %get3A_632 = arith.index_cast %add3A_631 : i32 to index
      %get3A_633 = tpu.vector_load %arg11[%get3A_632] {strides = array<i32>} : memref<32768xf32, #tpu.memory_space<vmem>>, vector<16xf32>,
      %mul3A_634 = arith.mulf %get3A_629, %get3A_629 : vector<16xf32>
      %add3A_635 = arith.addf %add3A_621, %mul3A_634 : vector<16xf32>
      %max3A_636 = arith.maximumf %max3A_622, %get3A_629 : vector<16xf32>
      %mul3A_637 = arith.mulf %get3A_633, %get3A_633 : vector<16xf32>
      %add3A_638 = arith.addf %add3A_624, %mul3A_637 : vector<16xf32>
      %max3A_639 = arith.maximumf %max3A_625, %get3A_633 : vector<16xf32>
      %add3A_640 = arith.constant 96 : i32
      %add3A_641 = arith.addi %mul3A_598, %add3A_640 : i32
      %get3A_642 = arith.index_cast %add3A_641 : i32 to index
      %get3A_643 = tpu.vector_load %arg11[%get3A_642] {strides = array<i32>} : memref<32768xf32, #tpu.memory_space<vmem>>, vector<16xf32>,
      %add3A_644 = arith.constant 112 : i32
      %add3A_645 = arith.addi %mul3A_598, %add3A_644 : i32
      %get3A_646 = arith.index_cast %add3A_645 : i32 to index
      %get3A_647 = tpu.vector_load %arg11[%get3A_646] {strides = array<i32>} : memref<32768xf32, #tpu.memory_space<vmem>>, vector<16xf32>,
      %mul3A_648 = arith.mulf %get3A_643, %get3A_643 : vector<16xf32>
      %add3A_649 = arith.addf %add3A_635, %mul3A_648 : vector<16xf32>
      %max3A_650 = arith.maximumf %max3A_636, %get3A_643 : vector<16xf32>
      %mul3A_651 = arith.mulf %get3A_647, %get3A_647 : vector<16xf32>
      %add3A_652 = arith.addf %add3A_638, %mul3A_651 : vector<16xf32>
      %max3A_653 = arith.maximumf %max3A_639, %get3A_647 : vector<16xf32>
      scf.yield %add3A_649, %add3A_652, %max3A_650, %max3A_653 : vector<16xf32>, vector<16xf32>, vector<16xf32>, vector<16xf32>
    }
    %scan3A_198 = arith.constant 256 : i32
    %eq3A_199 = arith.constant 5 : i32
    %eq3A_200 = vector.broadcast %eq3A_199 : i32 to vector<16xi32>
    %eq3A_201 = arith.cmpi eq, %iota3A, %eq3A_200 : vector<16xi32>
    %add3A_202 = arith.addf %scan3A_197#0, %scan3A_197#1 : vector<16xf32>
    %reduce_sum3A_203 = arith.constant true
    %reduce_sum3A_204 = vector.broadcast %reduce_sum3A_203 : i1 to vector<16xi1>
    %reduce_sum3A_205 = tpu.scan <sum>, %add3A_202 masked %reduce_sum3A_204 : vector<16xf32>, vector<16xi1> -> vector<16xf32>
    %reduce_sum3A_206 = vector.extract %reduce_sum3A_205[15] : f32 from vector<16xf32>
    %add3A_207 = vector.broadcast %reduce_sum3A_206 : f32 to vector<16xf32>
    %add3A_208 = arith.addf %select_n3A_173, %add3A_207 : vector<16xf32>
    %select_n3A_209 = arith.select %eq3A_201, %add3A_208, %select_n3A_173 : vector<16xi1>, vector<16xf32>
    %max3A_210 = arith.maximumf %scan3A_197#2, %scan3A_197#3 : vector<16xf32>
    %reduce_max3A_211 = arith.constant true
    %reduce_max3A_212 = vector.broadcast %reduce_max3A_211 : i1 to vector<16xi1>
    %reduce_max3A_213 = tpu.scan <max>, %max3A_210 masked %reduce_max3A_212 : vector<16xf32>, vector<16xi1> -> vector<16xf32>
    %reduce_max3A_214 = vector.extract %reduce_max3A_213[15] : f32 from vector<16xf32>
    %add3A_215 = arith.constant 163840 : i32
    %add3A_216 = arith.addi %mul3A_5, %add3A_215 : i32
    %gt3A_217 = arith.cmpf ogt, %reduce_max3A_214, %cond3A_185#2 : f32
    %convert_element_type3A_218 = arith.extui %gt3A_217 : i1 to i32
    %cond3A_219 = arith.constant 0 : i32
    %cond3A_220 = arith.cmpi ne, %convert_element_type3A_218, %cond3A_219 : i32
    %cond3A_221:3 = scf.if %cond3A_220 -> (vector<16xf32>, vector<16xi32>, f32) {
      %scan3A_592 = arith.constant 0 : i32
      %scan3A_593 = arith.constant 2048 : i32
      %scan3A_594 = arith.addi %scan3A_592, %scan3A_593 : i32
      %scan3A_595 = arith.constant 1 : i32
      %scan3A_596:3 = scf.for %scan3A_598 = %scan3A_592 to %scan3A_594 step %scan3A_595 iter_args(%scan3A_599 = %cond3A_185#0, %scan3A_600 = %cond3A_185#1, %scan3A_601 = %cond3A_185#2) -> (vector<16xf32>, vector<16xi32>, f32)  : i32 {
        %mul3A_602 = arith.constant 16 : i32
        %mul3A_603 = arith.muli %scan3A_598, %mul3A_602 : i32
        %get3A = arith.index_cast %mul3A_603 : i32 to index
        %get3A_604 = tpu.vector_load %arg11[%get3A] {strides = array<i32>} : memref<32768xf32, #tpu.memory_space<vmem>>, vector<16xf32>,
        %reduce_max3A_605 = arith.constant true
        %reduce_max3A_606 = vector.broadcast %reduce_max3A_605 : i1 to vector<16xi1>
        %reduce_max3A_607 = tpu.scan <max>, %get3A_604 masked %reduce_max3A_606 : vector<16xf32>, vector<16xi1> -> vector<16xf32>
        %reduce_max3A_608 = vector.extract %reduce_max3A_607[15] : f32 from vector<16xf32>
        %gt3A_609 = arith.cmpf ogt, %reduce_max3A_608, %scan3A_601 : f32
        %convert_element_type3A_610 = arith.extui %gt3A_609 : i1 to i32
        %cond3A_611 = arith.constant 0 : i32
        %cond3A_612 = arith.cmpi ne, %convert_element_type3A_610, %cond3A_611 : i32
        %cond3A_613:3 = scf.if %cond3A_612 -> (vector<16xf32>, vector<16xi32>, f32) {
          %mul3A_614 = arith.constant 16 : i32
          %mul3A_615 = arith.muli %scan3A_598, %mul3A_614 : i32
          %add3A_616 = arith.addi %add3A_216, %mul3A_615 : i32
          %add3A_617 = vector.broadcast %add3A_616 : i32 to vector<16xi32>
          %add3A_618 = arith.addi %iota3A, %add3A_617 : vector<16xi32>
          %masked_sort3A = arith.constant dense<true> : vector<16xi1>
          %masked_sort3A_619, %masked_sort3A_620, %masked_sort3A_621 = tpu.sort %get3A_604, %add3A_618 masked %masked_sort3A {descending = true} : (vector<16xf32>, vector<16xi32>, vector<16xi1>) -> (vector<16xi1>, vector<16xf32>, vector<16xi32>)
          %gt3A_622 = arith.cmpf ogt, %masked_sort3A_620, %scan3A_599 : vector<16xf32>
          %eq3A_623 = arith.cmpf oeq, %masked_sort3A_620, %scan3A_599 : vector<16xf32>
          %lt3A = arith.cmpi slt, %masked_sort3A_621, %scan3A_600 : vector<16xi32>
          %and3A_624 = arith.andi %eq3A_623, %lt3A : vector<16xi1>
          %or3A = arith.ori %gt3A_622, %and3A_624 : vector<16xi1>
          %select_n3A_625 = arith.select %or3A, %masked_sort3A_620, %scan3A_599 : vector<16xi1>, vector<16xf32>
          %select_n3A_626 = arith.select %or3A, %masked_sort3A_621, %scan3A_600 : vector<16xi1>, vector<16xi32>
          %masked_sort3A_627 = arith.constant dense<true> : vector<16xi1>
          %masked_sort3A_628, %masked_sort3A_629, %masked_sort3A_630 = tpu.sort %select_n3A_625, %select_n3A_626 masked %masked_sort3A_627 : (vector<16xf32>, vector<16xi32>, vector<16xi1>) -> (vector<16xi1>, vector<16xf32>, vector<16xi32>)
          %reduce_min3A = arith.constant true
          %reduce_min3A_631 = vector.broadcast %reduce_min3A : i1 to vector<16xi1>
          %reduce_min3A_632 = tpu.scan <min>, %masked_sort3A_629 masked %reduce_min3A_631 : vector<16xf32>, vector<16xi1> -> vector<16xf32>
          %reduce_min3A_633 = vector.extract %reduce_min3A_632[15] : f32 from vector<16xf32>
          scf.yield %masked_sort3A_629, %masked_sort3A_630, %reduce_min3A_633 : vector<16xf32>, vector<16xi32>, f32
        } else {
          scf.yield %scan3A_599, %scan3A_600, %scan3A_601 : vector<16xf32>, vector<16xi32>, f32
        }
        scf.yield %cond3A_613#0, %cond3A_613#1, %cond3A_613#2 : vector<16xf32>, vector<16xi32>, f32
      }
      %scan3A_597 = arith.constant 2048 : i32
      scf.yield %scan3A_596#0, %scan3A_596#1, %scan3A_596#2 : vector<16xf32>, vector<16xi32>, f32
    } else {
      scf.yield %cond3A_185#0, %cond3A_185#1, %cond3A_185#2 : vector<16xf32>, vector<16xi32>, f32
    }
    %add3A_222 = arith.constant 229376 : i32
    %add3A_223 = arith.addi %mul3A_2, %add3A_222 : i32
    %multiple_of3A_224 = tpu.assume_multiple %add3A_223, 8 : i32
    %dma_start3A_225 = tpu.memref_slice %arg2[%multiple_of3A_224] : memref<8388608xf32, #tpu.memory_space<hbm>> -> memref<32768xf32, #tpu.memory_space<hbm>>
    %dma_start3A_226 = tpu.memref_slice %arg2[%multiple_of3A_224] : memref<8388608xf32, #tpu.memory_space<hbm>> -> memref<32768xf32, #tpu.memory_space<hbm>>
    tpu.enqueue_dma source(%dma_start3A_226 : memref<32768xf32, #tpu.memory_space<hbm>>) target(%arg11 : memref<32768xf32, #tpu.memory_space<vmem>>) target_semaphore(%arg16 : memref<!tpu.dma_semaphore, #tpu.memory_space<semaphore_mem>>)
    %dma_wait3A_227 = tpu.memref_slice %arg2[%multiple_of3A_188] : memref<8388608xf32, #tpu.memory_space<hbm>> -> memref<32768xf32, #tpu.memory_space<hbm>>
    %dma_wait3A_228 = tpu.memref_slice %arg2[%multiple_of3A_188] : memref<8388608xf32, #tpu.memory_space<hbm>> -> memref<32768xf32, #tpu.memory_space<hbm>>
    tpu.wait_dma2 semaphore(%arg15 : memref<!tpu.dma_semaphore, #tpu.memory_space<semaphore_mem>>) src(%dma_wait3A_228 : memref<32768xf32, #tpu.memory_space<hbm>>) dst(%arg10 : memref<32768xf32, #tpu.memory_space<vmem>>)
    %scan3A_229 = arith.constant 0 : i32
    %scan3A_230 = arith.constant 256 : i32
    %scan3A_231 = arith.addi %scan3A_229, %scan3A_230 : i32
    %scan3A_232 = arith.constant 1 : i32
    %scan3A_233:4 = scf.for %scan3A_592 = %scan3A_229 to %scan3A_231 step %scan3A_232 iter_args(%scan3A_593 = %broadcast_in_dim3A_8, %scan3A_594 = %broadcast_in_dim3A_8, %scan3A_595 = %broadcast_in_dim3A_6, %scan3A_596 = %broadcast_in_dim3A_6) -> (vector<16xf32>, vector<16xf32>, vector<16xf32>, vector<16xf32>)  : i32 {
      %mul3A_597 = arith.constant 128 : i32
      %mul3A_598 = arith.muli %scan3A_592, %mul3A_597 : i32
      %add3A_599 = arith.constant 0 : i32
      %add3A_600 = arith.addi %mul3A_598, %add3A_599 : i32
      %get3A = arith.index_cast %add3A_600 : i32 to index
      %get3A_601 = tpu.vector_load %arg10[%get3A] {strides = array<i32>} : memref<32768xf32, #tpu.memory_space<vmem>>, vector<16xf32>,
      %add3A_602 = arith.constant 16 : i32
      %add3A_603 = arith.addi %mul3A_598, %add3A_602 : i32
      %get3A_604 = arith.index_cast %add3A_603 : i32 to index
      %get3A_605 = tpu.vector_load %arg10[%get3A_604] {strides = array<i32>} : memref<32768xf32, #tpu.memory_space<vmem>>, vector<16xf32>,
      %mul3A_606 = arith.mulf %get3A_601, %get3A_601 : vector<16xf32>
      %add3A_607 = arith.addf %scan3A_593, %mul3A_606 : vector<16xf32>
      %max3A_608 = arith.maximumf %scan3A_595, %get3A_601 : vector<16xf32>
      %mul3A_609 = arith.mulf %get3A_605, %get3A_605 : vector<16xf32>
      %add3A_610 = arith.addf %scan3A_594, %mul3A_609 : vector<16xf32>
      %max3A_611 = arith.maximumf %scan3A_596, %get3A_605 : vector<16xf32>
      %add3A_612 = arith.constant 32 : i32
      %add3A_613 = arith.addi %mul3A_598, %add3A_612 : i32
      %get3A_614 = arith.index_cast %add3A_613 : i32 to index
      %get3A_615 = tpu.vector_load %arg10[%get3A_614] {strides = array<i32>} : memref<32768xf32, #tpu.memory_space<vmem>>, vector<16xf32>,
      %add3A_616 = arith.constant 48 : i32
      %add3A_617 = arith.addi %mul3A_598, %add3A_616 : i32
      %get3A_618 = arith.index_cast %add3A_617 : i32 to index
      %get3A_619 = tpu.vector_load %arg10[%get3A_618] {strides = array<i32>} : memref<32768xf32, #tpu.memory_space<vmem>>, vector<16xf32>,
      %mul3A_620 = arith.mulf %get3A_615, %get3A_615 : vector<16xf32>
      %add3A_621 = arith.addf %add3A_607, %mul3A_620 : vector<16xf32>
      %max3A_622 = arith.maximumf %max3A_608, %get3A_615 : vector<16xf32>
      %mul3A_623 = arith.mulf %get3A_619, %get3A_619 : vector<16xf32>
      %add3A_624 = arith.addf %add3A_610, %mul3A_623 : vector<16xf32>
      %max3A_625 = arith.maximumf %max3A_611, %get3A_619 : vector<16xf32>
      %add3A_626 = arith.constant 64 : i32
      %add3A_627 = arith.addi %mul3A_598, %add3A_626 : i32
      %get3A_628 = arith.index_cast %add3A_627 : i32 to index
      %get3A_629 = tpu.vector_load %arg10[%get3A_628] {strides = array<i32>} : memref<32768xf32, #tpu.memory_space<vmem>>, vector<16xf32>,
      %add3A_630 = arith.constant 80 : i32
      %add3A_631 = arith.addi %mul3A_598, %add3A_630 : i32
      %get3A_632 = arith.index_cast %add3A_631 : i32 to index
      %get3A_633 = tpu.vector_load %arg10[%get3A_632] {strides = array<i32>} : memref<32768xf32, #tpu.memory_space<vmem>>, vector<16xf32>,
      %mul3A_634 = arith.mulf %get3A_629, %get3A_629 : vector<16xf32>
      %add3A_635 = arith.addf %add3A_621, %mul3A_634 : vector<16xf32>
      %max3A_636 = arith.maximumf %max3A_622, %get3A_629 : vector<16xf32>
      %mul3A_637 = arith.mulf %get3A_633, %get3A_633 : vector<16xf32>
      %add3A_638 = arith.addf %add3A_624, %mul3A_637 : vector<16xf32>
      %max3A_639 = arith.maximumf %max3A_625, %get3A_633 : vector<16xf32>
      %add3A_640 = arith.constant 96 : i32
      %add3A_641 = arith.addi %mul3A_598, %add3A_640 : i32
      %get3A_642 = arith.index_cast %add3A_641 : i32 to index
      %get3A_643 = tpu.vector_load %arg10[%get3A_642] {strides = array<i32>} : memref<32768xf32, #tpu.memory_space<vmem>>, vector<16xf32>,
      %add3A_644 = arith.constant 112 : i32
      %add3A_645 = arith.addi %mul3A_598, %add3A_644 : i32
      %get3A_646 = arith.index_cast %add3A_645 : i32 to index
      %get3A_647 = tpu.vector_load %arg10[%get3A_646] {strides = array<i32>} : memref<32768xf32, #tpu.memory_space<vmem>>, vector<16xf32>,
      %mul3A_648 = arith.mulf %get3A_643, %get3A_643 : vector<16xf32>
      %add3A_649 = arith.addf %add3A_635, %mul3A_648 : vector<16xf32>
      %max3A_650 = arith.maximumf %max3A_636, %get3A_643 : vector<16xf32>
      %mul3A_651 = arith.mulf %get3A_647, %get3A_647 : vector<16xf32>
      %add3A_652 = arith.addf %add3A_638, %mul3A_651 : vector<16xf32>
      %max3A_653 = arith.maximumf %max3A_639, %get3A_647 : vector<16xf32>
      scf.yield %add3A_649, %add3A_652, %max3A_650, %max3A_653 : vector<16xf32>, vector<16xf32>, vector<16xf32>, vector<16xf32>
    }
    %scan3A_234 = arith.constant 256 : i32
    %eq3A_235 = arith.constant 6 : i32
    %eq3A_236 = vector.broadcast %eq3A_235 : i32 to vector<16xi32>
    %eq3A_237 = arith.cmpi eq, %iota3A, %eq3A_236 : vector<16xi32>
    %add3A_238 = arith.addf %scan3A_233#0, %scan3A_233#1 : vector<16xf32>
    %reduce_sum3A_239 = arith.constant true
    %reduce_sum3A_240 = vector.broadcast %reduce_sum3A_239 : i1 to vector<16xi1>
    %reduce_sum3A_241 = tpu.scan <sum>, %add3A_238 masked %reduce_sum3A_240 : vector<16xf32>, vector<16xi1> -> vector<16xf32>
    %reduce_sum3A_242 = vector.extract %reduce_sum3A_241[15] : f32 from vector<16xf32>
    %add3A_243 = vector.broadcast %reduce_sum3A_242 : f32 to vector<16xf32>
    %add3A_244 = arith.addf %select_n3A_209, %add3A_243 : vector<16xf32>
    %select_n3A_245 = arith.select %eq3A_237, %add3A_244, %select_n3A_209 : vector<16xi1>, vector<16xf32>
    %max3A_246 = arith.maximumf %scan3A_233#2, %scan3A_233#3 : vector<16xf32>
    %reduce_max3A_247 = arith.constant true
    %reduce_max3A_248 = vector.broadcast %reduce_max3A_247 : i1 to vector<16xi1>
    %reduce_max3A_249 = tpu.scan <max>, %max3A_246 masked %reduce_max3A_248 : vector<16xf32>, vector<16xi1> -> vector<16xf32>
    %reduce_max3A_250 = vector.extract %reduce_max3A_249[15] : f32 from vector<16xf32>
    %add3A_251 = arith.constant 196608 : i32
    %add3A_252 = arith.addi %mul3A_5, %add3A_251 : i32
    %gt3A_253 = arith.cmpf ogt, %reduce_max3A_250, %cond3A_221#2 : f32
    %convert_element_type3A_254 = arith.extui %gt3A_253 : i1 to i32
    %cond3A_255 = arith.constant 0 : i32
    %cond3A_256 = arith.cmpi ne, %convert_element_type3A_254, %cond3A_255 : i32
    %cond3A_257:3 = scf.if %cond3A_256 -> (vector<16xf32>, vector<16xi32>, f32) {
      %scan3A_592 = arith.constant 0 : i32
      %scan3A_593 = arith.constant 2048 : i32
      %scan3A_594 = arith.addi %scan3A_592, %scan3A_593 : i32
      %scan3A_595 = arith.constant 1 : i32
      %scan3A_596:3 = scf.for %scan3A_598 = %scan3A_592 to %scan3A_594 step %scan3A_595 iter_args(%scan3A_599 = %cond3A_221#0, %scan3A_600 = %cond3A_221#1, %scan3A_601 = %cond3A_221#2) -> (vector<16xf32>, vector<16xi32>, f32)  : i32 {
        %mul3A_602 = arith.constant 16 : i32
        %mul3A_603 = arith.muli %scan3A_598, %mul3A_602 : i32
        %get3A = arith.index_cast %mul3A_603 : i32 to index
        %get3A_604 = tpu.vector_load %arg10[%get3A] {strides = array<i32>} : memref<32768xf32, #tpu.memory_space<vmem>>, vector<16xf32>,
        %reduce_max3A_605 = arith.constant true
        %reduce_max3A_606 = vector.broadcast %reduce_max3A_605 : i1 to vector<16xi1>
        %reduce_max3A_607 = tpu.scan <max>, %get3A_604 masked %reduce_max3A_606 : vector<16xf32>, vector<16xi1> -> vector<16xf32>
        %reduce_max3A_608 = vector.extract %reduce_max3A_607[15] : f32 from vector<16xf32>
        %gt3A_609 = arith.cmpf ogt, %reduce_max3A_608, %scan3A_601 : f32
        %convert_element_type3A_610 = arith.extui %gt3A_609 : i1 to i32
        %cond3A_611 = arith.constant 0 : i32
        %cond3A_612 = arith.cmpi ne, %convert_element_type3A_610, %cond3A_611 : i32
        %cond3A_613:3 = scf.if %cond3A_612 -> (vector<16xf32>, vector<16xi32>, f32) {
          %mul3A_614 = arith.constant 16 : i32
          %mul3A_615 = arith.muli %scan3A_598, %mul3A_614 : i32
          %add3A_616 = arith.addi %add3A_252, %mul3A_615 : i32
          %add3A_617 = vector.broadcast %add3A_616 : i32 to vector<16xi32>
          %add3A_618 = arith.addi %iota3A, %add3A_617 : vector<16xi32>
          %masked_sort3A = arith.constant dense<true> : vector<16xi1>
          %masked_sort3A_619, %masked_sort3A_620, %masked_sort3A_621 = tpu.sort %get3A_604, %add3A_618 masked %masked_sort3A {descending = true} : (vector<16xf32>, vector<16xi32>, vector<16xi1>) -> (vector<16xi1>, vector<16xf32>, vector<16xi32>)
          %gt3A_622 = arith.cmpf ogt, %masked_sort3A_620, %scan3A_599 : vector<16xf32>
          %eq3A_623 = arith.cmpf oeq, %masked_sort3A_620, %scan3A_599 : vector<16xf32>
          %lt3A = arith.cmpi slt, %masked_sort3A_621, %scan3A_600 : vector<16xi32>
          %and3A_624 = arith.andi %eq3A_623, %lt3A : vector<16xi1>
          %or3A = arith.ori %gt3A_622, %and3A_624 : vector<16xi1>
          %select_n3A_625 = arith.select %or3A, %masked_sort3A_620, %scan3A_599 : vector<16xi1>, vector<16xf32>
          %select_n3A_626 = arith.select %or3A, %masked_sort3A_621, %scan3A_600 : vector<16xi1>, vector<16xi32>
          %masked_sort3A_627 = arith.constant dense<true> : vector<16xi1>
          %masked_sort3A_628, %masked_sort3A_629, %masked_sort3A_630 = tpu.sort %select_n3A_625, %select_n3A_626 masked %masked_sort3A_627 : (vector<16xf32>, vector<16xi32>, vector<16xi1>) -> (vector<16xi1>, vector<16xf32>, vector<16xi32>)
          %reduce_min3A = arith.constant true
          %reduce_min3A_631 = vector.broadcast %reduce_min3A : i1 to vector<16xi1>
          %reduce_min3A_632 = tpu.scan <min>, %masked_sort3A_629 masked %reduce_min3A_631 : vector<16xf32>, vector<16xi1> -> vector<16xf32>
          %reduce_min3A_633 = vector.extract %reduce_min3A_632[15] : f32 from vector<16xf32>
          scf.yield %masked_sort3A_629, %masked_sort3A_630, %reduce_min3A_633 : vector<16xf32>, vector<16xi32>, f32
        } else {
          scf.yield %scan3A_599, %scan3A_600, %scan3A_601 : vector<16xf32>, vector<16xi32>, f32
        }
        scf.yield %cond3A_613#0, %cond3A_613#1, %cond3A_613#2 : vector<16xf32>, vector<16xi32>, f32
      }
      %scan3A_597 = arith.constant 2048 : i32
      scf.yield %scan3A_596#0, %scan3A_596#1, %scan3A_596#2 : vector<16xf32>, vector<16xi32>, f32
    } else {
      scf.yield %cond3A_221#0, %cond3A_221#1, %cond3A_221#2 : vector<16xf32>, vector<16xi32>, f32
    }
    %add3A_258 = arith.constant 0 : i32
    %add3A_259 = arith.addi %mul3A_2, %add3A_258 : i32
    %multiple_of3A_260 = tpu.assume_multiple %add3A_259, 8 : i32
    %dma_start3A_261 = tpu.memref_slice %arg3[%multiple_of3A_260] : memref<8388608xf32, #tpu.memory_space<hbm>> -> memref<32768xf32, #tpu.memory_space<hbm>>
    %dma_start3A_262 = tpu.memref_slice %arg3[%multiple_of3A_260] : memref<8388608xf32, #tpu.memory_space<hbm>> -> memref<32768xf32, #tpu.memory_space<hbm>>
    tpu.enqueue_dma source(%dma_start3A_262 : memref<32768xf32, #tpu.memory_space<hbm>>) target(%arg10 : memref<32768xf32, #tpu.memory_space<vmem>>) target_semaphore(%arg15 : memref<!tpu.dma_semaphore, #tpu.memory_space<semaphore_mem>>)
    %dma_wait3A_263 = tpu.memref_slice %arg2[%multiple_of3A_224] : memref<8388608xf32, #tpu.memory_space<hbm>> -> memref<32768xf32, #tpu.memory_space<hbm>>
    %dma_wait3A_264 = tpu.memref_slice %arg2[%multiple_of3A_224] : memref<8388608xf32, #tpu.memory_space<hbm>> -> memref<32768xf32, #tpu.memory_space<hbm>>
    tpu.wait_dma2 semaphore(%arg16 : memref<!tpu.dma_semaphore, #tpu.memory_space<semaphore_mem>>) src(%dma_wait3A_264 : memref<32768xf32, #tpu.memory_space<hbm>>) dst(%arg11 : memref<32768xf32, #tpu.memory_space<vmem>>)
    %scan3A_265 = arith.constant 0 : i32
    %scan3A_266 = arith.constant 256 : i32
    %scan3A_267 = arith.addi %scan3A_265, %scan3A_266 : i32
    %scan3A_268 = arith.constant 1 : i32
    %scan3A_269:4 = scf.for %scan3A_592 = %scan3A_265 to %scan3A_267 step %scan3A_268 iter_args(%scan3A_593 = %broadcast_in_dim3A_8, %scan3A_594 = %broadcast_in_dim3A_8, %scan3A_595 = %broadcast_in_dim3A_6, %scan3A_596 = %broadcast_in_dim3A_6) -> (vector<16xf32>, vector<16xf32>, vector<16xf32>, vector<16xf32>)  : i32 {
      %mul3A_597 = arith.constant 128 : i32
      %mul3A_598 = arith.muli %scan3A_592, %mul3A_597 : i32
      %add3A_599 = arith.constant 0 : i32
      %add3A_600 = arith.addi %mul3A_598, %add3A_599 : i32
      %get3A = arith.index_cast %add3A_600 : i32 to index
      %get3A_601 = tpu.vector_load %arg11[%get3A] {strides = array<i32>} : memref<32768xf32, #tpu.memory_space<vmem>>, vector<16xf32>,
      %add3A_602 = arith.constant 16 : i32
      %add3A_603 = arith.addi %mul3A_598, %add3A_602 : i32
      %get3A_604 = arith.index_cast %add3A_603 : i32 to index
      %get3A_605 = tpu.vector_load %arg11[%get3A_604] {strides = array<i32>} : memref<32768xf32, #tpu.memory_space<vmem>>, vector<16xf32>,
      %mul3A_606 = arith.mulf %get3A_601, %get3A_601 : vector<16xf32>
      %add3A_607 = arith.addf %scan3A_593, %mul3A_606 : vector<16xf32>
      %max3A_608 = arith.maximumf %scan3A_595, %get3A_601 : vector<16xf32>
      %mul3A_609 = arith.mulf %get3A_605, %get3A_605 : vector<16xf32>
      %add3A_610 = arith.addf %scan3A_594, %mul3A_609 : vector<16xf32>
      %max3A_611 = arith.maximumf %scan3A_596, %get3A_605 : vector<16xf32>
      %add3A_612 = arith.constant 32 : i32
      %add3A_613 = arith.addi %mul3A_598, %add3A_612 : i32
      %get3A_614 = arith.index_cast %add3A_613 : i32 to index
      %get3A_615 = tpu.vector_load %arg11[%get3A_614] {strides = array<i32>} : memref<32768xf32, #tpu.memory_space<vmem>>, vector<16xf32>,
      %add3A_616 = arith.constant 48 : i32
      %add3A_617 = arith.addi %mul3A_598, %add3A_616 : i32
      %get3A_618 = arith.index_cast %add3A_617 : i32 to index
      %get3A_619 = tpu.vector_load %arg11[%get3A_618] {strides = array<i32>} : memref<32768xf32, #tpu.memory_space<vmem>>, vector<16xf32>,
      %mul3A_620 = arith.mulf %get3A_615, %get3A_615 : vector<16xf32>
      %add3A_621 = arith.addf %add3A_607, %mul3A_620 : vector<16xf32>
      %max3A_622 = arith.maximumf %max3A_608, %get3A_615 : vector<16xf32>
      %mul3A_623 = arith.mulf %get3A_619, %get3A_619 : vector<16xf32>
      %add3A_624 = arith.addf %add3A_610, %mul3A_623 : vector<16xf32>
      %max3A_625 = arith.maximumf %max3A_611, %get3A_619 : vector<16xf32>
      %add3A_626 = arith.constant 64 : i32
      %add3A_627 = arith.addi %mul3A_598, %add3A_626 : i32
      %get3A_628 = arith.index_cast %add3A_627 : i32 to index
      %get3A_629 = tpu.vector_load %arg11[%get3A_628] {strides = array<i32>} : memref<32768xf32, #tpu.memory_space<vmem>>, vector<16xf32>,
      %add3A_630 = arith.constant 80 : i32
      %add3A_631 = arith.addi %mul3A_598, %add3A_630 : i32
      %get3A_632 = arith.index_cast %add3A_631 : i32 to index
      %get3A_633 = tpu.vector_load %arg11[%get3A_632] {strides = array<i32>} : memref<32768xf32, #tpu.memory_space<vmem>>, vector<16xf32>,
      %mul3A_634 = arith.mulf %get3A_629, %get3A_629 : vector<16xf32>
      %add3A_635 = arith.addf %add3A_621, %mul3A_634 : vector<16xf32>
      %max3A_636 = arith.maximumf %max3A_622, %get3A_629 : vector<16xf32>
      %mul3A_637 = arith.mulf %get3A_633, %get3A_633 : vector<16xf32>
      %add3A_638 = arith.addf %add3A_624, %mul3A_637 : vector<16xf32>
      %max3A_639 = arith.maximumf %max3A_625, %get3A_633 : vector<16xf32>
      %add3A_640 = arith.constant 96 : i32
      %add3A_641 = arith.addi %mul3A_598, %add3A_640 : i32
      %get3A_642 = arith.index_cast %add3A_641 : i32 to index
      %get3A_643 = tpu.vector_load %arg11[%get3A_642] {strides = array<i32>} : memref<32768xf32, #tpu.memory_space<vmem>>, vector<16xf32>,
      %add3A_644 = arith.constant 112 : i32
      %add3A_645 = arith.addi %mul3A_598, %add3A_644 : i32
      %get3A_646 = arith.index_cast %add3A_645 : i32 to index
      %get3A_647 = tpu.vector_load %arg11[%get3A_646] {strides = array<i32>} : memref<32768xf32, #tpu.memory_space<vmem>>, vector<16xf32>,
      %mul3A_648 = arith.mulf %get3A_643, %get3A_643 : vector<16xf32>
      %add3A_649 = arith.addf %add3A_635, %mul3A_648 : vector<16xf32>
      %max3A_650 = arith.maximumf %max3A_636, %get3A_643 : vector<16xf32>
      %mul3A_651 = arith.mulf %get3A_647, %get3A_647 : vector<16xf32>
      %add3A_652 = arith.addf %add3A_638, %mul3A_651 : vector<16xf32>
      %max3A_653 = arith.maximumf %max3A_639, %get3A_647 : vector<16xf32>
      scf.yield %add3A_649, %add3A_652, %max3A_650, %max3A_653 : vector<16xf32>, vector<16xf32>, vector<16xf32>, vector<16xf32>
    }
    %scan3A_270 = arith.constant 256 : i32
    %eq3A_271 = arith.constant 7 : i32
    %eq3A_272 = vector.broadcast %eq3A_271 : i32 to vector<16xi32>
    %eq3A_273 = arith.cmpi eq, %iota3A, %eq3A_272 : vector<16xi32>
    %add3A_274 = arith.addf %scan3A_269#0, %scan3A_269#1 : vector<16xf32>
    %reduce_sum3A_275 = arith.constant true
    %reduce_sum3A_276 = vector.broadcast %reduce_sum3A_275 : i1 to vector<16xi1>
    %reduce_sum3A_277 = tpu.scan <sum>, %add3A_274 masked %reduce_sum3A_276 : vector<16xf32>, vector<16xi1> -> vector<16xf32>
    %reduce_sum3A_278 = vector.extract %reduce_sum3A_277[15] : f32 from vector<16xf32>
    %add3A_279 = vector.broadcast %reduce_sum3A_278 : f32 to vector<16xf32>
    %add3A_280 = arith.addf %select_n3A_245, %add3A_279 : vector<16xf32>
    %select_n3A_281 = arith.select %eq3A_273, %add3A_280, %select_n3A_245 : vector<16xi1>, vector<16xf32>
    %max3A_282 = arith.maximumf %scan3A_269#2, %scan3A_269#3 : vector<16xf32>
    %reduce_max3A_283 = arith.constant true
    %reduce_max3A_284 = vector.broadcast %reduce_max3A_283 : i1 to vector<16xi1>
    %reduce_max3A_285 = tpu.scan <max>, %max3A_282 masked %reduce_max3A_284 : vector<16xf32>, vector<16xi1> -> vector<16xf32>
    %reduce_max3A_286 = vector.extract %reduce_max3A_285[15] : f32 from vector<16xf32>
    %add3A_287 = arith.constant 229376 : i32
    %add3A_288 = arith.addi %mul3A_5, %add3A_287 : i32
    %gt3A_289 = arith.cmpf ogt, %reduce_max3A_286, %cond3A_257#2 : f32
    %convert_element_type3A_290 = arith.extui %gt3A_289 : i1 to i32
    %cond3A_291 = arith.constant 0 : i32
    %cond3A_292 = arith.cmpi ne, %convert_element_type3A_290, %cond3A_291 : i32
    %cond3A_293:3 = scf.if %cond3A_292 -> (vector<16xf32>, vector<16xi32>, f32) {
      %scan3A_592 = arith.constant 0 : i32
      %scan3A_593 = arith.constant 2048 : i32
      %scan3A_594 = arith.addi %scan3A_592, %scan3A_593 : i32
      %scan3A_595 = arith.constant 1 : i32
      %scan3A_596:3 = scf.for %scan3A_598 = %scan3A_592 to %scan3A_594 step %scan3A_595 iter_args(%scan3A_599 = %cond3A_257#0, %scan3A_600 = %cond3A_257#1, %scan3A_601 = %cond3A_257#2) -> (vector<16xf32>, vector<16xi32>, f32)  : i32 {
        %mul3A_602 = arith.constant 16 : i32
        %mul3A_603 = arith.muli %scan3A_598, %mul3A_602 : i32
        %get3A = arith.index_cast %mul3A_603 : i32 to index
        %get3A_604 = tpu.vector_load %arg11[%get3A] {strides = array<i32>} : memref<32768xf32, #tpu.memory_space<vmem>>, vector<16xf32>,
        %reduce_max3A_605 = arith.constant true
        %reduce_max3A_606 = vector.broadcast %reduce_max3A_605 : i1 to vector<16xi1>
        %reduce_max3A_607 = tpu.scan <max>, %get3A_604 masked %reduce_max3A_606 : vector<16xf32>, vector<16xi1> -> vector<16xf32>
        %reduce_max3A_608 = vector.extract %reduce_max3A_607[15] : f32 from vector<16xf32>
        %gt3A_609 = arith.cmpf ogt, %reduce_max3A_608, %scan3A_601 : f32
        %convert_element_type3A_610 = arith.extui %gt3A_609 : i1 to i32
        %cond3A_611 = arith.constant 0 : i32
        %cond3A_612 = arith.cmpi ne, %convert_element_type3A_610, %cond3A_611 : i32
        %cond3A_613:3 = scf.if %cond3A_612 -> (vector<16xf32>, vector<16xi32>, f32) {
          %mul3A_614 = arith.constant 16 : i32
          %mul3A_615 = arith.muli %scan3A_598, %mul3A_614 : i32
          %add3A_616 = arith.addi %add3A_288, %mul3A_615 : i32
          %add3A_617 = vector.broadcast %add3A_616 : i32 to vector<16xi32>
          %add3A_618 = arith.addi %iota3A, %add3A_617 : vector<16xi32>
          %masked_sort3A = arith.constant dense<true> : vector<16xi1>
          %masked_sort3A_619, %masked_sort3A_620, %masked_sort3A_621 = tpu.sort %get3A_604, %add3A_618 masked %masked_sort3A {descending = true} : (vector<16xf32>, vector<16xi32>, vector<16xi1>) -> (vector<16xi1>, vector<16xf32>, vector<16xi32>)
          %gt3A_622 = arith.cmpf ogt, %masked_sort3A_620, %scan3A_599 : vector<16xf32>
          %eq3A_623 = arith.cmpf oeq, %masked_sort3A_620, %scan3A_599 : vector<16xf32>
          %lt3A = arith.cmpi slt, %masked_sort3A_621, %scan3A_600 : vector<16xi32>
          %and3A_624 = arith.andi %eq3A_623, %lt3A : vector<16xi1>
          %or3A = arith.ori %gt3A_622, %and3A_624 : vector<16xi1>
          %select_n3A_625 = arith.select %or3A, %masked_sort3A_620, %scan3A_599 : vector<16xi1>, vector<16xf32>
          %select_n3A_626 = arith.select %or3A, %masked_sort3A_621, %scan3A_600 : vector<16xi1>, vector<16xi32>
          %masked_sort3A_627 = arith.constant dense<true> : vector<16xi1>
          %masked_sort3A_628, %masked_sort3A_629, %masked_sort3A_630 = tpu.sort %select_n3A_625, %select_n3A_626 masked %masked_sort3A_627 : (vector<16xf32>, vector<16xi32>, vector<16xi1>) -> (vector<16xi1>, vector<16xf32>, vector<16xi32>)
          %reduce_min3A = arith.constant true
          %reduce_min3A_631 = vector.broadcast %reduce_min3A : i1 to vector<16xi1>
          %reduce_min3A_632 = tpu.scan <min>, %masked_sort3A_629 masked %reduce_min3A_631 : vector<16xf32>, vector<16xi1> -> vector<16xf32>
          %reduce_min3A_633 = vector.extract %reduce_min3A_632[15] : f32 from vector<16xf32>
          scf.yield %masked_sort3A_629, %masked_sort3A_630, %reduce_min3A_633 : vector<16xf32>, vector<16xi32>, f32
        } else {
          scf.yield %scan3A_599, %scan3A_600, %scan3A_601 : vector<16xf32>, vector<16xi32>, f32
        }
        scf.yield %cond3A_613#0, %cond3A_613#1, %cond3A_613#2 : vector<16xf32>, vector<16xi32>, f32
      }
      %scan3A_597 = arith.constant 2048 : i32
      scf.yield %scan3A_596#0, %scan3A_596#1, %scan3A_596#2 : vector<16xf32>, vector<16xi32>, f32
    } else {
      scf.yield %cond3A_257#0, %cond3A_257#1, %cond3A_257#2 : vector<16xf32>, vector<16xi32>, f32
    }
    %swap3A = arith.constant 0 : index
    %swap3A_294 = tpu.vector_load %arg12[%swap3A] {strides = array<i32>} : memref<16xf32, #tpu.memory_space<vmem>>, vector<16xf32>,
    tpu.vector_store %arg12[%swap3A], %cond3A_293#0 {strides = array<i32>} : memref<16xf32, #tpu.memory_space<vmem>>, vector<16xf32>,
    %swap3A_295 = arith.constant 0 : index
    %swap3A_296 = tpu.vector_load %arg13[%swap3A_295] {strides = array<i32>} : memref<16xi32, #tpu.memory_space<vmem>>, vector<16xi32>,
    tpu.vector_store %arg13[%swap3A_295], %cond3A_293#1 {strides = array<i32>} : memref<16xi32, #tpu.memory_space<vmem>>, vector<16xi32>,
    %swap3A_297 = arith.constant 0 : index
    %swap3A_298 = tpu.vector_load %arg14[%swap3A_297] {strides = array<i32>} : memref<16xf32, #tpu.memory_space<vmem>>, vector<16xf32>,
    tpu.vector_store %arg14[%swap3A_297], %select_n3A_281 {strides = array<i32>} : memref<16xf32, #tpu.memory_space<vmem>>, vector<16xf32>,
    "tpu.region"() ({
      %run_scoped3A = tpu.sem_alloc : memref<!tpu.dma_semaphore, #tpu.memory_space<semaphore_mem>>
      %dma_start3A_592 = arith.constant 0 : i32
      %dma_start3A_593 = tpu.memref_slice %arg4[%add3A, %dma_start3A_592] : memref<32x16xf32, #tpu.memory_space<hbm>> -> memref<1x16xf32, #tpu.memory_space<hbm>>
      %dma_start3A_594 = tpu.memref_squeeze %dma_start3A_593 : memref<1x16xf32, #tpu.memory_space<hbm>> -> memref<16xf32, #tpu.memory_space<hbm>>
      %dma_start3A_595 = arith.constant 0 : i32
      %dma_start3A_596 = tpu.memref_slice %arg4[%add3A, %dma_start3A_595] : memref<32x16xf32, #tpu.memory_space<hbm>> -> memref<1x16xf32, #tpu.memory_space<hbm>>
      %dma_start3A_597 = tpu.memref_squeeze %dma_start3A_596 : memref<1x16xf32, #tpu.memory_space<hbm>> -> memref<16xf32, #tpu.memory_space<hbm>>
      tpu.enqueue_dma source(%arg12 : memref<16xf32, #tpu.memory_space<vmem>>) target(%dma_start3A_597 : memref<16xf32, #tpu.memory_space<hbm>>) target_semaphore(%run_scoped3A : memref<!tpu.dma_semaphore, #tpu.memory_space<semaphore_mem>>)
      %dma_wait3A_598 = arith.constant 0 : i32
      %dma_wait3A_599 = tpu.memref_slice %arg4[%add3A, %dma_wait3A_598] : memref<32x16xf32, #tpu.memory_space<hbm>> -> memref<1x16xf32, #tpu.memory_space<hbm>>
      %dma_wait3A_600 = tpu.memref_squeeze %dma_wait3A_599 : memref<1x16xf32, #tpu.memory_space<hbm>> -> memref<16xf32, #tpu.memory_space<hbm>>
      %dma_wait3A_601 = arith.constant 0 : i32
      %dma_wait3A_602 = tpu.memref_slice %arg4[%add3A, %dma_wait3A_601] : memref<32x16xf32, #tpu.memory_space<hbm>> -> memref<1x16xf32, #tpu.memory_space<hbm>>
      %dma_wait3A_603 = tpu.memref_squeeze %dma_wait3A_602 : memref<1x16xf32, #tpu.memory_space<hbm>> -> memref<16xf32, #tpu.memory_space<hbm>>
      tpu.wait_dma2 semaphore(%run_scoped3A : memref<!tpu.dma_semaphore, #tpu.memory_space<semaphore_mem>>) src(%arg12 : memref<16xf32, #tpu.memory_space<vmem>>) dst(%dma_wait3A_603 : memref<16xf32, #tpu.memory_space<hbm>>)
      tpu.yield
    }) : () -> ()
    "tpu.region"() ({
      %run_scoped3A = tpu.sem_alloc : memref<!tpu.dma_semaphore, #tpu.memory_space<semaphore_mem>>
      %dma_start3A_592 = arith.constant 0 : i32
      %dma_start3A_593 = tpu.memref_slice %arg5[%add3A, %dma_start3A_592] : memref<32x16xi32, #tpu.memory_space<hbm>> -> memref<1x16xi32, #tpu.memory_space<hbm>>
      %dma_start3A_594 = tpu.memref_squeeze %dma_start3A_593 : memref<1x16xi32, #tpu.memory_space<hbm>> -> memref<16xi32, #tpu.memory_space<hbm>>
      %dma_start3A_595 = arith.constant 0 : i32
      %dma_start3A_596 = tpu.memref_slice %arg5[%add3A, %dma_start3A_595] : memref<32x16xi32, #tpu.memory_space<hbm>> -> memref<1x16xi32, #tpu.memory_space<hbm>>
      %dma_start3A_597 = tpu.memref_squeeze %dma_start3A_596 : memref<1x16xi32, #tpu.memory_space<hbm>> -> memref<16xi32, #tpu.memory_space<hbm>>
      tpu.enqueue_dma source(%arg13 : memref<16xi32, #tpu.memory_space<vmem>>) target(%dma_start3A_597 : memref<16xi32, #tpu.memory_space<hbm>>) target_semaphore(%run_scoped3A : memref<!tpu.dma_semaphore, #tpu.memory_space<semaphore_mem>>)
      %dma_wait3A_598 = arith.constant 0 : i32
      %dma_wait3A_599 = tpu.memref_slice %arg5[%add3A, %dma_wait3A_598] : memref<32x16xi32, #tpu.memory_space<hbm>> -> memref<1x16xi32, #tpu.memory_space<hbm>>
      %dma_wait3A_600 = tpu.memref_squeeze %dma_wait3A_599 : memref<1x16xi32, #tpu.memory_space<hbm>> -> memref<16xi32, #tpu.memory_space<hbm>>
      %dma_wait3A_601 = arith.constant 0 : i32
      %dma_wait3A_602 = tpu.memref_slice %arg5[%add3A, %dma_wait3A_601] : memref<32x16xi32, #tpu.memory_space<hbm>> -> memref<1x16xi32, #tpu.memory_space<hbm>>
      %dma_wait3A_603 = tpu.memref_squeeze %dma_wait3A_602 : memref<1x16xi32, #tpu.memory_space<hbm>> -> memref<16xi32, #tpu.memory_space<hbm>>
      tpu.wait_dma2 semaphore(%run_scoped3A : memref<!tpu.dma_semaphore, #tpu.memory_space<semaphore_mem>>) src(%arg13 : memref<16xi32, #tpu.memory_space<vmem>>) dst(%dma_wait3A_603 : memref<16xi32, #tpu.memory_space<hbm>>)
      tpu.yield
    }) : () -> ()
    "tpu.region"() ({
      %run_scoped3A = tpu.sem_alloc : memref<!tpu.dma_semaphore, #tpu.memory_space<semaphore_mem>>
      %dma_start3A_592 = arith.constant 0 : i32
      %dma_start3A_593 = tpu.memref_slice %arg6[%add3A, %dma_start3A_592] : memref<32x16xf32, #tpu.memory_space<hbm>> -> memref<1x16xf32, #tpu.memory_space<hbm>>
      %dma_start3A_594 = tpu.memref_squeeze %dma_start3A_593 : memref<1x16xf32, #tpu.memory_space<hbm>> -> memref<16xf32, #tpu.memory_space<hbm>>
      %dma_start3A_595 = arith.constant 0 : i32
      %dma_start3A_596 = tpu.memref_slice %arg6[%add3A, %dma_start3A_595] : memref<32x16xf32, #tpu.memory_space<hbm>> -> memref<1x16xf32, #tpu.memory_space<hbm>>
      %dma_start3A_597 = tpu.memref_squeeze %dma_start3A_596 : memref<1x16xf32, #tpu.memory_space<hbm>> -> memref<16xf32, #tpu.memory_space<hbm>>
      tpu.enqueue_dma source(%arg14 : memref<16xf32, #tpu.memory_space<vmem>>) target(%dma_start3A_597 : memref<16xf32, #tpu.memory_space<hbm>>) target_semaphore(%run_scoped3A : memref<!tpu.dma_semaphore, #tpu.memory_space<semaphore_mem>>)
      %dma_wait3A_598 = arith.constant 0 : i32
      %dma_wait3A_599 = tpu.memref_slice %arg6[%add3A, %dma_wait3A_598] : memref<32x16xf32, #tpu.memory_space<hbm>> -> memref<1x16xf32, #tpu.memory_space<hbm>>
      %dma_wait3A_600 = tpu.memref_squeeze %dma_wait3A_599 : memref<1x16xf32, #tpu.memory_space<hbm>> -> memref<16xf32, #tpu.memory_space<hbm>>
      %dma_wait3A_601 = arith.constant 0 : i32
      %dma_wait3A_602 = tpu.memref_slice %arg6[%add3A, %dma_wait3A_601] : memref<32x16xf32, #tpu.memory_space<hbm>> -> memref<1x16xf32, #tpu.memory_space<hbm>>
      %dma_wait3A_603 = tpu.memref_squeeze %dma_wait3A_602 : memref<1x16xf32, #tpu.memory_space<hbm>> -> memref<16xf32, #tpu.memory_space<hbm>>
      tpu.wait_dma2 semaphore(%run_scoped3A : memref<!tpu.dma_semaphore, #tpu.memory_space<semaphore_mem>>) src(%arg14 : memref<16xf32, #tpu.memory_space<vmem>>) dst(%dma_wait3A_603 : memref<16xf32, #tpu.memory_space<hbm>>)
      tpu.yield
    }) : () -> ()
    %broadcast_in_dim3A_299 = arith.constant 2147483647 : i32
    %broadcast_in_dim3A_300 = vector.broadcast %broadcast_in_dim3A_299 : i32 to vector<16xi32>
    %add3A_301 = arith.constant 32768 : i32
    %add3A_302 = arith.addi %mul3A_2, %add3A_301 : i32
    %multiple_of3A_303 = tpu.assume_multiple %add3A_302, 8 : i32
    %dma_start3A_304 = tpu.memref_slice %arg3[%multiple_of3A_303] : memref<8388608xf32, #tpu.memory_space<hbm>> -> memref<32768xf32, #tpu.memory_space<hbm>>
    %dma_start3A_305 = tpu.memref_slice %arg3[%multiple_of3A_303] : memref<8388608xf32, #tpu.memory_space<hbm>> -> memref<32768xf32, #tpu.memory_space<hbm>>
    tpu.enqueue_dma source(%dma_start3A_305 : memref<32768xf32, #tpu.memory_space<hbm>>) target(%arg11 : memref<32768xf32, #tpu.memory_space<vmem>>) target_semaphore(%arg16 : memref<!tpu.dma_semaphore, #tpu.memory_space<semaphore_mem>>)
    %dma_wait3A_306 = tpu.memref_slice %arg3[%multiple_of3A_260] : memref<8388608xf32, #tpu.memory_space<hbm>> -> memref<32768xf32, #tpu.memory_space<hbm>>
    %dma_wait3A_307 = tpu.memref_slice %arg3[%multiple_of3A_260] : memref<8388608xf32, #tpu.memory_space<hbm>> -> memref<32768xf32, #tpu.memory_space<hbm>>
    tpu.wait_dma2 semaphore(%arg15 : memref<!tpu.dma_semaphore, #tpu.memory_space<semaphore_mem>>) src(%dma_wait3A_307 : memref<32768xf32, #tpu.memory_space<hbm>>) dst(%arg10 : memref<32768xf32, #tpu.memory_space<vmem>>)
    %scan3A_308 = arith.constant 0 : i32
    %scan3A_309 = arith.constant 256 : i32
    %scan3A_310 = arith.addi %scan3A_308, %scan3A_309 : i32
    %scan3A_311 = arith.constant 1 : i32
    %scan3A_312:4 = scf.for %scan3A_592 = %scan3A_308 to %scan3A_310 step %scan3A_311 iter_args(%scan3A_593 = %broadcast_in_dim3A_8, %scan3A_594 = %broadcast_in_dim3A_8, %scan3A_595 = %broadcast_in_dim3A_6, %scan3A_596 = %broadcast_in_dim3A_6) -> (vector<16xf32>, vector<16xf32>, vector<16xf32>, vector<16xf32>)  : i32 {
      %mul3A_597 = arith.constant 128 : i32
      %mul3A_598 = arith.muli %scan3A_592, %mul3A_597 : i32
      %add3A_599 = arith.constant 0 : i32
      %add3A_600 = arith.addi %mul3A_598, %add3A_599 : i32
      %get3A = arith.index_cast %add3A_600 : i32 to index
      %get3A_601 = tpu.vector_load %arg10[%get3A] {strides = array<i32>} : memref<32768xf32, #tpu.memory_space<vmem>>, vector<16xf32>,
      %add3A_602 = arith.constant 16 : i32
      %add3A_603 = arith.addi %mul3A_598, %add3A_602 : i32
      %get3A_604 = arith.index_cast %add3A_603 : i32 to index
      %get3A_605 = tpu.vector_load %arg10[%get3A_604] {strides = array<i32>} : memref<32768xf32, #tpu.memory_space<vmem>>, vector<16xf32>,
      %mul3A_606 = arith.mulf %get3A_601, %get3A_601 : vector<16xf32>
      %add3A_607 = arith.addf %scan3A_593, %mul3A_606 : vector<16xf32>
      %max3A_608 = arith.maximumf %scan3A_595, %get3A_601 : vector<16xf32>
      %mul3A_609 = arith.mulf %get3A_605, %get3A_605 : vector<16xf32>
      %add3A_610 = arith.addf %scan3A_594, %mul3A_609 : vector<16xf32>
      %max3A_611 = arith.maximumf %scan3A_596, %get3A_605 : vector<16xf32>
      %add3A_612 = arith.constant 32 : i32
      %add3A_613 = arith.addi %mul3A_598, %add3A_612 : i32
      %get3A_614 = arith.index_cast %add3A_613 : i32 to index
      %get3A_615 = tpu.vector_load %arg10[%get3A_614] {strides = array<i32>} : memref<32768xf32, #tpu.memory_space<vmem>>, vector<16xf32>,
      %add3A_616 = arith.constant 48 : i32
      %add3A_617 = arith.addi %mul3A_598, %add3A_616 : i32
      %get3A_618 = arith.index_cast %add3A_617 : i32 to index
      %get3A_619 = tpu.vector_load %arg10[%get3A_618] {strides = array<i32>} : memref<32768xf32, #tpu.memory_space<vmem>>, vector<16xf32>,
      %mul3A_620 = arith.mulf %get3A_615, %get3A_615 : vector<16xf32>
      %add3A_621 = arith.addf %add3A_607, %mul3A_620 : vector<16xf32>
      %max3A_622 = arith.maximumf %max3A_608, %get3A_615 : vector<16xf32>
      %mul3A_623 = arith.mulf %get3A_619, %get3A_619 : vector<16xf32>
      %add3A_624 = arith.addf %add3A_610, %mul3A_623 : vector<16xf32>
      %max3A_625 = arith.maximumf %max3A_611, %get3A_619 : vector<16xf32>
      %add3A_626 = arith.constant 64 : i32
      %add3A_627 = arith.addi %mul3A_598, %add3A_626 : i32
      %get3A_628 = arith.index_cast %add3A_627 : i32 to index
      %get3A_629 = tpu.vector_load %arg10[%get3A_628] {strides = array<i32>} : memref<32768xf32, #tpu.memory_space<vmem>>, vector<16xf32>,
      %add3A_630 = arith.constant 80 : i32
      %add3A_631 = arith.addi %mul3A_598, %add3A_630 : i32
      %get3A_632 = arith.index_cast %add3A_631 : i32 to index
      %get3A_633 = tpu.vector_load %arg10[%get3A_632] {strides = array<i32>} : memref<32768xf32, #tpu.memory_space<vmem>>, vector<16xf32>,
      %mul3A_634 = arith.mulf %get3A_629, %get3A_629 : vector<16xf32>
      %add3A_635 = arith.addf %add3A_621, %mul3A_634 : vector<16xf32>
      %max3A_636 = arith.maximumf %max3A_622, %get3A_629 : vector<16xf32>
      %mul3A_637 = arith.mulf %get3A_633, %get3A_633 : vector<16xf32>
      %add3A_638 = arith.addf %add3A_624, %mul3A_637 : vector<16xf32>
      %max3A_639 = arith.maximumf %max3A_625, %get3A_633 : vector<16xf32>
      %add3A_640 = arith.constant 96 : i32
      %add3A_641 = arith.addi %mul3A_598, %add3A_640 : i32
      %get3A_642 = arith.index_cast %add3A_641 : i32 to index
      %get3A_643 = tpu.vector_load %arg10[%get3A_642] {strides = array<i32>} : memref<32768xf32, #tpu.memory_space<vmem>>, vector<16xf32>,
      %add3A_644 = arith.constant 112 : i32
      %add3A_645 = arith.addi %mul3A_598, %add3A_644 : i32
      %get3A_646 = arith.index_cast %add3A_645 : i32 to index
      %get3A_647 = tpu.vector_load %arg10[%get3A_646] {strides = array<i32>} : memref<32768xf32, #tpu.memory_space<vmem>>, vector<16xf32>,
      %mul3A_648 = arith.mulf %get3A_643, %get3A_643 : vector<16xf32>
      %add3A_649 = arith.addf %add3A_635, %mul3A_648 : vector<16xf32>
      %max3A_650 = arith.maximumf %max3A_636, %get3A_643 : vector<16xf32>
      %mul3A_651 = arith.mulf %get3A_647, %get3A_647 : vector<16xf32>
      %add3A_652 = arith.addf %add3A_638, %mul3A_651 : vector<16xf32>
      %max3A_653 = arith.maximumf %max3A_639, %get3A_647 : vector<16xf32>
      scf.yield %add3A_649, %add3A_652, %max3A_650, %max3A_653 : vector<16xf32>, vector<16xf32>, vector<16xf32>, vector<16xf32>
    }
    %scan3A_313 = arith.constant 256 : i32
    %eq3A_314 = arith.constant 0 : i32
    %eq3A_315 = vector.broadcast %eq3A_314 : i32 to vector<16xi32>
    %eq3A_316 = arith.cmpi eq, %iota3A, %eq3A_315 : vector<16xi32>
    %add3A_317 = arith.addf %scan3A_312#0, %scan3A_312#1 : vector<16xf32>
    %reduce_sum3A_318 = arith.constant true
    %reduce_sum3A_319 = vector.broadcast %reduce_sum3A_318 : i1 to vector<16xi1>
    %reduce_sum3A_320 = tpu.scan <sum>, %add3A_317 masked %reduce_sum3A_319 : vector<16xf32>, vector<16xi1> -> vector<16xf32>
    %reduce_sum3A_321 = vector.extract %reduce_sum3A_320[15] : f32 from vector<16xf32>
    %add3A_322 = vector.broadcast %reduce_sum3A_321 : f32 to vector<16xf32>
    %add3A_323 = arith.addf %broadcast_in_dim3A_8, %add3A_322 : vector<16xf32>
    %select_n3A_324 = arith.select %eq3A_316, %add3A_323, %broadcast_in_dim3A_8 : vector<16xi1>, vector<16xf32>
    %max3A_325 = arith.maximumf %scan3A_312#2, %scan3A_312#3 : vector<16xf32>
    %reduce_max3A_326 = arith.constant true
    %reduce_max3A_327 = vector.broadcast %reduce_max3A_326 : i1 to vector<16xi1>
    %reduce_max3A_328 = tpu.scan <max>, %max3A_325 masked %reduce_max3A_327 : vector<16xf32>, vector<16xi1> -> vector<16xf32>
    %reduce_max3A_329 = vector.extract %reduce_max3A_328[15] : f32 from vector<16xf32>
    %add3A_330 = arith.constant 0 : i32
    %add3A_331 = arith.addi %mul3A_5, %add3A_330 : i32
    %gt3A_332 = arith.constant 0xFF800000 : f32
    %gt3A_333 = arith.cmpf ogt, %reduce_max3A_329, %gt3A_332 : f32
    %convert_element_type3A_334 = arith.extui %gt3A_333 : i1 to i32
    %cond3A_335 = arith.constant 0xFF800000 : f32
    %cond3A_336 = arith.constant 0 : i32
    %cond3A_337 = arith.cmpi ne, %convert_element_type3A_334, %cond3A_336 : i32
    %cond3A_338:3 = scf.if %cond3A_337 -> (vector<16xf32>, vector<16xi32>, f32) {
      %scan3A_592 = arith.constant 0 : i32
      %scan3A_593 = arith.constant 2048 : i32
      %scan3A_594 = arith.addi %scan3A_592, %scan3A_593 : i32
      %scan3A_595 = arith.constant 1 : i32
      %scan3A_596:3 = scf.for %scan3A_598 = %scan3A_592 to %scan3A_594 step %scan3A_595 iter_args(%scan3A_599 = %broadcast_in_dim3A_6, %scan3A_600 = %broadcast_in_dim3A_300, %scan3A_601 = %cond3A_335) -> (vector<16xf32>, vector<16xi32>, f32)  : i32 {
        %mul3A_602 = arith.constant 16 : i32
        %mul3A_603 = arith.muli %scan3A_598, %mul3A_602 : i32
        %get3A = arith.index_cast %mul3A_603 : i32 to index
        %get3A_604 = tpu.vector_load %arg10[%get3A] {strides = array<i32>} : memref<32768xf32, #tpu.memory_space<vmem>>, vector<16xf32>,
        %reduce_max3A_605 = arith.constant true
        %reduce_max3A_606 = vector.broadcast %reduce_max3A_605 : i1 to vector<16xi1>
        %reduce_max3A_607 = tpu.scan <max>, %get3A_604 masked %reduce_max3A_606 : vector<16xf32>, vector<16xi1> -> vector<16xf32>
        %reduce_max3A_608 = vector.extract %reduce_max3A_607[15] : f32 from vector<16xf32>
        %gt3A_609 = arith.cmpf ogt, %reduce_max3A_608, %scan3A_601 : f32
        %convert_element_type3A_610 = arith.extui %gt3A_609 : i1 to i32
        %cond3A_611 = arith.constant 0 : i32
        %cond3A_612 = arith.cmpi ne, %convert_element_type3A_610, %cond3A_611 : i32
        %cond3A_613:3 = scf.if %cond3A_612 -> (vector<16xf32>, vector<16xi32>, f32) {
          %mul3A_614 = arith.constant 16 : i32
          %mul3A_615 = arith.muli %scan3A_598, %mul3A_614 : i32
          %add3A_616 = arith.addi %add3A_331, %mul3A_615 : i32
          %add3A_617 = vector.broadcast %add3A_616 : i32 to vector<16xi32>
          %add3A_618 = arith.addi %iota3A, %add3A_617 : vector<16xi32>
          %masked_sort3A = arith.constant dense<true> : vector<16xi1>
          %masked_sort3A_619, %masked_sort3A_620, %masked_sort3A_621 = tpu.sort %get3A_604, %add3A_618 masked %masked_sort3A {descending = true} : (vector<16xf32>, vector<16xi32>, vector<16xi1>) -> (vector<16xi1>, vector<16xf32>, vector<16xi32>)
          %gt3A_622 = arith.cmpf ogt, %masked_sort3A_620, %scan3A_599 : vector<16xf32>
          %eq3A_623 = arith.cmpf oeq, %masked_sort3A_620, %scan3A_599 : vector<16xf32>
          %lt3A = arith.cmpi slt, %masked_sort3A_621, %scan3A_600 : vector<16xi32>
          %and3A_624 = arith.andi %eq3A_623, %lt3A : vector<16xi1>
          %or3A = arith.ori %gt3A_622, %and3A_624 : vector<16xi1>
          %select_n3A_625 = arith.select %or3A, %masked_sort3A_620, %scan3A_599 : vector<16xi1>, vector<16xf32>
          %select_n3A_626 = arith.select %or3A, %masked_sort3A_621, %scan3A_600 : vector<16xi1>, vector<16xi32>
          %masked_sort3A_627 = arith.constant dense<true> : vector<16xi1>
          %masked_sort3A_628, %masked_sort3A_629, %masked_sort3A_630 = tpu.sort %select_n3A_625, %select_n3A_626 masked %masked_sort3A_627 : (vector<16xf32>, vector<16xi32>, vector<16xi1>) -> (vector<16xi1>, vector<16xf32>, vector<16xi32>)
          %reduce_min3A = arith.constant true
          %reduce_min3A_631 = vector.broadcast %reduce_min3A : i1 to vector<16xi1>
          %reduce_min3A_632 = tpu.scan <min>, %masked_sort3A_629 masked %reduce_min3A_631 : vector<16xf32>, vector<16xi1> -> vector<16xf32>
          %reduce_min3A_633 = vector.extract %reduce_min3A_632[15] : f32 from vector<16xf32>
          scf.yield %masked_sort3A_629, %masked_sort3A_630, %reduce_min3A_633 : vector<16xf32>, vector<16xi32>, f32
        } else {
          scf.yield %scan3A_599, %scan3A_600, %scan3A_601 : vector<16xf32>, vector<16xi32>, f32
        }
        scf.yield %cond3A_613#0, %cond3A_613#1, %cond3A_613#2 : vector<16xf32>, vector<16xi32>, f32
      }
      %scan3A_597 = arith.constant 2048 : i32
      scf.yield %scan3A_596#0, %scan3A_596#1, %scan3A_596#2 : vector<16xf32>, vector<16xi32>, f32
    } else {
      scf.yield %broadcast_in_dim3A_6, %broadcast_in_dim3A_300, %cond3A_335 : vector<16xf32>, vector<16xi32>, f32
    }
    %add3A_339 = arith.constant 65536 : i32
    %add3A_340 = arith.addi %mul3A_2, %add3A_339 : i32
    %multiple_of3A_341 = tpu.assume_multiple %add3A_340, 8 : i32
    %dma_start3A_342 = tpu.memref_slice %arg3[%multiple_of3A_341] : memref<8388608xf32, #tpu.memory_space<hbm>> -> memref<32768xf32, #tpu.memory_space<hbm>>
    %dma_start3A_343 = tpu.memref_slice %arg3[%multiple_of3A_341] : memref<8388608xf32, #tpu.memory_space<hbm>> -> memref<32768xf32, #tpu.memory_space<hbm>>
    tpu.enqueue_dma source(%dma_start3A_343 : memref<32768xf32, #tpu.memory_space<hbm>>) target(%arg10 : memref<32768xf32, #tpu.memory_space<vmem>>) target_semaphore(%arg15 : memref<!tpu.dma_semaphore, #tpu.memory_space<semaphore_mem>>)
    %dma_wait3A_344 = tpu.memref_slice %arg3[%multiple_of3A_303] : memref<8388608xf32, #tpu.memory_space<hbm>> -> memref<32768xf32, #tpu.memory_space<hbm>>
    %dma_wait3A_345 = tpu.memref_slice %arg3[%multiple_of3A_303] : memref<8388608xf32, #tpu.memory_space<hbm>> -> memref<32768xf32, #tpu.memory_space<hbm>>
    tpu.wait_dma2 semaphore(%arg16 : memref<!tpu.dma_semaphore, #tpu.memory_space<semaphore_mem>>) src(%dma_wait3A_345 : memref<32768xf32, #tpu.memory_space<hbm>>) dst(%arg11 : memref<32768xf32, #tpu.memory_space<vmem>>)
    %scan3A_346 = arith.constant 0 : i32
    %scan3A_347 = arith.constant 256 : i32
    %scan3A_348 = arith.addi %scan3A_346, %scan3A_347 : i32
    %scan3A_349 = arith.constant 1 : i32
    %scan3A_350:4 = scf.for %scan3A_592 = %scan3A_346 to %scan3A_348 step %scan3A_349 iter_args(%scan3A_593 = %broadcast_in_dim3A_8, %scan3A_594 = %broadcast_in_dim3A_8, %scan3A_595 = %broadcast_in_dim3A_6, %scan3A_596 = %broadcast_in_dim3A_6) -> (vector<16xf32>, vector<16xf32>, vector<16xf32>, vector<16xf32>)  : i32 {
      %mul3A_597 = arith.constant 128 : i32
      %mul3A_598 = arith.muli %scan3A_592, %mul3A_597 : i32
      %add3A_599 = arith.constant 0 : i32
      %add3A_600 = arith.addi %mul3A_598, %add3A_599 : i32
      %get3A = arith.index_cast %add3A_600 : i32 to index
      %get3A_601 = tpu.vector_load %arg11[%get3A] {strides = array<i32>} : memref<32768xf32, #tpu.memory_space<vmem>>, vector<16xf32>,
      %add3A_602 = arith.constant 16 : i32
      %add3A_603 = arith.addi %mul3A_598, %add3A_602 : i32
      %get3A_604 = arith.index_cast %add3A_603 : i32 to index
      %get3A_605 = tpu.vector_load %arg11[%get3A_604] {strides = array<i32>} : memref<32768xf32, #tpu.memory_space<vmem>>, vector<16xf32>,
      %mul3A_606 = arith.mulf %get3A_601, %get3A_601 : vector<16xf32>
      %add3A_607 = arith.addf %scan3A_593, %mul3A_606 : vector<16xf32>
      %max3A_608 = arith.maximumf %scan3A_595, %get3A_601 : vector<16xf32>
      %mul3A_609 = arith.mulf %get3A_605, %get3A_605 : vector<16xf32>
      %add3A_610 = arith.addf %scan3A_594, %mul3A_609 : vector<16xf32>
      %max3A_611 = arith.maximumf %scan3A_596, %get3A_605 : vector<16xf32>
      %add3A_612 = arith.constant 32 : i32
      %add3A_613 = arith.addi %mul3A_598, %add3A_612 : i32
      %get3A_614 = arith.index_cast %add3A_613 : i32 to index
      %get3A_615 = tpu.vector_load %arg11[%get3A_614] {strides = array<i32>} : memref<32768xf32, #tpu.memory_space<vmem>>, vector<16xf32>,
      %add3A_616 = arith.constant 48 : i32
      %add3A_617 = arith.addi %mul3A_598, %add3A_616 : i32
      %get3A_618 = arith.index_cast %add3A_617 : i32 to index
      %get3A_619 = tpu.vector_load %arg11[%get3A_618] {strides = array<i32>} : memref<32768xf32, #tpu.memory_space<vmem>>, vector<16xf32>,
      %mul3A_620 = arith.mulf %get3A_615, %get3A_615 : vector<16xf32>
      %add3A_621 = arith.addf %add3A_607, %mul3A_620 : vector<16xf32>
      %max3A_622 = arith.maximumf %max3A_608, %get3A_615 : vector<16xf32>
      %mul3A_623 = arith.mulf %get3A_619, %get3A_619 : vector<16xf32>
      %add3A_624 = arith.addf %add3A_610, %mul3A_623 : vector<16xf32>
      %max3A_625 = arith.maximumf %max3A_611, %get3A_619 : vector<16xf32>
      %add3A_626 = arith.constant 64 : i32
      %add3A_627 = arith.addi %mul3A_598, %add3A_626 : i32
      %get3A_628 = arith.index_cast %add3A_627 : i32 to index
      %get3A_629 = tpu.vector_load %arg11[%get3A_628] {strides = array<i32>} : memref<32768xf32, #tpu.memory_space<vmem>>, vector<16xf32>,
      %add3A_630 = arith.constant 80 : i32
      %add3A_631 = arith.addi %mul3A_598, %add3A_630 : i32
      %get3A_632 = arith.index_cast %add3A_631 : i32 to index
      %get3A_633 = tpu.vector_load %arg11[%get3A_632] {strides = array<i32>} : memref<32768xf32, #tpu.memory_space<vmem>>, vector<16xf32>,
      %mul3A_634 = arith.mulf %get3A_629, %get3A_629 : vector<16xf32>
      %add3A_635 = arith.addf %add3A_621, %mul3A_634 : vector<16xf32>
      %max3A_636 = arith.maximumf %max3A_622, %get3A_629 : vector<16xf32>
      %mul3A_637 = arith.mulf %get3A_633, %get3A_633 : vector<16xf32>
      %add3A_638 = arith.addf %add3A_624, %mul3A_637 : vector<16xf32>
      %max3A_639 = arith.maximumf %max3A_625, %get3A_633 : vector<16xf32>
      %add3A_640 = arith.constant 96 : i32
      %add3A_641 = arith.addi %mul3A_598, %add3A_640 : i32
      %get3A_642 = arith.index_cast %add3A_641 : i32 to index
      %get3A_643 = tpu.vector_load %arg11[%get3A_642] {strides = array<i32>} : memref<32768xf32, #tpu.memory_space<vmem>>, vector<16xf32>,
      %add3A_644 = arith.constant 112 : i32
      %add3A_645 = arith.addi %mul3A_598, %add3A_644 : i32
      %get3A_646 = arith.index_cast %add3A_645 : i32 to index
      %get3A_647 = tpu.vector_load %arg11[%get3A_646] {strides = array<i32>} : memref<32768xf32, #tpu.memory_space<vmem>>, vector<16xf32>,
      %mul3A_648 = arith.mulf %get3A_643, %get3A_643 : vector<16xf32>
      %add3A_649 = arith.addf %add3A_635, %mul3A_648 : vector<16xf32>
      %max3A_650 = arith.maximumf %max3A_636, %get3A_643 : vector<16xf32>
      %mul3A_651 = arith.mulf %get3A_647, %get3A_647 : vector<16xf32>
      %add3A_652 = arith.addf %add3A_638, %mul3A_651 : vector<16xf32>
      %max3A_653 = arith.maximumf %max3A_639, %get3A_647 : vector<16xf32>
      scf.yield %add3A_649, %add3A_652, %max3A_650, %max3A_653 : vector<16xf32>, vector<16xf32>, vector<16xf32>, vector<16xf32>
    }
    %scan3A_351 = arith.constant 256 : i32
    %eq3A_352 = arith.constant 1 : i32
    %eq3A_353 = vector.broadcast %eq3A_352 : i32 to vector<16xi32>
    %eq3A_354 = arith.cmpi eq, %iota3A, %eq3A_353 : vector<16xi32>
    %add3A_355 = arith.addf %scan3A_350#0, %scan3A_350#1 : vector<16xf32>
    %reduce_sum3A_356 = arith.constant true
    %reduce_sum3A_357 = vector.broadcast %reduce_sum3A_356 : i1 to vector<16xi1>
    %reduce_sum3A_358 = tpu.scan <sum>, %add3A_355 masked %reduce_sum3A_357 : vector<16xf32>, vector<16xi1> -> vector<16xf32>
    %reduce_sum3A_359 = vector.extract %reduce_sum3A_358[15] : f32 from vector<16xf32>
    %add3A_360 = vector.broadcast %reduce_sum3A_359 : f32 to vector<16xf32>
    %add3A_361 = arith.addf %select_n3A_324, %add3A_360 : vector<16xf32>
    %select_n3A_362 = arith.select %eq3A_354, %add3A_361, %select_n3A_324 : vector<16xi1>, vector<16xf32>
    %max3A_363 = arith.maximumf %scan3A_350#2, %scan3A_350#3 : vector<16xf32>
    %reduce_max3A_364 = arith.constant true
    %reduce_max3A_365 = vector.broadcast %reduce_max3A_364 : i1 to vector<16xi1>
    %reduce_max3A_366 = tpu.scan <max>, %max3A_363 masked %reduce_max3A_365 : vector<16xf32>, vector<16xi1> -> vector<16xf32>
    %reduce_max3A_367 = vector.extract %reduce_max3A_366[15] : f32 from vector<16xf32>
    %add3A_368 = arith.constant 32768 : i32
    %add3A_369 = arith.addi %mul3A_5, %add3A_368 : i32
    %gt3A_370 = arith.cmpf ogt, %reduce_max3A_367, %cond3A_338#2 : f32
    %convert_element_type3A_371 = arith.extui %gt3A_370 : i1 to i32
    %cond3A_372 = arith.constant 0 : i32
    %cond3A_373 = arith.cmpi ne, %convert_element_type3A_371, %cond3A_372 : i32
    %cond3A_374:3 = scf.if %cond3A_373 -> (vector<16xf32>, vector<16xi32>, f32) {
      %scan3A_592 = arith.constant 0 : i32
      %scan3A_593 = arith.constant 2048 : i32
      %scan3A_594 = arith.addi %scan3A_592, %scan3A_593 : i32
      %scan3A_595 = arith.constant 1 : i32
      %scan3A_596:3 = scf.for %scan3A_598 = %scan3A_592 to %scan3A_594 step %scan3A_595 iter_args(%scan3A_599 = %cond3A_338#0, %scan3A_600 = %cond3A_338#1, %scan3A_601 = %cond3A_338#2) -> (vector<16xf32>, vector<16xi32>, f32)  : i32 {
        %mul3A_602 = arith.constant 16 : i32
        %mul3A_603 = arith.muli %scan3A_598, %mul3A_602 : i32
        %get3A = arith.index_cast %mul3A_603 : i32 to index
        %get3A_604 = tpu.vector_load %arg11[%get3A] {strides = array<i32>} : memref<32768xf32, #tpu.memory_space<vmem>>, vector<16xf32>,
        %reduce_max3A_605 = arith.constant true
        %reduce_max3A_606 = vector.broadcast %reduce_max3A_605 : i1 to vector<16xi1>
        %reduce_max3A_607 = tpu.scan <max>, %get3A_604 masked %reduce_max3A_606 : vector<16xf32>, vector<16xi1> -> vector<16xf32>
        %reduce_max3A_608 = vector.extract %reduce_max3A_607[15] : f32 from vector<16xf32>
        %gt3A_609 = arith.cmpf ogt, %reduce_max3A_608, %scan3A_601 : f32
        %convert_element_type3A_610 = arith.extui %gt3A_609 : i1 to i32
        %cond3A_611 = arith.constant 0 : i32
        %cond3A_612 = arith.cmpi ne, %convert_element_type3A_610, %cond3A_611 : i32
        %cond3A_613:3 = scf.if %cond3A_612 -> (vector<16xf32>, vector<16xi32>, f32) {
          %mul3A_614 = arith.constant 16 : i32
          %mul3A_615 = arith.muli %scan3A_598, %mul3A_614 : i32
          %add3A_616 = arith.addi %add3A_369, %mul3A_615 : i32
          %add3A_617 = vector.broadcast %add3A_616 : i32 to vector<16xi32>
          %add3A_618 = arith.addi %iota3A, %add3A_617 : vector<16xi32>
          %masked_sort3A = arith.constant dense<true> : vector<16xi1>
          %masked_sort3A_619, %masked_sort3A_620, %masked_sort3A_621 = tpu.sort %get3A_604, %add3A_618 masked %masked_sort3A {descending = true} : (vector<16xf32>, vector<16xi32>, vector<16xi1>) -> (vector<16xi1>, vector<16xf32>, vector<16xi32>)
          %gt3A_622 = arith.cmpf ogt, %masked_sort3A_620, %scan3A_599 : vector<16xf32>
          %eq3A_623 = arith.cmpf oeq, %masked_sort3A_620, %scan3A_599 : vector<16xf32>
          %lt3A = arith.cmpi slt, %masked_sort3A_621, %scan3A_600 : vector<16xi32>
          %and3A_624 = arith.andi %eq3A_623, %lt3A : vector<16xi1>
          %or3A = arith.ori %gt3A_622, %and3A_624 : vector<16xi1>
          %select_n3A_625 = arith.select %or3A, %masked_sort3A_620, %scan3A_599 : vector<16xi1>, vector<16xf32>
          %select_n3A_626 = arith.select %or3A, %masked_sort3A_621, %scan3A_600 : vector<16xi1>, vector<16xi32>
          %masked_sort3A_627 = arith.constant dense<true> : vector<16xi1>
          %masked_sort3A_628, %masked_sort3A_629, %masked_sort3A_630 = tpu.sort %select_n3A_625, %select_n3A_626 masked %masked_sort3A_627 : (vector<16xf32>, vector<16xi32>, vector<16xi1>) -> (vector<16xi1>, vector<16xf32>, vector<16xi32>)
          %reduce_min3A = arith.constant true
          %reduce_min3A_631 = vector.broadcast %reduce_min3A : i1 to vector<16xi1>
          %reduce_min3A_632 = tpu.scan <min>, %masked_sort3A_629 masked %reduce_min3A_631 : vector<16xf32>, vector<16xi1> -> vector<16xf32>
          %reduce_min3A_633 = vector.extract %reduce_min3A_632[15] : f32 from vector<16xf32>
          scf.yield %masked_sort3A_629, %masked_sort3A_630, %reduce_min3A_633 : vector<16xf32>, vector<16xi32>, f32
        } else {
          scf.yield %scan3A_599, %scan3A_600, %scan3A_601 : vector<16xf32>, vector<16xi32>, f32
        }
        scf.yield %cond3A_613#0, %cond3A_613#1, %cond3A_613#2 : vector<16xf32>, vector<16xi32>, f32
      }
      %scan3A_597 = arith.constant 2048 : i32
      scf.yield %scan3A_596#0, %scan3A_596#1, %scan3A_596#2 : vector<16xf32>, vector<16xi32>, f32
    } else {
      scf.yield %cond3A_338#0, %cond3A_338#1, %cond3A_338#2 : vector<16xf32>, vector<16xi32>, f32
    }
    %add3A_375 = arith.constant 98304 : i32
    %add3A_376 = arith.addi %mul3A_2, %add3A_375 : i32
    %multiple_of3A_377 = tpu.assume_multiple %add3A_376, 8 : i32
    %dma_start3A_378 = tpu.memref_slice %arg3[%multiple_of3A_377] : memref<8388608xf32, #tpu.memory_space<hbm>> -> memref<32768xf32, #tpu.memory_space<hbm>>
    %dma_start3A_379 = tpu.memref_slice %arg3[%multiple_of3A_377] : memref<8388608xf32, #tpu.memory_space<hbm>> -> memref<32768xf32, #tpu.memory_space<hbm>>
    tpu.enqueue_dma source(%dma_start3A_379 : memref<32768xf32, #tpu.memory_space<hbm>>) target(%arg11 : memref<32768xf32, #tpu.memory_space<vmem>>) target_semaphore(%arg16 : memref<!tpu.dma_semaphore, #tpu.memory_space<semaphore_mem>>)
    %dma_wait3A_380 = tpu.memref_slice %arg3[%multiple_of3A_341] : memref<8388608xf32, #tpu.memory_space<hbm>> -> memref<32768xf32, #tpu.memory_space<hbm>>
    %dma_wait3A_381 = tpu.memref_slice %arg3[%multiple_of3A_341] : memref<8388608xf32, #tpu.memory_space<hbm>> -> memref<32768xf32, #tpu.memory_space<hbm>>
    tpu.wait_dma2 semaphore(%arg15 : memref<!tpu.dma_semaphore, #tpu.memory_space<semaphore_mem>>) src(%dma_wait3A_381 : memref<32768xf32, #tpu.memory_space<hbm>>) dst(%arg10 : memref<32768xf32, #tpu.memory_space<vmem>>)
    %scan3A_382 = arith.constant 0 : i32
    %scan3A_383 = arith.constant 256 : i32
    %scan3A_384 = arith.addi %scan3A_382, %scan3A_383 : i32
    %scan3A_385 = arith.constant 1 : i32
    %scan3A_386:4 = scf.for %scan3A_592 = %scan3A_382 to %scan3A_384 step %scan3A_385 iter_args(%scan3A_593 = %broadcast_in_dim3A_8, %scan3A_594 = %broadcast_in_dim3A_8, %scan3A_595 = %broadcast_in_dim3A_6, %scan3A_596 = %broadcast_in_dim3A_6) -> (vector<16xf32>, vector<16xf32>, vector<16xf32>, vector<16xf32>)  : i32 {
      %mul3A_597 = arith.constant 128 : i32
      %mul3A_598 = arith.muli %scan3A_592, %mul3A_597 : i32
      %add3A_599 = arith.constant 0 : i32
      %add3A_600 = arith.addi %mul3A_598, %add3A_599 : i32
      %get3A = arith.index_cast %add3A_600 : i32 to index
      %get3A_601 = tpu.vector_load %arg10[%get3A] {strides = array<i32>} : memref<32768xf32, #tpu.memory_space<vmem>>, vector<16xf32>,
      %add3A_602 = arith.constant 16 : i32
      %add3A_603 = arith.addi %mul3A_598, %add3A_602 : i32
      %get3A_604 = arith.index_cast %add3A_603 : i32 to index
      %get3A_605 = tpu.vector_load %arg10[%get3A_604] {strides = array<i32>} : memref<32768xf32, #tpu.memory_space<vmem>>, vector<16xf32>,
      %mul3A_606 = arith.mulf %get3A_601, %get3A_601 : vector<16xf32>
      %add3A_607 = arith.addf %scan3A_593, %mul3A_606 : vector<16xf32>
      %max3A_608 = arith.maximumf %scan3A_595, %get3A_601 : vector<16xf32>
      %mul3A_609 = arith.mulf %get3A_605, %get3A_605 : vector<16xf32>
      %add3A_610 = arith.addf %scan3A_594, %mul3A_609 : vector<16xf32>
      %max3A_611 = arith.maximumf %scan3A_596, %get3A_605 : vector<16xf32>
      %add3A_612 = arith.constant 32 : i32
      %add3A_613 = arith.addi %mul3A_598, %add3A_612 : i32
      %get3A_614 = arith.index_cast %add3A_613 : i32 to index
      %get3A_615 = tpu.vector_load %arg10[%get3A_614] {strides = array<i32>} : memref<32768xf32, #tpu.memory_space<vmem>>, vector<16xf32>,
      %add3A_616 = arith.constant 48 : i32
      %add3A_617 = arith.addi %mul3A_598, %add3A_616 : i32
      %get3A_618 = arith.index_cast %add3A_617 : i32 to index
      %get3A_619 = tpu.vector_load %arg10[%get3A_618] {strides = array<i32>} : memref<32768xf32, #tpu.memory_space<vmem>>, vector<16xf32>,
      %mul3A_620 = arith.mulf %get3A_615, %get3A_615 : vector<16xf32>
      %add3A_621 = arith.addf %add3A_607, %mul3A_620 : vector<16xf32>
      %max3A_622 = arith.maximumf %max3A_608, %get3A_615 : vector<16xf32>
      %mul3A_623 = arith.mulf %get3A_619, %get3A_619 : vector<16xf32>
      %add3A_624 = arith.addf %add3A_610, %mul3A_623 : vector<16xf32>
      %max3A_625 = arith.maximumf %max3A_611, %get3A_619 : vector<16xf32>
      %add3A_626 = arith.constant 64 : i32
      %add3A_627 = arith.addi %mul3A_598, %add3A_626 : i32
      %get3A_628 = arith.index_cast %add3A_627 : i32 to index
      %get3A_629 = tpu.vector_load %arg10[%get3A_628] {strides = array<i32>} : memref<32768xf32, #tpu.memory_space<vmem>>, vector<16xf32>,
      %add3A_630 = arith.constant 80 : i32
      %add3A_631 = arith.addi %mul3A_598, %add3A_630 : i32
      %get3A_632 = arith.index_cast %add3A_631 : i32 to index
      %get3A_633 = tpu.vector_load %arg10[%get3A_632] {strides = array<i32>} : memref<32768xf32, #tpu.memory_space<vmem>>, vector<16xf32>,
      %mul3A_634 = arith.mulf %get3A_629, %get3A_629 : vector<16xf32>
      %add3A_635 = arith.addf %add3A_621, %mul3A_634 : vector<16xf32>
      %max3A_636 = arith.maximumf %max3A_622, %get3A_629 : vector<16xf32>
      %mul3A_637 = arith.mulf %get3A_633, %get3A_633 : vector<16xf32>
      %add3A_638 = arith.addf %add3A_624, %mul3A_637 : vector<16xf32>
      %max3A_639 = arith.maximumf %max3A_625, %get3A_633 : vector<16xf32>
      %add3A_640 = arith.constant 96 : i32
      %add3A_641 = arith.addi %mul3A_598, %add3A_640 : i32
      %get3A_642 = arith.index_cast %add3A_641 : i32 to index
      %get3A_643 = tpu.vector_load %arg10[%get3A_642] {strides = array<i32>} : memref<32768xf32, #tpu.memory_space<vmem>>, vector<16xf32>,
      %add3A_644 = arith.constant 112 : i32
      %add3A_645 = arith.addi %mul3A_598, %add3A_644 : i32
      %get3A_646 = arith.index_cast %add3A_645 : i32 to index
      %get3A_647 = tpu.vector_load %arg10[%get3A_646] {strides = array<i32>} : memref<32768xf32, #tpu.memory_space<vmem>>, vector<16xf32>,
      %mul3A_648 = arith.mulf %get3A_643, %get3A_643 : vector<16xf32>
      %add3A_649 = arith.addf %add3A_635, %mul3A_648 : vector<16xf32>
      %max3A_650 = arith.maximumf %max3A_636, %get3A_643 : vector<16xf32>
      %mul3A_651 = arith.mulf %get3A_647, %get3A_647 : vector<16xf32>
      %add3A_652 = arith.addf %add3A_638, %mul3A_651 : vector<16xf32>
      %max3A_653 = arith.maximumf %max3A_639, %get3A_647 : vector<16xf32>
      scf.yield %add3A_649, %add3A_652, %max3A_650, %max3A_653 : vector<16xf32>, vector<16xf32>, vector<16xf32>, vector<16xf32>
    }
    %scan3A_387 = arith.constant 256 : i32
    %eq3A_388 = arith.constant 2 : i32
    %eq3A_389 = vector.broadcast %eq3A_388 : i32 to vector<16xi32>
    %eq3A_390 = arith.cmpi eq, %iota3A, %eq3A_389 : vector<16xi32>
    %add3A_391 = arith.addf %scan3A_386#0, %scan3A_386#1 : vector<16xf32>
    %reduce_sum3A_392 = arith.constant true
    %reduce_sum3A_393 = vector.broadcast %reduce_sum3A_392 : i1 to vector<16xi1>
    %reduce_sum3A_394 = tpu.scan <sum>, %add3A_391 masked %reduce_sum3A_393 : vector<16xf32>, vector<16xi1> -> vector<16xf32>
    %reduce_sum3A_395 = vector.extract %reduce_sum3A_394[15] : f32 from vector<16xf32>
    %add3A_396 = vector.broadcast %reduce_sum3A_395 : f32 to vector<16xf32>
    %add3A_397 = arith.addf %select_n3A_362, %add3A_396 : vector<16xf32>
    %select_n3A_398 = arith.select %eq3A_390, %add3A_397, %select_n3A_362 : vector<16xi1>, vector<16xf32>
    %max3A_399 = arith.maximumf %scan3A_386#2, %scan3A_386#3 : vector<16xf32>
    %reduce_max3A_400 = arith.constant true
    %reduce_max3A_401 = vector.broadcast %reduce_max3A_400 : i1 to vector<16xi1>
    %reduce_max3A_402 = tpu.scan <max>, %max3A_399 masked %reduce_max3A_401 : vector<16xf32>, vector<16xi1> -> vector<16xf32>
    %reduce_max3A_403 = vector.extract %reduce_max3A_402[15] : f32 from vector<16xf32>
    %add3A_404 = arith.constant 65536 : i32
    %add3A_405 = arith.addi %mul3A_5, %add3A_404 : i32
    %gt3A_406 = arith.cmpf ogt, %reduce_max3A_403, %cond3A_374#2 : f32
    %convert_element_type3A_407 = arith.extui %gt3A_406 : i1 to i32
    %cond3A_408 = arith.constant 0 : i32
    %cond3A_409 = arith.cmpi ne, %convert_element_type3A_407, %cond3A_408 : i32
    %cond3A_410:3 = scf.if %cond3A_409 -> (vector<16xf32>, vector<16xi32>, f32) {
      %scan3A_592 = arith.constant 0 : i32
      %scan3A_593 = arith.constant 2048 : i32
      %scan3A_594 = arith.addi %scan3A_592, %scan3A_593 : i32
      %scan3A_595 = arith.constant 1 : i32
      %scan3A_596:3 = scf.for %scan3A_598 = %scan3A_592 to %scan3A_594 step %scan3A_595 iter_args(%scan3A_599 = %cond3A_374#0, %scan3A_600 = %cond3A_374#1, %scan3A_601 = %cond3A_374#2) -> (vector<16xf32>, vector<16xi32>, f32)  : i32 {
        %mul3A_602 = arith.constant 16 : i32
        %mul3A_603 = arith.muli %scan3A_598, %mul3A_602 : i32
        %get3A = arith.index_cast %mul3A_603 : i32 to index
        %get3A_604 = tpu.vector_load %arg10[%get3A] {strides = array<i32>} : memref<32768xf32, #tpu.memory_space<vmem>>, vector<16xf32>,
        %reduce_max3A_605 = arith.constant true
        %reduce_max3A_606 = vector.broadcast %reduce_max3A_605 : i1 to vector<16xi1>
        %reduce_max3A_607 = tpu.scan <max>, %get3A_604 masked %reduce_max3A_606 : vector<16xf32>, vector<16xi1> -> vector<16xf32>
        %reduce_max3A_608 = vector.extract %reduce_max3A_607[15] : f32 from vector<16xf32>
        %gt3A_609 = arith.cmpf ogt, %reduce_max3A_608, %scan3A_601 : f32
        %convert_element_type3A_610 = arith.extui %gt3A_609 : i1 to i32
        %cond3A_611 = arith.constant 0 : i32
        %cond3A_612 = arith.cmpi ne, %convert_element_type3A_610, %cond3A_611 : i32
        %cond3A_613:3 = scf.if %cond3A_612 -> (vector<16xf32>, vector<16xi32>, f32) {
          %mul3A_614 = arith.constant 16 : i32
          %mul3A_615 = arith.muli %scan3A_598, %mul3A_614 : i32
          %add3A_616 = arith.addi %add3A_405, %mul3A_615 : i32
          %add3A_617 = vector.broadcast %add3A_616 : i32 to vector<16xi32>
          %add3A_618 = arith.addi %iota3A, %add3A_617 : vector<16xi32>
          %masked_sort3A = arith.constant dense<true> : vector<16xi1>
          %masked_sort3A_619, %masked_sort3A_620, %masked_sort3A_621 = tpu.sort %get3A_604, %add3A_618 masked %masked_sort3A {descending = true} : (vector<16xf32>, vector<16xi32>, vector<16xi1>) -> (vector<16xi1>, vector<16xf32>, vector<16xi32>)
          %gt3A_622 = arith.cmpf ogt, %masked_sort3A_620, %scan3A_599 : vector<16xf32>
          %eq3A_623 = arith.cmpf oeq, %masked_sort3A_620, %scan3A_599 : vector<16xf32>
          %lt3A = arith.cmpi slt, %masked_sort3A_621, %scan3A_600 : vector<16xi32>
          %and3A_624 = arith.andi %eq3A_623, %lt3A : vector<16xi1>
          %or3A = arith.ori %gt3A_622, %and3A_624 : vector<16xi1>
          %select_n3A_625 = arith.select %or3A, %masked_sort3A_620, %scan3A_599 : vector<16xi1>, vector<16xf32>
          %select_n3A_626 = arith.select %or3A, %masked_sort3A_621, %scan3A_600 : vector<16xi1>, vector<16xi32>
          %masked_sort3A_627 = arith.constant dense<true> : vector<16xi1>
          %masked_sort3A_628, %masked_sort3A_629, %masked_sort3A_630 = tpu.sort %select_n3A_625, %select_n3A_626 masked %masked_sort3A_627 : (vector<16xf32>, vector<16xi32>, vector<16xi1>) -> (vector<16xi1>, vector<16xf32>, vector<16xi32>)
          %reduce_min3A = arith.constant true
          %reduce_min3A_631 = vector.broadcast %reduce_min3A : i1 to vector<16xi1>
          %reduce_min3A_632 = tpu.scan <min>, %masked_sort3A_629 masked %reduce_min3A_631 : vector<16xf32>, vector<16xi1> -> vector<16xf32>
          %reduce_min3A_633 = vector.extract %reduce_min3A_632[15] : f32 from vector<16xf32>
          scf.yield %masked_sort3A_629, %masked_sort3A_630, %reduce_min3A_633 : vector<16xf32>, vector<16xi32>, f32
        } else {
          scf.yield %scan3A_599, %scan3A_600, %scan3A_601 : vector<16xf32>, vector<16xi32>, f32
        }
        scf.yield %cond3A_613#0, %cond3A_613#1, %cond3A_613#2 : vector<16xf32>, vector<16xi32>, f32
      }
      %scan3A_597 = arith.constant 2048 : i32
      scf.yield %scan3A_596#0, %scan3A_596#1, %scan3A_596#2 : vector<16xf32>, vector<16xi32>, f32
    } else {
      scf.yield %cond3A_374#0, %cond3A_374#1, %cond3A_374#2 : vector<16xf32>, vector<16xi32>, f32
    }
    %add3A_411 = arith.constant 131072 : i32
    %add3A_412 = arith.addi %mul3A_2, %add3A_411 : i32
    %multiple_of3A_413 = tpu.assume_multiple %add3A_412, 8 : i32
    %dma_start3A_414 = tpu.memref_slice %arg3[%multiple_of3A_413] : memref<8388608xf32, #tpu.memory_space<hbm>> -> memref<32768xf32, #tpu.memory_space<hbm>>
    %dma_start3A_415 = tpu.memref_slice %arg3[%multiple_of3A_413] : memref<8388608xf32, #tpu.memory_space<hbm>> -> memref<32768xf32, #tpu.memory_space<hbm>>
    tpu.enqueue_dma source(%dma_start3A_415 : memref<32768xf32, #tpu.memory_space<hbm>>) target(%arg10 : memref<32768xf32, #tpu.memory_space<vmem>>) target_semaphore(%arg15 : memref<!tpu.dma_semaphore, #tpu.memory_space<semaphore_mem>>)
    %dma_wait3A_416 = tpu.memref_slice %arg3[%multiple_of3A_377] : memref<8388608xf32, #tpu.memory_space<hbm>> -> memref<32768xf32, #tpu.memory_space<hbm>>
    %dma_wait3A_417 = tpu.memref_slice %arg3[%multiple_of3A_377] : memref<8388608xf32, #tpu.memory_space<hbm>> -> memref<32768xf32, #tpu.memory_space<hbm>>
    tpu.wait_dma2 semaphore(%arg16 : memref<!tpu.dma_semaphore, #tpu.memory_space<semaphore_mem>>) src(%dma_wait3A_417 : memref<32768xf32, #tpu.memory_space<hbm>>) dst(%arg11 : memref<32768xf32, #tpu.memory_space<vmem>>)
    %scan3A_418 = arith.constant 0 : i32
    %scan3A_419 = arith.constant 256 : i32
    %scan3A_420 = arith.addi %scan3A_418, %scan3A_419 : i32
    %scan3A_421 = arith.constant 1 : i32
    %scan3A_422:4 = scf.for %scan3A_592 = %scan3A_418 to %scan3A_420 step %scan3A_421 iter_args(%scan3A_593 = %broadcast_in_dim3A_8, %scan3A_594 = %broadcast_in_dim3A_8, %scan3A_595 = %broadcast_in_dim3A_6, %scan3A_596 = %broadcast_in_dim3A_6) -> (vector<16xf32>, vector<16xf32>, vector<16xf32>, vector<16xf32>)  : i32 {
      %mul3A_597 = arith.constant 128 : i32
      %mul3A_598 = arith.muli %scan3A_592, %mul3A_597 : i32
      %add3A_599 = arith.constant 0 : i32
      %add3A_600 = arith.addi %mul3A_598, %add3A_599 : i32
      %get3A = arith.index_cast %add3A_600 : i32 to index
      %get3A_601 = tpu.vector_load %arg11[%get3A] {strides = array<i32>} : memref<32768xf32, #tpu.memory_space<vmem>>, vector<16xf32>,
      %add3A_602 = arith.constant 16 : i32
      %add3A_603 = arith.addi %mul3A_598, %add3A_602 : i32
      %get3A_604 = arith.index_cast %add3A_603 : i32 to index
      %get3A_605 = tpu.vector_load %arg11[%get3A_604] {strides = array<i32>} : memref<32768xf32, #tpu.memory_space<vmem>>, vector<16xf32>,
      %mul3A_606 = arith.mulf %get3A_601, %get3A_601 : vector<16xf32>
      %add3A_607 = arith.addf %scan3A_593, %mul3A_606 : vector<16xf32>
      %max3A_608 = arith.maximumf %scan3A_595, %get3A_601 : vector<16xf32>
      %mul3A_609 = arith.mulf %get3A_605, %get3A_605 : vector<16xf32>
      %add3A_610 = arith.addf %scan3A_594, %mul3A_609 : vector<16xf32>
      %max3A_611 = arith.maximumf %scan3A_596, %get3A_605 : vector<16xf32>
      %add3A_612 = arith.constant 32 : i32
      %add3A_613 = arith.addi %mul3A_598, %add3A_612 : i32
      %get3A_614 = arith.index_cast %add3A_613 : i32 to index
      %get3A_615 = tpu.vector_load %arg11[%get3A_614] {strides = array<i32>} : memref<32768xf32, #tpu.memory_space<vmem>>, vector<16xf32>,
      %add3A_616 = arith.constant 48 : i32
      %add3A_617 = arith.addi %mul3A_598, %add3A_616 : i32
      %get3A_618 = arith.index_cast %add3A_617 : i32 to index
      %get3A_619 = tpu.vector_load %arg11[%get3A_618] {strides = array<i32>} : memref<32768xf32, #tpu.memory_space<vmem>>, vector<16xf32>,
      %mul3A_620 = arith.mulf %get3A_615, %get3A_615 : vector<16xf32>
      %add3A_621 = arith.addf %add3A_607, %mul3A_620 : vector<16xf32>
      %max3A_622 = arith.maximumf %max3A_608, %get3A_615 : vector<16xf32>
      %mul3A_623 = arith.mulf %get3A_619, %get3A_619 : vector<16xf32>
      %add3A_624 = arith.addf %add3A_610, %mul3A_623 : vector<16xf32>
      %max3A_625 = arith.maximumf %max3A_611, %get3A_619 : vector<16xf32>
      %add3A_626 = arith.constant 64 : i32
      %add3A_627 = arith.addi %mul3A_598, %add3A_626 : i32
      %get3A_628 = arith.index_cast %add3A_627 : i32 to index
      %get3A_629 = tpu.vector_load %arg11[%get3A_628] {strides = array<i32>} : memref<32768xf32, #tpu.memory_space<vmem>>, vector<16xf32>,
      %add3A_630 = arith.constant 80 : i32
      %add3A_631 = arith.addi %mul3A_598, %add3A_630 : i32
      %get3A_632 = arith.index_cast %add3A_631 : i32 to index
      %get3A_633 = tpu.vector_load %arg11[%get3A_632] {strides = array<i32>} : memref<32768xf32, #tpu.memory_space<vmem>>, vector<16xf32>,
      %mul3A_634 = arith.mulf %get3A_629, %get3A_629 : vector<16xf32>
      %add3A_635 = arith.addf %add3A_621, %mul3A_634 : vector<16xf32>
      %max3A_636 = arith.maximumf %max3A_622, %get3A_629 : vector<16xf32>
      %mul3A_637 = arith.mulf %get3A_633, %get3A_633 : vector<16xf32>
      %add3A_638 = arith.addf %add3A_624, %mul3A_637 : vector<16xf32>
      %max3A_639 = arith.maximumf %max3A_625, %get3A_633 : vector<16xf32>
      %add3A_640 = arith.constant 96 : i32
      %add3A_641 = arith.addi %mul3A_598, %add3A_640 : i32
      %get3A_642 = arith.index_cast %add3A_641 : i32 to index
      %get3A_643 = tpu.vector_load %arg11[%get3A_642] {strides = array<i32>} : memref<32768xf32, #tpu.memory_space<vmem>>, vector<16xf32>,
      %add3A_644 = arith.constant 112 : i32
      %add3A_645 = arith.addi %mul3A_598, %add3A_644 : i32
      %get3A_646 = arith.index_cast %add3A_645 : i32 to index
      %get3A_647 = tpu.vector_load %arg11[%get3A_646] {strides = array<i32>} : memref<32768xf32, #tpu.memory_space<vmem>>, vector<16xf32>,
      %mul3A_648 = arith.mulf %get3A_643, %get3A_643 : vector<16xf32>
      %add3A_649 = arith.addf %add3A_635, %mul3A_648 : vector<16xf32>
      %max3A_650 = arith.maximumf %max3A_636, %get3A_643 : vector<16xf32>
      %mul3A_651 = arith.mulf %get3A_647, %get3A_647 : vector<16xf32>
      %add3A_652 = arith.addf %add3A_638, %mul3A_651 : vector<16xf32>
      %max3A_653 = arith.maximumf %max3A_639, %get3A_647 : vector<16xf32>
      scf.yield %add3A_649, %add3A_652, %max3A_650, %max3A_653 : vector<16xf32>, vector<16xf32>, vector<16xf32>, vector<16xf32>
    }
    %scan3A_423 = arith.constant 256 : i32
    %eq3A_424 = arith.constant 3 : i32
    %eq3A_425 = vector.broadcast %eq3A_424 : i32 to vector<16xi32>
    %eq3A_426 = arith.cmpi eq, %iota3A, %eq3A_425 : vector<16xi32>
    %add3A_427 = arith.addf %scan3A_422#0, %scan3A_422#1 : vector<16xf32>
    %reduce_sum3A_428 = arith.constant true
    %reduce_sum3A_429 = vector.broadcast %reduce_sum3A_428 : i1 to vector<16xi1>
    %reduce_sum3A_430 = tpu.scan <sum>, %add3A_427 masked %reduce_sum3A_429 : vector<16xf32>, vector<16xi1> -> vector<16xf32>
    %reduce_sum3A_431 = vector.extract %reduce_sum3A_430[15] : f32 from vector<16xf32>
    %add3A_432 = vector.broadcast %reduce_sum3A_431 : f32 to vector<16xf32>
    %add3A_433 = arith.addf %select_n3A_398, %add3A_432 : vector<16xf32>
    %select_n3A_434 = arith.select %eq3A_426, %add3A_433, %select_n3A_398 : vector<16xi1>, vector<16xf32>
    %max3A_435 = arith.maximumf %scan3A_422#2, %scan3A_422#3 : vector<16xf32>
    %reduce_max3A_436 = arith.constant true
    %reduce_max3A_437 = vector.broadcast %reduce_max3A_436 : i1 to vector<16xi1>
    %reduce_max3A_438 = tpu.scan <max>, %max3A_435 masked %reduce_max3A_437 : vector<16xf32>, vector<16xi1> -> vector<16xf32>
    %reduce_max3A_439 = vector.extract %reduce_max3A_438[15] : f32 from vector<16xf32>
    %add3A_440 = arith.constant 98304 : i32
    %add3A_441 = arith.addi %mul3A_5, %add3A_440 : i32
    %gt3A_442 = arith.cmpf ogt, %reduce_max3A_439, %cond3A_410#2 : f32
    %convert_element_type3A_443 = arith.extui %gt3A_442 : i1 to i32
    %cond3A_444 = arith.constant 0 : i32
    %cond3A_445 = arith.cmpi ne, %convert_element_type3A_443, %cond3A_444 : i32
    %cond3A_446:3 = scf.if %cond3A_445 -> (vector<16xf32>, vector<16xi32>, f32) {
      %scan3A_592 = arith.constant 0 : i32
      %scan3A_593 = arith.constant 2048 : i32
      %scan3A_594 = arith.addi %scan3A_592, %scan3A_593 : i32
      %scan3A_595 = arith.constant 1 : i32
      %scan3A_596:3 = scf.for %scan3A_598 = %scan3A_592 to %scan3A_594 step %scan3A_595 iter_args(%scan3A_599 = %cond3A_410#0, %scan3A_600 = %cond3A_410#1, %scan3A_601 = %cond3A_410#2) -> (vector<16xf32>, vector<16xi32>, f32)  : i32 {
        %mul3A_602 = arith.constant 16 : i32
        %mul3A_603 = arith.muli %scan3A_598, %mul3A_602 : i32
        %get3A = arith.index_cast %mul3A_603 : i32 to index
        %get3A_604 = tpu.vector_load %arg11[%get3A] {strides = array<i32>} : memref<32768xf32, #tpu.memory_space<vmem>>, vector<16xf32>,
        %reduce_max3A_605 = arith.constant true
        %reduce_max3A_606 = vector.broadcast %reduce_max3A_605 : i1 to vector<16xi1>
        %reduce_max3A_607 = tpu.scan <max>, %get3A_604 masked %reduce_max3A_606 : vector<16xf32>, vector<16xi1> -> vector<16xf32>
        %reduce_max3A_608 = vector.extract %reduce_max3A_607[15] : f32 from vector<16xf32>
        %gt3A_609 = arith.cmpf ogt, %reduce_max3A_608, %scan3A_601 : f32
        %convert_element_type3A_610 = arith.extui %gt3A_609 : i1 to i32
        %cond3A_611 = arith.constant 0 : i32
        %cond3A_612 = arith.cmpi ne, %convert_element_type3A_610, %cond3A_611 : i32
        %cond3A_613:3 = scf.if %cond3A_612 -> (vector<16xf32>, vector<16xi32>, f32) {
          %mul3A_614 = arith.constant 16 : i32
          %mul3A_615 = arith.muli %scan3A_598, %mul3A_614 : i32
          %add3A_616 = arith.addi %add3A_441, %mul3A_615 : i32
          %add3A_617 = vector.broadcast %add3A_616 : i32 to vector<16xi32>
          %add3A_618 = arith.addi %iota3A, %add3A_617 : vector<16xi32>
          %masked_sort3A = arith.constant dense<true> : vector<16xi1>
          %masked_sort3A_619, %masked_sort3A_620, %masked_sort3A_621 = tpu.sort %get3A_604, %add3A_618 masked %masked_sort3A {descending = true} : (vector<16xf32>, vector<16xi32>, vector<16xi1>) -> (vector<16xi1>, vector<16xf32>, vector<16xi32>)
          %gt3A_622 = arith.cmpf ogt, %masked_sort3A_620, %scan3A_599 : vector<16xf32>
          %eq3A_623 = arith.cmpf oeq, %masked_sort3A_620, %scan3A_599 : vector<16xf32>
          %lt3A = arith.cmpi slt, %masked_sort3A_621, %scan3A_600 : vector<16xi32>
          %and3A_624 = arith.andi %eq3A_623, %lt3A : vector<16xi1>
          %or3A = arith.ori %gt3A_622, %and3A_624 : vector<16xi1>
          %select_n3A_625 = arith.select %or3A, %masked_sort3A_620, %scan3A_599 : vector<16xi1>, vector<16xf32>
          %select_n3A_626 = arith.select %or3A, %masked_sort3A_621, %scan3A_600 : vector<16xi1>, vector<16xi32>
          %masked_sort3A_627 = arith.constant dense<true> : vector<16xi1>
          %masked_sort3A_628, %masked_sort3A_629, %masked_sort3A_630 = tpu.sort %select_n3A_625, %select_n3A_626 masked %masked_sort3A_627 : (vector<16xf32>, vector<16xi32>, vector<16xi1>) -> (vector<16xi1>, vector<16xf32>, vector<16xi32>)
          %reduce_min3A = arith.constant true
          %reduce_min3A_631 = vector.broadcast %reduce_min3A : i1 to vector<16xi1>
          %reduce_min3A_632 = tpu.scan <min>, %masked_sort3A_629 masked %reduce_min3A_631 : vector<16xf32>, vector<16xi1> -> vector<16xf32>
          %reduce_min3A_633 = vector.extract %reduce_min3A_632[15] : f32 from vector<16xf32>
          scf.yield %masked_sort3A_629, %masked_sort3A_630, %reduce_min3A_633 : vector<16xf32>, vector<16xi32>, f32
        } else {
          scf.yield %scan3A_599, %scan3A_600, %scan3A_601 : vector<16xf32>, vector<16xi32>, f32
        }
        scf.yield %cond3A_613#0, %cond3A_613#1, %cond3A_613#2 : vector<16xf32>, vector<16xi32>, f32
      }
      %scan3A_597 = arith.constant 2048 : i32
      scf.yield %scan3A_596#0, %scan3A_596#1, %scan3A_596#2 : vector<16xf32>, vector<16xi32>, f32
    } else {
      scf.yield %cond3A_410#0, %cond3A_410#1, %cond3A_410#2 : vector<16xf32>, vector<16xi32>, f32
    }
    %add3A_447 = arith.constant 163840 : i32
    %add3A_448 = arith.addi %mul3A_2, %add3A_447 : i32
    %multiple_of3A_449 = tpu.assume_multiple %add3A_448, 8 : i32
    %dma_start3A_450 = tpu.memref_slice %arg3[%multiple_of3A_449] : memref<8388608xf32, #tpu.memory_space<hbm>> -> memref<32768xf32, #tpu.memory_space<hbm>>
    %dma_start3A_451 = tpu.memref_slice %arg3[%multiple_of3A_449] : memref<8388608xf32, #tpu.memory_space<hbm>> -> memref<32768xf32, #tpu.memory_space<hbm>>
    tpu.enqueue_dma source(%dma_start3A_451 : memref<32768xf32, #tpu.memory_space<hbm>>) target(%arg11 : memref<32768xf32, #tpu.memory_space<vmem>>) target_semaphore(%arg16 : memref<!tpu.dma_semaphore, #tpu.memory_space<semaphore_mem>>)
    %dma_wait3A_452 = tpu.memref_slice %arg3[%multiple_of3A_413] : memref<8388608xf32, #tpu.memory_space<hbm>> -> memref<32768xf32, #tpu.memory_space<hbm>>
    %dma_wait3A_453 = tpu.memref_slice %arg3[%multiple_of3A_413] : memref<8388608xf32, #tpu.memory_space<hbm>> -> memref<32768xf32, #tpu.memory_space<hbm>>
    tpu.wait_dma2 semaphore(%arg15 : memref<!tpu.dma_semaphore, #tpu.memory_space<semaphore_mem>>) src(%dma_wait3A_453 : memref<32768xf32, #tpu.memory_space<hbm>>) dst(%arg10 : memref<32768xf32, #tpu.memory_space<vmem>>)
    %scan3A_454 = arith.constant 0 : i32
    %scan3A_455 = arith.constant 256 : i32
    %scan3A_456 = arith.addi %scan3A_454, %scan3A_455 : i32
    %scan3A_457 = arith.constant 1 : i32
    %scan3A_458:4 = scf.for %scan3A_592 = %scan3A_454 to %scan3A_456 step %scan3A_457 iter_args(%scan3A_593 = %broadcast_in_dim3A_8, %scan3A_594 = %broadcast_in_dim3A_8, %scan3A_595 = %broadcast_in_dim3A_6, %scan3A_596 = %broadcast_in_dim3A_6) -> (vector<16xf32>, vector<16xf32>, vector<16xf32>, vector<16xf32>)  : i32 {
      %mul3A_597 = arith.constant 128 : i32
      %mul3A_598 = arith.muli %scan3A_592, %mul3A_597 : i32
      %add3A_599 = arith.constant 0 : i32
      %add3A_600 = arith.addi %mul3A_598, %add3A_599 : i32
      %get3A = arith.index_cast %add3A_600 : i32 to index
      %get3A_601 = tpu.vector_load %arg10[%get3A] {strides = array<i32>} : memref<32768xf32, #tpu.memory_space<vmem>>, vector<16xf32>,
      %add3A_602 = arith.constant 16 : i32
      %add3A_603 = arith.addi %mul3A_598, %add3A_602 : i32
      %get3A_604 = arith.index_cast %add3A_603 : i32 to index
      %get3A_605 = tpu.vector_load %arg10[%get3A_604] {strides = array<i32>} : memref<32768xf32, #tpu.memory_space<vmem>>, vector<16xf32>,
      %mul3A_606 = arith.mulf %get3A_601, %get3A_601 : vector<16xf32>
      %add3A_607 = arith.addf %scan3A_593, %mul3A_606 : vector<16xf32>
      %max3A_608 = arith.maximumf %scan3A_595, %get3A_601 : vector<16xf32>
      %mul3A_609 = arith.mulf %get3A_605, %get3A_605 : vector<16xf32>
      %add3A_610 = arith.addf %scan3A_594, %mul3A_609 : vector<16xf32>
      %max3A_611 = arith.maximumf %scan3A_596, %get3A_605 : vector<16xf32>
      %add3A_612 = arith.constant 32 : i32
      %add3A_613 = arith.addi %mul3A_598, %add3A_612 : i32
      %get3A_614 = arith.index_cast %add3A_613 : i32 to index
      %get3A_615 = tpu.vector_load %arg10[%get3A_614] {strides = array<i32>} : memref<32768xf32, #tpu.memory_space<vmem>>, vector<16xf32>,
      %add3A_616 = arith.constant 48 : i32
      %add3A_617 = arith.addi %mul3A_598, %add3A_616 : i32
      %get3A_618 = arith.index_cast %add3A_617 : i32 to index
      %get3A_619 = tpu.vector_load %arg10[%get3A_618] {strides = array<i32>} : memref<32768xf32, #tpu.memory_space<vmem>>, vector<16xf32>,
      %mul3A_620 = arith.mulf %get3A_615, %get3A_615 : vector<16xf32>
      %add3A_621 = arith.addf %add3A_607, %mul3A_620 : vector<16xf32>
      %max3A_622 = arith.maximumf %max3A_608, %get3A_615 : vector<16xf32>
      %mul3A_623 = arith.mulf %get3A_619, %get3A_619 : vector<16xf32>
      %add3A_624 = arith.addf %add3A_610, %mul3A_623 : vector<16xf32>
      %max3A_625 = arith.maximumf %max3A_611, %get3A_619 : vector<16xf32>
      %add3A_626 = arith.constant 64 : i32
      %add3A_627 = arith.addi %mul3A_598, %add3A_626 : i32
      %get3A_628 = arith.index_cast %add3A_627 : i32 to index
      %get3A_629 = tpu.vector_load %arg10[%get3A_628] {strides = array<i32>} : memref<32768xf32, #tpu.memory_space<vmem>>, vector<16xf32>,
      %add3A_630 = arith.constant 80 : i32
      %add3A_631 = arith.addi %mul3A_598, %add3A_630 : i32
      %get3A_632 = arith.index_cast %add3A_631 : i32 to index
      %get3A_633 = tpu.vector_load %arg10[%get3A_632] {strides = array<i32>} : memref<32768xf32, #tpu.memory_space<vmem>>, vector<16xf32>,
      %mul3A_634 = arith.mulf %get3A_629, %get3A_629 : vector<16xf32>
      %add3A_635 = arith.addf %add3A_621, %mul3A_634 : vector<16xf32>
      %max3A_636 = arith.maximumf %max3A_622, %get3A_629 : vector<16xf32>
      %mul3A_637 = arith.mulf %get3A_633, %get3A_633 : vector<16xf32>
      %add3A_638 = arith.addf %add3A_624, %mul3A_637 : vector<16xf32>
      %max3A_639 = arith.maximumf %max3A_625, %get3A_633 : vector<16xf32>
      %add3A_640 = arith.constant 96 : i32
      %add3A_641 = arith.addi %mul3A_598, %add3A_640 : i32
      %get3A_642 = arith.index_cast %add3A_641 : i32 to index
      %get3A_643 = tpu.vector_load %arg10[%get3A_642] {strides = array<i32>} : memref<32768xf32, #tpu.memory_space<vmem>>, vector<16xf32>,
      %add3A_644 = arith.constant 112 : i32
      %add3A_645 = arith.addi %mul3A_598, %add3A_644 : i32
      %get3A_646 = arith.index_cast %add3A_645 : i32 to index
      %get3A_647 = tpu.vector_load %arg10[%get3A_646] {strides = array<i32>} : memref<32768xf32, #tpu.memory_space<vmem>>, vector<16xf32>,
      %mul3A_648 = arith.mulf %get3A_643, %get3A_643 : vector<16xf32>
      %add3A_649 = arith.addf %add3A_635, %mul3A_648 : vector<16xf32>
      %max3A_650 = arith.maximumf %max3A_636, %get3A_643 : vector<16xf32>
      %mul3A_651 = arith.mulf %get3A_647, %get3A_647 : vector<16xf32>
      %add3A_652 = arith.addf %add3A_638, %mul3A_651 : vector<16xf32>
      %max3A_653 = arith.maximumf %max3A_639, %get3A_647 : vector<16xf32>
      scf.yield %add3A_649, %add3A_652, %max3A_650, %max3A_653 : vector<16xf32>, vector<16xf32>, vector<16xf32>, vector<16xf32>
    }
    %scan3A_459 = arith.constant 256 : i32
    %eq3A_460 = arith.constant 4 : i32
    %eq3A_461 = vector.broadcast %eq3A_460 : i32 to vector<16xi32>
    %eq3A_462 = arith.cmpi eq, %iota3A, %eq3A_461 : vector<16xi32>
    %add3A_463 = arith.addf %scan3A_458#0, %scan3A_458#1 : vector<16xf32>
    %reduce_sum3A_464 = arith.constant true
    %reduce_sum3A_465 = vector.broadcast %reduce_sum3A_464 : i1 to vector<16xi1>
    %reduce_sum3A_466 = tpu.scan <sum>, %add3A_463 masked %reduce_sum3A_465 : vector<16xf32>, vector<16xi1> -> vector<16xf32>
    %reduce_sum3A_467 = vector.extract %reduce_sum3A_466[15] : f32 from vector<16xf32>
    %add3A_468 = vector.broadcast %reduce_sum3A_467 : f32 to vector<16xf32>
    %add3A_469 = arith.addf %select_n3A_434, %add3A_468 : vector<16xf32>
    %select_n3A_470 = arith.select %eq3A_462, %add3A_469, %select_n3A_434 : vector<16xi1>, vector<16xf32>
    %max3A_471 = arith.maximumf %scan3A_458#2, %scan3A_458#3 : vector<16xf32>
    %reduce_max3A_472 = arith.constant true
    %reduce_max3A_473 = vector.broadcast %reduce_max3A_472 : i1 to vector<16xi1>
    %reduce_max3A_474 = tpu.scan <max>, %max3A_471 masked %reduce_max3A_473 : vector<16xf32>, vector<16xi1> -> vector<16xf32>
    %reduce_max3A_475 = vector.extract %reduce_max3A_474[15] : f32 from vector<16xf32>
    %add3A_476 = arith.constant 131072 : i32
    %add3A_477 = arith.addi %mul3A_5, %add3A_476 : i32
    %gt3A_478 = arith.cmpf ogt, %reduce_max3A_475, %cond3A_446#2 : f32
    %convert_element_type3A_479 = arith.extui %gt3A_478 : i1 to i32
    %cond3A_480 = arith.constant 0 : i32
    %cond3A_481 = arith.cmpi ne, %convert_element_type3A_479, %cond3A_480 : i32
    %cond3A_482:3 = scf.if %cond3A_481 -> (vector<16xf32>, vector<16xi32>, f32) {
      %scan3A_592 = arith.constant 0 : i32
      %scan3A_593 = arith.constant 2048 : i32
      %scan3A_594 = arith.addi %scan3A_592, %scan3A_593 : i32
      %scan3A_595 = arith.constant 1 : i32
      %scan3A_596:3 = scf.for %scan3A_598 = %scan3A_592 to %scan3A_594 step %scan3A_595 iter_args(%scan3A_599 = %cond3A_446#0, %scan3A_600 = %cond3A_446#1, %scan3A_601 = %cond3A_446#2) -> (vector<16xf32>, vector<16xi32>, f32)  : i32 {
        %mul3A_602 = arith.constant 16 : i32
        %mul3A_603 = arith.muli %scan3A_598, %mul3A_602 : i32
        %get3A = arith.index_cast %mul3A_603 : i32 to index
        %get3A_604 = tpu.vector_load %arg10[%get3A] {strides = array<i32>} : memref<32768xf32, #tpu.memory_space<vmem>>, vector<16xf32>,
        %reduce_max3A_605 = arith.constant true
        %reduce_max3A_606 = vector.broadcast %reduce_max3A_605 : i1 to vector<16xi1>
        %reduce_max3A_607 = tpu.scan <max>, %get3A_604 masked %reduce_max3A_606 : vector<16xf32>, vector<16xi1> -> vector<16xf32>
        %reduce_max3A_608 = vector.extract %reduce_max3A_607[15] : f32 from vector<16xf32>
        %gt3A_609 = arith.cmpf ogt, %reduce_max3A_608, %scan3A_601 : f32
        %convert_element_type3A_610 = arith.extui %gt3A_609 : i1 to i32
        %cond3A_611 = arith.constant 0 : i32
        %cond3A_612 = arith.cmpi ne, %convert_element_type3A_610, %cond3A_611 : i32
        %cond3A_613:3 = scf.if %cond3A_612 -> (vector<16xf32>, vector<16xi32>, f32) {
          %mul3A_614 = arith.constant 16 : i32
          %mul3A_615 = arith.muli %scan3A_598, %mul3A_614 : i32
          %add3A_616 = arith.addi %add3A_477, %mul3A_615 : i32
          %add3A_617 = vector.broadcast %add3A_616 : i32 to vector<16xi32>
          %add3A_618 = arith.addi %iota3A, %add3A_617 : vector<16xi32>
          %masked_sort3A = arith.constant dense<true> : vector<16xi1>
          %masked_sort3A_619, %masked_sort3A_620, %masked_sort3A_621 = tpu.sort %get3A_604, %add3A_618 masked %masked_sort3A {descending = true} : (vector<16xf32>, vector<16xi32>, vector<16xi1>) -> (vector<16xi1>, vector<16xf32>, vector<16xi32>)
          %gt3A_622 = arith.cmpf ogt, %masked_sort3A_620, %scan3A_599 : vector<16xf32>
          %eq3A_623 = arith.cmpf oeq, %masked_sort3A_620, %scan3A_599 : vector<16xf32>
          %lt3A = arith.cmpi slt, %masked_sort3A_621, %scan3A_600 : vector<16xi32>
          %and3A_624 = arith.andi %eq3A_623, %lt3A : vector<16xi1>
          %or3A = arith.ori %gt3A_622, %and3A_624 : vector<16xi1>
          %select_n3A_625 = arith.select %or3A, %masked_sort3A_620, %scan3A_599 : vector<16xi1>, vector<16xf32>
          %select_n3A_626 = arith.select %or3A, %masked_sort3A_621, %scan3A_600 : vector<16xi1>, vector<16xi32>
          %masked_sort3A_627 = arith.constant dense<true> : vector<16xi1>
          %masked_sort3A_628, %masked_sort3A_629, %masked_sort3A_630 = tpu.sort %select_n3A_625, %select_n3A_626 masked %masked_sort3A_627 : (vector<16xf32>, vector<16xi32>, vector<16xi1>) -> (vector<16xi1>, vector<16xf32>, vector<16xi32>)
          %reduce_min3A = arith.constant true
          %reduce_min3A_631 = vector.broadcast %reduce_min3A : i1 to vector<16xi1>
          %reduce_min3A_632 = tpu.scan <min>, %masked_sort3A_629 masked %reduce_min3A_631 : vector<16xf32>, vector<16xi1> -> vector<16xf32>
          %reduce_min3A_633 = vector.extract %reduce_min3A_632[15] : f32 from vector<16xf32>
          scf.yield %masked_sort3A_629, %masked_sort3A_630, %reduce_min3A_633 : vector<16xf32>, vector<16xi32>, f32
        } else {
          scf.yield %scan3A_599, %scan3A_600, %scan3A_601 : vector<16xf32>, vector<16xi32>, f32
        }
        scf.yield %cond3A_613#0, %cond3A_613#1, %cond3A_613#2 : vector<16xf32>, vector<16xi32>, f32
      }
      %scan3A_597 = arith.constant 2048 : i32
      scf.yield %scan3A_596#0, %scan3A_596#1, %scan3A_596#2 : vector<16xf32>, vector<16xi32>, f32
    } else {
      scf.yield %cond3A_446#0, %cond3A_446#1, %cond3A_446#2 : vector<16xf32>, vector<16xi32>, f32
    }
    %add3A_483 = arith.constant 196608 : i32
    %add3A_484 = arith.addi %mul3A_2, %add3A_483 : i32
    %multiple_of3A_485 = tpu.assume_multiple %add3A_484, 8 : i32
    %dma_start3A_486 = tpu.memref_slice %arg3[%multiple_of3A_485] : memref<8388608xf32, #tpu.memory_space<hbm>> -> memref<32768xf32, #tpu.memory_space<hbm>>
    %dma_start3A_487 = tpu.memref_slice %arg3[%multiple_of3A_485] : memref<8388608xf32, #tpu.memory_space<hbm>> -> memref<32768xf32, #tpu.memory_space<hbm>>
    tpu.enqueue_dma source(%dma_start3A_487 : memref<32768xf32, #tpu.memory_space<hbm>>) target(%arg10 : memref<32768xf32, #tpu.memory_space<vmem>>) target_semaphore(%arg15 : memref<!tpu.dma_semaphore, #tpu.memory_space<semaphore_mem>>)
    %dma_wait3A_488 = tpu.memref_slice %arg3[%multiple_of3A_449] : memref<8388608xf32, #tpu.memory_space<hbm>> -> memref<32768xf32, #tpu.memory_space<hbm>>
    %dma_wait3A_489 = tpu.memref_slice %arg3[%multiple_of3A_449] : memref<8388608xf32, #tpu.memory_space<hbm>> -> memref<32768xf32, #tpu.memory_space<hbm>>
    tpu.wait_dma2 semaphore(%arg16 : memref<!tpu.dma_semaphore, #tpu.memory_space<semaphore_mem>>) src(%dma_wait3A_489 : memref<32768xf32, #tpu.memory_space<hbm>>) dst(%arg11 : memref<32768xf32, #tpu.memory_space<vmem>>)
    %scan3A_490 = arith.constant 0 : i32
    %scan3A_491 = arith.constant 256 : i32
    %scan3A_492 = arith.addi %scan3A_490, %scan3A_491 : i32
    %scan3A_493 = arith.constant 1 : i32
    %scan3A_494:4 = scf.for %scan3A_592 = %scan3A_490 to %scan3A_492 step %scan3A_493 iter_args(%scan3A_593 = %broadcast_in_dim3A_8, %scan3A_594 = %broadcast_in_dim3A_8, %scan3A_595 = %broadcast_in_dim3A_6, %scan3A_596 = %broadcast_in_dim3A_6) -> (vector<16xf32>, vector<16xf32>, vector<16xf32>, vector<16xf32>)  : i32 {
      %mul3A_597 = arith.constant 128 : i32
      %mul3A_598 = arith.muli %scan3A_592, %mul3A_597 : i32
      %add3A_599 = arith.constant 0 : i32
      %add3A_600 = arith.addi %mul3A_598, %add3A_599 : i32
      %get3A = arith.index_cast %add3A_600 : i32 to index
      %get3A_601 = tpu.vector_load %arg11[%get3A] {strides = array<i32>} : memref<32768xf32, #tpu.memory_space<vmem>>, vector<16xf32>,
      %add3A_602 = arith.constant 16 : i32
      %add3A_603 = arith.addi %mul3A_598, %add3A_602 : i32
      %get3A_604 = arith.index_cast %add3A_603 : i32 to index
      %get3A_605 = tpu.vector_load %arg11[%get3A_604] {strides = array<i32>} : memref<32768xf32, #tpu.memory_space<vmem>>, vector<16xf32>,
      %mul3A_606 = arith.mulf %get3A_601, %get3A_601 : vector<16xf32>
      %add3A_607 = arith.addf %scan3A_593, %mul3A_606 : vector<16xf32>
      %max3A_608 = arith.maximumf %scan3A_595, %get3A_601 : vector<16xf32>
      %mul3A_609 = arith.mulf %get3A_605, %get3A_605 : vector<16xf32>
      %add3A_610 = arith.addf %scan3A_594, %mul3A_609 : vector<16xf32>
      %max3A_611 = arith.maximumf %scan3A_596, %get3A_605 : vector<16xf32>
      %add3A_612 = arith.constant 32 : i32
      %add3A_613 = arith.addi %mul3A_598, %add3A_612 : i32
      %get3A_614 = arith.index_cast %add3A_613 : i32 to index
      %get3A_615 = tpu.vector_load %arg11[%get3A_614] {strides = array<i32>} : memref<32768xf32, #tpu.memory_space<vmem>>, vector<16xf32>,
      %add3A_616 = arith.constant 48 : i32
      %add3A_617 = arith.addi %mul3A_598, %add3A_616 : i32
      %get3A_618 = arith.index_cast %add3A_617 : i32 to index
      %get3A_619 = tpu.vector_load %arg11[%get3A_618] {strides = array<i32>} : memref<32768xf32, #tpu.memory_space<vmem>>, vector<16xf32>,
      %mul3A_620 = arith.mulf %get3A_615, %get3A_615 : vector<16xf32>
      %add3A_621 = arith.addf %add3A_607, %mul3A_620 : vector<16xf32>
      %max3A_622 = arith.maximumf %max3A_608, %get3A_615 : vector<16xf32>
      %mul3A_623 = arith.mulf %get3A_619, %get3A_619 : vector<16xf32>
      %add3A_624 = arith.addf %add3A_610, %mul3A_623 : vector<16xf32>
      %max3A_625 = arith.maximumf %max3A_611, %get3A_619 : vector<16xf32>
      %add3A_626 = arith.constant 64 : i32
      %add3A_627 = arith.addi %mul3A_598, %add3A_626 : i32
      %get3A_628 = arith.index_cast %add3A_627 : i32 to index
      %get3A_629 = tpu.vector_load %arg11[%get3A_628] {strides = array<i32>} : memref<32768xf32, #tpu.memory_space<vmem>>, vector<16xf32>,
      %add3A_630 = arith.constant 80 : i32
      %add3A_631 = arith.addi %mul3A_598, %add3A_630 : i32
      %get3A_632 = arith.index_cast %add3A_631 : i32 to index
      %get3A_633 = tpu.vector_load %arg11[%get3A_632] {strides = array<i32>} : memref<32768xf32, #tpu.memory_space<vmem>>, vector<16xf32>,
      %mul3A_634 = arith.mulf %get3A_629, %get3A_629 : vector<16xf32>
      %add3A_635 = arith.addf %add3A_621, %mul3A_634 : vector<16xf32>
      %max3A_636 = arith.maximumf %max3A_622, %get3A_629 : vector<16xf32>
      %mul3A_637 = arith.mulf %get3A_633, %get3A_633 : vector<16xf32>
      %add3A_638 = arith.addf %add3A_624, %mul3A_637 : vector<16xf32>
      %max3A_639 = arith.maximumf %max3A_625, %get3A_633 : vector<16xf32>
      %add3A_640 = arith.constant 96 : i32
      %add3A_641 = arith.addi %mul3A_598, %add3A_640 : i32
      %get3A_642 = arith.index_cast %add3A_641 : i32 to index
      %get3A_643 = tpu.vector_load %arg11[%get3A_642] {strides = array<i32>} : memref<32768xf32, #tpu.memory_space<vmem>>, vector<16xf32>,
      %add3A_644 = arith.constant 112 : i32
      %add3A_645 = arith.addi %mul3A_598, %add3A_644 : i32
      %get3A_646 = arith.index_cast %add3A_645 : i32 to index
      %get3A_647 = tpu.vector_load %arg11[%get3A_646] {strides = array<i32>} : memref<32768xf32, #tpu.memory_space<vmem>>, vector<16xf32>,
      %mul3A_648 = arith.mulf %get3A_643, %get3A_643 : vector<16xf32>
      %add3A_649 = arith.addf %add3A_635, %mul3A_648 : vector<16xf32>
      %max3A_650 = arith.maximumf %max3A_636, %get3A_643 : vector<16xf32>
      %mul3A_651 = arith.mulf %get3A_647, %get3A_647 : vector<16xf32>
      %add3A_652 = arith.addf %add3A_638, %mul3A_651 : vector<16xf32>
      %max3A_653 = arith.maximumf %max3A_639, %get3A_647 : vector<16xf32>
      scf.yield %add3A_649, %add3A_652, %max3A_650, %max3A_653 : vector<16xf32>, vector<16xf32>, vector<16xf32>, vector<16xf32>
    }
    %scan3A_495 = arith.constant 256 : i32
    %eq3A_496 = arith.constant 5 : i32
    %eq3A_497 = vector.broadcast %eq3A_496 : i32 to vector<16xi32>
    %eq3A_498 = arith.cmpi eq, %iota3A, %eq3A_497 : vector<16xi32>
    %add3A_499 = arith.addf %scan3A_494#0, %scan3A_494#1 : vector<16xf32>
    %reduce_sum3A_500 = arith.constant true
    %reduce_sum3A_501 = vector.broadcast %reduce_sum3A_500 : i1 to vector<16xi1>
    %reduce_sum3A_502 = tpu.scan <sum>, %add3A_499 masked %reduce_sum3A_501 : vector<16xf32>, vector<16xi1> -> vector<16xf32>
    %reduce_sum3A_503 = vector.extract %reduce_sum3A_502[15] : f32 from vector<16xf32>
    %add3A_504 = vector.broadcast %reduce_sum3A_503 : f32 to vector<16xf32>
    %add3A_505 = arith.addf %select_n3A_470, %add3A_504 : vector<16xf32>
    %select_n3A_506 = arith.select %eq3A_498, %add3A_505, %select_n3A_470 : vector<16xi1>, vector<16xf32>
    %max3A_507 = arith.maximumf %scan3A_494#2, %scan3A_494#3 : vector<16xf32>
    %reduce_max3A_508 = arith.constant true
    %reduce_max3A_509 = vector.broadcast %reduce_max3A_508 : i1 to vector<16xi1>
    %reduce_max3A_510 = tpu.scan <max>, %max3A_507 masked %reduce_max3A_509 : vector<16xf32>, vector<16xi1> -> vector<16xf32>
    %reduce_max3A_511 = vector.extract %reduce_max3A_510[15] : f32 from vector<16xf32>
    %add3A_512 = arith.constant 163840 : i32
    %add3A_513 = arith.addi %mul3A_5, %add3A_512 : i32
    %gt3A_514 = arith.cmpf ogt, %reduce_max3A_511, %cond3A_482#2 : f32
    %convert_element_type3A_515 = arith.extui %gt3A_514 : i1 to i32
    %cond3A_516 = arith.constant 0 : i32
    %cond3A_517 = arith.cmpi ne, %convert_element_type3A_515, %cond3A_516 : i32
    %cond3A_518:3 = scf.if %cond3A_517 -> (vector<16xf32>, vector<16xi32>, f32) {
      %scan3A_592 = arith.constant 0 : i32
      %scan3A_593 = arith.constant 2048 : i32
      %scan3A_594 = arith.addi %scan3A_592, %scan3A_593 : i32
      %scan3A_595 = arith.constant 1 : i32
      %scan3A_596:3 = scf.for %scan3A_598 = %scan3A_592 to %scan3A_594 step %scan3A_595 iter_args(%scan3A_599 = %cond3A_482#0, %scan3A_600 = %cond3A_482#1, %scan3A_601 = %cond3A_482#2) -> (vector<16xf32>, vector<16xi32>, f32)  : i32 {
        %mul3A_602 = arith.constant 16 : i32
        %mul3A_603 = arith.muli %scan3A_598, %mul3A_602 : i32
        %get3A = arith.index_cast %mul3A_603 : i32 to index
        %get3A_604 = tpu.vector_load %arg11[%get3A] {strides = array<i32>} : memref<32768xf32, #tpu.memory_space<vmem>>, vector<16xf32>,
        %reduce_max3A_605 = arith.constant true
        %reduce_max3A_606 = vector.broadcast %reduce_max3A_605 : i1 to vector<16xi1>
        %reduce_max3A_607 = tpu.scan <max>, %get3A_604 masked %reduce_max3A_606 : vector<16xf32>, vector<16xi1> -> vector<16xf32>
        %reduce_max3A_608 = vector.extract %reduce_max3A_607[15] : f32 from vector<16xf32>
        %gt3A_609 = arith.cmpf ogt, %reduce_max3A_608, %scan3A_601 : f32
        %convert_element_type3A_610 = arith.extui %gt3A_609 : i1 to i32
        %cond3A_611 = arith.constant 0 : i32
        %cond3A_612 = arith.cmpi ne, %convert_element_type3A_610, %cond3A_611 : i32
        %cond3A_613:3 = scf.if %cond3A_612 -> (vector<16xf32>, vector<16xi32>, f32) {
          %mul3A_614 = arith.constant 16 : i32
          %mul3A_615 = arith.muli %scan3A_598, %mul3A_614 : i32
          %add3A_616 = arith.addi %add3A_513, %mul3A_615 : i32
          %add3A_617 = vector.broadcast %add3A_616 : i32 to vector<16xi32>
          %add3A_618 = arith.addi %iota3A, %add3A_617 : vector<16xi32>
          %masked_sort3A = arith.constant dense<true> : vector<16xi1>
          %masked_sort3A_619, %masked_sort3A_620, %masked_sort3A_621 = tpu.sort %get3A_604, %add3A_618 masked %masked_sort3A {descending = true} : (vector<16xf32>, vector<16xi32>, vector<16xi1>) -> (vector<16xi1>, vector<16xf32>, vector<16xi32>)
          %gt3A_622 = arith.cmpf ogt, %masked_sort3A_620, %scan3A_599 : vector<16xf32>
          %eq3A_623 = arith.cmpf oeq, %masked_sort3A_620, %scan3A_599 : vector<16xf32>
          %lt3A = arith.cmpi slt, %masked_sort3A_621, %scan3A_600 : vector<16xi32>
          %and3A_624 = arith.andi %eq3A_623, %lt3A : vector<16xi1>
          %or3A = arith.ori %gt3A_622, %and3A_624 : vector<16xi1>
          %select_n3A_625 = arith.select %or3A, %masked_sort3A_620, %scan3A_599 : vector<16xi1>, vector<16xf32>
          %select_n3A_626 = arith.select %or3A, %masked_sort3A_621, %scan3A_600 : vector<16xi1>, vector<16xi32>
          %masked_sort3A_627 = arith.constant dense<true> : vector<16xi1>
          %masked_sort3A_628, %masked_sort3A_629, %masked_sort3A_630 = tpu.sort %select_n3A_625, %select_n3A_626 masked %masked_sort3A_627 : (vector<16xf32>, vector<16xi32>, vector<16xi1>) -> (vector<16xi1>, vector<16xf32>, vector<16xi32>)
          %reduce_min3A = arith.constant true
          %reduce_min3A_631 = vector.broadcast %reduce_min3A : i1 to vector<16xi1>
          %reduce_min3A_632 = tpu.scan <min>, %masked_sort3A_629 masked %reduce_min3A_631 : vector<16xf32>, vector<16xi1> -> vector<16xf32>
          %reduce_min3A_633 = vector.extract %reduce_min3A_632[15] : f32 from vector<16xf32>
          scf.yield %masked_sort3A_629, %masked_sort3A_630, %reduce_min3A_633 : vector<16xf32>, vector<16xi32>, f32
        } else {
          scf.yield %scan3A_599, %scan3A_600, %scan3A_601 : vector<16xf32>, vector<16xi32>, f32
        }
        scf.yield %cond3A_613#0, %cond3A_613#1, %cond3A_613#2 : vector<16xf32>, vector<16xi32>, f32
      }
      %scan3A_597 = arith.constant 2048 : i32
      scf.yield %scan3A_596#0, %scan3A_596#1, %scan3A_596#2 : vector<16xf32>, vector<16xi32>, f32
    } else {
      scf.yield %cond3A_482#0, %cond3A_482#1, %cond3A_482#2 : vector<16xf32>, vector<16xi32>, f32
    }
    %add3A_519 = arith.constant 229376 : i32
    %add3A_520 = arith.addi %mul3A_2, %add3A_519 : i32
    %multiple_of3A_521 = tpu.assume_multiple %add3A_520, 8 : i32
    %dma_start3A_522 = tpu.memref_slice %arg3[%multiple_of3A_521] : memref<8388608xf32, #tpu.memory_space<hbm>> -> memref<32768xf32, #tpu.memory_space<hbm>>
    %dma_start3A_523 = tpu.memref_slice %arg3[%multiple_of3A_521] : memref<8388608xf32, #tpu.memory_space<hbm>> -> memref<32768xf32, #tpu.memory_space<hbm>>
    tpu.enqueue_dma source(%dma_start3A_523 : memref<32768xf32, #tpu.memory_space<hbm>>) target(%arg11 : memref<32768xf32, #tpu.memory_space<vmem>>) target_semaphore(%arg16 : memref<!tpu.dma_semaphore, #tpu.memory_space<semaphore_mem>>)
    %dma_wait3A_524 = tpu.memref_slice %arg3[%multiple_of3A_485] : memref<8388608xf32, #tpu.memory_space<hbm>> -> memref<32768xf32, #tpu.memory_space<hbm>>
    %dma_wait3A_525 = tpu.memref_slice %arg3[%multiple_of3A_485] : memref<8388608xf32, #tpu.memory_space<hbm>> -> memref<32768xf32, #tpu.memory_space<hbm>>
    tpu.wait_dma2 semaphore(%arg15 : memref<!tpu.dma_semaphore, #tpu.memory_space<semaphore_mem>>) src(%dma_wait3A_525 : memref<32768xf32, #tpu.memory_space<hbm>>) dst(%arg10 : memref<32768xf32, #tpu.memory_space<vmem>>)
    %scan3A_526 = arith.constant 0 : i32
    %scan3A_527 = arith.constant 256 : i32
    %scan3A_528 = arith.addi %scan3A_526, %scan3A_527 : i32
    %scan3A_529 = arith.constant 1 : i32
    %scan3A_530:4 = scf.for %scan3A_592 = %scan3A_526 to %scan3A_528 step %scan3A_529 iter_args(%scan3A_593 = %broadcast_in_dim3A_8, %scan3A_594 = %broadcast_in_dim3A_8, %scan3A_595 = %broadcast_in_dim3A_6, %scan3A_596 = %broadcast_in_dim3A_6) -> (vector<16xf32>, vector<16xf32>, vector<16xf32>, vector<16xf32>)  : i32 {
      %mul3A_597 = arith.constant 128 : i32
      %mul3A_598 = arith.muli %scan3A_592, %mul3A_597 : i32
      %add3A_599 = arith.constant 0 : i32
      %add3A_600 = arith.addi %mul3A_598, %add3A_599 : i32
      %get3A = arith.index_cast %add3A_600 : i32 to index
      %get3A_601 = tpu.vector_load %arg10[%get3A] {strides = array<i32>} : memref<32768xf32, #tpu.memory_space<vmem>>, vector<16xf32>,
      %add3A_602 = arith.constant 16 : i32
      %add3A_603 = arith.addi %mul3A_598, %add3A_602 : i32
      %get3A_604 = arith.index_cast %add3A_603 : i32 to index
      %get3A_605 = tpu.vector_load %arg10[%get3A_604] {strides = array<i32>} : memref<32768xf32, #tpu.memory_space<vmem>>, vector<16xf32>,
      %mul3A_606 = arith.mulf %get3A_601, %get3A_601 : vector<16xf32>
      %add3A_607 = arith.addf %scan3A_593, %mul3A_606 : vector<16xf32>
      %max3A_608 = arith.maximumf %scan3A_595, %get3A_601 : vector<16xf32>
      %mul3A_609 = arith.mulf %get3A_605, %get3A_605 : vector<16xf32>
      %add3A_610 = arith.addf %scan3A_594, %mul3A_609 : vector<16xf32>
      %max3A_611 = arith.maximumf %scan3A_596, %get3A_605 : vector<16xf32>
      %add3A_612 = arith.constant 32 : i32
      %add3A_613 = arith.addi %mul3A_598, %add3A_612 : i32
      %get3A_614 = arith.index_cast %add3A_613 : i32 to index
      %get3A_615 = tpu.vector_load %arg10[%get3A_614] {strides = array<i32>} : memref<32768xf32, #tpu.memory_space<vmem>>, vector<16xf32>,
      %add3A_616 = arith.constant 48 : i32
      %add3A_617 = arith.addi %mul3A_598, %add3A_616 : i32
      %get3A_618 = arith.index_cast %add3A_617 : i32 to index
      %get3A_619 = tpu.vector_load %arg10[%get3A_618] {strides = array<i32>} : memref<32768xf32, #tpu.memory_space<vmem>>, vector<16xf32>,
      %mul3A_620 = arith.mulf %get3A_615, %get3A_615 : vector<16xf32>
      %add3A_621 = arith.addf %add3A_607, %mul3A_620 : vector<16xf32>
      %max3A_622 = arith.maximumf %max3A_608, %get3A_615 : vector<16xf32>
      %mul3A_623 = arith.mulf %get3A_619, %get3A_619 : vector<16xf32>
      %add3A_624 = arith.addf %add3A_610, %mul3A_623 : vector<16xf32>
      %max3A_625 = arith.maximumf %max3A_611, %get3A_619 : vector<16xf32>
      %add3A_626 = arith.constant 64 : i32
      %add3A_627 = arith.addi %mul3A_598, %add3A_626 : i32
      %get3A_628 = arith.index_cast %add3A_627 : i32 to index
      %get3A_629 = tpu.vector_load %arg10[%get3A_628] {strides = array<i32>} : memref<32768xf32, #tpu.memory_space<vmem>>, vector<16xf32>,
      %add3A_630 = arith.constant 80 : i32
      %add3A_631 = arith.addi %mul3A_598, %add3A_630 : i32
      %get3A_632 = arith.index_cast %add3A_631 : i32 to index
      %get3A_633 = tpu.vector_load %arg10[%get3A_632] {strides = array<i32>} : memref<32768xf32, #tpu.memory_space<vmem>>, vector<16xf32>,
      %mul3A_634 = arith.mulf %get3A_629, %get3A_629 : vector<16xf32>
      %add3A_635 = arith.addf %add3A_621, %mul3A_634 : vector<16xf32>
      %max3A_636 = arith.maximumf %max3A_622, %get3A_629 : vector<16xf32>
      %mul3A_637 = arith.mulf %get3A_633, %get3A_633 : vector<16xf32>
      %add3A_638 = arith.addf %add3A_624, %mul3A_637 : vector<16xf32>
      %max3A_639 = arith.maximumf %max3A_625, %get3A_633 : vector<16xf32>
      %add3A_640 = arith.constant 96 : i32
      %add3A_641 = arith.addi %mul3A_598, %add3A_640 : i32
      %get3A_642 = arith.index_cast %add3A_641 : i32 to index
      %get3A_643 = tpu.vector_load %arg10[%get3A_642] {strides = array<i32>} : memref<32768xf32, #tpu.memory_space<vmem>>, vector<16xf32>,
      %add3A_644 = arith.constant 112 : i32
      %add3A_645 = arith.addi %mul3A_598, %add3A_644 : i32
      %get3A_646 = arith.index_cast %add3A_645 : i32 to index
      %get3A_647 = tpu.vector_load %arg10[%get3A_646] {strides = array<i32>} : memref<32768xf32, #tpu.memory_space<vmem>>, vector<16xf32>,
      %mul3A_648 = arith.mulf %get3A_643, %get3A_643 : vector<16xf32>
      %add3A_649 = arith.addf %add3A_635, %mul3A_648 : vector<16xf32>
      %max3A_650 = arith.maximumf %max3A_636, %get3A_643 : vector<16xf32>
      %mul3A_651 = arith.mulf %get3A_647, %get3A_647 : vector<16xf32>
      %add3A_652 = arith.addf %add3A_638, %mul3A_651 : vector<16xf32>
      %max3A_653 = arith.maximumf %max3A_639, %get3A_647 : vector<16xf32>
      scf.yield %add3A_649, %add3A_652, %max3A_650, %max3A_653 : vector<16xf32>, vector<16xf32>, vector<16xf32>, vector<16xf32>
    }
    %scan3A_531 = arith.constant 256 : i32
    %eq3A_532 = arith.constant 6 : i32
    %eq3A_533 = vector.broadcast %eq3A_532 : i32 to vector<16xi32>
    %eq3A_534 = arith.cmpi eq, %iota3A, %eq3A_533 : vector<16xi32>
    %add3A_535 = arith.addf %scan3A_530#0, %scan3A_530#1 : vector<16xf32>
    %reduce_sum3A_536 = arith.constant true
    %reduce_sum3A_537 = vector.broadcast %reduce_sum3A_536 : i1 to vector<16xi1>
    %reduce_sum3A_538 = tpu.scan <sum>, %add3A_535 masked %reduce_sum3A_537 : vector<16xf32>, vector<16xi1> -> vector<16xf32>
    %reduce_sum3A_539 = vector.extract %reduce_sum3A_538[15] : f32 from vector<16xf32>
    %add3A_540 = vector.broadcast %reduce_sum3A_539 : f32 to vector<16xf32>
    %add3A_541 = arith.addf %select_n3A_506, %add3A_540 : vector<16xf32>
    %select_n3A_542 = arith.select %eq3A_534, %add3A_541, %select_n3A_506 : vector<16xi1>, vector<16xf32>
    %max3A_543 = arith.maximumf %scan3A_530#2, %scan3A_530#3 : vector<16xf32>
    %reduce_max3A_544 = arith.constant true
    %reduce_max3A_545 = vector.broadcast %reduce_max3A_544 : i1 to vector<16xi1>
    %reduce_max3A_546 = tpu.scan <max>, %max3A_543 masked %reduce_max3A_545 : vector<16xf32>, vector<16xi1> -> vector<16xf32>
    %reduce_max3A_547 = vector.extract %reduce_max3A_546[15] : f32 from vector<16xf32>
    %add3A_548 = arith.constant 196608 : i32
    %add3A_549 = arith.addi %mul3A_5, %add3A_548 : i32
    %gt3A_550 = arith.cmpf ogt, %reduce_max3A_547, %cond3A_518#2 : f32
    %convert_element_type3A_551 = arith.extui %gt3A_550 : i1 to i32
    %cond3A_552 = arith.constant 0 : i32
    %cond3A_553 = arith.cmpi ne, %convert_element_type3A_551, %cond3A_552 : i32
    %cond3A_554:3 = scf.if %cond3A_553 -> (vector<16xf32>, vector<16xi32>, f32) {
      %scan3A_592 = arith.constant 0 : i32
      %scan3A_593 = arith.constant 2048 : i32
      %scan3A_594 = arith.addi %scan3A_592, %scan3A_593 : i32
      %scan3A_595 = arith.constant 1 : i32
      %scan3A_596:3 = scf.for %scan3A_598 = %scan3A_592 to %scan3A_594 step %scan3A_595 iter_args(%scan3A_599 = %cond3A_518#0, %scan3A_600 = %cond3A_518#1, %scan3A_601 = %cond3A_518#2) -> (vector<16xf32>, vector<16xi32>, f32)  : i32 {
        %mul3A_602 = arith.constant 16 : i32
        %mul3A_603 = arith.muli %scan3A_598, %mul3A_602 : i32
        %get3A = arith.index_cast %mul3A_603 : i32 to index
        %get3A_604 = tpu.vector_load %arg10[%get3A] {strides = array<i32>} : memref<32768xf32, #tpu.memory_space<vmem>>, vector<16xf32>,
        %reduce_max3A_605 = arith.constant true
        %reduce_max3A_606 = vector.broadcast %reduce_max3A_605 : i1 to vector<16xi1>
        %reduce_max3A_607 = tpu.scan <max>, %get3A_604 masked %reduce_max3A_606 : vector<16xf32>, vector<16xi1> -> vector<16xf32>
        %reduce_max3A_608 = vector.extract %reduce_max3A_607[15] : f32 from vector<16xf32>
        %gt3A_609 = arith.cmpf ogt, %reduce_max3A_608, %scan3A_601 : f32
        %convert_element_type3A_610 = arith.extui %gt3A_609 : i1 to i32
        %cond3A_611 = arith.constant 0 : i32
        %cond3A_612 = arith.cmpi ne, %convert_element_type3A_610, %cond3A_611 : i32
        %cond3A_613:3 = scf.if %cond3A_612 -> (vector<16xf32>, vector<16xi32>, f32) {
          %mul3A_614 = arith.constant 16 : i32
          %mul3A_615 = arith.muli %scan3A_598, %mul3A_614 : i32
          %add3A_616 = arith.addi %add3A_549, %mul3A_615 : i32
          %add3A_617 = vector.broadcast %add3A_616 : i32 to vector<16xi32>
          %add3A_618 = arith.addi %iota3A, %add3A_617 : vector<16xi32>
          %masked_sort3A = arith.constant dense<true> : vector<16xi1>
          %masked_sort3A_619, %masked_sort3A_620, %masked_sort3A_621 = tpu.sort %get3A_604, %add3A_618 masked %masked_sort3A {descending = true} : (vector<16xf32>, vector<16xi32>, vector<16xi1>) -> (vector<16xi1>, vector<16xf32>, vector<16xi32>)
          %gt3A_622 = arith.cmpf ogt, %masked_sort3A_620, %scan3A_599 : vector<16xf32>
          %eq3A_623 = arith.cmpf oeq, %masked_sort3A_620, %scan3A_599 : vector<16xf32>
          %lt3A = arith.cmpi slt, %masked_sort3A_621, %scan3A_600 : vector<16xi32>
          %and3A_624 = arith.andi %eq3A_623, %lt3A : vector<16xi1>
          %or3A = arith.ori %gt3A_622, %and3A_624 : vector<16xi1>
          %select_n3A_625 = arith.select %or3A, %masked_sort3A_620, %scan3A_599 : vector<16xi1>, vector<16xf32>
          %select_n3A_626 = arith.select %or3A, %masked_sort3A_621, %scan3A_600 : vector<16xi1>, vector<16xi32>
          %masked_sort3A_627 = arith.constant dense<true> : vector<16xi1>
          %masked_sort3A_628, %masked_sort3A_629, %masked_sort3A_630 = tpu.sort %select_n3A_625, %select_n3A_626 masked %masked_sort3A_627 : (vector<16xf32>, vector<16xi32>, vector<16xi1>) -> (vector<16xi1>, vector<16xf32>, vector<16xi32>)
          %reduce_min3A = arith.constant true
          %reduce_min3A_631 = vector.broadcast %reduce_min3A : i1 to vector<16xi1>
          %reduce_min3A_632 = tpu.scan <min>, %masked_sort3A_629 masked %reduce_min3A_631 : vector<16xf32>, vector<16xi1> -> vector<16xf32>
          %reduce_min3A_633 = vector.extract %reduce_min3A_632[15] : f32 from vector<16xf32>
          scf.yield %masked_sort3A_629, %masked_sort3A_630, %reduce_min3A_633 : vector<16xf32>, vector<16xi32>, f32
        } else {
          scf.yield %scan3A_599, %scan3A_600, %scan3A_601 : vector<16xf32>, vector<16xi32>, f32
        }
        scf.yield %cond3A_613#0, %cond3A_613#1, %cond3A_613#2 : vector<16xf32>, vector<16xi32>, f32
      }
      %scan3A_597 = arith.constant 2048 : i32
      scf.yield %scan3A_596#0, %scan3A_596#1, %scan3A_596#2 : vector<16xf32>, vector<16xi32>, f32
    } else {
      scf.yield %cond3A_518#0, %cond3A_518#1, %cond3A_518#2 : vector<16xf32>, vector<16xi32>, f32
    }
    %dma_wait3A_555 = tpu.memref_slice %arg3[%multiple_of3A_521] : memref<8388608xf32, #tpu.memory_space<hbm>> -> memref<32768xf32, #tpu.memory_space<hbm>>
    %dma_wait3A_556 = tpu.memref_slice %arg3[%multiple_of3A_521] : memref<8388608xf32, #tpu.memory_space<hbm>> -> memref<32768xf32, #tpu.memory_space<hbm>>
    tpu.wait_dma2 semaphore(%arg16 : memref<!tpu.dma_semaphore, #tpu.memory_space<semaphore_mem>>) src(%dma_wait3A_556 : memref<32768xf32, #tpu.memory_space<hbm>>) dst(%arg11 : memref<32768xf32, #tpu.memory_space<vmem>>)
    %scan3A_557 = arith.constant 0 : i32
    %scan3A_558 = arith.constant 256 : i32
    %scan3A_559 = arith.addi %scan3A_557, %scan3A_558 : i32
    %scan3A_560 = arith.constant 1 : i32
    %scan3A_561:4 = scf.for %scan3A_592 = %scan3A_557 to %scan3A_559 step %scan3A_560 iter_args(%scan3A_593 = %broadcast_in_dim3A_8, %scan3A_594 = %broadcast_in_dim3A_8, %scan3A_595 = %broadcast_in_dim3A_6, %scan3A_596 = %broadcast_in_dim3A_6) -> (vector<16xf32>, vector<16xf32>, vector<16xf32>, vector<16xf32>)  : i32 {
      %mul3A_597 = arith.constant 128 : i32
      %mul3A_598 = arith.muli %scan3A_592, %mul3A_597 : i32
      %add3A_599 = arith.constant 0 : i32
      %add3A_600 = arith.addi %mul3A_598, %add3A_599 : i32
      %get3A = arith.index_cast %add3A_600 : i32 to index
      %get3A_601 = tpu.vector_load %arg11[%get3A] {strides = array<i32>} : memref<32768xf32, #tpu.memory_space<vmem>>, vector<16xf32>,
      %add3A_602 = arith.constant 16 : i32
      %add3A_603 = arith.addi %mul3A_598, %add3A_602 : i32
      %get3A_604 = arith.index_cast %add3A_603 : i32 to index
      %get3A_605 = tpu.vector_load %arg11[%get3A_604] {strides = array<i32>} : memref<32768xf32, #tpu.memory_space<vmem>>, vector<16xf32>,
      %mul3A_606 = arith.mulf %get3A_601, %get3A_601 : vector<16xf32>
      %add3A_607 = arith.addf %scan3A_593, %mul3A_606 : vector<16xf32>
      %max3A_608 = arith.maximumf %scan3A_595, %get3A_601 : vector<16xf32>
      %mul3A_609 = arith.mulf %get3A_605, %get3A_605 : vector<16xf32>
      %add3A_610 = arith.addf %scan3A_594, %mul3A_609 : vector<16xf32>
      %max3A_611 = arith.maximumf %scan3A_596, %get3A_605 : vector<16xf32>
      %add3A_612 = arith.constant 32 : i32
      %add3A_613 = arith.addi %mul3A_598, %add3A_612 : i32
      %get3A_614 = arith.index_cast %add3A_613 : i32 to index
      %get3A_615 = tpu.vector_load %arg11[%get3A_614] {strides = array<i32>} : memref<32768xf32, #tpu.memory_space<vmem>>, vector<16xf32>,
      %add3A_616 = arith.constant 48 : i32
      %add3A_617 = arith.addi %mul3A_598, %add3A_616 : i32
      %get3A_618 = arith.index_cast %add3A_617 : i32 to index
      %get3A_619 = tpu.vector_load %arg11[%get3A_618] {strides = array<i32>} : memref<32768xf32, #tpu.memory_space<vmem>>, vector<16xf32>,
      %mul3A_620 = arith.mulf %get3A_615, %get3A_615 : vector<16xf32>
      %add3A_621 = arith.addf %add3A_607, %mul3A_620 : vector<16xf32>
      %max3A_622 = arith.maximumf %max3A_608, %get3A_615 : vector<16xf32>
      %mul3A_623 = arith.mulf %get3A_619, %get3A_619 : vector<16xf32>
      %add3A_624 = arith.addf %add3A_610, %mul3A_623 : vector<16xf32>
      %max3A_625 = arith.maximumf %max3A_611, %get3A_619 : vector<16xf32>
      %add3A_626 = arith.constant 64 : i32
      %add3A_627 = arith.addi %mul3A_598, %add3A_626 : i32
      %get3A_628 = arith.index_cast %add3A_627 : i32 to index
      %get3A_629 = tpu.vector_load %arg11[%get3A_628] {strides = array<i32>} : memref<32768xf32, #tpu.memory_space<vmem>>, vector<16xf32>,
      %add3A_630 = arith.constant 80 : i32
      %add3A_631 = arith.addi %mul3A_598, %add3A_630 : i32
      %get3A_632 = arith.index_cast %add3A_631 : i32 to index
      %get3A_633 = tpu.vector_load %arg11[%get3A_632] {strides = array<i32>} : memref<32768xf32, #tpu.memory_space<vmem>>, vector<16xf32>,
      %mul3A_634 = arith.mulf %get3A_629, %get3A_629 : vector<16xf32>
      %add3A_635 = arith.addf %add3A_621, %mul3A_634 : vector<16xf32>
      %max3A_636 = arith.maximumf %max3A_622, %get3A_629 : vector<16xf32>
      %mul3A_637 = arith.mulf %get3A_633, %get3A_633 : vector<16xf32>
      %add3A_638 = arith.addf %add3A_624, %mul3A_637 : vector<16xf32>
      %max3A_639 = arith.maximumf %max3A_625, %get3A_633 : vector<16xf32>
      %add3A_640 = arith.constant 96 : i32
      %add3A_641 = arith.addi %mul3A_598, %add3A_640 : i32
      %get3A_642 = arith.index_cast %add3A_641 : i32 to index
      %get3A_643 = tpu.vector_load %arg11[%get3A_642] {strides = array<i32>} : memref<32768xf32, #tpu.memory_space<vmem>>, vector<16xf32>,
      %add3A_644 = arith.constant 112 : i32
      %add3A_645 = arith.addi %mul3A_598, %add3A_644 : i32
      %get3A_646 = arith.index_cast %add3A_645 : i32 to index
      %get3A_647 = tpu.vector_load %arg11[%get3A_646] {strides = array<i32>} : memref<32768xf32, #tpu.memory_space<vmem>>, vector<16xf32>,
      %mul3A_648 = arith.mulf %get3A_643, %get3A_643 : vector<16xf32>
      %add3A_649 = arith.addf %add3A_635, %mul3A_648 : vector<16xf32>
      %max3A_650 = arith.maximumf %max3A_636, %get3A_643 : vector<16xf32>
      %mul3A_651 = arith.mulf %get3A_647, %get3A_647 : vector<16xf32>
      %add3A_652 = arith.addf %add3A_638, %mul3A_651 : vector<16xf32>
      %max3A_653 = arith.maximumf %max3A_639, %get3A_647 : vector<16xf32>
      scf.yield %add3A_649, %add3A_652, %max3A_650, %max3A_653 : vector<16xf32>, vector<16xf32>, vector<16xf32>, vector<16xf32>
    }
    %scan3A_562 = arith.constant 256 : i32
    %eq3A_563 = arith.constant 7 : i32
    %eq3A_564 = vector.broadcast %eq3A_563 : i32 to vector<16xi32>
    %eq3A_565 = arith.cmpi eq, %iota3A, %eq3A_564 : vector<16xi32>
    %add3A_566 = arith.addf %scan3A_561#0, %scan3A_561#1 : vector<16xf32>
    %reduce_sum3A_567 = arith.constant true
    %reduce_sum3A_568 = vector.broadcast %reduce_sum3A_567 : i1 to vector<16xi1>
    %reduce_sum3A_569 = tpu.scan <sum>, %add3A_566 masked %reduce_sum3A_568 : vector<16xf32>, vector<16xi1> -> vector<16xf32>
    %reduce_sum3A_570 = vector.extract %reduce_sum3A_569[15] : f32 from vector<16xf32>
    %add3A_571 = vector.broadcast %reduce_sum3A_570 : f32 to vector<16xf32>
    %add3A_572 = arith.addf %select_n3A_542, %add3A_571 : vector<16xf32>
    %select_n3A_573 = arith.select %eq3A_565, %add3A_572, %select_n3A_542 : vector<16xi1>, vector<16xf32>
    %max3A_574 = arith.maximumf %scan3A_561#2, %scan3A_561#3 : vector<16xf32>
    %reduce_max3A_575 = arith.constant true
    %reduce_max3A_576 = vector.broadcast %reduce_max3A_575 : i1 to vector<16xi1>
    %reduce_max3A_577 = tpu.scan <max>, %max3A_574 masked %reduce_max3A_576 : vector<16xf32>, vector<16xi1> -> vector<16xf32>
    %reduce_max3A_578 = vector.extract %reduce_max3A_577[15] : f32 from vector<16xf32>
    %add3A_579 = arith.constant 229376 : i32
    %add3A_580 = arith.addi %mul3A_5, %add3A_579 : i32
    %gt3A_581 = arith.cmpf ogt, %reduce_max3A_578, %cond3A_554#2 : f32
    %convert_element_type3A_582 = arith.extui %gt3A_581 : i1 to i32
    %cond3A_583 = arith.constant 0 : i32
    %cond3A_584 = arith.cmpi ne, %convert_element_type3A_582, %cond3A_583 : i32
    %cond3A_585:3 = scf.if %cond3A_584 -> (vector<16xf32>, vector<16xi32>, f32) {
      %scan3A_592 = arith.constant 0 : i32
      %scan3A_593 = arith.constant 2048 : i32
      %scan3A_594 = arith.addi %scan3A_592, %scan3A_593 : i32
      %scan3A_595 = arith.constant 1 : i32
      %scan3A_596:3 = scf.for %scan3A_598 = %scan3A_592 to %scan3A_594 step %scan3A_595 iter_args(%scan3A_599 = %cond3A_554#0, %scan3A_600 = %cond3A_554#1, %scan3A_601 = %cond3A_554#2) -> (vector<16xf32>, vector<16xi32>, f32)  : i32 {
        %mul3A_602 = arith.constant 16 : i32
        %mul3A_603 = arith.muli %scan3A_598, %mul3A_602 : i32
        %get3A = arith.index_cast %mul3A_603 : i32 to index
        %get3A_604 = tpu.vector_load %arg11[%get3A] {strides = array<i32>} : memref<32768xf32, #tpu.memory_space<vmem>>, vector<16xf32>,
        %reduce_max3A_605 = arith.constant true
        %reduce_max3A_606 = vector.broadcast %reduce_max3A_605 : i1 to vector<16xi1>
        %reduce_max3A_607 = tpu.scan <max>, %get3A_604 masked %reduce_max3A_606 : vector<16xf32>, vector<16xi1> -> vector<16xf32>
        %reduce_max3A_608 = vector.extract %reduce_max3A_607[15] : f32 from vector<16xf32>
        %gt3A_609 = arith.cmpf ogt, %reduce_max3A_608, %scan3A_601 : f32
        %convert_element_type3A_610 = arith.extui %gt3A_609 : i1 to i32
        %cond3A_611 = arith.constant 0 : i32
        %cond3A_612 = arith.cmpi ne, %convert_element_type3A_610, %cond3A_611 : i32
        %cond3A_613:3 = scf.if %cond3A_612 -> (vector<16xf32>, vector<16xi32>, f32) {
          %mul3A_614 = arith.constant 16 : i32
          %mul3A_615 = arith.muli %scan3A_598, %mul3A_614 : i32
          %add3A_616 = arith.addi %add3A_580, %mul3A_615 : i32
          %add3A_617 = vector.broadcast %add3A_616 : i32 to vector<16xi32>
          %add3A_618 = arith.addi %iota3A, %add3A_617 : vector<16xi32>
          %masked_sort3A = arith.constant dense<true> : vector<16xi1>
          %masked_sort3A_619, %masked_sort3A_620, %masked_sort3A_621 = tpu.sort %get3A_604, %add3A_618 masked %masked_sort3A {descending = true} : (vector<16xf32>, vector<16xi32>, vector<16xi1>) -> (vector<16xi1>, vector<16xf32>, vector<16xi32>)
          %gt3A_622 = arith.cmpf ogt, %masked_sort3A_620, %scan3A_599 : vector<16xf32>
          %eq3A_623 = arith.cmpf oeq, %masked_sort3A_620, %scan3A_599 : vector<16xf32>
          %lt3A = arith.cmpi slt, %masked_sort3A_621, %scan3A_600 : vector<16xi32>
          %and3A_624 = arith.andi %eq3A_623, %lt3A : vector<16xi1>
          %or3A = arith.ori %gt3A_622, %and3A_624 : vector<16xi1>
          %select_n3A_625 = arith.select %or3A, %masked_sort3A_620, %scan3A_599 : vector<16xi1>, vector<16xf32>
          %select_n3A_626 = arith.select %or3A, %masked_sort3A_621, %scan3A_600 : vector<16xi1>, vector<16xi32>
          %masked_sort3A_627 = arith.constant dense<true> : vector<16xi1>
          %masked_sort3A_628, %masked_sort3A_629, %masked_sort3A_630 = tpu.sort %select_n3A_625, %select_n3A_626 masked %masked_sort3A_627 : (vector<16xf32>, vector<16xi32>, vector<16xi1>) -> (vector<16xi1>, vector<16xf32>, vector<16xi32>)
          %reduce_min3A = arith.constant true
          %reduce_min3A_631 = vector.broadcast %reduce_min3A : i1 to vector<16xi1>
          %reduce_min3A_632 = tpu.scan <min>, %masked_sort3A_629 masked %reduce_min3A_631 : vector<16xf32>, vector<16xi1> -> vector<16xf32>
          %reduce_min3A_633 = vector.extract %reduce_min3A_632[15] : f32 from vector<16xf32>
          scf.yield %masked_sort3A_629, %masked_sort3A_630, %reduce_min3A_633 : vector<16xf32>, vector<16xi32>, f32
        } else {
          scf.yield %scan3A_599, %scan3A_600, %scan3A_601 : vector<16xf32>, vector<16xi32>, f32
        }
        scf.yield %cond3A_613#0, %cond3A_613#1, %cond3A_613#2 : vector<16xf32>, vector<16xi32>, f32
      }
      %scan3A_597 = arith.constant 2048 : i32
      scf.yield %scan3A_596#0, %scan3A_596#1, %scan3A_596#2 : vector<16xf32>, vector<16xi32>, f32
    } else {
      scf.yield %cond3A_554#0, %cond3A_554#1, %cond3A_554#2 : vector<16xf32>, vector<16xi32>, f32
    }
    %swap3A_586 = arith.constant 0 : index
    %swap3A_587 = tpu.vector_load %arg12[%swap3A_586] {strides = array<i32>} : memref<16xf32, #tpu.memory_space<vmem>>, vector<16xf32>,
    tpu.vector_store %arg12[%swap3A_586], %cond3A_585#0 {strides = array<i32>} : memref<16xf32, #tpu.memory_space<vmem>>, vector<16xf32>,
    %swap3A_588 = arith.constant 0 : index
    %swap3A_589 = tpu.vector_load %arg13[%swap3A_588] {strides = array<i32>} : memref<16xi32, #tpu.memory_space<vmem>>, vector<16xi32>,
    tpu.vector_store %arg13[%swap3A_588], %cond3A_585#1 {strides = array<i32>} : memref<16xi32, #tpu.memory_space<vmem>>, vector<16xi32>,
    %swap3A_590 = arith.constant 0 : index
    %swap3A_591 = tpu.vector_load %arg14[%swap3A_590] {strides = array<i32>} : memref<16xf32, #tpu.memory_space<vmem>>, vector<16xf32>,
    tpu.vector_store %arg14[%swap3A_590], %select_n3A_573 {strides = array<i32>} : memref<16xf32, #tpu.memory_space<vmem>>, vector<16xf32>,
    "tpu.region"() ({
      %run_scoped3A = tpu.sem_alloc : memref<!tpu.dma_semaphore, #tpu.memory_space<semaphore_mem>>
      %dma_start3A_592 = arith.constant 0 : i32
      %dma_start3A_593 = tpu.memref_slice %arg7[%add3A, %dma_start3A_592] : memref<32x16xf32, #tpu.memory_space<hbm>> -> memref<1x16xf32, #tpu.memory_space<hbm>>
      %dma_start3A_594 = tpu.memref_squeeze %dma_start3A_593 : memref<1x16xf32, #tpu.memory_space<hbm>> -> memref<16xf32, #tpu.memory_space<hbm>>
      %dma_start3A_595 = arith.constant 0 : i32
      %dma_start3A_596 = tpu.memref_slice %arg7[%add3A, %dma_start3A_595] : memref<32x16xf32, #tpu.memory_space<hbm>> -> memref<1x16xf32, #tpu.memory_space<hbm>>
      %dma_start3A_597 = tpu.memref_squeeze %dma_start3A_596 : memref<1x16xf32, #tpu.memory_space<hbm>> -> memref<16xf32, #tpu.memory_space<hbm>>
      tpu.enqueue_dma source(%arg12 : memref<16xf32, #tpu.memory_space<vmem>>) target(%dma_start3A_597 : memref<16xf32, #tpu.memory_space<hbm>>) target_semaphore(%run_scoped3A : memref<!tpu.dma_semaphore, #tpu.memory_space<semaphore_mem>>)
      %dma_wait3A_598 = arith.constant 0 : i32
      %dma_wait3A_599 = tpu.memref_slice %arg7[%add3A, %dma_wait3A_598] : memref<32x16xf32, #tpu.memory_space<hbm>> -> memref<1x16xf32, #tpu.memory_space<hbm>>
      %dma_wait3A_600 = tpu.memref_squeeze %dma_wait3A_599 : memref<1x16xf32, #tpu.memory_space<hbm>> -> memref<16xf32, #tpu.memory_space<hbm>>
      %dma_wait3A_601 = arith.constant 0 : i32
      %dma_wait3A_602 = tpu.memref_slice %arg7[%add3A, %dma_wait3A_601] : memref<32x16xf32, #tpu.memory_space<hbm>> -> memref<1x16xf32, #tpu.memory_space<hbm>>
      %dma_wait3A_603 = tpu.memref_squeeze %dma_wait3A_602 : memref<1x16xf32, #tpu.memory_space<hbm>> -> memref<16xf32, #tpu.memory_space<hbm>>
      tpu.wait_dma2 semaphore(%run_scoped3A : memref<!tpu.dma_semaphore, #tpu.memory_space<semaphore_mem>>) src(%arg12 : memref<16xf32, #tpu.memory_space<vmem>>) dst(%dma_wait3A_603 : memref<16xf32, #tpu.memory_space<hbm>>)
      tpu.yield
    }) : () -> ()
    "tpu.region"() ({
      %run_scoped3A = tpu.sem_alloc : memref<!tpu.dma_semaphore, #tpu.memory_space<semaphore_mem>>
      %dma_start3A_592 = arith.constant 0 : i32
      %dma_start3A_593 = tpu.memref_slice %arg8[%add3A, %dma_start3A_592] : memref<32x16xi32, #tpu.memory_space<hbm>> -> memref<1x16xi32, #tpu.memory_space<hbm>>
      %dma_start3A_594 = tpu.memref_squeeze %dma_start3A_593 : memref<1x16xi32, #tpu.memory_space<hbm>> -> memref<16xi32, #tpu.memory_space<hbm>>
      %dma_start3A_595 = arith.constant 0 : i32
      %dma_start3A_596 = tpu.memref_slice %arg8[%add3A, %dma_start3A_595] : memref<32x16xi32, #tpu.memory_space<hbm>> -> memref<1x16xi32, #tpu.memory_space<hbm>>
      %dma_start3A_597 = tpu.memref_squeeze %dma_start3A_596 : memref<1x16xi32, #tpu.memory_space<hbm>> -> memref<16xi32, #tpu.memory_space<hbm>>
      tpu.enqueue_dma source(%arg13 : memref<16xi32, #tpu.memory_space<vmem>>) target(%dma_start3A_597 : memref<16xi32, #tpu.memory_space<hbm>>) target_semaphore(%run_scoped3A : memref<!tpu.dma_semaphore, #tpu.memory_space<semaphore_mem>>)
      %dma_wait3A_598 = arith.constant 0 : i32
      %dma_wait3A_599 = tpu.memref_slice %arg8[%add3A, %dma_wait3A_598] : memref<32x16xi32, #tpu.memory_space<hbm>> -> memref<1x16xi32, #tpu.memory_space<hbm>>
      %dma_wait3A_600 = tpu.memref_squeeze %dma_wait3A_599 : memref<1x16xi32, #tpu.memory_space<hbm>> -> memref<16xi32, #tpu.memory_space<hbm>>
      %dma_wait3A_601 = arith.constant 0 : i32
      %dma_wait3A_602 = tpu.memref_slice %arg8[%add3A, %dma_wait3A_601] : memref<32x16xi32, #tpu.memory_space<hbm>> -> memref<1x16xi32, #tpu.memory_space<hbm>>
      %dma_wait3A_603 = tpu.memref_squeeze %dma_wait3A_602 : memref<1x16xi32, #tpu.memory_space<hbm>> -> memref<16xi32, #tpu.memory_space<hbm>>
      tpu.wait_dma2 semaphore(%run_scoped3A : memref<!tpu.dma_semaphore, #tpu.memory_space<semaphore_mem>>) src(%arg13 : memref<16xi32, #tpu.memory_space<vmem>>) dst(%dma_wait3A_603 : memref<16xi32, #tpu.memory_space<hbm>>)
      tpu.yield
    }) : () -> ()
    "tpu.region"() ({
      %run_scoped3A = tpu.sem_alloc : memref<!tpu.dma_semaphore, #tpu.memory_space<semaphore_mem>>
      %dma_start3A_592 = arith.constant 0 : i32
      %dma_start3A_593 = tpu.memref_slice %arg9[%add3A, %dma_start3A_592] : memref<32x16xf32, #tpu.memory_space<hbm>> -> memref<1x16xf32, #tpu.memory_space<hbm>>
      %dma_start3A_594 = tpu.memref_squeeze %dma_start3A_593 : memref<1x16xf32, #tpu.memory_space<hbm>> -> memref<16xf32, #tpu.memory_space<hbm>>
      %dma_start3A_595 = arith.constant 0 : i32
      %dma_start3A_596 = tpu.memref_slice %arg9[%add3A, %dma_start3A_595] : memref<32x16xf32, #tpu.memory_space<hbm>> -> memref<1x16xf32, #tpu.memory_space<hbm>>
      %dma_start3A_597 = tpu.memref_squeeze %dma_start3A_596 : memref<1x16xf32, #tpu.memory_space<hbm>> -> memref<16xf32, #tpu.memory_space<hbm>>
      tpu.enqueue_dma source(%arg14 : memref<16xf32, #tpu.memory_space<vmem>>) target(%dma_start3A_597 : memref<16xf32, #tpu.memory_space<hbm>>) target_semaphore(%run_scoped3A : memref<!tpu.dma_semaphore, #tpu.memory_space<semaphore_mem>>)
      %dma_wait3A_598 = arith.constant 0 : i32
      %dma_wait3A_599 = tpu.memref_slice %arg9[%add3A, %dma_wait3A_598] : memref<32x16xf32, #tpu.memory_space<hbm>> -> memref<1x16xf32, #tpu.memory_space<hbm>>
      %dma_wait3A_600 = tpu.memref_squeeze %dma_wait3A_599 : memref<1x16xf32, #tpu.memory_space<hbm>> -> memref<16xf32, #tpu.memory_space<hbm>>
      %dma_wait3A_601 = arith.constant 0 : i32
      %dma_wait3A_602 = tpu.memref_slice %arg9[%add3A, %dma_wait3A_601] : memref<32x16xf32, #tpu.memory_space<hbm>> -> memref<1x16xf32, #tpu.memory_space<hbm>>
      %dma_wait3A_603 = tpu.memref_squeeze %dma_wait3A_602 : memref<1x16xf32, #tpu.memory_space<hbm>> -> memref<16xf32, #tpu.memory_space<hbm>>
      tpu.wait_dma2 semaphore(%run_scoped3A : memref<!tpu.dma_semaphore, #tpu.memory_space<semaphore_mem>>) src(%arg14 : memref<16xf32, #tpu.memory_space<vmem>>) dst(%dma_wait3A_603 : memref<16xf32, #tpu.memory_space<hbm>>)
      tpu.yield
    }) : () -> ()
    return
  }
}

module attributes {stable_mosaic.version = 14 : i64} {
  func.func @_merge_body(%arg0: memref<1024x1xf32, #tpu.memory_space<vmem>>, %arg1: memref<1x1024xf32, #tpu.memory_space<vmem>>, %arg2: memref<1024x1xi32, #tpu.memory_space<vmem>>, %arg3: memref<1x1024xi32, #tpu.memory_space<vmem>>, %arg4: memref<256x1xf32, #tpu.memory_space<vmem>>, %arg5: memref<256x1xi32, #tpu.memory_space<vmem>>) attributes {dimension_semantics = [], scalar_prefetch = 0 : i64, scratch_operands = 0 : i64, tpu.core_type = #tpu.core_type<tc>} {
    %get3A = arith.constant 0 : index
    %get3A_0 = arith.constant 0 : index
    %get3A_1 = vector.load %arg0[%get3A, %get3A_0] : memref<1024x1xf32, #tpu.memory_space<vmem>>, vector<1024x1xf32>
    %get3A_2 = arith.constant 0 : index
    %get3A_3 = arith.constant 0 : index
    %get3A_4 = vector.load %arg1[%get3A_2, %get3A_3] : memref<1x1024xf32, #tpu.memory_space<vmem>>, vector<1x1024xf32>
    %get3A_5 = arith.constant 0 : index
    %get3A_6 = arith.constant 0 : index
    %get3A_7 = vector.load %arg2[%get3A_5, %get3A_6] : memref<1024x1xi32, #tpu.memory_space<vmem>>, vector<1024x1xi32>
    %get3A_8 = arith.constant 0 : index
    %get3A_9 = arith.constant 0 : index
    %get3A_10 = vector.load %arg3[%get3A_8, %get3A_9] : memref<1x1024xi32, #tpu.memory_space<vmem>>, vector<1x1024xi32>
    %iota3A = tpu.iota {dimensions = array<i32: 0>} : vector<1024x1xi32>
    %iota3A_11 = tpu.iota {dimensions = array<i32: 1>} : vector<1x1024xi32>
    %shift_right_arithmetic3A = arith.constant 6 : i32
    %shift_right_arithmetic3A_12 = vector.broadcast %shift_right_arithmetic3A : i32 to vector<1024x1xi32>
    %shift_right_arithmetic3A_13 = arith.shrsi %iota3A, %shift_right_arithmetic3A_12 : vector<1024x1xi32>
    %shift_right_arithmetic3A_14 = arith.constant 6 : i32
    %shift_right_arithmetic3A_15 = vector.broadcast %shift_right_arithmetic3A_14 : i32 to vector<1x1024xi32>
    %shift_right_arithmetic3A_16 = arith.shrsi %iota3A_11, %shift_right_arithmetic3A_15 : vector<1x1024xi32>
    %eq3A = vector.broadcast %shift_right_arithmetic3A_13 : vector<1024x1xi32> to vector<1024x1024xi32>
    %eq3A_17 = vector.broadcast %shift_right_arithmetic3A_16 : vector<1x1024xi32> to vector<1024x1024xi32>
    %eq3A_18 = arith.cmpi eq, %eq3A, %eq3A_17 : vector<1024x1024xi32>
    %gt3A = vector.broadcast %get3A_1 : vector<1024x1xf32> to vector<1024x1024xf32>
    %gt3A_19 = vector.broadcast %get3A_4 : vector<1x1024xf32> to vector<1024x1024xf32>
    %gt3A_20 = arith.cmpf ogt, %gt3A, %gt3A_19 : vector<1024x1024xf32>
    %eq3A_21 = vector.broadcast %get3A_1 : vector<1024x1xf32> to vector<1024x1024xf32>
    %eq3A_22 = vector.broadcast %get3A_4 : vector<1x1024xf32> to vector<1024x1024xf32>
    %eq3A_23 = arith.cmpf oeq, %eq3A_21, %eq3A_22 : vector<1024x1024xf32>
    %lt3A = vector.broadcast %get3A_7 : vector<1024x1xi32> to vector<1024x1024xi32>
    %lt3A_24 = vector.broadcast %get3A_10 : vector<1x1024xi32> to vector<1024x1024xi32>
    %lt3A_25 = arith.cmpi slt, %lt3A, %lt3A_24 : vector<1024x1024xi32>
    %and3A = arith.andi %eq3A_23, %lt3A_25 : vector<1024x1024xi1>
    %or3A = arith.ori %gt3A_20, %and3A : vector<1024x1024xi1>
    %and3A_26 = arith.andi %eq3A_18, %or3A : vector<1024x1024xi1>
    %convert_element_type3A = arith.extui %and3A_26 : vector<1024x1024xi1> to vector<1024x1024xi32>
    %reduce_sum3A = arith.constant dense<0> : vector<1024xi32>
    %reduce_sum3A_27 = vector.multi_reduction <add>, %convert_element_type3A, %reduce_sum3A [0] : vector<1024x1024xi32> to vector<1024xi32>
    %broadcast_in_dim3A = vector.shape_cast %reduce_sum3A_27 : vector<1024xi32> to vector<1x1024xi32>
    %iota3A_28 = tpu.iota {dimensions = array<i32: 0>} : vector<256x1xi32>
    %shift_right_arithmetic3A_29 = arith.constant 6 : i32
    %shift_right_arithmetic3A_30 = vector.broadcast %shift_right_arithmetic3A_29 : i32 to vector<1x1024xi32>
    %shift_right_arithmetic3A_31 = arith.shrsi %iota3A_11, %shift_right_arithmetic3A_30 : vector<1x1024xi32>
    %shift_right_arithmetic3A_32 = arith.constant 4 : i32
    %shift_right_arithmetic3A_33 = vector.broadcast %shift_right_arithmetic3A_32 : i32 to vector<256x1xi32>
    %shift_right_arithmetic3A_34 = arith.shrsi %iota3A_28, %shift_right_arithmetic3A_33 : vector<256x1xi32>
    %eq3A_35 = vector.broadcast %shift_right_arithmetic3A_31 : vector<1x1024xi32> to vector<256x1024xi32>
    %eq3A_36 = vector.broadcast %shift_right_arithmetic3A_34 : vector<256x1xi32> to vector<256x1024xi32>
    %eq3A_37 = arith.cmpi eq, %eq3A_35, %eq3A_36 : vector<256x1024xi32>
    %and3A_38 = arith.constant 15 : i32
    %and3A_39 = vector.broadcast %and3A_38 : i32 to vector<256x1xi32>
    %and3A_40 = arith.andi %iota3A_28, %and3A_39 : vector<256x1xi32>
    %eq3A_41 = vector.broadcast %broadcast_in_dim3A : vector<1x1024xi32> to vector<256x1024xi32>
    %eq3A_42 = vector.broadcast %and3A_40 : vector<256x1xi32> to vector<256x1024xi32>
    %eq3A_43 = arith.cmpi eq, %eq3A_41, %eq3A_42 : vector<256x1024xi32>
    %and3A_44 = arith.andi %eq3A_37, %eq3A_43 : vector<256x1024xi1>
    %jit3A = arith.constant 0.000000e+00 : f32
    %broadcast_in_dim3A_45 = vector.shape_cast %get3A_4 : vector<1x1024xf32> to vector<1x1024xf32>
    %broadcast_in_dim3A_46 = vector.broadcast %broadcast_in_dim3A_45 : vector<1x1024xf32> to vector<256x1024xf32>
    %broadcast_in_dim3A_47 = vector.broadcast %jit3A : f32 to vector<256x1024xf32>
    %select_n3A = arith.select %and3A_44, %broadcast_in_dim3A_46, %broadcast_in_dim3A_47 : vector<256x1024xi1>, vector<256x1024xf32>
    %reduce_sum3A_48 = arith.constant dense<0.000000e+00> : vector<256xf32>
    %reduce_sum3A_49 = vector.multi_reduction <add>, %select_n3A, %reduce_sum3A_48 [1] : vector<256x1024xf32> to vector<256xf32>
    %broadcast_in_dim3A_50 = vector.shape_cast %reduce_sum3A_49 : vector<256xf32> to vector<256x1xf32>
    %jit3A_51 = arith.constant 0 : i32
    %broadcast_in_dim3A_52 = vector.shape_cast %get3A_10 : vector<1x1024xi32> to vector<1x1024xi32>
    %broadcast_in_dim3A_53 = vector.broadcast %broadcast_in_dim3A_52 : vector<1x1024xi32> to vector<256x1024xi32>
    %broadcast_in_dim3A_54 = vector.broadcast %jit3A_51 : i32 to vector<256x1024xi32>
    %select_n3A_55 = arith.select %and3A_44, %broadcast_in_dim3A_53, %broadcast_in_dim3A_54 : vector<256x1024xi1>, vector<256x1024xi32>
    %reduce_sum3A_56 = arith.constant dense<0> : vector<256xi32>
    %reduce_sum3A_57 = vector.multi_reduction <add>, %select_n3A_55, %reduce_sum3A_56 [1] : vector<256x1024xi32> to vector<256xi32>
    %broadcast_in_dim3A_58 = vector.shape_cast %reduce_sum3A_57 : vector<256xi32> to vector<256x1xi32>
    %swap3A = arith.constant 0 : index
    %swap3A_59 = arith.constant 0 : index
    %swap3A_60 = vector.load %arg4[%swap3A, %swap3A_59] : memref<256x1xf32, #tpu.memory_space<vmem>>, vector<256x1xf32>
    tpu.vector_store %arg4[%swap3A, %swap3A_59], %broadcast_in_dim3A_50 {strides = array<i32>} : memref<256x1xf32, #tpu.memory_space<vmem>>, vector<256x1xf32>,
    %swap3A_61 = arith.constant 0 : index
    %swap3A_62 = arith.constant 0 : index
    %swap3A_63 = vector.load %arg5[%swap3A_61, %swap3A_62] : memref<256x1xi32, #tpu.memory_space<vmem>>, vector<256x1xi32>
    tpu.vector_store %arg5[%swap3A_61, %swap3A_62], %broadcast_in_dim3A_58 {strides = array<i32>} : memref<256x1xi32, #tpu.memory_space<vmem>>, vector<256x1xi32>,
    return
  }
}

module attributes {stable_mosaic.version = 14 : i64} {
  func.func @_order_body(%arg0: memref<256x128xf32, #tpu.memory_space<vmem>>, %arg1: memref<256x1xf32, #tpu.memory_space<vmem>>, %arg2: memref<1x256xf32, #tpu.memory_space<vmem>>, %arg3: memref<16x16xf32, #tpu.memory_space<vmem>>, %arg4: memref<16x16xi32, #tpu.memory_space<vmem>>, %arg5: memref<16x32xf32, #tpu.memory_space<vmem>>, %arg6: memref<1x1xf32, #tpu.memory_space<vmem>>) attributes {dimension_semantics = [], scalar_prefetch = 0 : i64, scratch_operands = 0 : i64, tpu.core_type = #tpu.core_type<tc>} {
    %get3A = arith.constant 0 : index
    %get3A_0 = arith.constant 0 : index
    %get3A_1 = vector.load %arg0[%get3A, %get3A_0] : memref<256x128xf32, #tpu.memory_space<vmem>>, vector<256x128xf32>
    %get3A_2 = arith.constant 0 : index
    %get3A_3 = arith.constant 0 : index
    %get3A_4 = vector.load %arg1[%get3A_2, %get3A_3] : memref<256x1xf32, #tpu.memory_space<vmem>>, vector<256x1xf32>
    %get3A_5 = arith.constant 0 : index
    %get3A_6 = arith.constant 0 : index
    %get3A_7 = vector.load %arg2[%get3A_5, %get3A_6] : memref<1x256xf32, #tpu.memory_space<vmem>>, vector<1x256xf32>
    %iota3A = tpu.iota {dimensions = array<i32: 0>} : vector<256x1xi32>
    %iota3A_8 = tpu.iota {dimensions = array<i32: 1>} : vector<1x256xi32>
    %shift_right_arithmetic3A = arith.constant 4 : i32
    %shift_right_arithmetic3A_9 = vector.broadcast %shift_right_arithmetic3A : i32 to vector<256x1xi32>
    %shift_right_arithmetic3A_10 = arith.shrsi %iota3A, %shift_right_arithmetic3A_9 : vector<256x1xi32>
    %shift_right_arithmetic3A_11 = arith.constant 4 : i32
    %shift_right_arithmetic3A_12 = vector.broadcast %shift_right_arithmetic3A_11 : i32 to vector<1x256xi32>
    %shift_right_arithmetic3A_13 = arith.shrsi %iota3A_8, %shift_right_arithmetic3A_12 : vector<1x256xi32>
    %eq3A = vector.broadcast %shift_right_arithmetic3A_10 : vector<256x1xi32> to vector<256x256xi32>
    %eq3A_14 = vector.broadcast %shift_right_arithmetic3A_13 : vector<1x256xi32> to vector<256x256xi32>
    %eq3A_15 = arith.cmpi eq, %eq3A, %eq3A_14 : vector<256x256xi32>
    %lt3A = vector.broadcast %get3A_4 : vector<256x1xf32> to vector<256x256xf32>
    %lt3A_16 = vector.broadcast %get3A_7 : vector<1x256xf32> to vector<256x256xf32>
    %lt3A_17 = arith.cmpf olt, %lt3A, %lt3A_16 : vector<256x256xf32>
    %eq3A_18 = vector.broadcast %get3A_4 : vector<256x1xf32> to vector<256x256xf32>
    %eq3A_19 = vector.broadcast %get3A_7 : vector<1x256xf32> to vector<256x256xf32>
    %eq3A_20 = arith.cmpf oeq, %eq3A_18, %eq3A_19 : vector<256x256xf32>
    %lt3A_21 = vector.broadcast %iota3A : vector<256x1xi32> to vector<256x256xi32>
    %lt3A_22 = vector.broadcast %iota3A_8 : vector<1x256xi32> to vector<256x256xi32>
    %lt3A_23 = arith.cmpi slt, %lt3A_21, %lt3A_22 : vector<256x256xi32>
    %and3A = arith.andi %eq3A_20, %lt3A_23 : vector<256x256xi1>
    %or3A = arith.ori %lt3A_17, %and3A : vector<256x256xi1>
    %and3A_24 = arith.andi %eq3A_15, %or3A : vector<256x256xi1>
    %convert_element_type3A = arith.extui %and3A_24 : vector<256x256xi1> to vector<256x256xi32>
    %reduce_sum3A = arith.constant dense<0> : vector<256xi32>
    %reduce_sum3A_25 = vector.multi_reduction <add>, %convert_element_type3A, %reduce_sum3A [0] : vector<256x256xi32> to vector<256xi32>
    %broadcast_in_dim3A = vector.shape_cast %reduce_sum3A_25 : vector<256xi32> to vector<1x256xi32>
    %and3A_26 = arith.constant 15 : i32
    %and3A_27 = vector.broadcast %and3A_26 : i32 to vector<256x1xi32>
    %and3A_28 = arith.andi %iota3A, %and3A_27 : vector<256x1xi32>
    %eq3A_29 = vector.broadcast %broadcast_in_dim3A : vector<1x256xi32> to vector<256x256xi32>
    %eq3A_30 = vector.broadcast %and3A_28 : vector<256x1xi32> to vector<256x256xi32>
    %eq3A_31 = arith.cmpi eq, %eq3A_29, %eq3A_30 : vector<256x256xi32>
    %and3A_32 = arith.andi %eq3A_15, %eq3A_31 : vector<256x256xi1>
    %convert_element_type3A_33 = arith.extui %and3A_32 : vector<256x256xi1> to vector<256x256xi32>
    %convert_element_type3A_34 = arith.sitofp %convert_element_type3A_33 : vector<256x256xi32> to vector<256x256xf32>
    %dot_general3A = arith.constant dense<0.000000e+00> : vector<256x128xf32>
    %dot_general3A_35 = tpu.matmul %convert_element_type3A_34, %get3A_1, %dot_general3A {dimension_numbers = #tpu.dot_dimension_numbers<[1], [0], [0], [1], [0, 0, 1, 1], [], []>, transpose_lhs_hint = false} : vector<256x256xf32>, vector<256x128xf32>, vector<256x128xf32> -> vector<256x128xf32>
    %slice3A = vector.extract_strided_slice %dot_general3A_35 {offsets = [0, 0], sizes = [128, 128], strides = [1, 1]} : vector<256x128xf32> to vector<128x128xf32>
    %slice3A_36 = vector.extract_strided_slice %dot_general3A_35 {offsets = [128, 0], sizes = [128, 128], strides = [1, 1]} : vector<256x128xf32> to vector<128x128xf32>
    %sub3A = arith.subf %slice3A, %slice3A_36 : vector<128x128xf32>
    %mul3A = arith.mulf %sub3A, %sub3A : vector<128x128xf32>
    %reduce_sum3A_37 = vector.shape_cast %mul3A : vector<128x128xf32> to vector<1x128x128xf32>
    %reduce_sum3A_38 = arith.constant dense<0.000000e+00> : vector<1xf32>
    %reduce_sum3A_39 = vector.multi_reduction <add>, %reduce_sum3A_37, %reduce_sum3A_38 [1, 2] : vector<1x128x128xf32> to vector<1xf32>
    %reduce_sum3A_40 = vector.shape_cast %reduce_sum3A_39 : vector<1xf32> to vector<1x1x1xf32>
    %reduce_sum3A_41 = vector.extract %reduce_sum3A_40[0, 0, 0] : f32 from vector<1x1x1xf32>
    %div3A = arith.constant 1.638400e+04 : f32
    %div3A_42 = arith.divf %reduce_sum3A_41, %div3A : f32
    %iota3A_43 = tpu.iota {dimensions = array<i32: 1>} : vector<1x32xi32>
    %broadcast_in_dim3A_44 = arith.constant 0.000000e+00 : f32
    %broadcast_in_dim3A_45 = vector.broadcast %broadcast_in_dim3A_44 : f32 to vector<16x32xf32>
    %get3A_46 = arith.constant 0 : index
    %get3A_47 = arith.constant 0 : index
    %get3A_48 = vector.load %arg3[%get3A_46, %get3A_47] : memref<16x16xf32, #tpu.memory_space<vmem>>, vector<16x1xf32>
    %get3A_49 = arith.constant 0 : index
    %get3A_50 = arith.constant 0 : index
    %get3A_51 = vector.load %arg4[%get3A_49, %get3A_50] : memref<16x16xi32, #tpu.memory_space<vmem>>, vector<16x1xi32>
    %eq3A_52 = vector.broadcast %iota3A_43 : vector<1x32xi32> to vector<16x32xi32>
    %eq3A_53 = vector.broadcast %get3A_51 : vector<16x1xi32> to vector<16x32xi32>
    %eq3A_54 = arith.cmpi eq, %eq3A_52, %eq3A_53 : vector<16x32xi32>
    %mul3A_55 = arith.mulf %get3A_48, %get3A_48 : vector<16x1xf32>
    %jit3A = arith.constant 0.000000e+00 : f32
    %broadcast_in_dim3A_56 = vector.shape_cast %mul3A_55 : vector<16x1xf32> to vector<16x1xf32>
    %broadcast_in_dim3A_57 = vector.broadcast %broadcast_in_dim3A_56 : vector<16x1xf32> to vector<16x32xf32>
    %broadcast_in_dim3A_58 = vector.broadcast %jit3A : f32 to vector<16x32xf32>
    %select_n3A = arith.select %eq3A_54, %broadcast_in_dim3A_57, %broadcast_in_dim3A_58 : vector<16x32xi1>, vector<16x32xf32>
    %add3A = arith.addf %broadcast_in_dim3A_45, %select_n3A : vector<16x32xf32>
    %get3A_59 = arith.constant 0 : index
    %get3A_60 = arith.constant 1 : index
    %get3A_61 = vector.load %arg3[%get3A_59, %get3A_60] : memref<16x16xf32, #tpu.memory_space<vmem>>, vector<16x1xf32>
    %get3A_62 = arith.constant 0 : index
    %get3A_63 = arith.constant 1 : index
    %get3A_64 = vector.load %arg4[%get3A_62, %get3A_63] : memref<16x16xi32, #tpu.memory_space<vmem>>, vector<16x1xi32>
    %eq3A_65 = vector.broadcast %iota3A_43 : vector<1x32xi32> to vector<16x32xi32>
    %eq3A_66 = vector.broadcast %get3A_64 : vector<16x1xi32> to vector<16x32xi32>
    %eq3A_67 = arith.cmpi eq, %eq3A_65, %eq3A_66 : vector<16x32xi32>
    %mul3A_68 = arith.mulf %get3A_61, %get3A_61 : vector<16x1xf32>
    %jit3A_69 = arith.constant 0.000000e+00 : f32
    %broadcast_in_dim3A_70 = vector.shape_cast %mul3A_68 : vector<16x1xf32> to vector<16x1xf32>
    %broadcast_in_dim3A_71 = vector.broadcast %broadcast_in_dim3A_70 : vector<16x1xf32> to vector<16x32xf32>
    %broadcast_in_dim3A_72 = vector.broadcast %jit3A_69 : f32 to vector<16x32xf32>
    %select_n3A_73 = arith.select %eq3A_67, %broadcast_in_dim3A_71, %broadcast_in_dim3A_72 : vector<16x32xi1>, vector<16x32xf32>
    %add3A_74 = arith.addf %add3A, %select_n3A_73 : vector<16x32xf32>
    %get3A_75 = arith.constant 0 : index
    %get3A_76 = arith.constant 2 : index
    %get3A_77 = vector.load %arg3[%get3A_75, %get3A_76] : memref<16x16xf32, #tpu.memory_space<vmem>>, vector<16x1xf32>
    %get3A_78 = arith.constant 0 : index
    %get3A_79 = arith.constant 2 : index
    %get3A_80 = vector.load %arg4[%get3A_78, %get3A_79] : memref<16x16xi32, #tpu.memory_space<vmem>>, vector<16x1xi32>
    %eq3A_81 = vector.broadcast %iota3A_43 : vector<1x32xi32> to vector<16x32xi32>
    %eq3A_82 = vector.broadcast %get3A_80 : vector<16x1xi32> to vector<16x32xi32>
    %eq3A_83 = arith.cmpi eq, %eq3A_81, %eq3A_82 : vector<16x32xi32>
    %mul3A_84 = arith.mulf %get3A_77, %get3A_77 : vector<16x1xf32>
    %jit3A_85 = arith.constant 0.000000e+00 : f32
    %broadcast_in_dim3A_86 = vector.shape_cast %mul3A_84 : vector<16x1xf32> to vector<16x1xf32>
    %broadcast_in_dim3A_87 = vector.broadcast %broadcast_in_dim3A_86 : vector<16x1xf32> to vector<16x32xf32>
    %broadcast_in_dim3A_88 = vector.broadcast %jit3A_85 : f32 to vector<16x32xf32>
    %select_n3A_89 = arith.select %eq3A_83, %broadcast_in_dim3A_87, %broadcast_in_dim3A_88 : vector<16x32xi1>, vector<16x32xf32>
    %add3A_90 = arith.addf %add3A_74, %select_n3A_89 : vector<16x32xf32>
    %get3A_91 = arith.constant 0 : index
    %get3A_92 = arith.constant 3 : index
    %get3A_93 = vector.load %arg3[%get3A_91, %get3A_92] : memref<16x16xf32, #tpu.memory_space<vmem>>, vector<16x1xf32>
    %get3A_94 = arith.constant 0 : index
    %get3A_95 = arith.constant 3 : index
    %get3A_96 = vector.load %arg4[%get3A_94, %get3A_95] : memref<16x16xi32, #tpu.memory_space<vmem>>, vector<16x1xi32>
    %eq3A_97 = vector.broadcast %iota3A_43 : vector<1x32xi32> to vector<16x32xi32>
    %eq3A_98 = vector.broadcast %get3A_96 : vector<16x1xi32> to vector<16x32xi32>
    %eq3A_99 = arith.cmpi eq, %eq3A_97, %eq3A_98 : vector<16x32xi32>
    %mul3A_100 = arith.mulf %get3A_93, %get3A_93 : vector<16x1xf32>
    %jit3A_101 = arith.constant 0.000000e+00 : f32
    %broadcast_in_dim3A_102 = vector.shape_cast %mul3A_100 : vector<16x1xf32> to vector<16x1xf32>
    %broadcast_in_dim3A_103 = vector.broadcast %broadcast_in_dim3A_102 : vector<16x1xf32> to vector<16x32xf32>
    %broadcast_in_dim3A_104 = vector.broadcast %jit3A_101 : f32 to vector<16x32xf32>
    %select_n3A_105 = arith.select %eq3A_99, %broadcast_in_dim3A_103, %broadcast_in_dim3A_104 : vector<16x32xi1>, vector<16x32xf32>
    %add3A_106 = arith.addf %add3A_90, %select_n3A_105 : vector<16x32xf32>
    %get3A_107 = arith.constant 0 : index
    %get3A_108 = arith.constant 4 : index
    %get3A_109 = vector.load %arg3[%get3A_107, %get3A_108] : memref<16x16xf32, #tpu.memory_space<vmem>>, vector<16x1xf32>
    %get3A_110 = arith.constant 0 : index
    %get3A_111 = arith.constant 4 : index
    %get3A_112 = vector.load %arg4[%get3A_110, %get3A_111] : memref<16x16xi32, #tpu.memory_space<vmem>>, vector<16x1xi32>
    %eq3A_113 = vector.broadcast %iota3A_43 : vector<1x32xi32> to vector<16x32xi32>
    %eq3A_114 = vector.broadcast %get3A_112 : vector<16x1xi32> to vector<16x32xi32>
    %eq3A_115 = arith.cmpi eq, %eq3A_113, %eq3A_114 : vector<16x32xi32>
    %mul3A_116 = arith.mulf %get3A_109, %get3A_109 : vector<16x1xf32>
    %jit3A_117 = arith.constant 0.000000e+00 : f32
    %broadcast_in_dim3A_118 = vector.shape_cast %mul3A_116 : vector<16x1xf32> to vector<16x1xf32>
    %broadcast_in_dim3A_119 = vector.broadcast %broadcast_in_dim3A_118 : vector<16x1xf32> to vector<16x32xf32>
    %broadcast_in_dim3A_120 = vector.broadcast %jit3A_117 : f32 to vector<16x32xf32>
    %select_n3A_121 = arith.select %eq3A_115, %broadcast_in_dim3A_119, %broadcast_in_dim3A_120 : vector<16x32xi1>, vector<16x32xf32>
    %add3A_122 = arith.addf %add3A_106, %select_n3A_121 : vector<16x32xf32>
    %get3A_123 = arith.constant 0 : index
    %get3A_124 = arith.constant 5 : index
    %get3A_125 = vector.load %arg3[%get3A_123, %get3A_124] : memref<16x16xf32, #tpu.memory_space<vmem>>, vector<16x1xf32>
    %get3A_126 = arith.constant 0 : index
    %get3A_127 = arith.constant 5 : index
    %get3A_128 = vector.load %arg4[%get3A_126, %get3A_127] : memref<16x16xi32, #tpu.memory_space<vmem>>, vector<16x1xi32>
    %eq3A_129 = vector.broadcast %iota3A_43 : vector<1x32xi32> to vector<16x32xi32>
    %eq3A_130 = vector.broadcast %get3A_128 : vector<16x1xi32> to vector<16x32xi32>
    %eq3A_131 = arith.cmpi eq, %eq3A_129, %eq3A_130 : vector<16x32xi32>
    %mul3A_132 = arith.mulf %get3A_125, %get3A_125 : vector<16x1xf32>
    %jit3A_133 = arith.constant 0.000000e+00 : f32
    %broadcast_in_dim3A_134 = vector.shape_cast %mul3A_132 : vector<16x1xf32> to vector<16x1xf32>
    %broadcast_in_dim3A_135 = vector.broadcast %broadcast_in_dim3A_134 : vector<16x1xf32> to vector<16x32xf32>
    %broadcast_in_dim3A_136 = vector.broadcast %jit3A_133 : f32 to vector<16x32xf32>
    %select_n3A_137 = arith.select %eq3A_131, %broadcast_in_dim3A_135, %broadcast_in_dim3A_136 : vector<16x32xi1>, vector<16x32xf32>
    %add3A_138 = arith.addf %add3A_122, %select_n3A_137 : vector<16x32xf32>
    %get3A_139 = arith.constant 0 : index
    %get3A_140 = arith.constant 6 : index
    %get3A_141 = vector.load %arg3[%get3A_139, %get3A_140] : memref<16x16xf32, #tpu.memory_space<vmem>>, vector<16x1xf32>
    %get3A_142 = arith.constant 0 : index
    %get3A_143 = arith.constant 6 : index
    %get3A_144 = vector.load %arg4[%get3A_142, %get3A_143] : memref<16x16xi32, #tpu.memory_space<vmem>>, vector<16x1xi32>
    %eq3A_145 = vector.broadcast %iota3A_43 : vector<1x32xi32> to vector<16x32xi32>
    %eq3A_146 = vector.broadcast %get3A_144 : vector<16x1xi32> to vector<16x32xi32>
    %eq3A_147 = arith.cmpi eq, %eq3A_145, %eq3A_146 : vector<16x32xi32>
    %mul3A_148 = arith.mulf %get3A_141, %get3A_141 : vector<16x1xf32>
    %jit3A_149 = arith.constant 0.000000e+00 : f32
    %broadcast_in_dim3A_150 = vector.shape_cast %mul3A_148 : vector<16x1xf32> to vector<16x1xf32>
    %broadcast_in_dim3A_151 = vector.broadcast %broadcast_in_dim3A_150 : vector<16x1xf32> to vector<16x32xf32>
    %broadcast_in_dim3A_152 = vector.broadcast %jit3A_149 : f32 to vector<16x32xf32>
    %select_n3A_153 = arith.select %eq3A_147, %broadcast_in_dim3A_151, %broadcast_in_dim3A_152 : vector<16x32xi1>, vector<16x32xf32>
    %add3A_154 = arith.addf %add3A_138, %select_n3A_153 : vector<16x32xf32>
    %get3A_155 = arith.constant 0 : index
    %get3A_156 = arith.constant 7 : index
    %get3A_157 = vector.load %arg3[%get3A_155, %get3A_156] : memref<16x16xf32, #tpu.memory_space<vmem>>, vector<16x1xf32>
    %get3A_158 = arith.constant 0 : index
    %get3A_159 = arith.constant 7 : index
    %get3A_160 = vector.load %arg4[%get3A_158, %get3A_159] : memref<16x16xi32, #tpu.memory_space<vmem>>, vector<16x1xi32>
    %eq3A_161 = vector.broadcast %iota3A_43 : vector<1x32xi32> to vector<16x32xi32>
    %eq3A_162 = vector.broadcast %get3A_160 : vector<16x1xi32> to vector<16x32xi32>
    %eq3A_163 = arith.cmpi eq, %eq3A_161, %eq3A_162 : vector<16x32xi32>
    %mul3A_164 = arith.mulf %get3A_157, %get3A_157 : vector<16x1xf32>
    %jit3A_165 = arith.constant 0.000000e+00 : f32
    %broadcast_in_dim3A_166 = vector.shape_cast %mul3A_164 : vector<16x1xf32> to vector<16x1xf32>
    %broadcast_in_dim3A_167 = vector.broadcast %broadcast_in_dim3A_166 : vector<16x1xf32> to vector<16x32xf32>
    %broadcast_in_dim3A_168 = vector.broadcast %jit3A_165 : f32 to vector<16x32xf32>
    %select_n3A_169 = arith.select %eq3A_163, %broadcast_in_dim3A_167, %broadcast_in_dim3A_168 : vector<16x32xi1>, vector<16x32xf32>
    %add3A_170 = arith.addf %add3A_154, %select_n3A_169 : vector<16x32xf32>
    %get3A_171 = arith.constant 0 : index
    %get3A_172 = arith.constant 8 : index
    %get3A_173 = vector.load %arg3[%get3A_171, %get3A_172] : memref<16x16xf32, #tpu.memory_space<vmem>>, vector<16x1xf32>
    %get3A_174 = arith.constant 0 : index
    %get3A_175 = arith.constant 8 : index
    %get3A_176 = vector.load %arg4[%get3A_174, %get3A_175] : memref<16x16xi32, #tpu.memory_space<vmem>>, vector<16x1xi32>
    %eq3A_177 = vector.broadcast %iota3A_43 : vector<1x32xi32> to vector<16x32xi32>
    %eq3A_178 = vector.broadcast %get3A_176 : vector<16x1xi32> to vector<16x32xi32>
    %eq3A_179 = arith.cmpi eq, %eq3A_177, %eq3A_178 : vector<16x32xi32>
    %mul3A_180 = arith.mulf %get3A_173, %get3A_173 : vector<16x1xf32>
    %jit3A_181 = arith.constant 0.000000e+00 : f32
    %broadcast_in_dim3A_182 = vector.shape_cast %mul3A_180 : vector<16x1xf32> to vector<16x1xf32>
    %broadcast_in_dim3A_183 = vector.broadcast %broadcast_in_dim3A_182 : vector<16x1xf32> to vector<16x32xf32>
    %broadcast_in_dim3A_184 = vector.broadcast %jit3A_181 : f32 to vector<16x32xf32>
    %select_n3A_185 = arith.select %eq3A_179, %broadcast_in_dim3A_183, %broadcast_in_dim3A_184 : vector<16x32xi1>, vector<16x32xf32>
    %add3A_186 = arith.addf %add3A_170, %select_n3A_185 : vector<16x32xf32>
    %get3A_187 = arith.constant 0 : index
    %get3A_188 = arith.constant 9 : index
    %get3A_189 = vector.load %arg3[%get3A_187, %get3A_188] : memref<16x16xf32, #tpu.memory_space<vmem>>, vector<16x1xf32>
    %get3A_190 = arith.constant 0 : index
    %get3A_191 = arith.constant 9 : index
    %get3A_192 = vector.load %arg4[%get3A_190, %get3A_191] : memref<16x16xi32, #tpu.memory_space<vmem>>, vector<16x1xi32>
    %eq3A_193 = vector.broadcast %iota3A_43 : vector<1x32xi32> to vector<16x32xi32>
    %eq3A_194 = vector.broadcast %get3A_192 : vector<16x1xi32> to vector<16x32xi32>
    %eq3A_195 = arith.cmpi eq, %eq3A_193, %eq3A_194 : vector<16x32xi32>
    %mul3A_196 = arith.mulf %get3A_189, %get3A_189 : vector<16x1xf32>
    %jit3A_197 = arith.constant 0.000000e+00 : f32
    %broadcast_in_dim3A_198 = vector.shape_cast %mul3A_196 : vector<16x1xf32> to vector<16x1xf32>
    %broadcast_in_dim3A_199 = vector.broadcast %broadcast_in_dim3A_198 : vector<16x1xf32> to vector<16x32xf32>
    %broadcast_in_dim3A_200 = vector.broadcast %jit3A_197 : f32 to vector<16x32xf32>
    %select_n3A_201 = arith.select %eq3A_195, %broadcast_in_dim3A_199, %broadcast_in_dim3A_200 : vector<16x32xi1>, vector<16x32xf32>
    %add3A_202 = arith.addf %add3A_186, %select_n3A_201 : vector<16x32xf32>
    %get3A_203 = arith.constant 0 : index
    %get3A_204 = arith.constant 10 : index
    %get3A_205 = vector.load %arg3[%get3A_203, %get3A_204] : memref<16x16xf32, #tpu.memory_space<vmem>>, vector<16x1xf32>
    %get3A_206 = arith.constant 0 : index
    %get3A_207 = arith.constant 10 : index
    %get3A_208 = vector.load %arg4[%get3A_206, %get3A_207] : memref<16x16xi32, #tpu.memory_space<vmem>>, vector<16x1xi32>
    %eq3A_209 = vector.broadcast %iota3A_43 : vector<1x32xi32> to vector<16x32xi32>
    %eq3A_210 = vector.broadcast %get3A_208 : vector<16x1xi32> to vector<16x32xi32>
    %eq3A_211 = arith.cmpi eq, %eq3A_209, %eq3A_210 : vector<16x32xi32>
    %mul3A_212 = arith.mulf %get3A_205, %get3A_205 : vector<16x1xf32>
    %jit3A_213 = arith.constant 0.000000e+00 : f32
    %broadcast_in_dim3A_214 = vector.shape_cast %mul3A_212 : vector<16x1xf32> to vector<16x1xf32>
    %broadcast_in_dim3A_215 = vector.broadcast %broadcast_in_dim3A_214 : vector<16x1xf32> to vector<16x32xf32>
    %broadcast_in_dim3A_216 = vector.broadcast %jit3A_213 : f32 to vector<16x32xf32>
    %select_n3A_217 = arith.select %eq3A_211, %broadcast_in_dim3A_215, %broadcast_in_dim3A_216 : vector<16x32xi1>, vector<16x32xf32>
    %add3A_218 = arith.addf %add3A_202, %select_n3A_217 : vector<16x32xf32>
    %get3A_219 = arith.constant 0 : index
    %get3A_220 = arith.constant 11 : index
    %get3A_221 = vector.load %arg3[%get3A_219, %get3A_220] : memref<16x16xf32, #tpu.memory_space<vmem>>, vector<16x1xf32>
    %get3A_222 = arith.constant 0 : index
    %get3A_223 = arith.constant 11 : index
    %get3A_224 = vector.load %arg4[%get3A_222, %get3A_223] : memref<16x16xi32, #tpu.memory_space<vmem>>, vector<16x1xi32>
    %eq3A_225 = vector.broadcast %iota3A_43 : vector<1x32xi32> to vector<16x32xi32>
    %eq3A_226 = vector.broadcast %get3A_224 : vector<16x1xi32> to vector<16x32xi32>
    %eq3A_227 = arith.cmpi eq, %eq3A_225, %eq3A_226 : vector<16x32xi32>
    %mul3A_228 = arith.mulf %get3A_221, %get3A_221 : vector<16x1xf32>
    %jit3A_229 = arith.constant 0.000000e+00 : f32
    %broadcast_in_dim3A_230 = vector.shape_cast %mul3A_228 : vector<16x1xf32> to vector<16x1xf32>
    %broadcast_in_dim3A_231 = vector.broadcast %broadcast_in_dim3A_230 : vector<16x1xf32> to vector<16x32xf32>
    %broadcast_in_dim3A_232 = vector.broadcast %jit3A_229 : f32 to vector<16x32xf32>
    %select_n3A_233 = arith.select %eq3A_227, %broadcast_in_dim3A_231, %broadcast_in_dim3A_232 : vector<16x32xi1>, vector<16x32xf32>
    %add3A_234 = arith.addf %add3A_218, %select_n3A_233 : vector<16x32xf32>
    %get3A_235 = arith.constant 0 : index
    %get3A_236 = arith.constant 12 : index
    %get3A_237 = vector.load %arg3[%get3A_235, %get3A_236] : memref<16x16xf32, #tpu.memory_space<vmem>>, vector<16x1xf32>
    %get3A_238 = arith.constant 0 : index
    %get3A_239 = arith.constant 12 : index
    %get3A_240 = vector.load %arg4[%get3A_238, %get3A_239] : memref<16x16xi32, #tpu.memory_space<vmem>>, vector<16x1xi32>
    %eq3A_241 = vector.broadcast %iota3A_43 : vector<1x32xi32> to vector<16x32xi32>
    %eq3A_242 = vector.broadcast %get3A_240 : vector<16x1xi32> to vector<16x32xi32>
    %eq3A_243 = arith.cmpi eq, %eq3A_241, %eq3A_242 : vector<16x32xi32>
    %mul3A_244 = arith.mulf %get3A_237, %get3A_237 : vector<16x1xf32>
    %jit3A_245 = arith.constant 0.000000e+00 : f32
    %broadcast_in_dim3A_246 = vector.shape_cast %mul3A_244 : vector<16x1xf32> to vector<16x1xf32>
    %broadcast_in_dim3A_247 = vector.broadcast %broadcast_in_dim3A_246 : vector<16x1xf32> to vector<16x32xf32>
    %broadcast_in_dim3A_248 = vector.broadcast %jit3A_245 : f32 to vector<16x32xf32>
    %select_n3A_249 = arith.select %eq3A_243, %broadcast_in_dim3A_247, %broadcast_in_dim3A_248 : vector<16x32xi1>, vector<16x32xf32>
    %add3A_250 = arith.addf %add3A_234, %select_n3A_249 : vector<16x32xf32>
    %get3A_251 = arith.constant 0 : index
    %get3A_252 = arith.constant 13 : index
    %get3A_253 = vector.load %arg3[%get3A_251, %get3A_252] : memref<16x16xf32, #tpu.memory_space<vmem>>, vector<16x1xf32>
    %get3A_254 = arith.constant 0 : index
    %get3A_255 = arith.constant 13 : index
    %get3A_256 = vector.load %arg4[%get3A_254, %get3A_255] : memref<16x16xi32, #tpu.memory_space<vmem>>, vector<16x1xi32>
    %eq3A_257 = vector.broadcast %iota3A_43 : vector<1x32xi32> to vector<16x32xi32>
    %eq3A_258 = vector.broadcast %get3A_256 : vector<16x1xi32> to vector<16x32xi32>
    %eq3A_259 = arith.cmpi eq, %eq3A_257, %eq3A_258 : vector<16x32xi32>
    %mul3A_260 = arith.mulf %get3A_253, %get3A_253 : vector<16x1xf32>
    %jit3A_261 = arith.constant 0.000000e+00 : f32
    %broadcast_in_dim3A_262 = vector.shape_cast %mul3A_260 : vector<16x1xf32> to vector<16x1xf32>
    %broadcast_in_dim3A_263 = vector.broadcast %broadcast_in_dim3A_262 : vector<16x1xf32> to vector<16x32xf32>
    %broadcast_in_dim3A_264 = vector.broadcast %jit3A_261 : f32 to vector<16x32xf32>
    %select_n3A_265 = arith.select %eq3A_259, %broadcast_in_dim3A_263, %broadcast_in_dim3A_264 : vector<16x32xi1>, vector<16x32xf32>
    %add3A_266 = arith.addf %add3A_250, %select_n3A_265 : vector<16x32xf32>
    %get3A_267 = arith.constant 0 : index
    %get3A_268 = arith.constant 14 : index
    %get3A_269 = vector.load %arg3[%get3A_267, %get3A_268] : memref<16x16xf32, #tpu.memory_space<vmem>>, vector<16x1xf32>
    %get3A_270 = arith.constant 0 : index
    %get3A_271 = arith.constant 14 : index
    %get3A_272 = vector.load %arg4[%get3A_270, %get3A_271] : memref<16x16xi32, #tpu.memory_space<vmem>>, vector<16x1xi32>
    %eq3A_273 = vector.broadcast %iota3A_43 : vector<1x32xi32> to vector<16x32xi32>
    %eq3A_274 = vector.broadcast %get3A_272 : vector<16x1xi32> to vector<16x32xi32>
    %eq3A_275 = arith.cmpi eq, %eq3A_273, %eq3A_274 : vector<16x32xi32>
    %mul3A_276 = arith.mulf %get3A_269, %get3A_269 : vector<16x1xf32>
    %jit3A_277 = arith.constant 0.000000e+00 : f32
    %broadcast_in_dim3A_278 = vector.shape_cast %mul3A_276 : vector<16x1xf32> to vector<16x1xf32>
    %broadcast_in_dim3A_279 = vector.broadcast %broadcast_in_dim3A_278 : vector<16x1xf32> to vector<16x32xf32>
    %broadcast_in_dim3A_280 = vector.broadcast %jit3A_277 : f32 to vector<16x32xf32>
    %select_n3A_281 = arith.select %eq3A_275, %broadcast_in_dim3A_279, %broadcast_in_dim3A_280 : vector<16x32xi1>, vector<16x32xf32>
    %add3A_282 = arith.addf %add3A_266, %select_n3A_281 : vector<16x32xf32>
    %get3A_283 = arith.constant 0 : index
    %get3A_284 = arith.constant 15 : index
    %get3A_285 = vector.load %arg3[%get3A_283, %get3A_284] : memref<16x16xf32, #tpu.memory_space<vmem>>, vector<16x1xf32>
    %get3A_286 = arith.constant 0 : index
    %get3A_287 = arith.constant 15 : index
    %get3A_288 = vector.load %arg4[%get3A_286, %get3A_287] : memref<16x16xi32, #tpu.memory_space<vmem>>, vector<16x1xi32>
    %eq3A_289 = vector.broadcast %iota3A_43 : vector<1x32xi32> to vector<16x32xi32>
    %eq3A_290 = vector.broadcast %get3A_288 : vector<16x1xi32> to vector<16x32xi32>
    %eq3A_291 = arith.cmpi eq, %eq3A_289, %eq3A_290 : vector<16x32xi32>
    %mul3A_292 = arith.mulf %get3A_285, %get3A_285 : vector<16x1xf32>
    %jit3A_293 = arith.constant 0.000000e+00 : f32
    %broadcast_in_dim3A_294 = vector.shape_cast %mul3A_292 : vector<16x1xf32> to vector<16x1xf32>
    %broadcast_in_dim3A_295 = vector.broadcast %broadcast_in_dim3A_294 : vector<16x1xf32> to vector<16x32xf32>
    %broadcast_in_dim3A_296 = vector.broadcast %jit3A_293 : f32 to vector<16x32xf32>
    %select_n3A_297 = arith.select %eq3A_291, %broadcast_in_dim3A_295, %broadcast_in_dim3A_296 : vector<16x32xi1>, vector<16x32xf32>
    %add3A_298 = arith.addf %add3A_282, %select_n3A_297 : vector<16x32xf32>
    %get3A_299 = arith.constant 0 : index
    %get3A_300 = arith.constant 0 : index
    %get3A_301 = vector.load %arg5[%get3A_299, %get3A_300] : memref<16x32xf32, #tpu.memory_space<vmem>>, vector<16x32xf32>
    %sub3A_302 = arith.subf %get3A_301, %add3A_298 : vector<16x32xf32>
    %max3A = arith.constant 0.000000e+00 : f32
    %max3A_303 = vector.broadcast %max3A : f32 to vector<16x32xf32>
    %max3A_304 = arith.maximumf %sub3A_302, %max3A_303 : vector<16x32xf32>
    %sqrt3A = math.sqrt %max3A_304 : vector<16x32xf32>
    %slice3A_305 = vector.extract_strided_slice %sqrt3A {offsets = [0, 0], sizes = [8, 32], strides = [1, 1]} : vector<16x32xf32> to vector<8x32xf32>
    %slice3A_306 = vector.extract_strided_slice %sqrt3A {offsets = [8, 0], sizes = [8, 32], strides = [1, 1]} : vector<16x32xf32> to vector<8x32xf32>
    %sub3A_307 = arith.subf %slice3A_305, %slice3A_306 : vector<8x32xf32>
    %abs3A = math.absf %sub3A_307 : vector<8x32xf32>
    %reduce_sum3A_308 = vector.shape_cast %abs3A : vector<8x32xf32> to vector<1x8x32xf32>
    %reduce_sum3A_309 = arith.constant dense<0.000000e+00> : vector<1xf32>
    %reduce_sum3A_310 = vector.multi_reduction <add>, %reduce_sum3A_308, %reduce_sum3A_309 [1, 2] : vector<1x8x32xf32> to vector<1xf32>
    %reduce_sum3A_311 = vector.shape_cast %reduce_sum3A_310 : vector<1xf32> to vector<1x1x1xf32>
    %reduce_sum3A_312 = vector.extract %reduce_sum3A_311[0, 0, 0] : f32 from vector<1x1x1xf32>
    %div3A_313 = arith.constant 2.560000e+02 : f32
    %div3A_314 = arith.divf %reduce_sum3A_312, %div3A_313 : f32
    %add3A_315 = arith.addf %div3A_42, %div3A_314 : f32
    %broadcast_in_dim3A_316 = vector.broadcast %add3A_315 : f32 to vector<1x1xf32>
    %swap3A = arith.constant 0 : index
    %swap3A_317 = arith.constant 0 : index
    %swap3A_318 = vector.load %arg6[%swap3A, %swap3A_317] : memref<1x1xf32, #tpu.memory_space<vmem>>, vector<1x1xf32>
    tpu.vector_store %arg6[%swap3A, %swap3A_317], %broadcast_in_dim3A_316 {strides = array<i32>} : memref<1x1xf32, #tpu.memory_space<vmem>>, vector<1x1xf32>,
    return
  }
}

</mosaic_0001>

<sc_bundles>
// kernel: kernel.5.cloned.1.call-start
scs
__scs_entry_jumppad:
0x0: {  	(pc) =	sbr.rel $0x88, $3  }
0x1: {  	(tag) =	ssettag $0x0;
	lr =	simm.s32 $0x1  }
0x2: {  	[smem:$0x3F9D] =	sst lr;
	_ =	strace $0xD0000000  }
0x3: {  	_ = 	snop  }
0x4: {  	_ = 	snop  }
0x5: {  	_ = 	snop  }
0x6: {  	_ = 	snop  }
0x7: {  	_ = 	snop  }
__scs_overlays_trampoline_lowered:
0x8: {  	[smem:$0x3FAC] =	sst s0  }
0x9: {  	[smem:$0x3FAD] =	sst s1  }
0xa: {  	[smem:$0x3FAE] =	sst s2  }
0xb: {  	[smem:$0x3FAF] =	sst s3  }
0xc: {  	[smem:$0x3FB0] =	sst s4  }
0xd: {  	[smem:$0x3FB1] =	sst s5  }
0xe: {  	[smem:$0x3FB2] =	sst s6  }
0xf: {  	[smem:$0x3FB3] =	sst s7  }
0x10: {  	[smem:$0x3FB4] =	sst s8  }
0x11: {  	[smem:$0x3FB5] =	sst s9;
	s0 =	simm.s32 @!p0 $0x0  }
0x12: {  	s1 =	sld [smem:$0x3F9B];
	s0 =	simm.s32 @p0 $0x1  }
0x13: {  	[smem:$0x3FB6] =	sst s0;
	s0 =	simm.s32 @!p1 $0x0  }
0x14: {  	s2 =	sld [smem:$0x3F9A];
	s0 =	simm.s32 @p1 $0x1  }
0x15: {  	[smem:$0x3FB7] =	sst s0;
	s0 =	simm.s32 @!p2 $0x0  }
0x16: {  	s3 =	sld [smem:$0x3FDB];
	s0 =	simm.s32 @p2 $0x1  }
0x17: {  	s4 =	simm.s32 $0x1BF5;
	[smem:$0x3FB9] =	sst s0  }
0x18: {  	s0 =	sld [smem:$0x3F9C];
	_ =	swait.ge [sflag:s4], $0x0  }
0x19: {  	s7 =	sld [smem:$0x3F9D]  }
0x1a: {  	s8 =	sadd.s32 $0xFFFFE003, lr  }
0x1b: {  	s9 =	sadd.s32 $0xFFFFFEF7, lr;
	s5 =	simm.s32 $0xFFFFFFFF;
	p2 =	slt.u32 s8, $0xFFFFF086  }
0x1c: {  	p1 =	slt.u32 s9, $0xF7A;
	s5 =	simm.s32 @!p2 $0x0  }
0x1d: {  	s5 =	simm.s32 @p1 $0x1;
	p0 =	seq.s32 s7, s2  }
0x1e: {  	s7 =	smul.u32 @!p0 $0xF7A, s2;
	p2 =	seq.s32 @!p0 s5, $0x0  }
0x1f: {  	s9 =	smul.u32 $0xF7A, s1;
	s8 =	simm.s32 @!p0 $0x1BF5;
	p2 =	por !p2, p0  }
0x20: {  	[sflag:s8] =	ssyncset.s32 @!p0 $0xFFFFF086;
	s6 =	sadd.s32 @!p0 s3, s7;
	s7 =	simm.s32 @!p0 $0x108  }
0x21: {  	s3 =	sadd.s32 s3, s9;
	s6 =	sadd.s32 @!p0 $0x88, s6;
	s7 =	simm.s32 @p2 $0x1082  }
0x22: {  	[simem:s7], [sflag:s8] =	dma.local @!p0 [hbm:s6], $0xF7A  }
0x23: {  	s9 =	sor.u32 $0xD0000000, s2;
	s6 =	simm.s32 $0x108;
	_ =	swait.ge @!p0 [sflag:s8], $0x0  }
0x24: {  	s3 =	sadd.s32 $0x88, s3;
	s6 =	simm.s32 @!p1 $0x1082;
	[sflag:s4] =	ssyncset.s32 $0xFFFFF086  }
0x25: {  	[simem:s6], [sflag:s4] =	dma.local [hbm:s3], $0xF7A  }
0x26: {  	[smem:$0x3F9D] =	sst s1;
	(tag) =	ssettag s2;
	_ =	strace s9  }
0x27: {  	s1 =	sld [smem:$0x3FAD]  }
0x28: {  	s2 =	sld [smem:$0x3FAE]  }
0x29: {  	s4 =	sld [smem:$0x3FB0]  }
0x2a: {  	p0 =	seq.s32 s5, $0x0;
	s5 =	sld [smem:$0x3FB1]  }
0x2b: {  	s6 =	sld [smem:$0x3FB2]  }
0x2c: {  	s7 =	sld [smem:$0x3FB3]  }
0x2d: {  	s3 =	simm.s32 $0x108;
	s8 =	sld [smem:$0x3FB4]  }
0x2e: {  	s3 =	simm.s32 @!p0 $0x1082;
	s9 =	sld [smem:$0x3FB5]  }
0x2f: {  	lr =	sadd.s32 s0, s3;
	s0 =	sld [smem:$0x3FAC]  }
0x30: {  	s3 =	sld [smem:$0x3FAF]  }
0x31: {  	[smem:$0x3FB8] =	sst s10  }
0x32: {  	s10 =	sld [smem:$0x3FB6];
	_ =	sdelay $0x3  }
0x33: {  	p0 =	seq.s32 s10, $0x1;
	s10 =	sld [smem:$0x3FB8];
	_ =	sdelay $0x3  }
0x34: {  	[smem:$0x3FB8] =	sst s10  }
0x35: {  	s10 =	sld [smem:$0x3FB7];
	_ =	sdelay $0x3  }
0x36: {  	p1 =	seq.s32 s10, $0x1;
	s10 =	sld [smem:$0x3FB8];
	_ =	sdelay $0x3  }
0x37: {  	[smem:$0x3FB8] =	sst s10  }
0x38: {  	s10 =	sld [smem:$0x3FB9]  }
0x39: {  	_ = 	snop;
	(pc) =	sbr.ind lr, $3  }
0x3a: {  	_ = 	snop  }
0x3b: {  	_ = 	snop  }
0x3c: {  	p2 =	seq.s32 s10, $0x1;
	s10 =	sld [smem:$0x3FB8]  }
0x3d: {  	_ =	shalt  }
0x3e: {  	_ =	shalt  }
0x3f: {  	_ =	shalt  }
0x40: {  	_ =	shalt  }
0x41: {  	_ =	shalt  }
0x42: {  	_ =	shalt  }
0x43: {  	_ =	shalt  }
0x44: {  	_ =	shalt  }
0x45: {  	_ =	shalt  }
0x46: {  	_ =	shalt  }
0x47: {  	_ =	shalt  }
0x48: {  	_ =	shalt  }
0x49: {  	_ =	shalt  }
0x4a: {  	_ =	shalt  }
0x4b: {  	_ =	shalt  }
0x4c: {  	_ =	shalt  }
0x4d: {  	_ =	shalt  }
0x4e: {  	_ =	shalt  }
0x4f: {  	_ =	shalt  }
0x50: {  	_ =	shalt  }
0x51: {  	_ =	shalt  }
0x52: {  	_ =	shalt  }
0x53: {  	_ =	shalt  }
0x54: {  	_ =	shalt  }
0x55: {  	_ =	shalt  }
0x56: {  	_ =	shalt  }
0x57: {  	_ =	shalt  }
0x58: {  	_ =	shalt  }
0x59: {  	_ =	shalt  }
0x5a: {  	_ =	shalt  }
0x5b: {  	_ =	shalt  }
0x5c: {  	_ =	shalt  }
0x5d: {  	_ =	shalt  }
0x5e: {  	_ =	shalt  }
0x5f: {  	_ =	shalt  }
0x60: {  	_ =	shalt  }
0x61: {  	_ =	shalt  }
0x62: {  	_ =	shalt  }
0x63: {  	_ =	shalt  }
0x64: {  	_ =	shalt  }
0x65: {  	_ =	shalt  }
0x66: {  	_ =	shalt  }
0x67: {  	_ =	shalt  }
0x68: {  	_ =	shalt  }
0x69: {  	_ =	shalt  }
0x6a: {  	_ =	shalt  }
0x6b: {  	_ =	shalt  }
0x6c: {  	_ =	shalt  }
0x6d: {  	_ =	shalt  }
0x6e: {  	_ =	shalt  }
0x6f: {  	_ =	shalt  }
0x70: {  	_ =	shalt  }
0x71: {  	_ =	shalt  }
0x72: {  	_ =	shalt  }
0x73: {  	_ =	shalt  }
0x74: {  	_ =	shalt  }
0x75: {  	_ =	shalt  }
0x76: {  	_ =	shalt  }
0x77: {  	_ =	shalt  }
0x78: {  	_ =	shalt  }
0x79: {  	_ =	shalt  }
0x7a: {  	_ =	shalt  }
0x7b: {  	_ =	shalt  }
0x7c: {  	_ =	shalt  }
0x7d: {  	_ =	shalt  }
0x7e: {  	_ =	shalt  }
0x7f: {  	_ =	shalt  }
0x80: {  	_ =	shalt  }
0x81: {  	_ =	shalt  }
0x82: {  	_ =	shalt  }
0x83: {  	_ =	shalt  }
0x84: {  	_ =	shalt  }
0x85: {  	_ =	shalt  }
0x86: {  	_ =	shalt  }
0x87: {  	_ =	shalt  }
.Lfunc_end0:
.L_simem_size_0:
called_computation.2_lowered:
.L_overlay_start_0:
0x88: {  	s2 =	sld [smem:$0x3FD9]  }
0x89: {  	s3 =	sld [smem:$0x3FFE];
	_ =	sdelay $0x1  }
0x8a: {  	s1 =	srdreg.scid  }
0x8b: {  	s0 =	sand.u32 $0x1, s1  }
0x8c: {  	s16 =	sshll.u32 s0, $0xA;
	s2 =	sadd.s32 s3, s2  }
0x8d: {  	s2 =	sadd.s32 s2, s16  }
0x8e: {  	[smem:$0x3FC4] =	sst s2  }
0x8f: {  	_ = 	snop  }
0x90: {  	(tm) =	ssettm $0x1  }
0x91: {  	s17 =	sld [smem:$0x3FFB];
	_ =	sdelay $0x3  }
0x92: {  	_ =	strace s17  }
0x93: {  	s2 =	sld [smem:$0x3FFC];
	_ =	sdelay $0x3  }
0x94: {  	_ =	strace s2  }
0x95: {  	s2 =	sld [smem:$0x3FFD];
	_ =	sdelay $0x3  }
0x96: {  	_ =	strace s2  }
0x97: {  	_ =	strace $0x8FFFFFFF  }
0x98: {  	s18 =	sld [smem:$0x3FDB];
	_ =	sdelay $0x1  }
0x99: {  	s19 =	simm.s32 $_scs_section_size  }
0x9a: {  	s4 =	simm.s32 $_size__tile_overlayer_lowered;
	s5 =	simm.s32 $_tile_overlayer_lowered  }
0x9b: {  	s22 =	simm.s32 $0x1BFF;
	s21 =	sshll.u32 s5, $0x1;
	s2 =	sadd.s32 s19, s18  }
0x9c: {  	s6 =	simm.s32 $0x0;
	s20 =	sshll.u32 s4, $0x1;
	s4 =	sadd.s32 s21, s2  }
0x9d: {  	[timem:s6], [sflag:s22] =	dma.local [hbm:s4], s20  }
0x9e: {  	_ =	swait.ge [sflag:s22], s20  }
0x9f: {  	s3 =	ssub.s32 $0x0, s20;
	[sflag:s22] =	ssyncset.done $0x0  }
0xa0: {  	[sflag:s22] =	ssyncadd.s32 s3;
	_ =	sdelay $0x1  }
0xa1: {  	s23 =	simm.s32 $0x1B8B  }
0xa2: {  	_ =	swait.ge [sflag:s23], $0x1  }
0xa3: {  	[sflag:s23] =	ssyncset.done $0x0  }
0xa4: {  	s25 =	simm.s32 $0x1B8E;
	s24 =	sld [smem:$0x3FFE];
	[sflag:s23] =	ssyncadd.s32 $0xFFFFFFFF  }
0xa5: {  	s26 =	simm.s32 $execute0_lowered;
	[smem:$0x3FD2] =	sst s25  }
0xa6: {  	s4 =	sshll.u32 s26, $0x1;
	_ =	strace $0x8000004C;
	[dreg:$0x1] =	wrdreg $0xFFFFFFFF  }
0xa7: {  	s28 =	simm.s32 $_size_execute0_lowered;
	s2 =	sadd.s32 s2, s4;
	[dreg:$0x0] =	wrdreg $0x0  }
0xa8: {  	s4 =	sshll.u32 s28, $0x1;
	[dreg:$0x2] =	wrdreg s2  }
0xa9: {  	[dreg:$0x3] =	wrdreg s4  }
0xaa: {  	[dreg:$0x4] =	wrdreg $0xC0  }
0xab: {  	_ =	task [dreg:s6], $0x5FFFF  }
0xac: {  	[dreg:$0x1] =	wrdreg $0xFFFFFFFF  }
0xad: {  	[dreg:$0x0] =	wrdreg $0x60  }
0xae: {  	[dreg:$0x2] =	wrdreg s24  }
0xaf: {  	[dreg:$0x3] =	wrdreg $0x9  }
0xb0: {  	_ =	task.clear_ibuf [dreg:s6], $0x4FFFF;
	_ =	strace $0x9000004C  }
0xb1: {  	s29 =	simm.s32 $0x9;
	_ =	strace $0x8000004E  }
0xb2: {  	_ =	swait.ge [sflag:s29], $0x1  }
0xb3: {  	[sflag:s29] =	ssyncadd.s32 $0xFFFFFFFF  }
0xb4: {  	_ =	strace $0x9000004E  }
0xb5: {  	_ =	sfence  }
0xb6: {  	s30 =	sld [smem:$0x0];
	_ =	sdelay $0x2  }
0xb7: {  	s31 =	sshll.u32 s1, $0xD;
	s1 =	sshrl.u32 s1, $0x2  }
0xb8: {  	s3 =	sand.u32 $0x4000, s31;
	s1 =	sadd.s32 s1, s30  }
0xb9: {  	s0 =	sor.u32 s3, s0;
	s1 =	sshll.u32 s1, $0x11  }
0xba: {  	s0 =	sor.u32 s1, s0  }
0xbb: {  	s0 =	sadd.s32 $0x8F2B, s0  }
0xbc: {  	[sflag:s0] =	ssyncadd.remote.s32 $0x1  }
0xbd: {  	_ =	sfence.sel $0xFFFF  }
0xbe: {  	[dreg:$0x0] =	wrdreg $0xFFFFFFFF;
	(pc) =	sbr.abs _section_cstart, $3  }
0xbf: {  	[dreg:$0x1] =	wrdreg $0xFFFFFFFF  }
0xc0: {  	_ =	task.clear_ibuf [dreg:s6], $0x2FFFF;
	_ =	strace $0x9FFFFFFF  }
0xc1: {  	(tm) =	ssettm $0x7FFFFFFF  }
tec
execute0_lowered:
.L_overlay_start_1:
0x0: {  	(tag) =	ssettag $0x1  }
0x1: {  	s0 =	rddreg [dreg:$0x0];
	s2 =	simm.s32 $0x0;
	s1 =	srdreg.scid  }
0x2: {  	s12 =	stileid.u32;
	[smem:$0x7FF] =	sst s2;
	s3 =	sadd.s32 $0x400, s0  }
0x3: {  	s1 =	sand.u32 $0x1, s1;
	s4 =	sshll.u32 s12, $0x1;
	s5 =	sadd.s32 $0x100400, s0  }
0x4: {  	_ =	strace $0x8000004D;
	s4 =	sor.u32 s1, s4;
	s6 =	ssub.s32 $0x2, s1  }
0x5: {  	s1 =	sshll.u32 s1, $0x12;
	s7 =	sshll.u32 s4, $0x4;
	s8 =	sshrl.u32 s6, $0x1  }
0x6: {  	s4 =	sshll.u32 s4, $0xF;
	s0 =	sadd.s32 s7, s0;
	s6 =	ssub.s32 s6, s8  }
0x7: {  	s26 =	sor.u32 $0x1000, s4;
	s14 =	sadd.s32 s3, s4;
	s16 =	sor.u32 $0x2000, s4  }
0x8: {  	s17 =	sor.u32 $0x3000, s4;
	s10 =	sor.u32 $0x4000, s4;
	s19 =	sor.u32 $0x5000, s4  }
0x9: {  	s20 =	sor.u32 $0x6000, s4;
	s24 =	sadd.s32 s5, s4;
	[dreg:$0x2] =	wrdreg s14  }
0xa: {  	s21 =	sor.u32 $0x7000, s4;
	s15 =	sadd.s32 s3, s26;
	[dreg:$0xb] =	wrdreg s24  }
0xb: {  	s4 =	simm.s32 $0x8000;
	s9 =	sadd.s32 s3, s16;
	[dreg:$0x3] =	wrdreg s15  }
0xc: {  	s7 =	simm.s32 $0x3;
	s11 =	sadd.s32 s3, s17;
	[dreg:$0x4] =	wrdreg s9  }
0xd: {  	s8 =	simm.s32 $0x0;
	s18 =	sadd.s32 s3, s10;
	[dreg:$0x5] =	wrdreg s11  }
0xe: {  	s13 =	sadd.s32 s3, s19;
	s22 =	sadd.s32 s3, s20;
	[dreg:$0x6] =	wrdreg s18  }
0xf: {  	s3 =	sadd.s32 s3, s21;
	s23 =	sadd.s32 $0x200800, s0;
	[dreg:$0x7] =	wrdreg s13  }
0x10: {  	s25 =	sadd.s32 $0x200400, s0;
	s14 =	sadd.s32 $0x200C00, s0;
	[dreg:$0x8] =	wrdreg s22  }
0x11: {  	s16 =	sadd.s32 s5, s16;
	s17 =	sadd.s32 s5, s17;
	[dreg:$0x9] =	wrdreg s3  }
0x12: {  	s19 =	sadd.s32 s5, s19;
	s20 =	sadd.s32 s5, s20;
	[dreg:$0xa] =	wrdreg s23  }
0x13: {  	s21 =	sadd.s32 s5, s21;
	s24 =	sadd.s32 $0x200E00, s0;
	[dreg:$0xc] =	wrdreg s25  }
0x14: {  	s15 =	sadd.s32 s5, s26;
	s18 =	sadd.s32 s5, s10;
	s26 =	sshll.u32 s12, $0x13  }
.Ltmp0:
0x15: {  	s22 =	sadd.s32 $0x200A00, s0;
	s1 =	sor.u32 s1, s26;
	(pc) =	sbr.rel .LBB2_1-.Ltmp0, $4  }
0x16: {  	s23 =	sadd.s32 $0x200600, s0;
	s25 =	smax.u32 s6, $0x1;
	s11 =	sand.u32 $0xC0000, s1  }
0x17: {  	vm0 =	vmmov $0x1;
	vm1 =	vcmask $0x308;
	s5 =	simm.s32 $0x1;
	s6 =	simm.s32 $0x2;
	s28 =	sor.u32 $0x8000, s11  }
0x18: {  	vm2 =	vcmask $0x70C;
	vm3 =	vcmask $0xB10;
	vm4 =	vcmask $0xF14;
	s29 =	sor.u32 $0x10000, s11;
	s30 =	sor.u32 $0x18000, s11;
	s31 =	sor.u32 $0x20000, s11  }
0x19: {  	vm5 =	vcmask $0x1318;
	vm6 =	vcmask $0x171C;
	vm7 =	vcmask $0x1B20;
	s0 =	sor.u32 $0x28000, s11;
	s1 =	sor.u32 $0x30000, s11;
	s3 =	sor.u32 $0x38000, s11  }
.LBB2_98:
0x1a: {  	_ =	sdelay $0x7  }
0x1b: {  	v4, v5, _ =	vpop @p0 (xrf1)  }
0x1c: {  	(xrf0) =	vmin.scan.msk.f32 @p0 $0xffff, v4;
	_ =	sdelay $0x5  }
0x1d: {  	v6, _, _ =	vpop @p0 (xrf0)  }
0x1e: {  	(v2sf) =	vpush @p0 v6, $0xF;
	_ =	sdelay $0xe  }
0x1f: {  	v1 =	vpsel p0, v4, v1;
	v0 =	vpsel p0, v5, v0;
	s9 =	spop @p0 (v2sf)  }
.LBB2_99:
0x20: {  	v3 =	vbroadcast v3, $0xF;
	_ =	sdelay $0x1  }
0x21: {  	v3 =	vadd.f32 v3, v2  }
0x22: {  	[tilespmem:$0x10000] =	vst v1  }
0x23: {  	[tilespmem:$0x10080] =	vst v0;
	v63 =	vsel vm7, v2, v3  }
0x24: {  	s9 =	simm.s32 $0x10000;
	[tilespmem:$0x10100] =	vst v63  }
0x25: {  	[hbm4b:s22+s2] =	stream.linear.scatter [tilespmem:s9], [sflag:$0x3], $0x80, $0x38;
	[tilespmem:$0x10180] =	vst v63  }
0x26: {  	_ =	swait.ge [sflag:s7], $0x80  }
0x27: {  	[sflag:s7] =	ssyncset.done $0x0  }
0x28: {  	s13 =	simm.s32 $0x10080;
	[sflag:s7] =	ssyncadd.s32 $0xFFFFFF80  }
0x29: {  	[hbm4b:s23+s2] =	stream.linear.scatter [tilespmem:s13], [sflag:$0x3], $0x80, $0x38;
	[tilespmem:$0x10180] =	vst v63  }
0x2a: {  	s8 =	sadd.s32 $0x1, s8;
	_ =	swait.ge [sflag:s7], $0x80  }
0x2b: {  	p0 =	sne.s32 s8, s25;
	[sflag:s7] =	ssyncset.done $0x0  }
.Ltmp1:
0x2c: {  	s26 =	simm.s32 $0x10100;
	[sflag:s7] =	ssyncadd.s32 $0xFFFFFF80;
	(pc) =	sbr.rel @!p0 .LBB2_100-.Ltmp1, $4  }
0x2d: {  	[hbm4b:s24+s2] =	stream.linear.scatter [tilespmem:s26], [sflag:$0x3], $0x80, $0x38;
	[tilespmem:$0x10180] =	vst v63  }
0x2e: {  	_ =	swait.ge [sflag:s7], $0x80  }
0x2f: {  	[sflag:s7] =	ssyncset.done $0x0  }
0x30: {  	[sflag:s7] =	ssyncadd.s32 $0xFFFFFF80  }
.LBB2_1:
0x31: {  	s9 =	rddreg [dreg:$0x2]  }
0x32: {  	[tilespmem:s2], [sflag:$0x1] =	stream.linear.gather [hbm4b:s9+s2], $0x8000, $0x38;
	[tilespmem:$0x10180] =	vst v63  }
0x33: {  	s26 =	rddreg [dreg:$0x3]  }
0x34: {  	[tilespmem:s4], [sflag:$0x2] =	stream.linear.gather [hbm4b:s26+s2], $0x8000, $0x38;
	[tilespmem:$0x10180] =	vst v63  }
0x35: {  	_ =	swait.ge [sflag:s5], $0x8000  }
0x36: {  	[sflag:s5] =	ssyncset.done $0x0  }
0x37: {  	s10 =	simm.s32 $0x0;
	[sflag:s5] =	ssyncadd.s32 $0xFFFF8000  }
0x38: {  	v2 =	vld [tilespmem:s10+$0x0]  }
0x39: {  	v4 =	vld [tilespmem:s10+$0x10]  }
0x3a: {  	v5 =	vld [tilespmem:s10+$0x30]  }
0x3b: {  	v7 =	vld [tilespmem:s10+$0x20]  }
0x3c: {  	v8 =	vld [tilespmem:s10+$0x40]  }
0x3d: {  	v10 =	vld [tilespmem:s10+$0x50]  }
0x3e: {  	v1 =	vld [tilespmem:s10+$0x70]  }
0x3f: {  	s9 =	simm.s32 $0x80;
	v0 =	vld [tilespmem:s10+$0x60]  }
0x40: {  	v14 =	vimm.f32 $0.0e+00;
	v6 =	vimm.f32 $-Inf;
	v11 =	vld [tilespmem:s9+$0x0];
	v3 =	vmul.f32 v2, v2  }
0x41: {  	v17 =	vld [tilespmem:s9+$0x10];
	v2 =	vmax.f32 v6, v2;
	v16 =	vmul.f32 v4, v4;
	v4 =	vmax.f32 v6, v4  }
0x42: {  	v6 =	vmul.f32 v5, v5;
	v12 =	vmax.f32 v4, v5;
	v2 =	vmax.f32 v2, v7;
	v4 =	vld [tilespmem:s9+$0x30]  }
0x43: {  	v9 =	vmul.f32 v10, v10;
	v7 =	vmul.f32 v7, v7;
	v5 =	vld [tilespmem:s9+$0x20];
	v13 =	vmax.f32 v2, v8  }
0x44: {  	v8 =	vmul.f32 v8, v8;
	v10 =	vmax.f32 v12, v10;
	v2 =	vld [tilespmem:s9+$0x40];
	v12 =	vmax.f32 v13, v0  }
0x45: {  	v18 =	vmax.f32 v10, v1;
	v13 =	vmul.f32 v11, v11;
	v15 =	vmax.f32 v12, v11;
	v12 =	vld [tilespmem:s9+$0x50]  }
0x46: {  	s10 =	simm.s32 $0x400;
	v16 =	vadd.f32 v16, v14;
	v10 =	vmul.f32 v17, v17;
	v17 =	vmax.f32 v18, v17;
	v11 =	vld [tilespmem:s9+$0x70]  }
.LBB2_2:
0x47: {  	p0 =	sne.s32 s10, $0x1FE00;
	v17 =	vmax.f32 v17, v4;
	v14 =	vadd.f32 v3, v14;
	v18 =	vmul.f32 v0, v0;
	v0 =	vld [tilespmem:s9+$0x60];
	s9 =	sshra.s32 s10, $0x2;
	s10 =	sadd.s32 $0x200, s10;
	v3 =	vmovc v13  }
0x48: {  	v19 =	vld [tilespmem:s9+$0x0];
	v13 =	vmax.f32 v15, v5;
	v15 =	vadd.f32 v6, v16;
	v6 =	vmul.f32 v4, v4  }
0x49: {  	v20 =	vld [tilespmem:s9+$0x10];
	v13 =	vmax.f32 v13, v2;
	v14 =	vadd.f32 v7, v14;
	v7 =	vmul.f32 v5, v5  }
.Ltmp2:
0x4a: {  	v16 =	vmul.f32 v1, v1;
	v4 =	vld [tilespmem:s9+$0x30];
	v15 =	vadd.f32 v9, v15;
	v9 =	vmul.f32 v12, v12;
	(pc) =	sbr.rel @p0 .LBB2_2-.Ltmp2, $4  }
0x4b: {  	v12 =	vmax.f32 v17, v12;
	v5 =	vld [tilespmem:s9+$0x20];
	v14 =	vadd.f32 v8, v14;
	v8 =	vmul.f32 v2, v2;
	v1 =	vmovc v11  }
0x4c: {  	v2 =	vld [tilespmem:s9+$0x40];
	v11 =	vmax.f32 v13, v0;
	v17 =	vmax.f32 v12, v1;
	v16 =	vadd.f32 v16, v15  }
0x4d: {  	v13 =	vmul.f32 v19, v19;
	v15 =	vmax.f32 v11, v19;
	v12 =	vld [tilespmem:s9+$0x50];
	v14 =	vadd.f32 v18, v14  }
0x4e: {  	v17 =	vmax.f32 v17, v20;
	v11 =	vld [tilespmem:s9+$0x70];
	v16 =	vadd.f32 v10, v16;
	v10 =	vmul.f32 v20, v20  }
0x4f: {  	v18 =	vld [tilespmem:s9+$0x60];
	_ =	sdelay $0x2  }
0x50: {  	v17 =	vmax.f32 v17, v4;
	v15 =	vmax.f32 v15, v5  }
0x51: {  	v15 =	vmax.f32 v15, v2;
	v17 =	vmax.f32 v17, v12  }
0x52: {  	v17 =	vmax.f32 v17, v11;
	v15 =	vmax.f32 v15, v18  }
0x53: {  	v63 =	vmax.f32 v15, v17  }
0x54: {  	v3 =	vadd.f32 v3, v14;
	(xrf0) =	vmax.scan.msk.f32 $0xffff, v63;
	_ =	sdelay $0x1  }
0x55: {  	v3 =	vadd.f32 v7, v3;
	_ =	sdelay $0x1  }
0x56: {  	v0 =	vmul.f32 v0, v0;
	v3 =	vadd.f32 v8, v3  }
0x57: {  	v6 =	vadd.f32 v6, v16  }
0x58: {  	v0 =	vadd.f32 v0, v3;
	v3 =	vmul.f32 v4, v4;
	v4, _, _ =	vpop (xrf0)  }
0x59: {  	v1 =	vmul.f32 v1, v1;
	v6 =	vadd.f32 v9, v6;
	(v2sf) =	vpush v4, $0xF;
	_ =	sdelay $0x1  }
0x5a: {  	v1 =	vadd.f32 v1, v6;
	_ =	sdelay $0x1  }
0x5b: {  	v5 =	vmul.f32 v5, v5;
	v1 =	vadd.f32 v10, v1;
	v0 =	vadd.f32 v13, v0  }
0x5c: {  	v2 =	vmul.f32 v2, v2  }
0x5d: {  	v1 =	vadd.f32 v3, v1;
	v0 =	vadd.f32 v5, v0;
	v4 =	vmul.f32 v12, v12  }
0x5e: {  	v3 =	vmul.f32 v18, v18  }
0x5f: {  	v0 =	vadd.f32 v2, v0;
	v1 =	vadd.f32 v4, v1;
	v4 =	vmul.f32 v11, v11;
	_ =	sdelay $0x1  }
0x60: {  	v0 =	vadd.f32 v3, v0;
	v1 =	vadd.f32 v4, v1;
	_ =	sdelay $0x1  }
0x61: {  	v0 =	vadd.f32 v1, v0;
	_ =	sdelay $0x1  }
0x62: {  	(xrf2) =	vadd.scan.msk.f32 $0xffff, v0  }
0x63: {  	s26 =	spop (v2sf)  }
0x64: {  	p0 =	slt.f32 s26, $-Inf;
	p1 =	sgt.f32 s26, $-Inf  }
0x65: {  	_ = 	snop  }
0x66: {  	p0 =	por p1, p0  }
0x67: {  	p0 =	por !p0, !p0  }
.Ltmp3:
0x68: {  	_ = 	snop;
	(pc) =	sbr.rel @p0 .LBB2_4-.Ltmp3, $2  }
0x69: {  	_ =	sdelay $0x2  }
0x6a: {  	s10 =	simm.s32 $0x0;
	s9 =	simm.f32 $-Inf;
	v3 =	vimm.f32 $-Inf;
	v0 =	vimm.s32 $0x7FFFFFFF;
	v2, _, _ =	vpop (xrf2)  }
0x6b: {  	s26 =	sshra.s32 s10, $0x2  }
0x6c: {  	v1 =	vld [tilespmem:s26+$0x0];
	_ =	sdelay $0x4  }
0x6d: {  	(xrf0) =	vmax.scan.msk.f32 $0xffff, v1;
	_ =	sdelay $0x5  }
0x6e: {  	v4, _, _ =	vpop (xrf0)  }
0x6f: {  	(v2sf) =	vpush v4, $0xF;
	_ =	sdelay $0xe  }
0x70: {  	s13 =	spop (v2sf)  }
0x71: {  	p0 =	sgt.f32 s13, s9;
	_ =	sdelay $0x1  }
0x72: {  	v4 =	vlaneseq.u32 @p0  }
0x73: {  	v4 =	vor.u32 @p0 s11, v4  }
0x74: {  	(xrf1) =	vsort.dscd.msk.f32 @p0 $0xffff, v1, v4;
	_ =	sdelay $0xd  }
0x75: {  	v1, v4, _ =	vpop @p0 (xrf1)  }
0x76: {  	vm8 =	veq.f32 @p0 v1, v3;
	vm9 =	vlt.s32 @p0 v4, v0  }
0x77: {  	vm10 =	vgt.f32 @p0 v1, v3;
	vm8 =	vmand @p0 vm8, vm9  }
0x78: {  	vm8 =	vmor @p0 vm10, vm8  }
0x79: {  	v1 =	vsel @p0 vm8, v1, v3;
	v4 =	vsel @p0 vm8, v4, v0  }
0x7a: {  	s10 =	sadd.s32 $0x40, s10;
	s26 =	smov.u32 s11;
	(xrf1) =	vsort.ascd.msk.f32 @p0 $0xffff, v1, v4;
	v1 =	vimm.f32 $-Inf  }
.LBB2_6:
0x7b: {  	_ =	sdelay $0x8  }
0x7c: {  	s12 =	sshra.s32 s10, $0x2;
	s10 =	sadd.s32 $0x40, s10  }
0x7d: {  	v4 =	vld [tilespmem:s12+$0x0];
	p1 =	sne.s32 s10, $0x20000;
	_ =	sdelay $0x2  }
0x7e: {  	v5, v6, _ =	vpop @p0 (xrf1)  }
0x7f: {  	v1 =	vpsel p0, v5, v1;
	v0 =	vpsel p0, v6, v0;
	(xrf0) =	vmin.scan.msk.f32 @p0 $0xffff, v5  }
0x80: {  	(xrf0) =	vmax.scan.msk.f32 $0xffff, v4;
	_ =	sdelay $0x4  }
0x81: {  	v5, _, _ =	vpop @p0 (xrf0)  }
0x82: {  	v6, _, _ =	vpop (xrf0);
	(v2sf) =	vpush @p0 v5, $0xF  }
0x83: {  	(v2sf) =	vpush v6, $0xF;
	_ =	sdelay $0xd  }
0x84: {  	s12 =	spop @p0 (v2sf)  }
0x85: {  	s13 =	spop (v2sf);
	s9 =	smov.u32 @p0 s12  }
0x86: {  	p0 =	sgt.f32 s13, s9;
	_ =	sdelay $0x1  }
0x87: {  	s26 =	sadd.s32 $0x10, s26;
	v5 =	vlaneseq.u32 @p0  }
0x88: {  	v5 =	vor.u32 @p0 s26, v5  }
0x89: {  	(xrf1) =	vsort.dscd.msk.f32 @p0 $0xffff, v4, v5;
	_ =	sdelay $0xd  }
0x8a: {  	v4, v5, _ =	vpop @p0 (xrf1)  }
.Ltmp4:
0x8b: {  	vm8 =	veq.f32 @p0 v4, v1;
	vm9 =	vlt.s32 @p0 v5, v0;
	(pc) =	sbr.rel @p1 .LBB2_6-.Ltmp4, $4  }
0x8c: {  	vm10 =	vgt.f32 @p0 v4, v1;
	vm8 =	vmand @p0 vm8, vm9  }
0x8d: {  	vm8 =	vmor @p0 vm10, vm8  }
0x8e: {  	v4 =	vsel @p0 vm8, v4, v1;
	v5 =	vsel @p0 vm8, v5, v0  }
0x8f: {  	(xrf1) =	vsort.ascd.msk.f32 @p0 $0xffff, v4, v5  }
0x90: {  	_ =	sdelay $0xc  }
0x91: {  	v4, v5, _ =	vpop @p0 (xrf1)  }
0x92: {  	(xrf0) =	vmin.scan.msk.f32 @p0 $0xffff, v4;
	_ =	sdelay $0x5  }
0x93: {  	v6, _, _ =	vpop @p0 (xrf0)  }
0x94: {  	(v2sf) =	vpush @p0 v6, $0xF;
	_ =	sdelay $0xb  }
.Ltmp5:
0x95: {  	_ = 	snop;
	(pc) =	sbr.rel .LBB2_8-.Ltmp5, $3  }
0x96: {  	_ =	sdelay $0x1  }
0x97: {  	s10 =	spop @p0 (v2sf)  }
0x98: {  	v1 =	vpsel p0, v4, v1;
	v0 =	vpsel p0, v5, v0;
	s9 =	smov.u32 @p0 s10  }
.LBB2_4:
0x99: {  	v1 =	vimm.f32 $-Inf  }
.LBB2_8:
0x9a: {  	s10 =	simm.s32 $0x0;
	s12 =	rddreg [dreg:$0x4]  }
0x9b: {  	[tilespmem:s10], [sflag:$0x1] =	stream.linear.gather [hbm4b:s12+s10], $0x8000, $0x38;
	[tilespmem:$0x10180] =	vst v63  }
0x9c: {  	_ =	swait.ge [sflag:s6], $0x8000  }
0x9d: {  	[sflag:s6] =	ssyncset.done $0x0  }
0x9e: {  	s26 =	simm.s32 $0x0;
	[sflag:s6] =	ssyncadd.s32 $0xFFFF8000  }
0x9f: {  	v6 =	vld [tilespmem:s26+$0x8000]  }
0xa0: {  	v7 =	vld [tilespmem:s26+$0x8010]  }
0xa1: {  	v8 =	vld [tilespmem:s26+$0x8030]  }
0xa2: {  	v10 =	vld [tilespmem:s26+$0x8020]  }
0xa3: {  	v2 =	vadd.f32 $0.0e+00, v2;
	v13 =	vld [tilespmem:s26+$0x8040]  }
0xa4: {  	v14 =	vld [tilespmem:s26+$0x8050]  }
0xa5: {  	v2 =	vbroadcast v2, $0xF;
	v5 =	vld [tilespmem:s26+$0x8070]  }
0xa6: {  	s10 =	simm.s32 $0x80;
	v4 =	vld [tilespmem:s26+$0x8060]  }
0xa7: {  	v17 =	vimm.f32 $0.0e+00;
	v2 =	vnsel vm0, $0x0, v2;
	v15 =	vld [tilespmem:s10+$0x8000];
	v9 =	vmul.f32 v6, v6  }
0xa8: {  	v20 =	vld [tilespmem:s10+$0x8010];
	v6 =	vmax.f32 v3, v6;
	v19 =	vmul.f32 v7, v7;
	v3 =	vmax.f32 v3, v7  }
0xa9: {  	v12 =	vmul.f32 v8, v8;
	v11 =	vmul.f32 v14, v14;
	v7 =	vmax.f32 v6, v10;
	v6 =	vld [tilespmem:s10+$0x8030]  }
0xaa: {  	v3 =	vmax.f32 v3, v8;
	v10 =	vmul.f32 v10, v10;
	v16 =	vmax.f32 v7, v13;
	v7 =	vld [tilespmem:s10+$0x8020]  }
0xab: {  	v8 =	vmul.f32 v13, v13;
	v13 =	vmax.f32 v3, v14;
	v3 =	vld [tilespmem:s10+$0x8040];
	v14 =	vmax.f32 v16, v4  }
0xac: {  	v21 =	vmax.f32 v13, v5;
	v16 =	vmul.f32 v15, v15;
	v18 =	vmax.f32 v14, v15;
	v15 =	vld [tilespmem:s10+$0x8050]  }
0xad: {  	s26 =	simm.s32 $0x400;
	v19 =	vadd.f32 v19, v17;
	v13 =	vmul.f32 v20, v20;
	v20 =	vmax.f32 v21, v20;
	v14 =	vld [tilespmem:s10+$0x8070]  }
.LBB2_9:
0xae: {  	p0 =	sne.s32 s26, $0x1FE00;
	v20 =	vmax.f32 v20, v6;
	v17 =	vadd.f32 v9, v17;
	v21 =	vmul.f32 v4, v4;
	v4 =	vld [tilespmem:s10+$0x8060];
	s10 =	sshra.s32 s26, $0x2;
	s26 =	sadd.s32 $0x200, s26;
	v9 =	vmovc v16  }
0xaf: {  	v22 =	vld [tilespmem:s10+$0x8000];
	v16 =	vmax.f32 v18, v7;
	v18 =	vadd.f32 v12, v19;
	v12 =	vmul.f32 v6, v6  }
0xb0: {  	v23 =	vld [tilespmem:s10+$0x8010];
	v16 =	vmax.f32 v16, v3;
	v17 =	vadd.f32 v10, v17;
	v10 =	vmul.f32 v7, v7  }
.Ltmp6:
0xb1: {  	v19 =	vmul.f32 v5, v5;
	v6 =	vld [tilespmem:s10+$0x8030];
	v18 =	vadd.f32 v11, v18;
	v11 =	vmul.f32 v15, v15;
	(pc) =	sbr.rel @p0 .LBB2_9-.Ltmp6, $4  }
0xb2: {  	v15 =	vmax.f32 v20, v15;
	v7 =	vld [tilespmem:s10+$0x8020];
	v17 =	vadd.f32 v8, v17;
	v8 =	vmul.f32 v3, v3;
	v5 =	vmovc v14  }
0xb3: {  	v3 =	vld [tilespmem:s10+$0x8040];
	v14 =	vmax.f32 v16, v4;
	v20 =	vmax.f32 v15, v5;
	v19 =	vadd.f32 v19, v18  }
0xb4: {  	v16 =	vmul.f32 v22, v22;
	v18 =	vmax.f32 v14, v22;
	v15 =	vld [tilespmem:s10+$0x8050];
	v17 =	vadd.f32 v21, v17  }
0xb5: {  	v20 =	vmax.f32 v20, v23;
	v14 =	vld [tilespmem:s10+$0x8070];
	v19 =	vadd.f32 v13, v19;
	v13 =	vmul.f32 v23, v23  }
0xb6: {  	v21 =	vld [tilespmem:s10+$0x8060];
	_ =	sdelay $0x2  }
0xb7: {  	v20 =	vmax.f32 v20, v6;
	v18 =	vmax.f32 v18, v7  }
0xb8: {  	v55 =	vmax.f32 v18, v3;
	v56 =	vmax.f32 v20, v15  }
0xb9: {  	v9 =	vadd.f32 v9, v17;
	v18 =	vmax.f32 v56, v14;
	v17 =	vmax.f32 v55, v21  }
0xba: {  	v57 =	vmax.f32 v17, v18  }
0xbb: {  	(xrf0) =	vmax.scan.msk.f32 $0xffff, v57;
	_ =	sdelay $0x1  }
0xbc: {  	v12 =	vadd.f32 v12, v19;
	v9 =	vadd.f32 v10, v9  }
0xbd: {  	v5 =	vmul.f32 v5, v5  }
0xbe: {  	v4 =	vmul.f32 v4, v4;
	v11 =	vadd.f32 v11, v12;
	v8 =	vadd.f32 v8, v9;
	_ =	sdelay $0x1  }
0xbf: {  	v5 =	vadd.f32 v5, v11;
	v4 =	vadd.f32 v4, v8;
	v61, _, _ =	vpop (xrf0)  }
0xc0: {  	v58 =	vmul.f32 v6, v6;
	(v2sf) =	vpush v61, $0xF  }
0xc1: {  	v59 =	vmul.f32 v7, v7;
	v5 =	vadd.f32 v13, v5;
	v4 =	vadd.f32 v16, v4  }
0xc2: {  	v3 =	vmul.f32 v3, v3  }
0xc3: {  	v60 =	vmul.f32 v15, v15;
	v5 =	vadd.f32 v58, v5;
	v4 =	vadd.f32 v59, v4  }
0xc4: {  	v63 =	vmul.f32 v14, v14  }
0xc5: {  	v62 =	vmul.f32 v21, v21;
	v5 =	vadd.f32 v60, v5;
	v3 =	vadd.f32 v3, v4;
	_ =	sdelay $0x1  }
0xc6: {  	v4 =	vadd.f32 v63, v5;
	v3 =	vadd.f32 v62, v3;
	_ =	sdelay $0x1  }
0xc7: {  	v3 =	vadd.f32 v4, v3;
	_ =	sdelay $0x1  }
0xc8: {  	(xrf2) =	vadd.scan.msk.f32 $0xffff, v3;
	_ =	sdelay $0x3  }
0xc9: {  	s26 =	spop (v2sf)  }
0xca: {  	p0 =	sgt.f32 s26, s9  }
.Ltmp7:
0xcb: {  	_ = 	snop;
	(pc) =	sbr.rel @!p0 .LBB2_14-.Ltmp7, $2  }
0xcc: {  	_ =	sdelay $0x2  }
0xcd: {  	s10 =	simm.s32 $0x0;
	v3, _, _ =	vpop (xrf2)  }
0xce: {  	s12 =	sshra.s32 s10, $0x2  }
0xcf: {  	v4 =	vld [tilespmem:s12+$0x8000];
	_ =	sdelay $0x4  }
0xd0: {  	(xrf0) =	vmax.scan.msk.f32 $0xffff, v4;
	_ =	sdelay $0x5  }
0xd1: {  	v5, _, _ =	vpop (xrf0)  }
0xd2: {  	(v2sf) =	vpush v5, $0xF;
	_ =	sdelay $0xe  }
0xd3: {  	s26 =	spop (v2sf)  }
0xd4: {  	p0 =	sgt.f32 s26, s9;
	_ =	sdelay $0x1  }
0xd5: {  	v5 =	vlaneseq.u32 @p0  }
0xd6: {  	v5 =	vor.u32 @p0 s28, v5  }
0xd7: {  	(xrf1) =	vsort.dscd.msk.f32 @p0 $0xffff, v4, v5;
	_ =	sdelay $0xd  }
0xd8: {  	v4, v5, _ =	vpop @p0 (xrf1)  }
0xd9: {  	vm8 =	veq.f32 @p0 v4, v1;
	vm9 =	vlt.s32 @p0 v5, v0  }
0xda: {  	vm10 =	vgt.f32 @p0 v4, v1;
	vm8 =	vmand @p0 vm8, vm9  }
0xdb: {  	vm8 =	vmor @p0 vm10, vm8  }
0xdc: {  	v4 =	vsel @p0 vm8, v4, v1;
	v5 =	vsel @p0 vm8, v5, v0  }
0xdd: {  	s10 =	sadd.s32 $0x40, s10;
	s26 =	smov.u32 s28;
	(xrf1) =	vsort.ascd.msk.f32 @p0 $0xffff, v4, v5  }
.LBB2_12:
0xde: {  	_ =	sdelay $0x8  }
0xdf: {  	s12 =	sshra.s32 s10, $0x2;
	s10 =	sadd.s32 $0x40, s10  }
0xe0: {  	v4 =	vld [tilespmem:s12+$0x8000];
	p1 =	sne.s32 s10, $0x20000;
	_ =	sdelay $0x2  }
0xe1: {  	v5, v6, _ =	vpop @p0 (xrf1)  }
0xe2: {  	v1 =	vpsel p0, v5, v1;
	v0 =	vpsel p0, v6, v0;
	(xrf0) =	vmin.scan.msk.f32 @p0 $0xffff, v5  }
0xe3: {  	(xrf0) =	vmax.scan.msk.f32 $0xffff, v4;
	_ =	sdelay $0x4  }
0xe4: {  	v5, _, _ =	vpop @p0 (xrf0)  }
0xe5: {  	v6, _, _ =	vpop (xrf0);
	(v2sf) =	vpush @p0 v5, $0xF  }
0xe6: {  	(v2sf) =	vpush v6, $0xF;
	_ =	sdelay $0xd  }
0xe7: {  	s12 =	spop @p0 (v2sf)  }
0xe8: {  	s13 =	spop (v2sf);
	s9 =	smov.u32 @p0 s12  }
0xe9: {  	p0 =	sgt.f32 s13, s9;
	_ =	sdelay $0x1  }
0xea: {  	s26 =	sadd.s32 $0x10, s26;
	v5 =	vlaneseq.u32 @p0  }
0xeb: {  	v5 =	vor.u32 @p0 s26, v5  }
0xec: {  	(xrf1) =	vsort.dscd.msk.f32 @p0 $0xffff, v4, v5;
	_ =	sdelay $0xd  }
0xed: {  	v4, v5, _ =	vpop @p0 (xrf1)  }
.Ltmp8:
0xee: {  	vm8 =	veq.f32 @p0 v4, v1;
	vm9 =	vlt.s32 @p0 v5, v0;
	(pc) =	sbr.rel @p1 .LBB2_12-.Ltmp8, $4  }
0xef: {  	vm10 =	vgt.f32 @p0 v4, v1;
	vm8 =	vmand @p0 vm8, vm9  }
0xf0: {  	vm8 =	vmor @p0 vm10, vm8  }
0xf1: {  	v4 =	vsel @p0 vm8, v4, v1;
	v5 =	vsel @p0 vm8, v5, v0  }
0xf2: {  	(xrf1) =	vsort.ascd.msk.f32 @p0 $0xffff, v4, v5  }
0xf3: {  	_ =	sdelay $0xc  }
0xf4: {  	v4, v5, _ =	vpop @p0 (xrf1)  }
0xf5: {  	(xrf0) =	vmin.scan.msk.f32 @p0 $0xffff, v4;
	_ =	sdelay $0x5  }
0xf6: {  	v6, _, _ =	vpop @p0 (xrf0)  }
0xf7: {  	(v2sf) =	vpush @p0 v6, $0xF;
	_ =	sdelay $0xe  }
0xf8: {  	s10 =	spop @p0 (v2sf)  }
0xf9: {  	v1 =	vpsel p0, v4, v1;
	v0 =	vpsel p0, v5, v0;
	s9 =	smov.u32 @p0 s10  }
.LBB2_14:
0xfa: {  	s10 =	simm.s32 $0x0;
	s12 =	rddreg [dreg:$0x5]  }
0xfb: {  	[tilespmem:s4], [sflag:$0x2] =	stream.linear.gather [hbm4b:s12+s10], $0x8000, $0x38;
	[tilespmem:$0x10180] =	vst v63  }
0xfc: {  	_ =	swait.ge [sflag:s5], $0x8000  }
0xfd: {  	[sflag:s5] =	ssyncset.done $0x0  }
0xfe: {  	s26 =	simm.s32 $0x0;
	[sflag:s5] =	ssyncadd.s32 $0xFFFF8000  }
0xff: {  	v5 =	vld [tilespmem:s26+$0x0]  }
0x100: {  	v6 =	vld [tilespmem:s26+$0x10]  }
0x101: {  	v7 =	vld [tilespmem:s26+$0x30]  }
0x102: {  	v3 =	vbroadcast v3, $0xF;
	v8 =	vld [tilespmem:s26+$0x20]  }
0x103: {  	v13 =	vld [tilespmem:s26+$0x40]  }
0x104: {  	v3 =	vadd.f32 v3, v2;
	v14 =	vld [tilespmem:s26+$0x50]  }
0x105: {  	v4 =	vld [tilespmem:s26+$0x70]  }
0x106: {  	s10 =	simm.s32 $0x80;
	v2 =	vsel vm1, v2, v3;
	v3 =	vld [tilespmem:s26+$0x60]  }
0x107: {  	v17 =	vimm.f32 $0.0e+00;
	v10 =	vimm.f32 $-Inf;
	v15 =	vld [tilespmem:s10+$0x0];
	v9 =	vmul.f32 v5, v5  }
0x108: {  	v20 =	vld [tilespmem:s10+$0x10];
	v5 =	vmax.f32 v10, v5;
	v19 =	vmul.f32 v6, v6;
	v6 =	vmax.f32 v10, v6  }
0x109: {  	v12 =	vmul.f32 v7, v7;
	v16 =	vmax.f32 v6, v7;
	v5 =	vmax.f32 v5, v8;
	v6 =	vld [tilespmem:s10+$0x30]  }
0x10a: {  	v10 =	vmul.f32 v8, v8;
	v11 =	vmul.f32 v14, v14;
	v7 =	vld [tilespmem:s10+$0x20];
	v18 =	vmax.f32 v5, v13  }
0x10b: {  	v8 =	vmul.f32 v13, v13;
	v13 =	vmax.f32 v16, v14;
	v5 =	vld [tilespmem:s10+$0x40];
	v14 =	vmax.f32 v18, v3  }
0x10c: {  	v16 =	vmul.f32 v15, v15;
	v21 =	vmax.f32 v13, v4;
	v18 =	vmax.f32 v14, v15;
	v15 =	vld [tilespmem:s10+$0x50]  }
0x10d: {  	s26 =	simm.s32 $0x400;
	v19 =	vadd.f32 v19, v17;
	v13 =	vmul.f32 v20, v20;
	v20 =	vmax.f32 v21, v20;
	v14 =	vld [tilespmem:s10+$0x70]  }
.LBB2_15:
0x10e: {  	p0 =	sne.s32 s26, $0x1FE00;
	v20 =	vmax.f32 v20, v6;
	v17 =	vadd.f32 v9, v17;
	v21 =	vmul.f32 v3, v3;
	v3 =	vld [tilespmem:s10+$0x60];
	s10 =	sshra.s32 s26, $0x2;
	s26 =	sadd.s32 $0x200, s26;
	v9 =	vmovc v16  }
0x10f: {  	v22 =	vld [tilespmem:s10+$0x0];
	v16 =	vmax.f32 v18, v7;
	v18 =	vadd.f32 v12, v19;
	v12 =	vmul.f32 v6, v6  }
0x110: {  	v23 =	vld [tilespmem:s10+$0x10];
	v16 =	vmax.f32 v16, v5;
	v17 =	vadd.f32 v10, v17;
	v10 =	vmul.f32 v7, v7  }
.Ltmp9:
0x111: {  	v19 =	vmul.f32 v4, v4;
	v6 =	vld [tilespmem:s10+$0x30];
	v18 =	vadd.f32 v11, v18;
	v11 =	vmul.f32 v15, v15;
	(pc) =	sbr.rel @p0 .LBB2_15-.Ltmp9, $4  }
0x112: {  	v15 =	vmax.f32 v20, v15;
	v7 =	vld [tilespmem:s10+$0x20];
	v17 =	vadd.f32 v8, v17;
	v8 =	vmul.f32 v5, v5;
	v4 =	vmovc v14  }
0x113: {  	v5 =	vld [tilespmem:s10+$0x40];
	v14 =	vmax.f32 v16, v3;
	v20 =	vmax.f32 v15, v4;
	v19 =	vadd.f32 v19, v18  }
0x114: {  	v16 =	vmul.f32 v22, v22;
	v18 =	vmax.f32 v14, v22;
	v15 =	vld [tilespmem:s10+$0x50];
	v17 =	vadd.f32 v21, v17  }
0x115: {  	v20 =	vmax.f32 v20, v23;
	v14 =	vld [tilespmem:s10+$0x70];
	v19 =	vadd.f32 v13, v19;
	v13 =	vmul.f32 v23, v23  }
0x116: {  	v21 =	vld [tilespmem:s10+$0x60];
	_ =	sdelay $0x2  }
0x117: {  	v20 =	vmax.f32 v20, v6;
	v18 =	vmax.f32 v18, v7  }
0x118: {  	v55 =	vmax.f32 v18, v5;
	v56 =	vmax.f32 v20, v15  }
0x119: {  	v9 =	vadd.f32 v9, v17;
	v18 =	vmax.f32 v56, v14;
	v17 =	vmax.f32 v55, v21  }
0x11a: {  	v57 =	vmax.f32 v17, v18  }
0x11b: {  	(xrf0) =	vmax.scan.msk.f32 $0xffff, v57;
	_ =	sdelay $0x1  }
0x11c: {  	v12 =	vadd.f32 v12, v19;
	v9 =	vadd.f32 v10, v9  }
0x11d: {  	v4 =	vmul.f32 v4, v4  }
0x11e: {  	v3 =	vmul.f32 v3, v3;
	v11 =	vadd.f32 v11, v12;
	v8 =	vadd.f32 v8, v9;
	_ =	sdelay $0x1  }
0x11f: {  	v4 =	vadd.f32 v4, v11;
	v3 =	vadd.f32 v3, v8;
	v61, _, _ =	vpop (xrf0)  }
0x120: {  	v58 =	vmul.f32 v6, v6;
	(v2sf) =	vpush v61, $0xF  }
0x121: {  	v59 =	vmul.f32 v7, v7;
	v4 =	vadd.f32 v13, v4;
	v3 =	vadd.f32 v16, v3  }
0x122: {  	v5 =	vmul.f32 v5, v5  }
0x123: {  	v60 =	vmul.f32 v15, v15;
	v4 =	vadd.f32 v58, v4;
	v3 =	vadd.f32 v59, v3  }
0x124: {  	v63 =	vmul.f32 v14, v14  }
0x125: {  	v62 =	vmul.f32 v21, v21;
	v4 =	vadd.f32 v60, v4;
	v3 =	vadd.f32 v5, v3;
	_ =	sdelay $0x1  }
0x126: {  	v4 =	vadd.f32 v63, v4;
	v3 =	vadd.f32 v62, v3;
	_ =	sdelay $0x1  }
0x127: {  	v3 =	vadd.f32 v4, v3;
	_ =	sdelay $0x1  }
0x128: {  	(xrf2) =	vadd.scan.msk.f32 $0xffff, v3;
	_ =	sdelay $0x3  }
0x129: {  	s26 =	spop (v2sf)  }
0x12a: {  	p0 =	sgt.f32 s26, s9  }
.Ltmp10:
0x12b: {  	_ = 	snop;
	(pc) =	sbr.rel @!p0 .LBB2_20-.Ltmp10, $2  }
0x12c: {  	_ =	sdelay $0x2  }
0x12d: {  	s10 =	simm.s32 $0x0;
	v3, _, _ =	vpop (xrf2)  }
0x12e: {  	s12 =	sshra.s32 s10, $0x2  }
0x12f: {  	v4 =	vld [tilespmem:s12+$0x0];
	_ =	sdelay $0x4  }
0x130: {  	(xrf0) =	vmax.scan.msk.f32 $0xffff, v4;
	_ =	sdelay $0x5  }
0x131: {  	v5, _, _ =	vpop (xrf0)  }
0x132: {  	(v2sf) =	vpush v5, $0xF;
	_ =	sdelay $0xe  }
0x133: {  	s26 =	spop (v2sf)  }
0x134: {  	p0 =	sgt.f32 s26, s9;
	_ =	sdelay $0x1  }
0x135: {  	v5 =	vlaneseq.u32 @p0  }
0x136: {  	v5 =	vor.u32 @p0 s29, v5  }
0x137: {  	(xrf1) =	vsort.dscd.msk.f32 @p0 $0xffff, v4, v5;
	_ =	sdelay $0xd  }
0x138: {  	v4, v5, _ =	vpop @p0 (xrf1)  }
0x139: {  	vm8 =	veq.f32 @p0 v4, v1;
	vm9 =	vlt.s32 @p0 v5, v0  }
0x13a: {  	vm10 =	vgt.f32 @p0 v4, v1;
	vm8 =	vmand @p0 vm8, vm9  }
0x13b: {  	vm8 =	vmor @p0 vm10, vm8  }
0x13c: {  	v4 =	vsel @p0 vm8, v4, v1;
	v5 =	vsel @p0 vm8, v5, v0  }
0x13d: {  	s10 =	sadd.s32 $0x40, s10;
	s26 =	smov.u32 s29;
	(xrf1) =	vsort.ascd.msk.f32 @p0 $0xffff, v4, v5  }
.LBB2_18:
0x13e: {  	_ =	sdelay $0x8  }
0x13f: {  	s12 =	sshra.s32 s10, $0x2;
	s10 =	sadd.s32 $0x40, s10  }
0x140: {  	v4 =	vld [tilespmem:s12+$0x0];
	p1 =	sne.s32 s10, $0x20000;
	_ =	sdelay $0x2  }
0x141: {  	v5, v6, _ =	vpop @p0 (xrf1)  }
0x142: {  	v1 =	vpsel p0, v5, v1;
	v0 =	vpsel p0, v6, v0;
	(xrf0) =	vmin.scan.msk.f32 @p0 $0xffff, v5  }
0x143: {  	(xrf0) =	vmax.scan.msk.f32 $0xffff, v4;
	_ =	sdelay $0x4  }
0x144: {  	v5, _, _ =	vpop @p0 (xrf0)  }
0x145: {  	v6, _, _ =	vpop (xrf0);
	(v2sf) =	vpush @p0 v5, $0xF  }
0x146: {  	(v2sf) =	vpush v6, $0xF;
	_ =	sdelay $0xd  }
0x147: {  	s12 =	spop @p0 (v2sf)  }
0x148: {  	s13 =	spop (v2sf);
	s9 =	smov.u32 @p0 s12  }
0x149: {  	p0 =	sgt.f32 s13, s9;
	_ =	sdelay $0x1  }
0x14a: {  	s26 =	sadd.s32 $0x10, s26;
	v5 =	vlaneseq.u32 @p0  }
0x14b: {  	v5 =	vor.u32 @p0 s26, v5  }
0x14c: {  	(xrf1) =	vsort.dscd.msk.f32 @p0 $0xffff, v4, v5;
	_ =	sdelay $0xd  }
0x14d: {  	v4, v5, _ =	vpop @p0 (xrf1)  }
.Ltmp11:
0x14e: {  	vm8 =	veq.f32 @p0 v4, v1;
	vm9 =	vlt.s32 @p0 v5, v0;
	(pc) =	sbr.rel @p1 .LBB2_18-.Ltmp11, $4  }
0x14f: {  	vm10 =	vgt.f32 @p0 v4, v1;
	vm8 =	vmand @p0 vm8, vm9  }
0x150: {  	vm8 =	vmor @p0 vm10, vm8  }
0x151: {  	v4 =	vsel @p0 vm8, v4, v1;
	v5 =	vsel @p0 vm8, v5, v0  }
0x152: {  	(xrf1) =	vsort.ascd.msk.f32 @p0 $0xffff, v4, v5  }
0x153: {  	_ =	sdelay $0xc  }
0x154: {  	v4, v5, _ =	vpop @p0 (xrf1)  }
0x155: {  	(xrf0) =	vmin.scan.msk.f32 @p0 $0xffff, v4;
	_ =	sdelay $0x5  }
0x156: {  	v6, _, _ =	vpop @p0 (xrf0)  }
0x157: {  	(v2sf) =	vpush @p0 v6, $0xF;
	_ =	sdelay $0xe  }
0x158: {  	s10 =	spop @p0 (v2sf)  }
0x159: {  	v1 =	vpsel p0, v4, v1;
	v0 =	vpsel p0, v5, v0;
	s9 =	smov.u32 @p0 s10  }
.LBB2_20:
0x15a: {  	s10 =	simm.s32 $0x0;
	s12 =	rddreg [dreg:$0x6]  }
0x15b: {  	[tilespmem:s10], [sflag:$0x1] =	stream.linear.gather [hbm4b:s12+s10], $0x8000, $0x38;
	[tilespmem:$0x10180] =	vst v63  }
0x15c: {  	_ =	swait.ge [sflag:s6], $0x8000  }
0x15d: {  	[sflag:s6] =	ssyncset.done $0x0  }
0x15e: {  	s26 =	simm.s32 $0x0;
	[sflag:s6] =	ssyncadd.s32 $0xFFFF8000  }
0x15f: {  	v5 =	vld [tilespmem:s26+$0x8000]  }
0x160: {  	v6 =	vld [tilespmem:s26+$0x8010]  }
0x161: {  	v7 =	vld [tilespmem:s26+$0x8030]  }
0x162: {  	v3 =	vbroadcast v3, $0xF;
	v8 =	vld [tilespmem:s26+$0x8020]  }
0x163: {  	v13 =	vld [tilespmem:s26+$0x8040]  }
0x164: {  	v3 =	vadd.f32 v3, v2;
	v14 =	vld [tilespmem:s26+$0x8050]  }
0x165: {  	v4 =	vld [tilespmem:s26+$0x8070]  }
0x166: {  	s10 =	simm.s32 $0x80;
	v2 =	vsel vm2, v2, v3;
	v3 =	vld [tilespmem:s26+$0x8060]  }
0x167: {  	v17 =	vimm.f32 $0.0e+00;
	v10 =	vimm.f32 $-Inf;
	v15 =	vld [tilespmem:s10+$0x8000];
	v9 =	vmul.f32 v5, v5  }
0x168: {  	v20 =	vld [tilespmem:s10+$0x8010];
	v5 =	vmax.f32 v10, v5;
	v19 =	vmul.f32 v6, v6;
	v6 =	vmax.f32 v10, v6  }
0x169: {  	v12 =	vmul.f32 v7, v7;
	v16 =	vmax.f32 v6, v7;
	v5 =	vmax.f32 v5, v8;
	v6 =	vld [tilespmem:s10+$0x8030]  }
0x16a: {  	v10 =	vmul.f32 v8, v8;
	v11 =	vmul.f32 v14, v14;
	v7 =	vld [tilespmem:s10+$0x8020];
	v18 =	vmax.f32 v5, v13  }
0x16b: {  	v8 =	vmul.f32 v13, v13;
	v13 =	vmax.f32 v16, v14;
	v5 =	vld [tilespmem:s10+$0x8040];
	v14 =	vmax.f32 v18, v3  }
0x16c: {  	v16 =	vmul.f32 v15, v15;
	v21 =	vmax.f32 v13, v4;
	v18 =	vmax.f32 v14, v15;
	v15 =	vld [tilespmem:s10+$0x8050]  }
0x16d: {  	s26 =	simm.s32 $0x400;
	v19 =	vadd.f32 v19, v17;
	v13 =	vmul.f32 v20, v20;
	v20 =	vmax.f32 v21, v20;
	v14 =	vld [tilespmem:s10+$0x8070]  }
.LBB2_21:
0x16e: {  	p0 =	sne.s32 s26, $0x1FE00;
	v20 =	vmax.f32 v20, v6;
	v17 =	vadd.f32 v9, v17;
	v21 =	vmul.f32 v3, v3;
	v3 =	vld [tilespmem:s10+$0x8060];
	s10 =	sshra.s32 s26, $0x2;
	s26 =	sadd.s32 $0x200, s26;
	v9 =	vmovc v16  }
0x16f: {  	v22 =	vld [tilespmem:s10+$0x8000];
	v16 =	vmax.f32 v18, v7;
	v18 =	vadd.f32 v12, v19;
	v12 =	vmul.f32 v6, v6  }
0x170: {  	v23 =	vld [tilespmem:s10+$0x8010];
	v16 =	vmax.f32 v16, v5;
	v17 =	vadd.f32 v10, v17;
	v10 =	vmul.f32 v7, v7  }
.Ltmp12:
0x171: {  	v19 =	vmul.f32 v4, v4;
	v6 =	vld [tilespmem:s10+$0x8030];
	v18 =	vadd.f32 v11, v18;
	v11 =	vmul.f32 v15, v15;
	(pc) =	sbr.rel @p0 .LBB2_21-.Ltmp12, $4  }
0x172: {  	v15 =	vmax.f32 v20, v15;
	v7 =	vld [tilespmem:s10+$0x8020];
	v17 =	vadd.f32 v8, v17;
	v8 =	vmul.f32 v5, v5;
	v4 =	vmovc v14  }
0x173: {  	v5 =	vld [tilespmem:s10+$0x8040];
	v14 =	vmax.f32 v16, v3;
	v20 =	vmax.f32 v15, v4;
	v19 =	vadd.f32 v19, v18  }
0x174: {  	v16 =	vmul.f32 v22, v22;
	v18 =	vmax.f32 v14, v22;
	v15 =	vld [tilespmem:s10+$0x8050];
	v17 =	vadd.f32 v21, v17  }
0x175: {  	v20 =	vmax.f32 v20, v23;
	v14 =	vld [tilespmem:s10+$0x8070];
	v19 =	vadd.f32 v13, v19;
	v13 =	vmul.f32 v23, v23  }
0x176: {  	v21 =	vld [tilespmem:s10+$0x8060];
	_ =	sdelay $0x2  }
0x177: {  	v20 =	vmax.f32 v20, v6;
	v18 =	vmax.f32 v18, v7  }
0x178: {  	v55 =	vmax.f32 v18, v5;
	v56 =	vmax.f32 v20, v15  }
0x179: {  	v9 =	vadd.f32 v9, v17;
	v18 =	vmax.f32 v56, v14;
	v17 =	vmax.f32 v55, v21  }
0x17a: {  	v57 =	vmax.f32 v17, v18  }
0x17b: {  	(xrf0) =	vmax.scan.msk.f32 $0xffff, v57;
	_ =	sdelay $0x1  }
0x17c: {  	v12 =	vadd.f32 v12, v19;
	v9 =	vadd.f32 v10, v9  }
0x17d: {  	v4 =	vmul.f32 v4, v4  }
0x17e: {  	v3 =	vmul.f32 v3, v3;
	v11 =	vadd.f32 v11, v12;
	v8 =	vadd.f32 v8, v9;
	_ =	sdelay $0x1  }
0x17f: {  	v4 =	vadd.f32 v4, v11;
	v3 =	vadd.f32 v3, v8;
	v61, _, _ =	vpop (xrf0)  }
0x180: {  	v58 =	vmul.f32 v6, v6;
	(v2sf) =	vpush v61, $0xF  }
0x181: {  	v59 =	vmul.f32 v7, v7;
	v4 =	vadd.f32 v13, v4;
	v3 =	vadd.f32 v16, v3  }
0x182: {  	v5 =	vmul.f32 v5, v5  }
0x183: {  	v60 =	vmul.f32 v15, v15;
	v4 =	vadd.f32 v58, v4;
	v3 =	vadd.f32 v59, v3  }
0x184: {  	v63 =	vmul.f32 v14, v14  }
0x185: {  	v62 =	vmul.f32 v21, v21;
	v4 =	vadd.f32 v60, v4;
	v3 =	vadd.f32 v5, v3;
	_ =	sdelay $0x1  }
0x186: {  	v4 =	vadd.f32 v63, v4;
	v3 =	vadd.f32 v62, v3;
	_ =	sdelay $0x1  }
0x187: {  	v3 =	vadd.f32 v4, v3;
	_ =	sdelay $0x1  }
0x188: {  	(xrf2) =	vadd.scan.msk.f32 $0xffff, v3;
	_ =	sdelay $0x3  }
0x189: {  	s26 =	spop (v2sf)  }
0x18a: {  	p0 =	sgt.f32 s26, s9  }
.Ltmp13:
0x18b: {  	_ = 	snop;
	(pc) =	sbr.rel @!p0 .LBB2_26-.Ltmp13, $2  }
0x18c: {  	_ =	sdelay $0x2  }
0x18d: {  	s10 =	simm.s32 $0x0;
	v3, _, _ =	vpop (xrf2)  }
0x18e: {  	s12 =	sshra.s32 s10, $0x2  }
0x18f: {  	v4 =	vld [tilespmem:s12+$0x8000];
	_ =	sdelay $0x4  }
0x190: {  	(xrf0) =	vmax.scan.msk.f32 $0xffff, v4;
	_ =	sdelay $0x5  }
0x191: {  	v5, _, _ =	vpop (xrf0)  }
0x192: {  	(v2sf) =	vpush v5, $0xF;
	_ =	sdelay $0xe  }
0x193: {  	s26 =	spop (v2sf)  }
0x194: {  	p0 =	sgt.f32 s26, s9;
	_ =	sdelay $0x1  }
0x195: {  	v5 =	vlaneseq.u32 @p0  }
0x196: {  	v5 =	vor.u32 @p0 s30, v5  }
0x197: {  	(xrf1) =	vsort.dscd.msk.f32 @p0 $0xffff, v4, v5;
	_ =	sdelay $0xd  }
0x198: {  	v4, v5, _ =	vpop @p0 (xrf1)  }
0x199: {  	vm8 =	veq.f32 @p0 v4, v1;
	vm9 =	vlt.s32 @p0 v5, v0  }
0x19a: {  	vm10 =	vgt.f32 @p0 v4, v1;
	vm8 =	vmand @p0 vm8, vm9  }
0x19b: {  	vm8 =	vmor @p0 vm10, vm8  }
0x19c: {  	v4 =	vsel @p0 vm8, v4, v1;
	v5 =	vsel @p0 vm8, v5, v0  }
0x19d: {  	s10 =	sadd.s32 $0x40, s10;
	s26 =	smov.u32 s30;
	(xrf1) =	vsort.ascd.msk.f32 @p0 $0xffff, v4, v5  }
.LBB2_24:
0x19e: {  	_ =	sdelay $0x8  }
0x19f: {  	s12 =	sshra.s32 s10, $0x2;
	s10 =	sadd.s32 $0x40, s10  }
0x1a0: {  	v4 =	vld [tilespmem:s12+$0x8000];
	p1 =	sne.s32 s10, $0x20000;
	_ =	sdelay $0x2  }
0x1a1: {  	v5, v6, _ =	vpop @p0 (xrf1)  }
0x1a2: {  	v1 =	vpsel p0, v5, v1;
	v0 =	vpsel p0, v6, v0;
	(xrf0) =	vmin.scan.msk.f32 @p0 $0xffff, v5  }
0x1a3: {  	(xrf0) =	vmax.scan.msk.f32 $0xffff, v4;
	_ =	sdelay $0x4  }
0x1a4: {  	v5, _, _ =	vpop @p0 (xrf0)  }
0x1a5: {  	v6, _, _ =	vpop (xrf0);
	(v2sf) =	vpush @p0 v5, $0xF  }
0x1a6: {  	(v2sf) =	vpush v6, $0xF;
	_ =	sdelay $0xd  }
0x1a7: {  	s12 =	spop @p0 (v2sf)  }
0x1a8: {  	s13 =	spop (v2sf);
	s9 =	smov.u32 @p0 s12  }
0x1a9: {  	p0 =	sgt.f32 s13, s9;
	_ =	sdelay $0x1  }
0x1aa: {  	s26 =	sadd.s32 $0x10, s26;
	v5 =	vlaneseq.u32 @p0  }
0x1ab: {  	v5 =	vor.u32 @p0 s26, v5  }
0x1ac: {  	(xrf1) =	vsort.dscd.msk.f32 @p0 $0xffff, v4, v5;
	_ =	sdelay $0xd  }
0x1ad: {  	v4, v5, _ =	vpop @p0 (xrf1)  }
.Ltmp14:
0x1ae: {  	vm8 =	veq.f32 @p0 v4, v1;
	vm9 =	vlt.s32 @p0 v5, v0;
	(pc) =	sbr.rel @p1 .LBB2_24-.Ltmp14, $4  }
0x1af: {  	vm10 =	vgt.f32 @p0 v4, v1;
	vm8 =	vmand @p0 vm8, vm9  }
0x1b0: {  	vm8 =	vmor @p0 vm10, vm8  }
0x1b1: {  	v4 =	vsel @p0 vm8, v4, v1;
	v5 =	vsel @p0 vm8, v5, v0  }
0x1b2: {  	(xrf1) =	vsort.ascd.msk.f32 @p0 $0xffff, v4, v5  }
0x1b3: {  	_ =	sdelay $0xc  }
0x1b4: {  	v4, v5, _ =	vpop @p0 (xrf1)  }
0x1b5: {  	(xrf0) =	vmin.scan.msk.f32 @p0 $0xffff, v4;
	_ =	sdelay $0x5  }
0x1b6: {  	v6, _, _ =	vpop @p0 (xrf0)  }
0x1b7: {  	(v2sf) =	vpush @p0 v6, $0xF;
	_ =	sdelay $0xe  }
0x1b8: {  	s10 =	spop @p0 (v2sf)  }
0x1b9: {  	v1 =	vpsel p0, v4, v1;
	v0 =	vpsel p0, v5, v0;
	s9 =	smov.u32 @p0 s10  }
.LBB2_26:
0x1ba: {  	s10 =	simm.s32 $0x0;
	s12 =	rddreg [dreg:$0x7]  }
0x1bb: {  	[tilespmem:s4], [sflag:$0x2] =	stream.linear.gather [hbm4b:s12+s10], $0x8000, $0x38;
	[tilespmem:$0x10180] =	vst v63  }
0x1bc: {  	_ =	swait.ge [sflag:s5], $0x8000  }
0x1bd: {  	[sflag:s5] =	ssyncset.done $0x0  }
0x1be: {  	s26 =	simm.s32 $0x0;
	[sflag:s5] =	ssyncadd.s32 $0xFFFF8000  }
0x1bf: {  	v5 =	vld [tilespmem:s26+$0x0]  }
0x1c0: {  	v6 =	vld [tilespmem:s26+$0x10]  }
0x1c1: {  	v7 =	vld [tilespmem:s26+$0x30]  }
0x1c2: {  	v3 =	vbroadcast v3, $0xF;
	v8 =	vld [tilespmem:s26+$0x20]  }
0x1c3: {  	v13 =	vld [tilespmem:s26+$0x40]  }
0x1c4: {  	v3 =	vadd.f32 v3, v2;
	v14 =	vld [tilespmem:s26+$0x50]  }
0x1c5: {  	v4 =	vld [tilespmem:s26+$0x70]  }
0x1c6: {  	s10 =	simm.s32 $0x80;
	v2 =	vsel vm3, v2, v3;
	v3 =	vld [tilespmem:s26+$0x60]  }
0x1c7: {  	v17 =	vimm.f32 $0.0e+00;
	v10 =	vimm.f32 $-Inf;
	v15 =	vld [tilespmem:s10+$0x0];
	v9 =	vmul.f32 v5, v5  }
0x1c8: {  	v20 =	vld [tilespmem:s10+$0x10];
	v5 =	vmax.f32 v10, v5;
	v19 =	vmul.f32 v6, v6;
	v6 =	vmax.f32 v10, v6  }
0x1c9: {  	v12 =	vmul.f32 v7, v7;
	v16 =	vmax.f32 v6, v7;
	v5 =	vmax.f32 v5, v8;
	v6 =	vld [tilespmem:s10+$0x30]  }
0x1ca: {  	v10 =	vmul.f32 v8, v8;
	v11 =	vmul.f32 v14, v14;
	v7 =	vld [tilespmem:s10+$0x20];
	v18 =	vmax.f32 v5, v13  }
0x1cb: {  	v8 =	vmul.f32 v13, v13;
	v13 =	vmax.f32 v16, v14;
	v5 =	vld [tilespmem:s10+$0x40];
	v14 =	vmax.f32 v18, v3  }
0x1cc: {  	v16 =	vmul.f32 v15, v15;
	v21 =	vmax.f32 v13, v4;
	v18 =	vmax.f32 v14, v15;
	v15 =	vld [tilespmem:s10+$0x50]  }
0x1cd: {  	s26 =	simm.s32 $0x400;
	v19 =	vadd.f32 v19, v17;
	v13 =	vmul.f32 v20, v20;
	v20 =	vmax.f32 v21, v20;
	v14 =	vld [tilespmem:s10+$0x70]  }
.LBB2_27:
0x1ce: {  	p0 =	sne.s32 s26, $0x1FE00;
	v20 =	vmax.f32 v20, v6;
	v17 =	vadd.f32 v9, v17;
	v21 =	vmul.f32 v3, v3;
	v3 =	vld [tilespmem:s10+$0x60];
	s10 =	sshra.s32 s26, $0x2;
	s26 =	sadd.s32 $0x200, s26;
	v9 =	vmovc v16  }
0x1cf: {  	v22 =	vld [tilespmem:s10+$0x0];
	v16 =	vmax.f32 v18, v7;
	v18 =	vadd.f32 v12, v19;
	v12 =	vmul.f32 v6, v6  }
0x1d0: {  	v23 =	vld [tilespmem:s10+$0x10];
	v16 =	vmax.f32 v16, v5;
	v17 =	vadd.f32 v10, v17;
	v10 =	vmul.f32 v7, v7  }
.Ltmp15:
0x1d1: {  	v19 =	vmul.f32 v4, v4;
	v6 =	vld [tilespmem:s10+$0x30];
	v18 =	vadd.f32 v11, v18;
	v11 =	vmul.f32 v15, v15;
	(pc) =	sbr.rel @p0 .LBB2_27-.Ltmp15, $4  }
0x1d2: {  	v15 =	vmax.f32 v20, v15;
	v7 =	vld [tilespmem:s10+$0x20];
	v17 =	vadd.f32 v8, v17;
	v8 =	vmul.f32 v5, v5;
	v4 =	vmovc v14  }
0x1d3: {  	v5 =	vld [tilespmem:s10+$0x40];
	v14 =	vmax.f32 v16, v3;
	v20 =	vmax.f32 v15, v4;
	v19 =	vadd.f32 v19, v18  }
0x1d4: {  	v16 =	vmul.f32 v22, v22;
	v18 =	vmax.f32 v14, v22;
	v15 =	vld [tilespmem:s10+$0x50];
	v17 =	vadd.f32 v21, v17  }
0x1d5: {  	v20 =	vmax.f32 v20, v23;
	v14 =	vld [tilespmem:s10+$0x70];
	v19 =	vadd.f32 v13, v19;
	v13 =	vmul.f32 v23, v23  }
0x1d6: {  	v21 =	vld [tilespmem:s10+$0x60];
	_ =	sdelay $0x2  }
0x1d7: {  	v20 =	vmax.f32 v20, v6;
	v18 =	vmax.f32 v18, v7  }
0x1d8: {  	v55 =	vmax.f32 v18, v5;
	v56 =	vmax.f32 v20, v15  }
0x1d9: {  	v9 =	vadd.f32 v9, v17;
	v18 =	vmax.f32 v56, v14;
	v17 =	vmax.f32 v55, v21  }
0x1da: {  	v57 =	vmax.f32 v17, v18  }
0x1db: {  	(xrf0) =	vmax.scan.msk.f32 $0xffff, v57;
	_ =	sdelay $0x1  }
0x1dc: {  	v12 =	vadd.f32 v12, v19;
	v9 =	vadd.f32 v10, v9  }
0x1dd: {  	v4 =	vmul.f32 v4, v4  }
0x1de: {  	v3 =	vmul.f32 v3, v3;
	v11 =	vadd.f32 v11, v12;
	v8 =	vadd.f32 v8, v9;
	_ =	sdelay $0x1  }
0x1df: {  	v4 =	vadd.f32 v4, v11;
	v3 =	vadd.f32 v3, v8;
	v61, _, _ =	vpop (xrf0)  }
0x1e0: {  	v58 =	vmul.f32 v6, v6;
	(v2sf) =	vpush v61, $0xF  }
0x1e1: {  	v59 =	vmul.f32 v7, v7;
	v4 =	vadd.f32 v13, v4;
	v3 =	vadd.f32 v16, v3  }
0x1e2: {  	v5 =	vmul.f32 v5, v5  }
0x1e3: {  	v60 =	vmul.f32 v15, v15;
	v4 =	vadd.f32 v58, v4;
	v3 =	vadd.f32 v59, v3  }
0x1e4: {  	v63 =	vmul.f32 v14, v14  }
0x1e5: {  	v62 =	vmul.f32 v21, v21;
	v4 =	vadd.f32 v60, v4;
	v3 =	vadd.f32 v5, v3;
	_ =	sdelay $0x1  }
0x1e6: {  	v4 =	vadd.f32 v63, v4;
	v3 =	vadd.f32 v62, v3;
	_ =	sdelay $0x1  }
0x1e7: {  	v3 =	vadd.f32 v4, v3;
	_ =	sdelay $0x1  }
0x1e8: {  	(xrf2) =	vadd.scan.msk.f32 $0xffff, v3;
	_ =	sdelay $0x3  }
0x1e9: {  	s26 =	spop (v2sf)  }
0x1ea: {  	p0 =	sgt.f32 s26, s9  }
.Ltmp16:
0x1eb: {  	_ = 	snop;
	(pc) =	sbr.rel @!p0 .LBB2_32-.Ltmp16, $2  }
0x1ec: {  	_ =	sdelay $0x2  }
0x1ed: {  	s10 =	simm.s32 $0x0;
	v3, _, _ =	vpop (xrf2)  }
0x1ee: {  	s12 =	sshra.s32 s10, $0x2  }
0x1ef: {  	v4 =	vld [tilespmem:s12+$0x0];
	_ =	sdelay $0x4  }
0x1f0: {  	(xrf0) =	vmax.scan.msk.f32 $0xffff, v4;
	_ =	sdelay $0x5  }
0x1f1: {  	v5, _, _ =	vpop (xrf0)  }
0x1f2: {  	(v2sf) =	vpush v5, $0xF;
	_ =	sdelay $0xe  }
0x1f3: {  	s26 =	spop (v2sf)  }
0x1f4: {  	p0 =	sgt.f32 s26, s9;
	_ =	sdelay $0x1  }
0x1f5: {  	v5 =	vlaneseq.u32 @p0  }
0x1f6: {  	v5 =	vor.u32 @p0 s31, v5  }
0x1f7: {  	(xrf1) =	vsort.dscd.msk.f32 @p0 $0xffff, v4, v5;
	_ =	sdelay $0xd  }
0x1f8: {  	v4, v5, _ =	vpop @p0 (xrf1)  }
0x1f9: {  	vm8 =	veq.f32 @p0 v4, v1;
	vm9 =	vlt.s32 @p0 v5, v0  }
0x1fa: {  	vm10 =	vgt.f32 @p0 v4, v1;
	vm8 =	vmand @p0 vm8, vm9  }
0x1fb: {  	vm8 =	vmor @p0 vm10, vm8  }
0x1fc: {  	v4 =	vsel @p0 vm8, v4, v1;
	v5 =	vsel @p0 vm8, v5, v0  }
0x1fd: {  	s10 =	sadd.s32 $0x40, s10;
	s26 =	smov.u32 s31;
	(xrf1) =	vsort.ascd.msk.f32 @p0 $0xffff, v4, v5  }
.LBB2_30:
0x1fe: {  	_ =	sdelay $0x8  }
0x1ff: {  	s12 =	sshra.s32 s10, $0x2;
	s10 =	sadd.s32 $0x40, s10  }
0x200: {  	v4 =	vld [tilespmem:s12+$0x0];
	p1 =	sne.s32 s10, $0x20000;
	_ =	sdelay $0x2  }
0x201: {  	v5, v6, _ =	vpop @p0 (xrf1)  }
0x202: {  	v1 =	vpsel p0, v5, v1;
	v0 =	vpsel p0, v6, v0;
	(xrf0) =	vmin.scan.msk.f32 @p0 $0xffff, v5  }
0x203: {  	(xrf0) =	vmax.scan.msk.f32 $0xffff, v4;
	_ =	sdelay $0x4  }
0x204: {  	v5, _, _ =	vpop @p0 (xrf0)  }
0x205: {  	v6, _, _ =	vpop (xrf0);
	(v2sf) =	vpush @p0 v5, $0xF  }
0x206: {  	(v2sf) =	vpush v6, $0xF;
	_ =	sdelay $0xd  }
0x207: {  	s12 =	spop @p0 (v2sf)  }
0x208: {  	s13 =	spop (v2sf);
	s9 =	smov.u32 @p0 s12  }
0x209: {  	p0 =	sgt.f32 s13, s9;
	_ =	sdelay $0x1  }
0x20a: {  	s26 =	sadd.s32 $0x10, s26;
	v5 =	vlaneseq.u32 @p0  }
0x20b: {  	v5 =	vor.u32 @p0 s26, v5  }
0x20c: {  	(xrf1) =	vsort.dscd.msk.f32 @p0 $0xffff, v4, v5;
	_ =	sdelay $0xd  }
0x20d: {  	v4, v5, _ =	vpop @p0 (xrf1)  }
.Ltmp17:
0x20e: {  	vm8 =	veq.f32 @p0 v4, v1;
	vm9 =	vlt.s32 @p0 v5, v0;
	(pc) =	sbr.rel @p1 .LBB2_30-.Ltmp17, $4  }
0x20f: {  	vm10 =	vgt.f32 @p0 v4, v1;
	vm8 =	vmand @p0 vm8, vm9  }
0x210: {  	vm8 =	vmor @p0 vm10, vm8  }
0x211: {  	v4 =	vsel @p0 vm8, v4, v1;
	v5 =	vsel @p0 vm8, v5, v0  }
0x212: {  	(xrf1) =	vsort.ascd.msk.f32 @p0 $0xffff, v4, v5  }
0x213: {  	_ =	sdelay $0xc  }
0x214: {  	v4, v5, _ =	vpop @p0 (xrf1)  }
0x215: {  	(xrf0) =	vmin.scan.msk.f32 @p0 $0xffff, v4;
	_ =	sdelay $0x5  }
0x216: {  	v6, _, _ =	vpop @p0 (xrf0)  }
0x217: {  	(v2sf) =	vpush @p0 v6, $0xF;
	_ =	sdelay $0xe  }
0x218: {  	s10 =	spop @p0 (v2sf)  }
0x219: {  	v1 =	vpsel p0, v4, v1;
	v0 =	vpsel p0, v5, v0;
	s9 =	smov.u32 @p0 s10  }
.LBB2_32:
0x21a: {  	s10 =	simm.s32 $0x0;
	s12 =	rddreg [dreg:$0x8]  }
0x21b: {  	[tilespmem:s10], [sflag:$0x1] =	stream.linear.gather [hbm4b:s12+s10], $0x8000, $0x38;
	[tilespmem:$0x10180] =	vst v63  }
0x21c: {  	_ =	swait.ge [sflag:s6], $0x8000  }
0x21d: {  	[sflag:s6] =	ssyncset.done $0x0  }
0x21e: {  	s26 =	simm.s32 $0x0;
	[sflag:s6] =	ssyncadd.s32 $0xFFFF8000  }
0x21f: {  	v5 =	vld [tilespmem:s26+$0x8000]  }
0x220: {  	v6 =	vld [tilespmem:s26+$0x8010]  }
0x221: {  	v7 =	vld [tilespmem:s26+$0x8030]  }
0x222: {  	v3 =	vbroadcast v3, $0xF;
	v8 =	vld [tilespmem:s26+$0x8020]  }
0x223: {  	v13 =	vld [tilespmem:s26+$0x8040]  }
0x224: {  	v3 =	vadd.f32 v3, v2;
	v14 =	vld [tilespmem:s26+$0x8050]  }
0x225: {  	v4 =	vld [tilespmem:s26+$0x8070]  }
0x226: {  	s10 =	simm.s32 $0x80;
	v2 =	vsel vm4, v2, v3;
	v3 =	vld [tilespmem:s26+$0x8060]  }
0x227: {  	v17 =	vimm.f32 $0.0e+00;
	v10 =	vimm.f32 $-Inf;
	v15 =	vld [tilespmem:s10+$0x8000];
	v9 =	vmul.f32 v5, v5  }
0x228: {  	v20 =	vld [tilespmem:s10+$0x8010];
	v5 =	vmax.f32 v10, v5;
	v19 =	vmul.f32 v6, v6;
	v6 =	vmax.f32 v10, v6  }
0x229: {  	v12 =	vmul.f32 v7, v7;
	v16 =	vmax.f32 v6, v7;
	v5 =	vmax.f32 v5, v8;
	v6 =	vld [tilespmem:s10+$0x8030]  }
0x22a: {  	v10 =	vmul.f32 v8, v8;
	v11 =	vmul.f32 v14, v14;
	v7 =	vld [tilespmem:s10+$0x8020];
	v18 =	vmax.f32 v5, v13  }
0x22b: {  	v8 =	vmul.f32 v13, v13;
	v13 =	vmax.f32 v16, v14;
	v5 =	vld [tilespmem:s10+$0x8040];
	v14 =	vmax.f32 v18, v3  }
0x22c: {  	v16 =	vmul.f32 v15, v15;
	v21 =	vmax.f32 v13, v4;
	v18 =	vmax.f32 v14, v15;
	v15 =	vld [tilespmem:s10+$0x8050]  }
0x22d: {  	s26 =	simm.s32 $0x400;
	v19 =	vadd.f32 v19, v17;
	v13 =	vmul.f32 v20, v20;
	v20 =	vmax.f32 v21, v20;
	v14 =	vld [tilespmem:s10+$0x8070]  }
.LBB2_33:
0x22e: {  	p0 =	sne.s32 s26, $0x1FE00;
	v20 =	vmax.f32 v20, v6;
	v17 =	vadd.f32 v9, v17;
	v21 =	vmul.f32 v3, v3;
	v3 =	vld [tilespmem:s10+$0x8060];
	s10 =	sshra.s32 s26, $0x2;
	s26 =	sadd.s32 $0x200, s26;
	v9 =	vmovc v16  }
0x22f: {  	v22 =	vld [tilespmem:s10+$0x8000];
	v16 =	vmax.f32 v18, v7;
	v18 =	vadd.f32 v12, v19;
	v12 =	vmul.f32 v6, v6  }
0x230: {  	v23 =	vld [tilespmem:s10+$0x8010];
	v16 =	vmax.f32 v16, v5;
	v17 =	vadd.f32 v10, v17;
	v10 =	vmul.f32 v7, v7  }
.Ltmp18:
0x231: {  	v19 =	vmul.f32 v4, v4;
	v6 =	vld [tilespmem:s10+$0x8030];
	v18 =	vadd.f32 v11, v18;
	v11 =	vmul.f32 v15, v15;
	(pc) =	sbr.rel @p0 .LBB2_33-.Ltmp18, $4  }
0x232: {  	v15 =	vmax.f32 v20, v15;
	v7 =	vld [tilespmem:s10+$0x8020];
	v17 =	vadd.f32 v8, v17;
	v8 =	vmul.f32 v5, v5;
	v4 =	vmovc v14  }
0x233: {  	v5 =	vld [tilespmem:s10+$0x8040];
	v14 =	vmax.f32 v16, v3;
	v20 =	vmax.f32 v15, v4;
	v19 =	vadd.f32 v19, v18  }
0x234: {  	v16 =	vmul.f32 v22, v22;
	v18 =	vmax.f32 v14, v22;
	v15 =	vld [tilespmem:s10+$0x8050];
	v17 =	vadd.f32 v21, v17  }
0x235: {  	v20 =	vmax.f32 v20, v23;
	v14 =	vld [tilespmem:s10+$0x8070];
	v19 =	vadd.f32 v13, v19;
	v13 =	vmul.f32 v23, v23  }
0x236: {  	v21 =	vld [tilespmem:s10+$0x8060];
	_ =	sdelay $0x2  }
0x237: {  	v20 =	vmax.f32 v20, v6;
	v18 =	vmax.f32 v18, v7  }
0x238: {  	v55 =	vmax.f32 v18, v5;
	v56 =	vmax.f32 v20, v15  }
0x239: {  	v9 =	vadd.f32 v9, v17;
	v18 =	vmax.f32 v56, v14;
	v17 =	vmax.f32 v55, v21  }
0x23a: {  	v57 =	vmax.f32 v17, v18  }
0x23b: {  	(xrf0) =	vmax.scan.msk.f32 $0xffff, v57;
	_ =	sdelay $0x1  }
0x23c: {  	v12 =	vadd.f32 v12, v19;
	v9 =	vadd.f32 v10, v9  }
0x23d: {  	v4 =	vmul.f32 v4, v4  }
0x23e: {  	v3 =	vmul.f32 v3, v3;
	v11 =	vadd.f32 v11, v12;
	v8 =	vadd.f32 v8, v9;
	_ =	sdelay $0x1  }
0x23f: {  	v4 =	vadd.f32 v4, v11;
	v3 =	vadd.f32 v3, v8;
	v61, _, _ =	vpop (xrf0)  }
0x240: {  	v58 =	vmul.f32 v6, v6;
	(v2sf) =	vpush v61, $0xF  }
0x241: {  	v59 =	vmul.f32 v7, v7;
	v4 =	vadd.f32 v13, v4;
	v3 =	vadd.f32 v16, v3  }
0x242: {  	v5 =	vmul.f32 v5, v5  }
0x243: {  	v60 =	vmul.f32 v15, v15;
	v4 =	vadd.f32 v58, v4;
	v3 =	vadd.f32 v59, v3  }
0x244: {  	v63 =	vmul.f32 v14, v14  }
0x245: {  	v62 =	vmul.f32 v21, v21;
	v4 =	vadd.f32 v60, v4;
	v3 =	vadd.f32 v5, v3;
	_ =	sdelay $0x1  }
0x246: {  	v4 =	vadd.f32 v63, v4;
	v3 =	vadd.f32 v62, v3;
	_ =	sdelay $0x1  }
0x247: {  	v3 =	vadd.f32 v4, v3;
	_ =	sdelay $0x1  }
0x248: {  	(xrf2) =	vadd.scan.msk.f32 $0xffff, v3;
	_ =	sdelay $0x3  }
0x249: {  	s26 =	spop (v2sf)  }
0x24a: {  	p0 =	sgt.f32 s26, s9  }
.Ltmp19:
0x24b: {  	_ = 	snop;
	(pc) =	sbr.rel @!p0 .LBB2_38-.Ltmp19, $2  }
0x24c: {  	_ =	sdelay $0x2  }
0x24d: {  	s10 =	simm.s32 $0x0;
	v3, _, _ =	vpop (xrf2)  }
0x24e: {  	s12 =	sshra.s32 s10, $0x2  }
0x24f: {  	v4 =	vld [tilespmem:s12+$0x8000];
	_ =	sdelay $0x4  }
0x250: {  	(xrf0) =	vmax.scan.msk.f32 $0xffff, v4;
	_ =	sdelay $0x5  }
0x251: {  	v5, _, _ =	vpop (xrf0)  }
0x252: {  	(v2sf) =	vpush v5, $0xF;
	_ =	sdelay $0xe  }
0x253: {  	s26 =	spop (v2sf)  }
0x254: {  	p0 =	sgt.f32 s26, s9;
	_ =	sdelay $0x1  }
0x255: {  	v5 =	vlaneseq.u32 @p0  }
0x256: {  	v5 =	vor.u32 @p0 s0, v5  }
0x257: {  	(xrf1) =	vsort.dscd.msk.f32 @p0 $0xffff, v4, v5;
	_ =	sdelay $0xd  }
0x258: {  	v4, v5, _ =	vpop @p0 (xrf1)  }
0x259: {  	vm8 =	veq.f32 @p0 v4, v1;
	vm9 =	vlt.s32 @p0 v5, v0  }
0x25a: {  	vm10 =	vgt.f32 @p0 v4, v1;
	vm8 =	vmand @p0 vm8, vm9  }
0x25b: {  	vm8 =	vmor @p0 vm10, vm8  }
0x25c: {  	v4 =	vsel @p0 vm8, v4, v1;
	v5 =	vsel @p0 vm8, v5, v0  }
0x25d: {  	s10 =	sadd.s32 $0x40, s10;
	s26 =	smov.u32 s0;
	(xrf1) =	vsort.ascd.msk.f32 @p0 $0xffff, v4, v5  }
.LBB2_36:
0x25e: {  	_ =	sdelay $0x8  }
0x25f: {  	s12 =	sshra.s32 s10, $0x2;
	s10 =	sadd.s32 $0x40, s10  }
0x260: {  	v4 =	vld [tilespmem:s12+$0x8000];
	p1 =	sne.s32 s10, $0x20000;
	_ =	sdelay $0x2  }
0x261: {  	v5, v6, _ =	vpop @p0 (xrf1)  }
0x262: {  	v1 =	vpsel p0, v5, v1;
	v0 =	vpsel p0, v6, v0;
	(xrf0) =	vmin.scan.msk.f32 @p0 $0xffff, v5  }
0x263: {  	(xrf0) =	vmax.scan.msk.f32 $0xffff, v4;
	_ =	sdelay $0x4  }
0x264: {  	v5, _, _ =	vpop @p0 (xrf0)  }
0x265: {  	v6, _, _ =	vpop (xrf0);
	(v2sf) =	vpush @p0 v5, $0xF  }
0x266: {  	(v2sf) =	vpush v6, $0xF;
	_ =	sdelay $0xd  }
0x267: {  	s12 =	spop @p0 (v2sf)  }
0x268: {  	s13 =	spop (v2sf);
	s9 =	smov.u32 @p0 s12  }
0x269: {  	p0 =	sgt.f32 s13, s9;
	_ =	sdelay $0x1  }
0x26a: {  	s26 =	sadd.s32 $0x10, s26;
	v5 =	vlaneseq.u32 @p0  }
0x26b: {  	v5 =	vor.u32 @p0 s26, v5  }
0x26c: {  	(xrf1) =	vsort.dscd.msk.f32 @p0 $0xffff, v4, v5;
	_ =	sdelay $0xd  }
0x26d: {  	v4, v5, _ =	vpop @p0 (xrf1)  }
.Ltmp20:
0x26e: {  	vm8 =	veq.f32 @p0 v4, v1;
	vm9 =	vlt.s32 @p0 v5, v0;
	(pc) =	sbr.rel @p1 .LBB2_36-.Ltmp20, $4  }
0x26f: {  	vm10 =	vgt.f32 @p0 v4, v1;
	vm8 =	vmand @p0 vm8, vm9  }
0x270: {  	vm8 =	vmor @p0 vm10, vm8  }
0x271: {  	v4 =	vsel @p0 vm8, v4, v1;
	v5 =	vsel @p0 vm8, v5, v0  }
0x272: {  	(xrf1) =	vsort.ascd.msk.f32 @p0 $0xffff, v4, v5  }
0x273: {  	_ =	sdelay $0xc  }
0x274: {  	v4, v5, _ =	vpop @p0 (xrf1)  }
0x275: {  	(xrf0) =	vmin.scan.msk.f32 @p0 $0xffff, v4;
	_ =	sdelay $0x5  }
0x276: {  	v6, _, _ =	vpop @p0 (xrf0)  }
0x277: {  	(v2sf) =	vpush @p0 v6, $0xF;
	_ =	sdelay $0xe  }
0x278: {  	s10 =	spop @p0 (v2sf)  }
0x279: {  	v1 =	vpsel p0, v4, v1;
	v0 =	vpsel p0, v5, v0;
	s9 =	smov.u32 @p0 s10  }
.LBB2_38:
0x27a: {  	s10 =	simm.s32 $0x0;
	s12 =	rddreg [dreg:$0x9]  }
0x27b: {  	[tilespmem:s4], [sflag:$0x2] =	stream.linear.gather [hbm4b:s12+s10], $0x8000, $0x38;
	[tilespmem:$0x10180] =	vst v63  }
0x27c: {  	_ =	swait.ge [sflag:s5], $0x8000  }
0x27d: {  	[sflag:s5] =	ssyncset.done $0x0  }
0x27e: {  	s26 =	simm.s32 $0x0;
	[sflag:s5] =	ssyncadd.s32 $0xFFFF8000  }
0x27f: {  	v5 =	vld [tilespmem:s26+$0x0]  }
0x280: {  	v6 =	vld [tilespmem:s26+$0x10]  }
0x281: {  	v7 =	vld [tilespmem:s26+$0x30]  }
0x282: {  	v3 =	vbroadcast v3, $0xF;
	v8 =	vld [tilespmem:s26+$0x20]  }
0x283: {  	v13 =	vld [tilespmem:s26+$0x40]  }
0x284: {  	v3 =	vadd.f32 v3, v2;
	v14 =	vld [tilespmem:s26+$0x50]  }
0x285: {  	v4 =	vld [tilespmem:s26+$0x70]  }
0x286: {  	s10 =	simm.s32 $0x80;
	v2 =	vsel vm5, v2, v3;
	v3 =	vld [tilespmem:s26+$0x60]  }
0x287: {  	v17 =	vimm.f32 $0.0e+00;
	v10 =	vimm.f32 $-Inf;
	v15 =	vld [tilespmem:s10+$0x0];
	v9 =	vmul.f32 v5, v5  }
0x288: {  	v20 =	vld [tilespmem:s10+$0x10];
	v5 =	vmax.f32 v10, v5;
	v19 =	vmul.f32 v6, v6;
	v6 =	vmax.f32 v10, v6  }
0x289: {  	v12 =	vmul.f32 v7, v7;
	v16 =	vmax.f32 v6, v7;
	v5 =	vmax.f32 v5, v8;
	v6 =	vld [tilespmem:s10+$0x30]  }
0x28a: {  	v10 =	vmul.f32 v8, v8;
	v11 =	vmul.f32 v14, v14;
	v7 =	vld [tilespmem:s10+$0x20];
	v18 =	vmax.f32 v5, v13  }
0x28b: {  	v8 =	vmul.f32 v13, v13;
	v13 =	vmax.f32 v16, v14;
	v5 =	vld [tilespmem:s10+$0x40];
	v14 =	vmax.f32 v18, v3  }
0x28c: {  	v16 =	vmul.f32 v15, v15;
	v21 =	vmax.f32 v13, v4;
	v18 =	vmax.f32 v14, v15;
	v15 =	vld [tilespmem:s10+$0x50]  }
0x28d: {  	s26 =	simm.s32 $0x400;
	v19 =	vadd.f32 v19, v17;
	v13 =	vmul.f32 v20, v20;
	v20 =	vmax.f32 v21, v20;
	v14 =	vld [tilespmem:s10+$0x70]  }
.LBB2_39:
0x28e: {  	p0 =	sne.s32 s26, $0x1FE00;
	v20 =	vmax.f32 v20, v6;
	v17 =	vadd.f32 v9, v17;
	v21 =	vmul.f32 v3, v3;
	v3 =	vld [tilespmem:s10+$0x60];
	s10 =	sshra.s32 s26, $0x2;
	s26 =	sadd.s32 $0x200, s26;
	v9 =	vmovc v16  }
0x28f: {  	v22 =	vld [tilespmem:s10+$0x0];
	v16 =	vmax.f32 v18, v7;
	v18 =	vadd.f32 v12, v19;
	v12 =	vmul.f32 v6, v6  }
0x290: {  	v23 =	vld [tilespmem:s10+$0x10];
	v16 =	vmax.f32 v16, v5;
	v17 =	vadd.f32 v10, v17;
	v10 =	vmul.f32 v7, v7  }
.Ltmp21:
0x291: {  	v19 =	vmul.f32 v4, v4;
	v6 =	vld [tilespmem:s10+$0x30];
	v18 =	vadd.f32 v11, v18;
	v11 =	vmul.f32 v15, v15;
	(pc) =	sbr.rel @p0 .LBB2_39-.Ltmp21, $4  }
0x292: {  	v15 =	vmax.f32 v20, v15;
	v7 =	vld [tilespmem:s10+$0x20];
	v17 =	vadd.f32 v8, v17;
	v8 =	vmul.f32 v5, v5;
	v4 =	vmovc v14  }
0x293: {  	v5 =	vld [tilespmem:s10+$0x40];
	v14 =	vmax.f32 v16, v3;
	v20 =	vmax.f32 v15, v4;
	v19 =	vadd.f32 v19, v18  }
0x294: {  	v16 =	vmul.f32 v22, v22;
	v18 =	vmax.f32 v14, v22;
	v15 =	vld [tilespmem:s10+$0x50];
	v17 =	vadd.f32 v21, v17  }
0x295: {  	v20 =	vmax.f32 v20, v23;
	v14 =	vld [tilespmem:s10+$0x70];
	v19 =	vadd.f32 v13, v19;
	v13 =	vmul.f32 v23, v23  }
0x296: {  	v21 =	vld [tilespmem:s10+$0x60];
	_ =	sdelay $0x2  }
0x297: {  	v20 =	vmax.f32 v20, v6;
	v18 =	vmax.f32 v18, v7  }
0x298: {  	v55 =	vmax.f32 v18, v5;
	v56 =	vmax.f32 v20, v15  }
0x299: {  	v9 =	vadd.f32 v9, v17;
	v18 =	vmax.f32 v56, v14;
	v17 =	vmax.f32 v55, v21  }
0x29a: {  	v57 =	vmax.f32 v17, v18  }
0x29b: {  	(xrf0) =	vmax.scan.msk.f32 $0xffff, v57;
	_ =	sdelay $0x1  }
0x29c: {  	v12 =	vadd.f32 v12, v19;
	v9 =	vadd.f32 v10, v9  }
0x29d: {  	v4 =	vmul.f32 v4, v4  }
0x29e: {  	v3 =	vmul.f32 v3, v3;
	v11 =	vadd.f32 v11, v12;
	v8 =	vadd.f32 v8, v9;
	_ =	sdelay $0x1  }
0x29f: {  	v4 =	vadd.f32 v4, v11;
	v3 =	vadd.f32 v3, v8;
	v61, _, _ =	vpop (xrf0)  }
0x2a0: {  	v58 =	vmul.f32 v6, v6;
	(v2sf) =	vpush v61, $0xF  }
0x2a1: {  	v59 =	vmul.f32 v7, v7;
	v4 =	vadd.f32 v13, v4;
	v3 =	vadd.f32 v16, v3  }
0x2a2: {  	v5 =	vmul.f32 v5, v5  }
0x2a3: {  	v60 =	vmul.f32 v15, v15;
	v4 =	vadd.f32 v58, v4;
	v3 =	vadd.f32 v59, v3  }
0x2a4: {  	v63 =	vmul.f32 v14, v14  }
0x2a5: {  	v62 =	vmul.f32 v21, v21;
	v4 =	vadd.f32 v60, v4;
	v3 =	vadd.f32 v5, v3;
	_ =	sdelay $0x1  }
0x2a6: {  	v4 =	vadd.f32 v63, v4;
	v3 =	vadd.f32 v62, v3;
	_ =	sdelay $0x1  }
0x2a7: {  	v3 =	vadd.f32 v4, v3;
	_ =	sdelay $0x1  }
0x2a8: {  	(xrf2) =	vadd.scan.msk.f32 $0xffff, v3;
	_ =	sdelay $0x3  }
0x2a9: {  	s26 =	spop (v2sf)  }
0x2aa: {  	p0 =	sgt.f32 s26, s9  }
.Ltmp22:
0x2ab: {  	_ = 	snop;
	(pc) =	sbr.rel @!p0 .LBB2_44-.Ltmp22, $2  }
0x2ac: {  	_ =	sdelay $0x2  }
0x2ad: {  	s10 =	simm.s32 $0x0;
	v3, _, _ =	vpop (xrf2)  }
0x2ae: {  	s12 =	sshra.s32 s10, $0x2  }
0x2af: {  	v4 =	vld [tilespmem:s12+$0x0];
	_ =	sdelay $0x4  }
0x2b0: {  	(xrf0) =	vmax.scan.msk.f32 $0xffff, v4;
	_ =	sdelay $0x5  }
0x2b1: {  	v5, _, _ =	vpop (xrf0)  }
0x2b2: {  	(v2sf) =	vpush v5, $0xF;
	_ =	sdelay $0xe  }
0x2b3: {  	s26 =	spop (v2sf)  }
0x2b4: {  	p0 =	sgt.f32 s26, s9;
	_ =	sdelay $0x1  }
0x2b5: {  	v5 =	vlaneseq.u32 @p0  }
0x2b6: {  	v5 =	vor.u32 @p0 s1, v5  }
0x2b7: {  	(xrf1) =	vsort.dscd.msk.f32 @p0 $0xffff, v4, v5;
	_ =	sdelay $0xd  }
0x2b8: {  	v4, v5, _ =	vpop @p0 (xrf1)  }
0x2b9: {  	vm8 =	veq.f32 @p0 v4, v1;
	vm9 =	vlt.s32 @p0 v5, v0  }
0x2ba: {  	vm10 =	vgt.f32 @p0 v4, v1;
	vm8 =	vmand @p0 vm8, vm9  }
0x2bb: {  	vm8 =	vmor @p0 vm10, vm8  }
0x2bc: {  	v4 =	vsel @p0 vm8, v4, v1;
	v5 =	vsel @p0 vm8, v5, v0  }
0x2bd: {  	s10 =	sadd.s32 $0x40, s10;
	s26 =	smov.u32 s1;
	(xrf1) =	vsort.ascd.msk.f32 @p0 $0xffff, v4, v5  }
.LBB2_42:
0x2be: {  	_ =	sdelay $0x8  }
0x2bf: {  	s12 =	sshra.s32 s10, $0x2;
	s10 =	sadd.s32 $0x40, s10  }
0x2c0: {  	v4 =	vld [tilespmem:s12+$0x0];
	p1 =	sne.s32 s10, $0x20000;
	_ =	sdelay $0x2  }
0x2c1: {  	v5, v6, _ =	vpop @p0 (xrf1)  }
0x2c2: {  	v1 =	vpsel p0, v5, v1;
	v0 =	vpsel p0, v6, v0;
	(xrf0) =	vmin.scan.msk.f32 @p0 $0xffff, v5  }
0x2c3: {  	(xrf0) =	vmax.scan.msk.f32 $0xffff, v4;
	_ =	sdelay $0x4  }
0x2c4: {  	v5, _, _ =	vpop @p0 (xrf0)  }
0x2c5: {  	v6, _, _ =	vpop (xrf0);
	(v2sf) =	vpush @p0 v5, $0xF  }
0x2c6: {  	(v2sf) =	vpush v6, $0xF;
	_ =	sdelay $0xd  }
0x2c7: {  	s12 =	spop @p0 (v2sf)  }
0x2c8: {  	s13 =	spop (v2sf);
	s9 =	smov.u32 @p0 s12  }
0x2c9: {  	p0 =	sgt.f32 s13, s9;
	_ =	sdelay $0x1  }
0x2ca: {  	s26 =	sadd.s32 $0x10, s26;
	v5 =	vlaneseq.u32 @p0  }
0x2cb: {  	v5 =	vor.u32 @p0 s26, v5  }
0x2cc: {  	(xrf1) =	vsort.dscd.msk.f32 @p0 $0xffff, v4, v5;
	_ =	sdelay $0xd  }
0x2cd: {  	v4, v5, _ =	vpop @p0 (xrf1)  }
.Ltmp23:
0x2ce: {  	vm8 =	veq.f32 @p0 v4, v1;
	vm9 =	vlt.s32 @p0 v5, v0;
	(pc) =	sbr.rel @p1 .LBB2_42-.Ltmp23, $4  }
0x2cf: {  	vm10 =	vgt.f32 @p0 v4, v1;
	vm8 =	vmand @p0 vm8, vm9  }
0x2d0: {  	vm8 =	vmor @p0 vm10, vm8  }
0x2d1: {  	v4 =	vsel @p0 vm8, v4, v1;
	v5 =	vsel @p0 vm8, v5, v0  }
0x2d2: {  	(xrf1) =	vsort.ascd.msk.f32 @p0 $0xffff, v4, v5  }
0x2d3: {  	_ =	sdelay $0xc  }
0x2d4: {  	v4, v5, _ =	vpop @p0 (xrf1)  }
0x2d5: {  	(xrf0) =	vmin.scan.msk.f32 @p0 $0xffff, v4;
	_ =	sdelay $0x5  }
0x2d6: {  	v6, _, _ =	vpop @p0 (xrf0)  }
0x2d7: {  	(v2sf) =	vpush @p0 v6, $0xF;
	_ =	sdelay $0xe  }
0x2d8: {  	s10 =	spop @p0 (v2sf)  }
0x2d9: {  	v1 =	vpsel p0, v4, v1;
	v0 =	vpsel p0, v5, v0;
	s9 =	smov.u32 @p0 s10  }
.LBB2_44:
0x2da: {  	s10 =	simm.s32 $0x0;
	s12 =	rddreg [dreg:$0xb]  }
0x2db: {  	[tilespmem:s10], [sflag:$0x1] =	stream.linear.gather [hbm4b:s12+s10], $0x8000, $0x38;
	[tilespmem:$0x10180] =	vst v63  }
0x2dc: {  	_ =	swait.ge [sflag:s6], $0x8000  }
0x2dd: {  	[sflag:s6] =	ssyncset.done $0x0  }
0x2de: {  	s26 =	simm.s32 $0x0;
	[sflag:s6] =	ssyncadd.s32 $0xFFFF8000  }
0x2df: {  	v5 =	vld [tilespmem:s26+$0x8000]  }
0x2e0: {  	v6 =	vld [tilespmem:s26+$0x8010]  }
0x2e1: {  	v7 =	vld [tilespmem:s26+$0x8030]  }
0x2e2: {  	v3 =	vbroadcast v3, $0xF;
	v8 =	vld [tilespmem:s26+$0x8020]  }
0x2e3: {  	v13 =	vld [tilespmem:s26+$0x8040]  }
0x2e4: {  	v3 =	vadd.f32 v3, v2;
	v14 =	vld [tilespmem:s26+$0x8050]  }
0x2e5: {  	v4 =	vld [tilespmem:s26+$0x8070]  }
0x2e6: {  	s10 =	simm.s32 $0x80;
	v2 =	vsel vm6, v2, v3;
	v3 =	vld [tilespmem:s26+$0x8060]  }
0x2e7: {  	v17 =	vimm.f32 $0.0e+00;
	v10 =	vimm.f32 $-Inf;
	v15 =	vld [tilespmem:s10+$0x8000];
	v9 =	vmul.f32 v5, v5  }
0x2e8: {  	v20 =	vld [tilespmem:s10+$0x8010];
	v5 =	vmax.f32 v10, v5;
	v19 =	vmul.f32 v6, v6;
	v6 =	vmax.f32 v10, v6  }
0x2e9: {  	v12 =	vmul.f32 v7, v7;
	v16 =	vmax.f32 v6, v7;
	v5 =	vmax.f32 v5, v8;
	v6 =	vld [tilespmem:s10+$0x8030]  }
0x2ea: {  	v10 =	vmul.f32 v8, v8;
	v11 =	vmul.f32 v14, v14;
	v7 =	vld [tilespmem:s10+$0x8020];
	v18 =	vmax.f32 v5, v13  }
0x2eb: {  	v8 =	vmul.f32 v13, v13;
	v13 =	vmax.f32 v16, v14;
	v5 =	vld [tilespmem:s10+$0x8040];
	v14 =	vmax.f32 v18, v3  }
0x2ec: {  	v16 =	vmul.f32 v15, v15;
	v21 =	vmax.f32 v13, v4;
	v18 =	vmax.f32 v14, v15;
	v15 =	vld [tilespmem:s10+$0x8050]  }
0x2ed: {  	s26 =	simm.s32 $0x400;
	v19 =	vadd.f32 v19, v17;
	v13 =	vmul.f32 v20, v20;
	v20 =	vmax.f32 v21, v20;
	v14 =	vld [tilespmem:s10+$0x8070]  }
.LBB2_45:
0x2ee: {  	p0 =	sne.s32 s26, $0x1FE00;
	v20 =	vmax.f32 v20, v6;
	v17 =	vadd.f32 v9, v17;
	v21 =	vmul.f32 v3, v3;
	v3 =	vld [tilespmem:s10+$0x8060];
	s10 =	sshra.s32 s26, $0x2;
	s26 =	sadd.s32 $0x200, s26;
	v9 =	vmovc v16  }
0x2ef: {  	v22 =	vld [tilespmem:s10+$0x8000];
	v16 =	vmax.f32 v18, v7;
	v18 =	vadd.f32 v12, v19;
	v12 =	vmul.f32 v6, v6  }
0x2f0: {  	v23 =	vld [tilespmem:s10+$0x8010];
	v16 =	vmax.f32 v16, v5;
	v17 =	vadd.f32 v10, v17;
	v10 =	vmul.f32 v7, v7  }
.Ltmp24:
0x2f1: {  	v19 =	vmul.f32 v4, v4;
	v6 =	vld [tilespmem:s10+$0x8030];
	v18 =	vadd.f32 v11, v18;
	v11 =	vmul.f32 v15, v15;
	(pc) =	sbr.rel @p0 .LBB2_45-.Ltmp24, $4  }
0x2f2: {  	v15 =	vmax.f32 v20, v15;
	v7 =	vld [tilespmem:s10+$0x8020];
	v17 =	vadd.f32 v8, v17;
	v8 =	vmul.f32 v5, v5;
	v4 =	vmovc v14  }
0x2f3: {  	v5 =	vld [tilespmem:s10+$0x8040];
	v14 =	vmax.f32 v16, v3;
	v20 =	vmax.f32 v15, v4;
	v19 =	vadd.f32 v19, v18  }
0x2f4: {  	v16 =	vmul.f32 v22, v22;
	v18 =	vmax.f32 v14, v22;
	v15 =	vld [tilespmem:s10+$0x8050];
	v17 =	vadd.f32 v21, v17  }
0x2f5: {  	v20 =	vmax.f32 v20, v23;
	v14 =	vld [tilespmem:s10+$0x8070];
	v19 =	vadd.f32 v13, v19;
	v13 =	vmul.f32 v23, v23  }
0x2f6: {  	v21 =	vld [tilespmem:s10+$0x8060];
	_ =	sdelay $0x2  }
0x2f7: {  	v20 =	vmax.f32 v20, v6;
	v18 =	vmax.f32 v18, v7  }
0x2f8: {  	v55 =	vmax.f32 v18, v5;
	v56 =	vmax.f32 v20, v15  }
0x2f9: {  	v9 =	vadd.f32 v9, v17;
	v18 =	vmax.f32 v56, v14;
	v17 =	vmax.f32 v55, v21  }
0x2fa: {  	v57 =	vmax.f32 v17, v18  }
0x2fb: {  	(xrf0) =	vmax.scan.msk.f32 $0xffff, v57;
	_ =	sdelay $0x1  }
0x2fc: {  	v12 =	vadd.f32 v12, v19;
	v9 =	vadd.f32 v10, v9  }
0x2fd: {  	v4 =	vmul.f32 v4, v4  }
0x2fe: {  	v3 =	vmul.f32 v3, v3;
	v11 =	vadd.f32 v11, v12;
	v8 =	vadd.f32 v8, v9;
	_ =	sdelay $0x1  }
0x2ff: {  	v4 =	vadd.f32 v4, v11;
	v3 =	vadd.f32 v3, v8;
	v61, _, _ =	vpop (xrf0)  }
0x300: {  	v58 =	vmul.f32 v6, v6;
	(v2sf) =	vpush v61, $0xF  }
0x301: {  	v59 =	vmul.f32 v7, v7;
	v4 =	vadd.f32 v13, v4;
	v3 =	vadd.f32 v16, v3  }
0x302: {  	v5 =	vmul.f32 v5, v5  }
0x303: {  	v60 =	vmul.f32 v15, v15;
	v4 =	vadd.f32 v58, v4;
	v3 =	vadd.f32 v59, v3  }
0x304: {  	v63 =	vmul.f32 v14, v14  }
0x305: {  	v62 =	vmul.f32 v21, v21;
	v4 =	vadd.f32 v60, v4;
	v3 =	vadd.f32 v5, v3;
	_ =	sdelay $0x1  }
0x306: {  	v4 =	vadd.f32 v63, v4;
	v3 =	vadd.f32 v62, v3;
	_ =	sdelay $0x1  }
0x307: {  	v3 =	vadd.f32 v4, v3;
	_ =	sdelay $0x1  }
0x308: {  	(xrf2) =	vadd.scan.msk.f32 $0xffff, v3;
	_ =	sdelay $0x3  }
0x309: {  	s26 =	spop (v2sf)  }
0x30a: {  	p0 =	sgt.f32 s26, s9  }
.Ltmp25:
0x30b: {  	_ = 	snop;
	(pc) =	sbr.rel @!p0 .LBB2_50-.Ltmp25, $2  }
0x30c: {  	_ =	sdelay $0x2  }
0x30d: {  	s10 =	simm.s32 $0x0;
	v3, _, _ =	vpop (xrf2)  }
0x30e: {  	s12 =	sshra.s32 s10, $0x2  }
0x30f: {  	v4 =	vld [tilespmem:s12+$0x8000];
	_ =	sdelay $0x4  }
0x310: {  	(xrf0) =	vmax.scan.msk.f32 $0xffff, v4;
	_ =	sdelay $0x5  }
0x311: {  	v5, _, _ =	vpop (xrf0)  }
0x312: {  	(v2sf) =	vpush v5, $0xF;
	_ =	sdelay $0xe  }
0x313: {  	s26 =	spop (v2sf)  }
0x314: {  	p0 =	sgt.f32 s26, s9;
	_ =	sdelay $0x1  }
0x315: {  	v5 =	vlaneseq.u32 @p0  }
0x316: {  	v5 =	vor.u32 @p0 s3, v5  }
0x317: {  	(xrf1) =	vsort.dscd.msk.f32 @p0 $0xffff, v4, v5;
	_ =	sdelay $0xd  }
0x318: {  	v4, v5, _ =	vpop @p0 (xrf1)  }
0x319: {  	vm8 =	veq.f32 @p0 v4, v1;
	vm9 =	vlt.s32 @p0 v5, v0  }
0x31a: {  	vm10 =	vgt.f32 @p0 v4, v1;
	vm8 =	vmand @p0 vm8, vm9  }
0x31b: {  	vm8 =	vmor @p0 vm10, vm8  }
0x31c: {  	v4 =	vsel @p0 vm8, v4, v1;
	v5 =	vsel @p0 vm8, v5, v0  }
0x31d: {  	s10 =	sadd.s32 $0x40, s10;
	s26 =	smov.u32 s3;
	(xrf1) =	vsort.ascd.msk.f32 @p0 $0xffff, v4, v5  }
.LBB2_48:
0x31e: {  	_ =	sdelay $0x8  }
0x31f: {  	s12 =	sshra.s32 s10, $0x2;
	s10 =	sadd.s32 $0x40, s10  }
0x320: {  	v4 =	vld [tilespmem:s12+$0x8000];
	p1 =	sne.s32 s10, $0x20000;
	_ =	sdelay $0x2  }
0x321: {  	v5, v6, _ =	vpop @p0 (xrf1)  }
0x322: {  	v1 =	vpsel p0, v5, v1;
	v0 =	vpsel p0, v6, v0;
	(xrf0) =	vmin.scan.msk.f32 @p0 $0xffff, v5  }
0x323: {  	(xrf0) =	vmax.scan.msk.f32 $0xffff, v4;
	_ =	sdelay $0x4  }
0x324: {  	v5, _, _ =	vpop @p0 (xrf0)  }
0x325: {  	v6, _, _ =	vpop (xrf0);
	(v2sf) =	vpush @p0 v5, $0xF  }
0x326: {  	(v2sf) =	vpush v6, $0xF;
	_ =	sdelay $0xd  }
0x327: {  	s12 =	spop @p0 (v2sf)  }
0x328: {  	s13 =	spop (v2sf);
	s9 =	smov.u32 @p0 s12  }
0x329: {  	p0 =	sgt.f32 s13, s9;
	_ =	sdelay $0x1  }
0x32a: {  	s26 =	sadd.s32 $0x10, s26;
	v5 =	vlaneseq.u32 @p0  }
0x32b: {  	v5 =	vor.u32 @p0 s26, v5  }
0x32c: {  	(xrf1) =	vsort.dscd.msk.f32 @p0 $0xffff, v4, v5;
	_ =	sdelay $0xd  }
0x32d: {  	v4, v5, _ =	vpop @p0 (xrf1)  }
.Ltmp26:
0x32e: {  	vm8 =	veq.f32 @p0 v4, v1;
	vm9 =	vlt.s32 @p0 v5, v0;
	(pc) =	sbr.rel @p1 .LBB2_48-.Ltmp26, $4  }
0x32f: {  	vm10 =	vgt.f32 @p0 v4, v1;
	vm8 =	vmand @p0 vm8, vm9  }
0x330: {  	vm8 =	vmor @p0 vm10, vm8  }
0x331: {  	v4 =	vsel @p0 vm8, v4, v1;
	v5 =	vsel @p0 vm8, v5, v0  }
0x332: {  	(xrf1) =	vsort.ascd.msk.f32 @p0 $0xffff, v4, v5  }
0x333: {  	_ =	sdelay $0xc  }
0x334: {  	v4, v5, _ =	vpop @p0 (xrf1)  }
0x335: {  	(xrf0) =	vmin.scan.msk.f32 @p0 $0xffff, v4;
	_ =	sdelay $0x5  }
0x336: {  	v6, _, _ =	vpop @p0 (xrf0)  }
0x337: {  	(v2sf) =	vpush @p0 v6, $0xF;
	_ =	sdelay $0xe  }
0x338: {  	v1 =	vpsel p0, v4, v1;
	v0 =	vpsel p0, v5, v0;
	s9 =	spop @p0 (v2sf)  }
.LBB2_50:
0x339: {  	v3 =	vbroadcast v3, $0xF;
	_ =	sdelay $0x1  }
0x33a: {  	v3 =	vadd.f32 v3, v2  }
0x33b: {  	[tilespmem:$0x10000] =	vst v1  }
0x33c: {  	[tilespmem:$0x10080] =	vst v0;
	v1 =	vsel vm7, v2, v3  }
0x33d: {  	s9 =	simm.s32 $0x0;
	s10 =	rddreg [dreg:$0xa];
	s12 =	simm.s32 $0x10000;
	[tilespmem:$0x10100] =	vst v1  }
0x33e: {  	[hbm4b:s10+s9] =	stream.linear.scatter [tilespmem:s12], [sflag:$0x3], $0x80, $0x38;
	[tilespmem:$0x10180] =	vst v63  }
0x33f: {  	_ =	swait.ge [sflag:s7], $0x80  }
0x340: {  	[sflag:s7] =	ssyncset.done $0x0  }
0x341: {  	s26 =	simm.s32 $0x10080;
	s13 =	rddreg [dreg:$0xc];
	[sflag:s7] =	ssyncadd.s32 $0xFFFFFF80  }
0x342: {  	[hbm4b:s13+s9] =	stream.linear.scatter [tilespmem:s26], [sflag:$0x3], $0x80, $0x38;
	[tilespmem:$0x10180] =	vst v63  }
0x343: {  	_ =	swait.ge [sflag:s7], $0x80  }
0x344: {  	[sflag:s7] =	ssyncset.done $0x0  }
0x345: {  	s13 =	simm.s32 $0x10100;
	[sflag:s7] =	ssyncadd.s32 $0xFFFFFF80  }
0x346: {  	[hbm4b:s14+s9] =	stream.linear.scatter [tilespmem:s13], [sflag:$0x3], $0x80, $0x38;
	[tilespmem:$0x10180] =	vst v63  }
0x347: {  	_ =	swait.ge [sflag:s7], $0x80  }
0x348: {  	[sflag:s7] =	ssyncset.done $0x0  }
0x349: {  	[sflag:s7] =	ssyncadd.s32 $0xFFFFFF80  }
0x34a: {  	[tilespmem:s4], [sflag:$0x2] =	stream.linear.gather [hbm4b:s15+s9], $0x8000, $0x38;
	[tilespmem:$0x10180] =	vst v63  }
0x34b: {  	_ =	swait.ge [sflag:s5], $0x8000  }
0x34c: {  	[sflag:s5] =	ssyncset.done $0x0  }
0x34d: {  	s26 =	simm.s32 $0x0;
	[sflag:s5] =	ssyncadd.s32 $0xFFFF8000  }
0x34e: {  	v2 =	vld [tilespmem:s26+$0x0]  }
0x34f: {  	v4 =	vld [tilespmem:s26+$0x10]  }
0x350: {  	v5 =	vld [tilespmem:s26+$0x30]  }
0x351: {  	v7 =	vld [tilespmem:s26+$0x20]  }
0x352: {  	v8 =	vld [tilespmem:s26+$0x40]  }
0x353: {  	v10 =	vld [tilespmem:s26+$0x50]  }
0x354: {  	v1 =	vld [tilespmem:s26+$0x70]  }
0x355: {  	s9 =	simm.s32 $0x80;
	v0 =	vld [tilespmem:s26+$0x60]  }
0x356: {  	v14 =	vimm.f32 $0.0e+00;
	v6 =	vimm.f32 $-Inf;
	v11 =	vld [tilespmem:s9+$0x0];
	v3 =	vmul.f32 v2, v2  }
0x357: {  	v17 =	vld [tilespmem:s9+$0x10];
	v2 =	vmax.f32 v6, v2;
	v16 =	vmul.f32 v4, v4;
	v4 =	vmax.f32 v6, v4  }
0x358: {  	v6 =	vmul.f32 v5, v5;
	v12 =	vmax.f32 v4, v5;
	v2 =	vmax.f32 v2, v7;
	v4 =	vld [tilespmem:s9+$0x30]  }
0x359: {  	v9 =	vmul.f32 v10, v10;
	v7 =	vmul.f32 v7, v7;
	v5 =	vld [tilespmem:s9+$0x20];
	v13 =	vmax.f32 v2, v8  }
0x35a: {  	v8 =	vmul.f32 v8, v8;
	v10 =	vmax.f32 v12, v10;
	v2 =	vld [tilespmem:s9+$0x40];
	v12 =	vmax.f32 v13, v0  }
0x35b: {  	v18 =	vmax.f32 v10, v1;
	v13 =	vmul.f32 v11, v11;
	v15 =	vmax.f32 v12, v11;
	v12 =	vld [tilespmem:s9+$0x50]  }
0x35c: {  	s10 =	simm.s32 $0x400;
	v16 =	vadd.f32 v16, v14;
	v10 =	vmul.f32 v17, v17;
	v17 =	vmax.f32 v18, v17;
	v11 =	vld [tilespmem:s9+$0x70]  }
.LBB2_51:
0x35d: {  	p0 =	sne.s32 s10, $0x1FE00;
	v17 =	vmax.f32 v17, v4;
	v14 =	vadd.f32 v3, v14;
	v18 =	vmul.f32 v0, v0;
	v0 =	vld [tilespmem:s9+$0x60];
	s9 =	sshra.s32 s10, $0x2;
	s10 =	sadd.s32 $0x200, s10;
	v3 =	vmovc v13  }
0x35e: {  	v19 =	vld [tilespmem:s9+$0x0];
	v13 =	vmax.f32 v15, v5;
	v15 =	vadd.f32 v6, v16;
	v6 =	vmul.f32 v4, v4  }
0x35f: {  	v20 =	vld [tilespmem:s9+$0x10];
	v13 =	vmax.f32 v13, v2;
	v14 =	vadd.f32 v7, v14;
	v7 =	vmul.f32 v5, v5  }
.Ltmp27:
0x360: {  	v16 =	vmul.f32 v1, v1;
	v4 =	vld [tilespmem:s9+$0x30];
	v15 =	vadd.f32 v9, v15;
	v9 =	vmul.f32 v12, v12;
	(pc) =	sbr.rel @p0 .LBB2_51-.Ltmp27, $4  }
0x361: {  	v12 =	vmax.f32 v17, v12;
	v5 =	vld [tilespmem:s9+$0x20];
	v14 =	vadd.f32 v8, v14;
	v8 =	vmul.f32 v2, v2;
	v1 =	vmovc v11  }
0x362: {  	v2 =	vld [tilespmem:s9+$0x40];
	v11 =	vmax.f32 v13, v0;
	v17 =	vmax.f32 v12, v1;
	v16 =	vadd.f32 v16, v15  }
0x363: {  	v13 =	vmul.f32 v19, v19;
	v15 =	vmax.f32 v11, v19;
	v12 =	vld [tilespmem:s9+$0x50];
	v14 =	vadd.f32 v18, v14  }
0x364: {  	v17 =	vmax.f32 v17, v20;
	v11 =	vld [tilespmem:s9+$0x70];
	v16 =	vadd.f32 v10, v16;
	v10 =	vmul.f32 v20, v20  }
0x365: {  	v18 =	vld [tilespmem:s9+$0x60];
	_ =	sdelay $0x2  }
0x366: {  	v17 =	vmax.f32 v17, v4;
	v15 =	vmax.f32 v15, v5  }
0x367: {  	v15 =	vmax.f32 v15, v2;
	v17 =	vmax.f32 v17, v12  }
0x368: {  	v17 =	vmax.f32 v17, v11;
	v15 =	vmax.f32 v15, v18  }
0x369: {  	v63 =	vmax.f32 v15, v17  }
0x36a: {  	v3 =	vadd.f32 v3, v14;
	(xrf0) =	vmax.scan.msk.f32 $0xffff, v63;
	_ =	sdelay $0x1  }
0x36b: {  	v3 =	vadd.f32 v7, v3;
	_ =	sdelay $0x1  }
0x36c: {  	v0 =	vmul.f32 v0, v0;
	v3 =	vadd.f32 v8, v3  }
0x36d: {  	v6 =	vadd.f32 v6, v16  }
0x36e: {  	v0 =	vadd.f32 v0, v3;
	v3 =	vmul.f32 v4, v4;
	v4, _, _ =	vpop (xrf0)  }
0x36f: {  	v1 =	vmul.f32 v1, v1;
	v6 =	vadd.f32 v9, v6;
	(v2sf) =	vpush v4, $0xF;
	_ =	sdelay $0x1  }
0x370: {  	v1 =	vadd.f32 v1, v6;
	_ =	sdelay $0x1  }
0x371: {  	v5 =	vmul.f32 v5, v5;
	v1 =	vadd.f32 v10, v1;
	v0 =	vadd.f32 v13, v0  }
0x372: {  	v2 =	vmul.f32 v2, v2  }
0x373: {  	v1 =	vadd.f32 v3, v1;
	v0 =	vadd.f32 v5, v0;
	v4 =	vmul.f32 v12, v12  }
0x374: {  	v3 =	vmul.f32 v18, v18  }
0x375: {  	v0 =	vadd.f32 v2, v0;
	v1 =	vadd.f32 v4, v1;
	v4 =	vmul.f32 v11, v11;
	_ =	sdelay $0x1  }
0x376: {  	v0 =	vadd.f32 v3, v0;
	v1 =	vadd.f32 v4, v1;
	_ =	sdelay $0x1  }
0x377: {  	v0 =	vadd.f32 v1, v0;
	_ =	sdelay $0x1  }
0x378: {  	(xrf2) =	vadd.scan.msk.f32 $0xffff, v0  }
0x379: {  	s26 =	spop (v2sf)  }
0x37a: {  	p0 =	slt.f32 s26, $-Inf;
	p1 =	sgt.f32 s26, $-Inf  }
0x37b: {  	_ = 	snop  }
0x37c: {  	p0 =	por p1, p0  }
0x37d: {  	p0 =	por !p0, !p0  }
.Ltmp28:
0x37e: {  	_ = 	snop;
	(pc) =	sbr.rel @p0 .LBB2_53-.Ltmp28, $2  }
0x37f: {  	_ =	sdelay $0x2  }
0x380: {  	s10 =	simm.s32 $0x0;
	s9 =	simm.f32 $-Inf;
	v3 =	vimm.f32 $-Inf;
	v0 =	vimm.s32 $0x7FFFFFFF;
	v2, _, _ =	vpop (xrf2)  }
0x381: {  	s12 =	sshra.s32 s10, $0x2  }
0x382: {  	v1 =	vld [tilespmem:s12+$0x0];
	_ =	sdelay $0x4  }
0x383: {  	(xrf0) =	vmax.scan.msk.f32 $0xffff, v1;
	_ =	sdelay $0x5  }
0x384: {  	v4, _, _ =	vpop (xrf0)  }
0x385: {  	(v2sf) =	vpush v4, $0xF;
	_ =	sdelay $0xe  }
0x386: {  	s26 =	spop (v2sf)  }
0x387: {  	p0 =	sgt.f32 s26, s9;
	_ =	sdelay $0x1  }
0x388: {  	v4 =	vlaneseq.u32 @p0  }
0x389: {  	v4 =	vor.u32 @p0 s11, v4  }
0x38a: {  	(xrf1) =	vsort.dscd.msk.f32 @p0 $0xffff, v1, v4;
	_ =	sdelay $0xd  }
0x38b: {  	v1, v4, _ =	vpop @p0 (xrf1)  }
0x38c: {  	vm8 =	veq.f32 @p0 v1, v3;
	vm9 =	vlt.s32 @p0 v4, v0  }
0x38d: {  	vm10 =	vgt.f32 @p0 v1, v3;
	vm8 =	vmand @p0 vm8, vm9  }
0x38e: {  	vm8 =	vmor @p0 vm10, vm8  }
0x38f: {  	v1 =	vsel @p0 vm8, v1, v3;
	v4 =	vsel @p0 vm8, v4, v0  }
0x390: {  	s10 =	sadd.s32 $0x40, s10;
	s26 =	smov.u32 s11;
	(xrf1) =	vsort.ascd.msk.f32 @p0 $0xffff, v1, v4;
	v1 =	vimm.f32 $-Inf  }
.LBB2_55:
0x391: {  	_ =	sdelay $0x8  }
0x392: {  	s12 =	sshra.s32 s10, $0x2;
	s10 =	sadd.s32 $0x40, s10  }
0x393: {  	v4 =	vld [tilespmem:s12+$0x0];
	p1 =	sne.s32 s10, $0x20000;
	_ =	sdelay $0x2  }
0x394: {  	v5, v6, _ =	vpop @p0 (xrf1)  }
0x395: {  	v1 =	vpsel p0, v5, v1;
	v0 =	vpsel p0, v6, v0;
	(xrf0) =	vmin.scan.msk.f32 @p0 $0xffff, v5  }
0x396: {  	(xrf0) =	vmax.scan.msk.f32 $0xffff, v4;
	_ =	sdelay $0x4  }
0x397: {  	v5, _, _ =	vpop @p0 (xrf0)  }
0x398: {  	v6, _, _ =	vpop (xrf0);
	(v2sf) =	vpush @p0 v5, $0xF  }
0x399: {  	(v2sf) =	vpush v6, $0xF;
	_ =	sdelay $0xd  }
0x39a: {  	s12 =	spop @p0 (v2sf)  }
0x39b: {  	s13 =	spop (v2sf);
	s9 =	smov.u32 @p0 s12  }
0x39c: {  	p0 =	sgt.f32 s13, s9;
	_ =	sdelay $0x1  }
0x39d: {  	s26 =	sadd.s32 $0x10, s26;
	v5 =	vlaneseq.u32 @p0  }
0x39e: {  	v5 =	vor.u32 @p0 s26, v5  }
0x39f: {  	(xrf1) =	vsort.dscd.msk.f32 @p0 $0xffff, v4, v5;
	_ =	sdelay $0xd  }
0x3a0: {  	v4, v5, _ =	vpop @p0 (xrf1)  }
.Ltmp29:
0x3a1: {  	vm8 =	veq.f32 @p0 v4, v1;
	vm9 =	vlt.s32 @p0 v5, v0;
	(pc) =	sbr.rel @p1 .LBB2_55-.Ltmp29, $4  }
0x3a2: {  	vm10 =	vgt.f32 @p0 v4, v1;
	vm8 =	vmand @p0 vm8, vm9  }
0x3a3: {  	vm8 =	vmor @p0 vm10, vm8  }
0x3a4: {  	v4 =	vsel @p0 vm8, v4, v1;
	v5 =	vsel @p0 vm8, v5, v0  }
0x3a5: {  	(xrf1) =	vsort.ascd.msk.f32 @p0 $0xffff, v4, v5  }
0x3a6: {  	_ =	sdelay $0xc  }
0x3a7: {  	v4, v5, _ =	vpop @p0 (xrf1)  }
0x3a8: {  	(xrf0) =	vmin.scan.msk.f32 @p0 $0xffff, v4;
	_ =	sdelay $0x5  }
0x3a9: {  	v6, _, _ =	vpop @p0 (xrf0)  }
0x3aa: {  	(v2sf) =	vpush @p0 v6, $0xF;
	_ =	sdelay $0xb  }
.Ltmp30:
0x3ab: {  	_ = 	snop;
	(pc) =	sbr.rel .LBB2_57-.Ltmp30, $3  }
0x3ac: {  	_ =	sdelay $0x1  }
0x3ad: {  	s10 =	spop @p0 (v2sf)  }
0x3ae: {  	v1 =	vpsel p0, v4, v1;
	v0 =	vpsel p0, v5, v0;
	s9 =	smov.u32 @p0 s10  }
.LBB2_53:
0x3af: {  	v1 =	vimm.f32 $-Inf  }
.LBB2_57:
0x3b0: {  	s10 =	simm.s32 $0x0  }
0x3b1: {  	[tilespmem:s10], [sflag:$0x1] =	stream.linear.gather [hbm4b:s16+s10], $0x8000, $0x38;
	[tilespmem:$0x10180] =	vst v63  }
0x3b2: {  	_ =	swait.ge [sflag:s6], $0x8000  }
0x3b3: {  	[sflag:s6] =	ssyncset.done $0x0  }
0x3b4: {  	s12 =	simm.s32 $0x0;
	[sflag:s6] =	ssyncadd.s32 $0xFFFF8000  }
0x3b5: {  	v6 =	vld [tilespmem:s12+$0x8000]  }
0x3b6: {  	v7 =	vld [tilespmem:s12+$0x8010]  }
0x3b7: {  	v8 =	vld [tilespmem:s12+$0x8030]  }
0x3b8: {  	v10 =	vld [tilespmem:s12+$0x8020]  }
0x3b9: {  	v2 =	vadd.f32 $0.0e+00, v2;
	v13 =	vld [tilespmem:s12+$0x8040]  }
0x3ba: {  	v14 =	vld [tilespmem:s12+$0x8050]  }
0x3bb: {  	v2 =	vbroadcast v2, $0xF;
	v5 =	vld [tilespmem:s12+$0x8070]  }
0x3bc: {  	s10 =	simm.s32 $0x80;
	v4 =	vld [tilespmem:s12+$0x8060]  }
0x3bd: {  	v17 =	vimm.f32 $0.0e+00;
	v2 =	vnsel vm0, $0x0, v2;
	v15 =	vld [tilespmem:s10+$0x8000];
	v9 =	vmul.f32 v6, v6  }
0x3be: {  	v20 =	vld [tilespmem:s10+$0x8010];
	v6 =	vmax.f32 v3, v6;
	v19 =	vmul.f32 v7, v7;
	v3 =	vmax.f32 v3, v7  }
0x3bf: {  	v12 =	vmul.f32 v8, v8;
	v11 =	vmul.f32 v14, v14;
	v7 =	vmax.f32 v6, v10;
	v6 =	vld [tilespmem:s10+$0x8030]  }
0x3c0: {  	v3 =	vmax.f32 v3, v8;
	v10 =	vmul.f32 v10, v10;
	v16 =	vmax.f32 v7, v13;
	v7 =	vld [tilespmem:s10+$0x8020]  }
0x3c1: {  	v8 =	vmul.f32 v13, v13;
	v13 =	vmax.f32 v3, v14;
	v3 =	vld [tilespmem:s10+$0x8040];
	v14 =	vmax.f32 v16, v4  }
0x3c2: {  	v21 =	vmax.f32 v13, v5;
	v16 =	vmul.f32 v15, v15;
	v18 =	vmax.f32 v14, v15;
	v15 =	vld [tilespmem:s10+$0x8050]  }
0x3c3: {  	s26 =	simm.s32 $0x400;
	v19 =	vadd.f32 v19, v17;
	v13 =	vmul.f32 v20, v20;
	v20 =	vmax.f32 v21, v20;
	v14 =	vld [tilespmem:s10+$0x8070]  }
.LBB2_58:
0x3c4: {  	p0 =	sne.s32 s26, $0x1FE00;
	v20 =	vmax.f32 v20, v6;
	v17 =	vadd.f32 v9, v17;
	v21 =	vmul.f32 v4, v4;
	v4 =	vld [tilespmem:s10+$0x8060];
	s10 =	sshra.s32 s26, $0x2;
	s26 =	sadd.s32 $0x200, s26;
	v9 =	vmovc v16  }
0x3c5: {  	v22 =	vld [tilespmem:s10+$0x8000];
	v16 =	vmax.f32 v18, v7;
	v18 =	vadd.f32 v12, v19;
	v12 =	vmul.f32 v6, v6  }
0x3c6: {  	v23 =	vld [tilespmem:s10+$0x8010];
	v16 =	vmax.f32 v16, v3;
	v17 =	vadd.f32 v10, v17;
	v10 =	vmul.f32 v7, v7  }
.Ltmp31:
0x3c7: {  	v19 =	vmul.f32 v5, v5;
	v6 =	vld [tilespmem:s10+$0x8030];
	v18 =	vadd.f32 v11, v18;
	v11 =	vmul.f32 v15, v15;
	(pc) =	sbr.rel @p0 .LBB2_58-.Ltmp31, $4  }
0x3c8: {  	v15 =	vmax.f32 v20, v15;
	v7 =	vld [tilespmem:s10+$0x8020];
	v17 =	vadd.f32 v8, v17;
	v8 =	vmul.f32 v3, v3;
	v5 =	vmovc v14  }
0x3c9: {  	v3 =	vld [tilespmem:s10+$0x8040];
	v14 =	vmax.f32 v16, v4;
	v20 =	vmax.f32 v15, v5;
	v19 =	vadd.f32 v19, v18  }
0x3ca: {  	v16 =	vmul.f32 v22, v22;
	v18 =	vmax.f32 v14, v22;
	v15 =	vld [tilespmem:s10+$0x8050];
	v17 =	vadd.f32 v21, v17  }
0x3cb: {  	v20 =	vmax.f32 v20, v23;
	v14 =	vld [tilespmem:s10+$0x8070];
	v19 =	vadd.f32 v13, v19;
	v13 =	vmul.f32 v23, v23  }
0x3cc: {  	v21 =	vld [tilespmem:s10+$0x8060];
	_ =	sdelay $0x2  }
0x3cd: {  	v20 =	vmax.f32 v20, v6;
	v18 =	vmax.f32 v18, v7  }
0x3ce: {  	v55 =	vmax.f32 v18, v3;
	v56 =	vmax.f32 v20, v15  }
0x3cf: {  	v9 =	vadd.f32 v9, v17;
	v18 =	vmax.f32 v56, v14;
	v17 =	vmax.f32 v55, v21  }
0x3d0: {  	v57 =	vmax.f32 v17, v18  }
0x3d1: {  	(xrf0) =	vmax.scan.msk.f32 $0xffff, v57;
	_ =	sdelay $0x1  }
0x3d2: {  	v12 =	vadd.f32 v12, v19;
	v9 =	vadd.f32 v10, v9  }
0x3d3: {  	v5 =	vmul.f32 v5, v5  }
0x3d4: {  	v4 =	vmul.f32 v4, v4;
	v11 =	vadd.f32 v11, v12;
	v8 =	vadd.f32 v8, v9;
	_ =	sdelay $0x1  }
0x3d5: {  	v5 =	vadd.f32 v5, v11;
	v4 =	vadd.f32 v4, v8;
	v61, _, _ =	vpop (xrf0)  }
0x3d6: {  	v58 =	vmul.f32 v6, v6;
	(v2sf) =	vpush v61, $0xF  }
0x3d7: {  	v59 =	vmul.f32 v7, v7;
	v5 =	vadd.f32 v13, v5;
	v4 =	vadd.f32 v16, v4  }
0x3d8: {  	v3 =	vmul.f32 v3, v3  }
0x3d9: {  	v60 =	vmul.f32 v15, v15;
	v5 =	vadd.f32 v58, v5;
	v4 =	vadd.f32 v59, v4  }
0x3da: {  	v63 =	vmul.f32 v14, v14  }
0x3db: {  	v62 =	vmul.f32 v21, v21;
	v5 =	vadd.f32 v60, v5;
	v3 =	vadd.f32 v3, v4;
	_ =	sdelay $0x1  }
0x3dc: {  	v4 =	vadd.f32 v63, v5;
	v3 =	vadd.f32 v62, v3;
	_ =	sdelay $0x1  }
0x3dd: {  	v3 =	vadd.f32 v4, v3;
	_ =	sdelay $0x1  }
0x3de: {  	(xrf2) =	vadd.scan.msk.f32 $0xffff, v3;
	_ =	sdelay $0x3  }
0x3df: {  	s26 =	spop (v2sf)  }
0x3e0: {  	p0 =	sgt.f32 s26, s9  }
.Ltmp32:
0x3e1: {  	_ = 	snop;
	(pc) =	sbr.rel @!p0 .LBB2_63-.Ltmp32, $2  }
0x3e2: {  	_ =	sdelay $0x2  }
0x3e3: {  	s10 =	simm.s32 $0x0;
	v3, _, _ =	vpop (xrf2)  }
0x3e4: {  	s12 =	sshra.s32 s10, $0x2  }
0x3e5: {  	v4 =	vld [tilespmem:s12+$0x8000];
	_ =	sdelay $0x4  }
0x3e6: {  	(xrf0) =	vmax.scan.msk.f32 $0xffff, v4;
	_ =	sdelay $0x5  }
0x3e7: {  	v5, _, _ =	vpop (xrf0)  }
0x3e8: {  	(v2sf) =	vpush v5, $0xF;
	_ =	sdelay $0xe  }
0x3e9: {  	s26 =	spop (v2sf)  }
0x3ea: {  	p0 =	sgt.f32 s26, s9;
	_ =	sdelay $0x1  }
0x3eb: {  	v5 =	vlaneseq.u32 @p0  }
0x3ec: {  	v5 =	vor.u32 @p0 s28, v5  }
0x3ed: {  	(xrf1) =	vsort.dscd.msk.f32 @p0 $0xffff, v4, v5;
	_ =	sdelay $0xd  }
0x3ee: {  	v4, v5, _ =	vpop @p0 (xrf1)  }
0x3ef: {  	vm8 =	veq.f32 @p0 v4, v1;
	vm9 =	vlt.s32 @p0 v5, v0  }
0x3f0: {  	vm10 =	vgt.f32 @p0 v4, v1;
	vm8 =	vmand @p0 vm8, vm9  }
0x3f1: {  	vm8 =	vmor @p0 vm10, vm8  }
0x3f2: {  	v4 =	vsel @p0 vm8, v4, v1;
	v5 =	vsel @p0 vm8, v5, v0  }
0x3f3: {  	s10 =	sadd.s32 $0x40, s10;
	s26 =	smov.u32 s28;
	(xrf1) =	vsort.ascd.msk.f32 @p0 $0xffff, v4, v5  }
.LBB2_61:
0x3f4: {  	_ =	sdelay $0x8  }
0x3f5: {  	s12 =	sshra.s32 s10, $0x2;
	s10 =	sadd.s32 $0x40, s10  }
0x3f6: {  	v4 =	vld [tilespmem:s12+$0x8000];
	p1 =	sne.s32 s10, $0x20000;
	_ =	sdelay $0x2  }
0x3f7: {  	v5, v6, _ =	vpop @p0 (xrf1)  }
0x3f8: {  	v1 =	vpsel p0, v5, v1;
	v0 =	vpsel p0, v6, v0;
	(xrf0) =	vmin.scan.msk.f32 @p0 $0xffff, v5  }
0x3f9: {  	(xrf0) =	vmax.scan.msk.f32 $0xffff, v4;
	_ =	sdelay $0x4  }
0x3fa: {  	v5, _, _ =	vpop @p0 (xrf0)  }
0x3fb: {  	v6, _, _ =	vpop (xrf0);
	(v2sf) =	vpush @p0 v5, $0xF  }
0x3fc: {  	(v2sf) =	vpush v6, $0xF;
	_ =	sdelay $0xd  }
0x3fd: {  	s12 =	spop @p0 (v2sf)  }
0x3fe: {  	s13 =	spop (v2sf);
	s9 =	smov.u32 @p0 s12  }
0x3ff: {  	p0 =	sgt.f32 s13, s9;
	_ =	sdelay $0x1  }
0x400: {  	s26 =	sadd.s32 $0x10, s26;
	v5 =	vlaneseq.u32 @p0  }
0x401: {  	v5 =	vor.u32 @p0 s26, v5  }
0x402: {  	(xrf1) =	vsort.dscd.msk.f32 @p0 $0xffff, v4, v5;
	_ =	sdelay $0xd  }
0x403: {  	v4, v5, _ =	vpop @p0 (xrf1)  }
.Ltmp33:
0x404: {  	vm8 =	veq.f32 @p0 v4, v1;
	vm9 =	vlt.s32 @p0 v5, v0;
	(pc) =	sbr.rel @p1 .LBB2_61-.Ltmp33, $4  }
0x405: {  	vm10 =	vgt.f32 @p0 v4, v1;
	vm8 =	vmand @p0 vm8, vm9  }
0x406: {  	vm8 =	vmor @p0 vm10, vm8  }
0x407: {  	v4 =	vsel @p0 vm8, v4, v1;
	v5 =	vsel @p0 vm8, v5, v0  }
0x408: {  	(xrf1) =	vsort.ascd.msk.f32 @p0 $0xffff, v4, v5  }
0x409: {  	_ =	sdelay $0xc  }
0x40a: {  	v4, v5, _ =	vpop @p0 (xrf1)  }
0x40b: {  	(xrf0) =	vmin.scan.msk.f32 @p0 $0xffff, v4;
	_ =	sdelay $0x5  }
0x40c: {  	v6, _, _ =	vpop @p0 (xrf0)  }
0x40d: {  	(v2sf) =	vpush @p0 v6, $0xF;
	_ =	sdelay $0xe  }
0x40e: {  	s10 =	spop @p0 (v2sf)  }
0x40f: {  	v1 =	vpsel p0, v4, v1;
	v0 =	vpsel p0, v5, v0;
	s9 =	smov.u32 @p0 s10  }
.LBB2_63:
0x410: {  	s10 =	simm.s32 $0x0  }
0x411: {  	[tilespmem:s4], [sflag:$0x2] =	stream.linear.gather [hbm4b:s17+s10], $0x8000, $0x38;
	[tilespmem:$0x10180] =	vst v63  }
0x412: {  	_ =	swait.ge [sflag:s5], $0x8000  }
0x413: {  	[sflag:s5] =	ssyncset.done $0x0  }
0x414: {  	s12 =	simm.s32 $0x0;
	[sflag:s5] =	ssyncadd.s32 $0xFFFF8000  }
0x415: {  	v5 =	vld [tilespmem:s12+$0x0]  }
0x416: {  	v6 =	vld [tilespmem:s12+$0x10]  }
0x417: {  	v7 =	vld [tilespmem:s12+$0x30]  }
0x418: {  	v3 =	vbroadcast v3, $0xF;
	v8 =	vld [tilespmem:s12+$0x20]  }
0x419: {  	v13 =	vld [tilespmem:s12+$0x40]  }
0x41a: {  	v3 =	vadd.f32 v3, v2;
	v14 =	vld [tilespmem:s12+$0x50]  }
0x41b: {  	v4 =	vld [tilespmem:s12+$0x70]  }
0x41c: {  	s10 =	simm.s32 $0x80;
	v2 =	vsel vm1, v2, v3;
	v3 =	vld [tilespmem:s12+$0x60]  }
0x41d: {  	v17 =	vimm.f32 $0.0e+00;
	v10 =	vimm.f32 $-Inf;
	v15 =	vld [tilespmem:s10+$0x0];
	v9 =	vmul.f32 v5, v5  }
0x41e: {  	v20 =	vld [tilespmem:s10+$0x10];
	v5 =	vmax.f32 v10, v5;
	v19 =	vmul.f32 v6, v6;
	v6 =	vmax.f32 v10, v6  }
0x41f: {  	v12 =	vmul.f32 v7, v7;
	v16 =	vmax.f32 v6, v7;
	v5 =	vmax.f32 v5, v8;
	v6 =	vld [tilespmem:s10+$0x30]  }
0x420: {  	v10 =	vmul.f32 v8, v8;
	v11 =	vmul.f32 v14, v14;
	v7 =	vld [tilespmem:s10+$0x20];
	v18 =	vmax.f32 v5, v13  }
0x421: {  	v8 =	vmul.f32 v13, v13;
	v13 =	vmax.f32 v16, v14;
	v5 =	vld [tilespmem:s10+$0x40];
	v14 =	vmax.f32 v18, v3  }
0x422: {  	v16 =	vmul.f32 v15, v15;
	v21 =	vmax.f32 v13, v4;
	v18 =	vmax.f32 v14, v15;
	v15 =	vld [tilespmem:s10+$0x50]  }
0x423: {  	s26 =	simm.s32 $0x400;
	v19 =	vadd.f32 v19, v17;
	v13 =	vmul.f32 v20, v20;
	v20 =	vmax.f32 v21, v20;
	v14 =	vld [tilespmem:s10+$0x70]  }
.LBB2_64:
0x424: {  	p0 =	sne.s32 s26, $0x1FE00;
	v20 =	vmax.f32 v20, v6;
	v17 =	vadd.f32 v9, v17;
	v21 =	vmul.f32 v3, v3;
	v3 =	vld [tilespmem:s10+$0x60];
	s10 =	sshra.s32 s26, $0x2;
	s26 =	sadd.s32 $0x200, s26;
	v9 =	vmovc v16  }
0x425: {  	v22 =	vld [tilespmem:s10+$0x0];
	v16 =	vmax.f32 v18, v7;
	v18 =	vadd.f32 v12, v19;
	v12 =	vmul.f32 v6, v6  }
0x426: {  	v23 =	vld [tilespmem:s10+$0x10];
	v16 =	vmax.f32 v16, v5;
	v17 =	vadd.f32 v10, v17;
	v10 =	vmul.f32 v7, v7  }
.Ltmp34:
0x427: {  	v19 =	vmul.f32 v4, v4;
	v6 =	vld [tilespmem:s10+$0x30];
	v18 =	vadd.f32 v11, v18;
	v11 =	vmul.f32 v15, v15;
	(pc) =	sbr.rel @p0 .LBB2_64-.Ltmp34, $4  }
0x428: {  	v15 =	vmax.f32 v20, v15;
	v7 =	vld [tilespmem:s10+$0x20];
	v17 =	vadd.f32 v8, v17;
	v8 =	vmul.f32 v5, v5;
	v4 =	vmovc v14  }
0x429: {  	v5 =	vld [tilespmem:s10+$0x40];
	v14 =	vmax.f32 v16, v3;
	v20 =	vmax.f32 v15, v4;
	v19 =	vadd.f32 v19, v18  }
0x42a: {  	v16 =	vmul.f32 v22, v22;
	v18 =	vmax.f32 v14, v22;
	v15 =	vld [tilespmem:s10+$0x50];
	v17 =	vadd.f32 v21, v17  }
0x42b: {  	v20 =	vmax.f32 v20, v23;
	v14 =	vld [tilespmem:s10+$0x70];
	v19 =	vadd.f32 v13, v19;
	v13 =	vmul.f32 v23, v23  }
0x42c: {  	v21 =	vld [tilespmem:s10+$0x60];
	_ =	sdelay $0x2  }
0x42d: {  	v20 =	vmax.f32 v20, v6;
	v18 =	vmax.f32 v18, v7  }
0x42e: {  	v55 =	vmax.f32 v18, v5;
	v56 =	vmax.f32 v20, v15  }
0x42f: {  	v9 =	vadd.f32 v9, v17;
	v18 =	vmax.f32 v56, v14;
	v17 =	vmax.f32 v55, v21  }
0x430: {  	v57 =	vmax.f32 v17, v18  }
0x431: {  	(xrf0) =	vmax.scan.msk.f32 $0xffff, v57;
	_ =	sdelay $0x1  }
0x432: {  	v12 =	vadd.f32 v12, v19;
	v9 =	vadd.f32 v10, v9  }
0x433: {  	v4 =	vmul.f32 v4, v4  }
0x434: {  	v3 =	vmul.f32 v3, v3;
	v11 =	vadd.f32 v11, v12;
	v8 =	vadd.f32 v8, v9;
	_ =	sdelay $0x1  }
0x435: {  	v4 =	vadd.f32 v4, v11;
	v3 =	vadd.f32 v3, v8;
	v61, _, _ =	vpop (xrf0)  }
0x436: {  	v58 =	vmul.f32 v6, v6;
	(v2sf) =	vpush v61, $0xF  }
0x437: {  	v59 =	vmul.f32 v7, v7;
	v4 =	vadd.f32 v13, v4;
	v3 =	vadd.f32 v16, v3  }
0x438: {  	v5 =	vmul.f32 v5, v5  }
0x439: {  	v60 =	vmul.f32 v15, v15;
	v4 =	vadd.f32 v58, v4;
	v3 =	vadd.f32 v59, v3  }
0x43a: {  	v63 =	vmul.f32 v14, v14  }
0x43b: {  	v62 =	vmul.f32 v21, v21;
	v4 =	vadd.f32 v60, v4;
	v3 =	vadd.f32 v5, v3;
	_ =	sdelay $0x1  }
0x43c: {  	v4 =	vadd.f32 v63, v4;
	v3 =	vadd.f32 v62, v3;
	_ =	sdelay $0x1  }
0x43d: {  	v3 =	vadd.f32 v4, v3;
	_ =	sdelay $0x1  }
0x43e: {  	(xrf2) =	vadd.scan.msk.f32 $0xffff, v3;
	_ =	sdelay $0x3  }
0x43f: {  	s26 =	spop (v2sf)  }
0x440: {  	p0 =	sgt.f32 s26, s9  }
.Ltmp35:
0x441: {  	_ = 	snop;
	(pc) =	sbr.rel @!p0 .LBB2_69-.Ltmp35, $2  }
0x442: {  	_ =	sdelay $0x2  }
0x443: {  	s10 =	simm.s32 $0x0;
	v3, _, _ =	vpop (xrf2)  }
0x444: {  	s12 =	sshra.s32 s10, $0x2  }
0x445: {  	v4 =	vld [tilespmem:s12+$0x0];
	_ =	sdelay $0x4  }
0x446: {  	(xrf0) =	vmax.scan.msk.f32 $0xffff, v4;
	_ =	sdelay $0x5  }
0x447: {  	v5, _, _ =	vpop (xrf0)  }
0x448: {  	(v2sf) =	vpush v5, $0xF;
	_ =	sdelay $0xe  }
0x449: {  	s26 =	spop (v2sf)  }
0x44a: {  	p0 =	sgt.f32 s26, s9;
	_ =	sdelay $0x1  }
0x44b: {  	v5 =	vlaneseq.u32 @p0  }
0x44c: {  	v5 =	vor.u32 @p0 s29, v5  }
0x44d: {  	(xrf1) =	vsort.dscd.msk.f32 @p0 $0xffff, v4, v5;
	_ =	sdelay $0xd  }
0x44e: {  	v4, v5, _ =	vpop @p0 (xrf1)  }
0x44f: {  	vm8 =	veq.f32 @p0 v4, v1;
	vm9 =	vlt.s32 @p0 v5, v0  }
0x450: {  	vm10 =	vgt.f32 @p0 v4, v1;
	vm8 =	vmand @p0 vm8, vm9  }
0x451: {  	vm8 =	vmor @p0 vm10, vm8  }
0x452: {  	v4 =	vsel @p0 vm8, v4, v1;
	v5 =	vsel @p0 vm8, v5, v0  }
0x453: {  	s10 =	sadd.s32 $0x40, s10;
	s26 =	smov.u32 s29;
	(xrf1) =	vsort.ascd.msk.f32 @p0 $0xffff, v4, v5  }
.LBB2_67:
0x454: {  	_ =	sdelay $0x8  }
0x455: {  	s12 =	sshra.s32 s10, $0x2;
	s10 =	sadd.s32 $0x40, s10  }
0x456: {  	v4 =	vld [tilespmem:s12+$0x0];
	p1 =	sne.s32 s10, $0x20000;
	_ =	sdelay $0x2  }
0x457: {  	v5, v6, _ =	vpop @p0 (xrf1)  }
0x458: {  	v1 =	vpsel p0, v5, v1;
	v0 =	vpsel p0, v6, v0;
	(xrf0) =	vmin.scan.msk.f32 @p0 $0xffff, v5  }
0x459: {  	(xrf0) =	vmax.scan.msk.f32 $0xffff, v4;
	_ =	sdelay $0x4  }
0x45a: {  	v5, _, _ =	vpop @p0 (xrf0)  }
0x45b: {  	v6, _, _ =	vpop (xrf0);
	(v2sf) =	vpush @p0 v5, $0xF  }
0x45c: {  	(v2sf) =	vpush v6, $0xF;
	_ =	sdelay $0xd  }
0x45d: {  	s12 =	spop @p0 (v2sf)  }
0x45e: {  	s13 =	spop (v2sf);
	s9 =	smov.u32 @p0 s12  }
0x45f: {  	p0 =	sgt.f32 s13, s9;
	_ =	sdelay $0x1  }
0x460: {  	s26 =	sadd.s32 $0x10, s26;
	v5 =	vlaneseq.u32 @p0  }
0x461: {  	v5 =	vor.u32 @p0 s26, v5  }
0x462: {  	(xrf1) =	vsort.dscd.msk.f32 @p0 $0xffff, v4, v5;
	_ =	sdelay $0xd  }
0x463: {  	v4, v5, _ =	vpop @p0 (xrf1)  }
.Ltmp36:
0x464: {  	vm8 =	veq.f32 @p0 v4, v1;
	vm9 =	vlt.s32 @p0 v5, v0;
	(pc) =	sbr.rel @p1 .LBB2_67-.Ltmp36, $4  }
0x465: {  	vm10 =	vgt.f32 @p0 v4, v1;
	vm8 =	vmand @p0 vm8, vm9  }
0x466: {  	vm8 =	vmor @p0 vm10, vm8  }
0x467: {  	v4 =	vsel @p0 vm8, v4, v1;
	v5 =	vsel @p0 vm8, v5, v0  }
0x468: {  	(xrf1) =	vsort.ascd.msk.f32 @p0 $0xffff, v4, v5  }
0x469: {  	_ =	sdelay $0xc  }
0x46a: {  	v4, v5, _ =	vpop @p0 (xrf1)  }
0x46b: {  	(xrf0) =	vmin.scan.msk.f32 @p0 $0xffff, v4;
	_ =	sdelay $0x5  }
0x46c: {  	v6, _, _ =	vpop @p0 (xrf0)  }
0x46d: {  	(v2sf) =	vpush @p0 v6, $0xF;
	_ =	sdelay $0xe  }
0x46e: {  	s10 =	spop @p0 (v2sf)  }
0x46f: {  	v1 =	vpsel p0, v4, v1;
	v0 =	vpsel p0, v5, v0;
	s9 =	smov.u32 @p0 s10  }
.LBB2_69:
0x470: {  	s10 =	simm.s32 $0x0  }
0x471: {  	[tilespmem:s10], [sflag:$0x1] =	stream.linear.gather [hbm4b:s18+s10], $0x8000, $0x38;
	[tilespmem:$0x10180] =	vst v63  }
0x472: {  	_ =	swait.ge [sflag:s6], $0x8000  }
0x473: {  	[sflag:s6] =	ssyncset.done $0x0  }
0x474: {  	s12 =	simm.s32 $0x0;
	[sflag:s6] =	ssyncadd.s32 $0xFFFF8000  }
0x475: {  	v5 =	vld [tilespmem:s12+$0x8000]  }
0x476: {  	v6 =	vld [tilespmem:s12+$0x8010]  }
0x477: {  	v7 =	vld [tilespmem:s12+$0x8030]  }
0x478: {  	v3 =	vbroadcast v3, $0xF;
	v8 =	vld [tilespmem:s12+$0x8020]  }
0x479: {  	v13 =	vld [tilespmem:s12+$0x8040]  }
0x47a: {  	v3 =	vadd.f32 v3, v2;
	v14 =	vld [tilespmem:s12+$0x8050]  }
0x47b: {  	v4 =	vld [tilespmem:s12+$0x8070]  }
0x47c: {  	s10 =	simm.s32 $0x80;
	v2 =	vsel vm2, v2, v3;
	v3 =	vld [tilespmem:s12+$0x8060]  }
0x47d: {  	v17 =	vimm.f32 $0.0e+00;
	v10 =	vimm.f32 $-Inf;
	v15 =	vld [tilespmem:s10+$0x8000];
	v9 =	vmul.f32 v5, v5  }
0x47e: {  	v20 =	vld [tilespmem:s10+$0x8010];
	v5 =	vmax.f32 v10, v5;
	v19 =	vmul.f32 v6, v6;
	v6 =	vmax.f32 v10, v6  }
0x47f: {  	v12 =	vmul.f32 v7, v7;
	v16 =	vmax.f32 v6, v7;
	v5 =	vmax.f32 v5, v8;
	v6 =	vld [tilespmem:s10+$0x8030]  }
0x480: {  	v10 =	vmul.f32 v8, v8;
	v11 =	vmul.f32 v14, v14;
	v7 =	vld [tilespmem:s10+$0x8020];
	v18 =	vmax.f32 v5, v13  }
0x481: {  	v8 =	vmul.f32 v13, v13;
	v13 =	vmax.f32 v16, v14;
	v5 =	vld [tilespmem:s10+$0x8040];
	v14 =	vmax.f32 v18, v3  }
0x482: {  	v16 =	vmul.f32 v15, v15;
	v21 =	vmax.f32 v13, v4;
	v18 =	vmax.f32 v14, v15;
	v15 =	vld [tilespmem:s10+$0x8050]  }
0x483: {  	s26 =	simm.s32 $0x400;
	v19 =	vadd.f32 v19, v17;
	v13 =	vmul.f32 v20, v20;
	v20 =	vmax.f32 v21, v20;
	v14 =	vld [tilespmem:s10+$0x8070]  }
.LBB2_70:
0x484: {  	p0 =	sne.s32 s26, $0x1FE00;
	v20 =	vmax.f32 v20, v6;
	v17 =	vadd.f32 v9, v17;
	v21 =	vmul.f32 v3, v3;
	v3 =	vld [tilespmem:s10+$0x8060];
	s10 =	sshra.s32 s26, $0x2;
	s26 =	sadd.s32 $0x200, s26;
	v9 =	vmovc v16  }
0x485: {  	v22 =	vld [tilespmem:s10+$0x8000];
	v16 =	vmax.f32 v18, v7;
	v18 =	vadd.f32 v12, v19;
	v12 =	vmul.f32 v6, v6  }
0x486: {  	v23 =	vld [tilespmem:s10+$0x8010];
	v16 =	vmax.f32 v16, v5;
	v17 =	vadd.f32 v10, v17;
	v10 =	vmul.f32 v7, v7  }
.Ltmp37:
0x487: {  	v19 =	vmul.f32 v4, v4;
	v6 =	vld [tilespmem:s10+$0x8030];
	v18 =	vadd.f32 v11, v18;
	v11 =	vmul.f32 v15, v15;
	(pc) =	sbr.rel @p0 .LBB2_70-.Ltmp37, $4  }
0x488: {  	v15 =	vmax.f32 v20, v15;
	v7 =	vld [tilespmem:s10+$0x8020];
	v17 =	vadd.f32 v8, v17;
	v8 =	vmul.f32 v5, v5;
	v4 =	vmovc v14  }
0x489: {  	v5 =	vld [tilespmem:s10+$0x8040];
	v14 =	vmax.f32 v16, v3;
	v20 =	vmax.f32 v15, v4;
	v19 =	vadd.f32 v19, v18  }
0x48a: {  	v16 =	vmul.f32 v22, v22;
	v18 =	vmax.f32 v14, v22;
	v15 =	vld [tilespmem:s10+$0x8050];
	v17 =	vadd.f32 v21, v17  }
0x48b: {  	v20 =	vmax.f32 v20, v23;
	v14 =	vld [tilespmem:s10+$0x8070];
	v19 =	vadd.f32 v13, v19;
	v13 =	vmul.f32 v23, v23  }
0x48c: {  	v21 =	vld [tilespmem:s10+$0x8060];
	_ =	sdelay $0x2  }
0x48d: {  	v20 =	vmax.f32 v20, v6;
	v18 =	vmax.f32 v18, v7  }
0x48e: {  	v55 =	vmax.f32 v18, v5;
	v56 =	vmax.f32 v20, v15  }
0x48f: {  	v9 =	vadd.f32 v9, v17;
	v18 =	vmax.f32 v56, v14;
	v17 =	vmax.f32 v55, v21  }
0x490: {  	v57 =	vmax.f32 v17, v18  }
0x491: {  	(xrf0) =	vmax.scan.msk.f32 $0xffff, v57;
	_ =	sdelay $0x1  }
0x492: {  	v12 =	vadd.f32 v12, v19;
	v9 =	vadd.f32 v10, v9  }
0x493: {  	v4 =	vmul.f32 v4, v4  }
0x494: {  	v3 =	vmul.f32 v3, v3;
	v11 =	vadd.f32 v11, v12;
	v8 =	vadd.f32 v8, v9;
	_ =	sdelay $0x1  }
0x495: {  	v4 =	vadd.f32 v4, v11;
	v3 =	vadd.f32 v3, v8;
	v61, _, _ =	vpop (xrf0)  }
0x496: {  	v58 =	vmul.f32 v6, v6;
	(v2sf) =	vpush v61, $0xF  }
0x497: {  	v59 =	vmul.f32 v7, v7;
	v4 =	vadd.f32 v13, v4;
	v3 =	vadd.f32 v16, v3  }
0x498: {  	v5 =	vmul.f32 v5, v5  }
0x499: {  	v60 =	vmul.f32 v15, v15;
	v4 =	vadd.f32 v58, v4;
	v3 =	vadd.f32 v59, v3  }
0x49a: {  	v63 =	vmul.f32 v14, v14  }
0x49b: {  	v62 =	vmul.f32 v21, v21;
	v4 =	vadd.f32 v60, v4;
	v3 =	vadd.f32 v5, v3;
	_ =	sdelay $0x1  }
0x49c: {  	v4 =	vadd.f32 v63, v4;
	v3 =	vadd.f32 v62, v3;
	_ =	sdelay $0x1  }
0x49d: {  	v3 =	vadd.f32 v4, v3;
	_ =	sdelay $0x1  }
0x49e: {  	(xrf2) =	vadd.scan.msk.f32 $0xffff, v3;
	_ =	sdelay $0x3  }
0x49f: {  	s26 =	spop (v2sf)  }
0x4a0: {  	p0 =	sgt.f32 s26, s9  }
.Ltmp38:
0x4a1: {  	_ = 	snop;
	(pc) =	sbr.rel @!p0 .LBB2_75-.Ltmp38, $2  }
0x4a2: {  	_ =	sdelay $0x2  }
0x4a3: {  	s10 =	simm.s32 $0x0;
	v3, _, _ =	vpop (xrf2)  }
0x4a4: {  	s12 =	sshra.s32 s10, $0x2  }
0x4a5: {  	v4 =	vld [tilespmem:s12+$0x8000];
	_ =	sdelay $0x4  }
0x4a6: {  	(xrf0) =	vmax.scan.msk.f32 $0xffff, v4;
	_ =	sdelay $0x5  }
0x4a7: {  	v5, _, _ =	vpop (xrf0)  }
0x4a8: {  	(v2sf) =	vpush v5, $0xF;
	_ =	sdelay $0xe  }
0x4a9: {  	s26 =	spop (v2sf)  }
0x4aa: {  	p0 =	sgt.f32 s26, s9;
	_ =	sdelay $0x1  }
0x4ab: {  	v5 =	vlaneseq.u32 @p0  }
0x4ac: {  	v5 =	vor.u32 @p0 s30, v5  }
0x4ad: {  	(xrf1) =	vsort.dscd.msk.f32 @p0 $0xffff, v4, v5;
	_ =	sdelay $0xd  }
0x4ae: {  	v4, v5, _ =	vpop @p0 (xrf1)  }
0x4af: {  	vm8 =	veq.f32 @p0 v4, v1;
	vm9 =	vlt.s32 @p0 v5, v0  }
0x4b0: {  	vm10 =	vgt.f32 @p0 v4, v1;
	vm8 =	vmand @p0 vm8, vm9  }
0x4b1: {  	vm8 =	vmor @p0 vm10, vm8  }
0x4b2: {  	v4 =	vsel @p0 vm8, v4, v1;
	v5 =	vsel @p0 vm8, v5, v0  }
0x4b3: {  	s10 =	sadd.s32 $0x40, s10;
	s26 =	smov.u32 s30;
	(xrf1) =	vsort.ascd.msk.f32 @p0 $0xffff, v4, v5  }
.LBB2_73:
0x4b4: {  	_ =	sdelay $0x8  }
0x4b5: {  	s12 =	sshra.s32 s10, $0x2;
	s10 =	sadd.s32 $0x40, s10  }
0x4b6: {  	v4 =	vld [tilespmem:s12+$0x8000];
	p1 =	sne.s32 s10, $0x20000;
	_ =	sdelay $0x2  }
0x4b7: {  	v5, v6, _ =	vpop @p0 (xrf1)  }
0x4b8: {  	v1 =	vpsel p0, v5, v1;
	v0 =	vpsel p0, v6, v0;
	(xrf0) =	vmin.scan.msk.f32 @p0 $0xffff, v5  }
0x4b9: {  	(xrf0) =	vmax.scan.msk.f32 $0xffff, v4;
	_ =	sdelay $0x4  }
0x4ba: {  	v5, _, _ =	vpop @p0 (xrf0)  }
0x4bb: {  	v6, _, _ =	vpop (xrf0);
	(v2sf) =	vpush @p0 v5, $0xF  }
0x4bc: {  	(v2sf) =	vpush v6, $0xF;
	_ =	sdelay $0xd  }
0x4bd: {  	s12 =	spop @p0 (v2sf)  }
0x4be: {  	s13 =	spop (v2sf);
	s9 =	smov.u32 @p0 s12  }
0x4bf: {  	p0 =	sgt.f32 s13, s9;
	_ =	sdelay $0x1  }
0x4c0: {  	s26 =	sadd.s32 $0x10, s26;
	v5 =	vlaneseq.u32 @p0  }
0x4c1: {  	v5 =	vor.u32 @p0 s26, v5  }
0x4c2: {  	(xrf1) =	vsort.dscd.msk.f32 @p0 $0xffff, v4, v5;
	_ =	sdelay $0xd  }
0x4c3: {  	v4, v5, _ =	vpop @p0 (xrf1)  }
.Ltmp39:
0x4c4: {  	vm8 =	veq.f32 @p0 v4, v1;
	vm9 =	vlt.s32 @p0 v5, v0;
	(pc) =	sbr.rel @p1 .LBB2_73-.Ltmp39, $4  }
0x4c5: {  	vm10 =	vgt.f32 @p0 v4, v1;
	vm8 =	vmand @p0 vm8, vm9  }
0x4c6: {  	vm8 =	vmor @p0 vm10, vm8  }
0x4c7: {  	v4 =	vsel @p0 vm8, v4, v1;
	v5 =	vsel @p0 vm8, v5, v0  }
0x4c8: {  	(xrf1) =	vsort.ascd.msk.f32 @p0 $0xffff, v4, v5  }
0x4c9: {  	_ =	sdelay $0xc  }
0x4ca: {  	v4, v5, _ =	vpop @p0 (xrf1)  }
0x4cb: {  	(xrf0) =	vmin.scan.msk.f32 @p0 $0xffff, v4;
	_ =	sdelay $0x5  }
0x4cc: {  	v6, _, _ =	vpop @p0 (xrf0)  }
0x4cd: {  	(v2sf) =	vpush @p0 v6, $0xF;
	_ =	sdelay $0xe  }
0x4ce: {  	s10 =	spop @p0 (v2sf)  }
0x4cf: {  	v1 =	vpsel p0, v4, v1;
	v0 =	vpsel p0, v5, v0;
	s9 =	smov.u32 @p0 s10  }
.LBB2_75:
0x4d0: {  	s10 =	simm.s32 $0x0  }
0x4d1: {  	[tilespmem:s4], [sflag:$0x2] =	stream.linear.gather [hbm4b:s19+s10], $0x8000, $0x38;
	[tilespmem:$0x10180] =	vst v63  }
0x4d2: {  	_ =	swait.ge [sflag:s5], $0x8000  }
0x4d3: {  	[sflag:s5] =	ssyncset.done $0x0  }
0x4d4: {  	s12 =	simm.s32 $0x0;
	[sflag:s5] =	ssyncadd.s32 $0xFFFF8000  }
0x4d5: {  	v5 =	vld [tilespmem:s12+$0x0]  }
0x4d6: {  	v6 =	vld [tilespmem:s12+$0x10]  }
0x4d7: {  	v7 =	vld [tilespmem:s12+$0x30]  }
0x4d8: {  	v3 =	vbroadcast v3, $0xF;
	v8 =	vld [tilespmem:s12+$0x20]  }
0x4d9: {  	v13 =	vld [tilespmem:s12+$0x40]  }
0x4da: {  	v3 =	vadd.f32 v3, v2;
	v14 =	vld [tilespmem:s12+$0x50]  }
0x4db: {  	v4 =	vld [tilespmem:s12+$0x70]  }
0x4dc: {  	s10 =	simm.s32 $0x80;
	v2 =	vsel vm3, v2, v3;
	v3 =	vld [tilespmem:s12+$0x60]  }
0x4dd: {  	v17 =	vimm.f32 $0.0e+00;
	v10 =	vimm.f32 $-Inf;
	v15 =	vld [tilespmem:s10+$0x0];
	v9 =	vmul.f32 v5, v5  }
0x4de: {  	v20 =	vld [tilespmem:s10+$0x10];
	v5 =	vmax.f32 v10, v5;
	v19 =	vmul.f32 v6, v6;
	v6 =	vmax.f32 v10, v6  }
0x4df: {  	v12 =	vmul.f32 v7, v7;
	v16 =	vmax.f32 v6, v7;
	v5 =	vmax.f32 v5, v8;
	v6 =	vld [tilespmem:s10+$0x30]  }
0x4e0: {  	v10 =	vmul.f32 v8, v8;
	v11 =	vmul.f32 v14, v14;
	v7 =	vld [tilespmem:s10+$0x20];
	v18 =	vmax.f32 v5, v13  }
0x4e1: {  	v8 =	vmul.f32 v13, v13;
	v13 =	vmax.f32 v16, v14;
	v5 =	vld [tilespmem:s10+$0x40];
	v14 =	vmax.f32 v18, v3  }
0x4e2: {  	v16 =	vmul.f32 v15, v15;
	v21 =	vmax.f32 v13, v4;
	v18 =	vmax.f32 v14, v15;
	v15 =	vld [tilespmem:s10+$0x50]  }
0x4e3: {  	s26 =	simm.s32 $0x400;
	v19 =	vadd.f32 v19, v17;
	v13 =	vmul.f32 v20, v20;
	v20 =	vmax.f32 v21, v20;
	v14 =	vld [tilespmem:s10+$0x70]  }
.LBB2_76:
0x4e4: {  	p0 =	sne.s32 s26, $0x1FE00;
	v20 =	vmax.f32 v20, v6;
	v17 =	vadd.f32 v9, v17;
	v21 =	vmul.f32 v3, v3;
	v3 =	vld [tilespmem:s10+$0x60];
	s10 =	sshra.s32 s26, $0x2;
	s26 =	sadd.s32 $0x200, s26;
	v9 =	vmovc v16  }
0x4e5: {  	v22 =	vld [tilespmem:s10+$0x0];
	v16 =	vmax.f32 v18, v7;
	v18 =	vadd.f32 v12, v19;
	v12 =	vmul.f32 v6, v6  }
0x4e6: {  	v23 =	vld [tilespmem:s10+$0x10];
	v16 =	vmax.f32 v16, v5;
	v17 =	vadd.f32 v10, v17;
	v10 =	vmul.f32 v7, v7  }
.Ltmp40:
0x4e7: {  	v19 =	vmul.f32 v4, v4;
	v6 =	vld [tilespmem:s10+$0x30];
	v18 =	vadd.f32 v11, v18;
	v11 =	vmul.f32 v15, v15;
	(pc) =	sbr.rel @p0 .LBB2_76-.Ltmp40, $4  }
0x4e8: {  	v15 =	vmax.f32 v20, v15;
	v7 =	vld [tilespmem:s10+$0x20];
	v17 =	vadd.f32 v8, v17;
	v8 =	vmul.f32 v5, v5;
	v4 =	vmovc v14  }
0x4e9: {  	v5 =	vld [tilespmem:s10+$0x40];
	v14 =	vmax.f32 v16, v3;
	v20 =	vmax.f32 v15, v4;
	v19 =	vadd.f32 v19, v18  }
0x4ea: {  	v16 =	vmul.f32 v22, v22;
	v18 =	vmax.f32 v14, v22;
	v15 =	vld [tilespmem:s10+$0x50];
	v17 =	vadd.f32 v21, v17  }
0x4eb: {  	v20 =	vmax.f32 v20, v23;
	v14 =	vld [tilespmem:s10+$0x70];
	v19 =	vadd.f32 v13, v19;
	v13 =	vmul.f32 v23, v23  }
0x4ec: {  	v21 =	vld [tilespmem:s10+$0x60];
	_ =	sdelay $0x2  }
0x4ed: {  	v20 =	vmax.f32 v20, v6;
	v18 =	vmax.f32 v18, v7  }
0x4ee: {  	v55 =	vmax.f32 v18, v5;
	v56 =	vmax.f32 v20, v15  }
0x4ef: {  	v9 =	vadd.f32 v9, v17;
	v18 =	vmax.f32 v56, v14;
	v17 =	vmax.f32 v55, v21  }
0x4f0: {  	v57 =	vmax.f32 v17, v18  }
0x4f1: {  	(xrf0) =	vmax.scan.msk.f32 $0xffff, v57;
	_ =	sdelay $0x1  }
0x4f2: {  	v12 =	vadd.f32 v12, v19;
	v9 =	vadd.f32 v10, v9  }
0x4f3: {  	v4 =	vmul.f32 v4, v4  }
0x4f4: {  	v3 =	vmul.f32 v3, v3;
	v11 =	vadd.f32 v11, v12;
	v8 =	vadd.f32 v8, v9;
	_ =	sdelay $0x1  }
0x4f5: {  	v4 =	vadd.f32 v4, v11;
	v3 =	vadd.f32 v3, v8;
	v61, _, _ =	vpop (xrf0)  }
0x4f6: {  	v58 =	vmul.f32 v6, v6;
	(v2sf) =	vpush v61, $0xF  }
0x4f7: {  	v59 =	vmul.f32 v7, v7;
	v4 =	vadd.f32 v13, v4;
	v3 =	vadd.f32 v16, v3  }
0x4f8: {  	v5 =	vmul.f32 v5, v5  }
0x4f9: {  	v60 =	vmul.f32 v15, v15;
	v4 =	vadd.f32 v58, v4;
	v3 =	vadd.f32 v59, v3  }
0x4fa: {  	v63 =	vmul.f32 v14, v14  }
0x4fb: {  	v62 =	vmul.f32 v21, v21;
	v4 =	vadd.f32 v60, v4;
	v3 =	vadd.f32 v5, v3;
	_ =	sdelay $0x1  }
0x4fc: {  	v4 =	vadd.f32 v63, v4;
	v3 =	vadd.f32 v62, v3;
	_ =	sdelay $0x1  }
0x4fd: {  	v3 =	vadd.f32 v4, v3;
	_ =	sdelay $0x1  }
0x4fe: {  	(xrf2) =	vadd.scan.msk.f32 $0xffff, v3;
	_ =	sdelay $0x3  }
0x4ff: {  	s26 =	spop (v2sf)  }
0x500: {  	p0 =	sgt.f32 s26, s9  }
.Ltmp41:
0x501: {  	_ = 	snop;
	(pc) =	sbr.rel @!p0 .LBB2_81-.Ltmp41, $2  }
0x502: {  	_ =	sdelay $0x2  }
0x503: {  	s10 =	simm.s32 $0x0;
	v3, _, _ =	vpop (xrf2)  }
0x504: {  	s12 =	sshra.s32 s10, $0x2  }
0x505: {  	v4 =	vld [tilespmem:s12+$0x0];
	_ =	sdelay $0x4  }
0x506: {  	(xrf0) =	vmax.scan.msk.f32 $0xffff, v4;
	_ =	sdelay $0x5  }
0x507: {  	v5, _, _ =	vpop (xrf0)  }
0x508: {  	(v2sf) =	vpush v5, $0xF;
	_ =	sdelay $0xe  }
0x509: {  	s26 =	spop (v2sf)  }
0x50a: {  	p0 =	sgt.f32 s26, s9;
	_ =	sdelay $0x1  }
0x50b: {  	v5 =	vlaneseq.u32 @p0  }
0x50c: {  	v5 =	vor.u32 @p0 s31, v5  }
0x50d: {  	(xrf1) =	vsort.dscd.msk.f32 @p0 $0xffff, v4, v5;
	_ =	sdelay $0xd  }
0x50e: {  	v4, v5, _ =	vpop @p0 (xrf1)  }
0x50f: {  	vm8 =	veq.f32 @p0 v4, v1;
	vm9 =	vlt.s32 @p0 v5, v0  }
0x510: {  	vm10 =	vgt.f32 @p0 v4, v1;
	vm8 =	vmand @p0 vm8, vm9  }
0x511: {  	vm8 =	vmor @p0 vm10, vm8  }
0x512: {  	v4 =	vsel @p0 vm8, v4, v1;
	v5 =	vsel @p0 vm8, v5, v0  }
0x513: {  	s10 =	sadd.s32 $0x40, s10;
	s26 =	smov.u32 s31;
	(xrf1) =	vsort.ascd.msk.f32 @p0 $0xffff, v4, v5  }
.LBB2_79:
0x514: {  	_ =	sdelay $0x8  }
0x515: {  	s12 =	sshra.s32 s10, $0x2;
	s10 =	sadd.s32 $0x40, s10  }
0x516: {  	v4 =	vld [tilespmem:s12+$0x0];
	p1 =	sne.s32 s10, $0x20000;
	_ =	sdelay $0x2  }
0x517: {  	v5, v6, _ =	vpop @p0 (xrf1)  }
0x518: {  	v1 =	vpsel p0, v5, v1;
	v0 =	vpsel p0, v6, v0;
	(xrf0) =	vmin.scan.msk.f32 @p0 $0xffff, v5  }
0x519: {  	(xrf0) =	vmax.scan.msk.f32 $0xffff, v4;
	_ =	sdelay $0x4  }
0x51a: {  	v5, _, _ =	vpop @p0 (xrf0)  }
0x51b: {  	v6, _, _ =	vpop (xrf0);
	(v2sf) =	vpush @p0 v5, $0xF  }
0x51c: {  	(v2sf) =	vpush v6, $0xF;
	_ =	sdelay $0xd  }
0x51d: {  	s12 =	spop @p0 (v2sf)  }
0x51e: {  	s13 =	spop (v2sf);
	s9 =	smov.u32 @p0 s12  }
0x51f: {  	p0 =	sgt.f32 s13, s9;
	_ =	sdelay $0x1  }
0x520: {  	s26 =	sadd.s32 $0x10, s26;
	v5 =	vlaneseq.u32 @p0  }
0x521: {  	v5 =	vor.u32 @p0 s26, v5  }
0x522: {  	(xrf1) =	vsort.dscd.msk.f32 @p0 $0xffff, v4, v5;
	_ =	sdelay $0xd  }
0x523: {  	v4, v5, _ =	vpop @p0 (xrf1)  }
.Ltmp42:
0x524: {  	vm8 =	veq.f32 @p0 v4, v1;
	vm9 =	vlt.s32 @p0 v5, v0;
	(pc) =	sbr.rel @p1 .LBB2_79-.Ltmp42, $4  }
0x525: {  	vm10 =	vgt.f32 @p0 v4, v1;
	vm8 =	vmand @p0 vm8, vm9  }
0x526: {  	vm8 =	vmor @p0 vm10, vm8  }
0x527: {  	v4 =	vsel @p0 vm8, v4, v1;
	v5 =	vsel @p0 vm8, v5, v0  }
0x528: {  	(xrf1) =	vsort.ascd.msk.f32 @p0 $0xffff, v4, v5  }
0x529: {  	_ =	sdelay $0xc  }
0x52a: {  	v4, v5, _ =	vpop @p0 (xrf1)  }
0x52b: {  	(xrf0) =	vmin.scan.msk.f32 @p0 $0xffff, v4;
	_ =	sdelay $0x5  }
0x52c: {  	v6, _, _ =	vpop @p0 (xrf0)  }
0x52d: {  	(v2sf) =	vpush @p0 v6, $0xF;
	_ =	sdelay $0xe  }
0x52e: {  	s10 =	spop @p0 (v2sf)  }
0x52f: {  	v1 =	vpsel p0, v4, v1;
	v0 =	vpsel p0, v5, v0;
	s9 =	smov.u32 @p0 s10  }
.LBB2_81:
0x530: {  	s10 =	simm.s32 $0x0  }
0x531: {  	[tilespmem:s10], [sflag:$0x1] =	stream.linear.gather [hbm4b:s20+s10], $0x8000, $0x38;
	[tilespmem:$0x10180] =	vst v63  }
0x532: {  	_ =	swait.ge [sflag:s6], $0x8000  }
0x533: {  	[sflag:s6] =	ssyncset.done $0x0  }
0x534: {  	s12 =	simm.s32 $0x0;
	[sflag:s6] =	ssyncadd.s32 $0xFFFF8000  }
0x535: {  	v5 =	vld [tilespmem:s12+$0x8000]  }
0x536: {  	v6 =	vld [tilespmem:s12+$0x8010]  }
0x537: {  	v7 =	vld [tilespmem:s12+$0x8030]  }
0x538: {  	v3 =	vbroadcast v3, $0xF;
	v8 =	vld [tilespmem:s12+$0x8020]  }
0x539: {  	v13 =	vld [tilespmem:s12+$0x8040]  }
0x53a: {  	v3 =	vadd.f32 v3, v2;
	v14 =	vld [tilespmem:s12+$0x8050]  }
0x53b: {  	v4 =	vld [tilespmem:s12+$0x8070]  }
0x53c: {  	s10 =	simm.s32 $0x80;
	v2 =	vsel vm4, v2, v3;
	v3 =	vld [tilespmem:s12+$0x8060]  }
0x53d: {  	v17 =	vimm.f32 $0.0e+00;
	v10 =	vimm.f32 $-Inf;
	v15 =	vld [tilespmem:s10+$0x8000];
	v9 =	vmul.f32 v5, v5  }
0x53e: {  	v20 =	vld [tilespmem:s10+$0x8010];
	v5 =	vmax.f32 v10, v5;
	v19 =	vmul.f32 v6, v6;
	v6 =	vmax.f32 v10, v6  }
0x53f: {  	v12 =	vmul.f32 v7, v7;
	v16 =	vmax.f32 v6, v7;
	v5 =	vmax.f32 v5, v8;
	v6 =	vld [tilespmem:s10+$0x8030]  }
0x540: {  	v10 =	vmul.f32 v8, v8;
	v11 =	vmul.f32 v14, v14;
	v7 =	vld [tilespmem:s10+$0x8020];
	v18 =	vmax.f32 v5, v13  }
0x541: {  	v8 =	vmul.f32 v13, v13;
	v13 =	vmax.f32 v16, v14;
	v5 =	vld [tilespmem:s10+$0x8040];
	v14 =	vmax.f32 v18, v3  }
0x542: {  	v16 =	vmul.f32 v15, v15;
	v21 =	vmax.f32 v13, v4;
	v18 =	vmax.f32 v14, v15;
	v15 =	vld [tilespmem:s10+$0x8050]  }
0x543: {  	s26 =	simm.s32 $0x400;
	v19 =	vadd.f32 v19, v17;
	v13 =	vmul.f32 v20, v20;
	v20 =	vmax.f32 v21, v20;
	v14 =	vld [tilespmem:s10+$0x8070]  }
.LBB2_82:
0x544: {  	p0 =	sne.s32 s26, $0x1FE00;
	v20 =	vmax.f32 v20, v6;
	v17 =	vadd.f32 v9, v17;
	v21 =	vmul.f32 v3, v3;
	v3 =	vld [tilespmem:s10+$0x8060];
	s10 =	sshra.s32 s26, $0x2;
	s26 =	sadd.s32 $0x200, s26;
	v9 =	vmovc v16  }
0x545: {  	v22 =	vld [tilespmem:s10+$0x8000];
	v16 =	vmax.f32 v18, v7;
	v18 =	vadd.f32 v12, v19;
	v12 =	vmul.f32 v6, v6  }
0x546: {  	v23 =	vld [tilespmem:s10+$0x8010];
	v16 =	vmax.f32 v16, v5;
	v17 =	vadd.f32 v10, v17;
	v10 =	vmul.f32 v7, v7  }
.Ltmp43:
0x547: {  	v19 =	vmul.f32 v4, v4;
	v6 =	vld [tilespmem:s10+$0x8030];
	v18 =	vadd.f32 v11, v18;
	v11 =	vmul.f32 v15, v15;
	(pc) =	sbr.rel @p0 .LBB2_82-.Ltmp43, $4  }
0x548: {  	v15 =	vmax.f32 v20, v15;
	v7 =	vld [tilespmem:s10+$0x8020];
	v17 =	vadd.f32 v8, v17;
	v8 =	vmul.f32 v5, v5;
	v4 =	vmovc v14  }
0x549: {  	v5 =	vld [tilespmem:s10+$0x8040];
	v14 =	vmax.f32 v16, v3;
	v20 =	vmax.f32 v15, v4;
	v19 =	vadd.f32 v19, v18  }
0x54a: {  	v16 =	vmul.f32 v22, v22;
	v18 =	vmax.f32 v14, v22;
	v15 =	vld [tilespmem:s10+$0x8050];
	v17 =	vadd.f32 v21, v17  }
0x54b: {  	v20 =	vmax.f32 v20, v23;
	v14 =	vld [tilespmem:s10+$0x8070];
	v19 =	vadd.f32 v13, v19;
	v13 =	vmul.f32 v23, v23  }
0x54c: {  	v21 =	vld [tilespmem:s10+$0x8060];
	_ =	sdelay $0x2  }
0x54d: {  	v20 =	vmax.f32 v20, v6;
	v18 =	vmax.f32 v18, v7  }
0x54e: {  	v55 =	vmax.f32 v18, v5;
	v56 =	vmax.f32 v20, v15  }
0x54f: {  	v9 =	vadd.f32 v9, v17;
	v18 =	vmax.f32 v56, v14;
	v17 =	vmax.f32 v55, v21  }
0x550: {  	v57 =	vmax.f32 v17, v18  }
0x551: {  	(xrf0) =	vmax.scan.msk.f32 $0xffff, v57;
	_ =	sdelay $0x1  }
0x552: {  	v12 =	vadd.f32 v12, v19;
	v9 =	vadd.f32 v10, v9  }
0x553: {  	v4 =	vmul.f32 v4, v4  }
0x554: {  	v3 =	vmul.f32 v3, v3;
	v11 =	vadd.f32 v11, v12;
	v8 =	vadd.f32 v8, v9;
	_ =	sdelay $0x1  }
0x555: {  	v4 =	vadd.f32 v4, v11;
	v3 =	vadd.f32 v3, v8;
	v61, _, _ =	vpop (xrf0)  }
0x556: {  	v58 =	vmul.f32 v6, v6;
	(v2sf) =	vpush v61, $0xF  }
0x557: {  	v59 =	vmul.f32 v7, v7;
	v4 =	vadd.f32 v13, v4;
	v3 =	vadd.f32 v16, v3  }
0x558: {  	v5 =	vmul.f32 v5, v5  }
0x559: {  	v60 =	vmul.f32 v15, v15;
	v4 =	vadd.f32 v58, v4;
	v3 =	vadd.f32 v59, v3  }
0x55a: {  	v63 =	vmul.f32 v14, v14  }
0x55b: {  	v62 =	vmul.f32 v21, v21;
	v4 =	vadd.f32 v60, v4;
	v3 =	vadd.f32 v5, v3;
	_ =	sdelay $0x1  }
0x55c: {  	v4 =	vadd.f32 v63, v4;
	v3 =	vadd.f32 v62, v3;
	_ =	sdelay $0x1  }
0x55d: {  	v3 =	vadd.f32 v4, v3;
	_ =	sdelay $0x1  }
0x55e: {  	(xrf2) =	vadd.scan.msk.f32 $0xffff, v3;
	_ =	sdelay $0x3  }
0x55f: {  	s26 =	spop (v2sf)  }
0x560: {  	p0 =	sgt.f32 s26, s9  }
.Ltmp44:
0x561: {  	_ = 	snop;
	(pc) =	sbr.rel @!p0 .LBB2_87-.Ltmp44, $2  }
0x562: {  	_ =	sdelay $0x2  }
0x563: {  	s10 =	simm.s32 $0x0;
	v3, _, _ =	vpop (xrf2)  }
0x564: {  	s12 =	sshra.s32 s10, $0x2  }
0x565: {  	v4 =	vld [tilespmem:s12+$0x8000];
	_ =	sdelay $0x4  }
0x566: {  	(xrf0) =	vmax.scan.msk.f32 $0xffff, v4;
	_ =	sdelay $0x5  }
0x567: {  	v5, _, _ =	vpop (xrf0)  }
0x568: {  	(v2sf) =	vpush v5, $0xF;
	_ =	sdelay $0xe  }
0x569: {  	s26 =	spop (v2sf)  }
0x56a: {  	p0 =	sgt.f32 s26, s9;
	_ =	sdelay $0x1  }
0x56b: {  	v5 =	vlaneseq.u32 @p0  }
0x56c: {  	v5 =	vor.u32 @p0 s0, v5  }
0x56d: {  	(xrf1) =	vsort.dscd.msk.f32 @p0 $0xffff, v4, v5;
	_ =	sdelay $0xd  }
0x56e: {  	v4, v5, _ =	vpop @p0 (xrf1)  }
0x56f: {  	vm8 =	veq.f32 @p0 v4, v1;
	vm9 =	vlt.s32 @p0 v5, v0  }
0x570: {  	vm10 =	vgt.f32 @p0 v4, v1;
	vm8 =	vmand @p0 vm8, vm9  }
0x571: {  	vm8 =	vmor @p0 vm10, vm8  }
0x572: {  	v4 =	vsel @p0 vm8, v4, v1;
	v5 =	vsel @p0 vm8, v5, v0  }
0x573: {  	s10 =	sadd.s32 $0x40, s10;
	s26 =	smov.u32 s0;
	(xrf1) =	vsort.ascd.msk.f32 @p0 $0xffff, v4, v5  }
.LBB2_85:
0x574: {  	_ =	sdelay $0x8  }
0x575: {  	s12 =	sshra.s32 s10, $0x2;
	s10 =	sadd.s32 $0x40, s10  }
0x576: {  	v4 =	vld [tilespmem:s12+$0x8000];
	p1 =	sne.s32 s10, $0x20000;
	_ =	sdelay $0x2  }
0x577: {  	v5, v6, _ =	vpop @p0 (xrf1)  }
0x578: {  	v1 =	vpsel p0, v5, v1;
	v0 =	vpsel p0, v6, v0;
	(xrf0) =	vmin.scan.msk.f32 @p0 $0xffff, v5  }
0x579: {  	(xrf0) =	vmax.scan.msk.f32 $0xffff, v4;
	_ =	sdelay $0x4  }
0x57a: {  	v5, _, _ =	vpop @p0 (xrf0)  }
0x57b: {  	v6, _, _ =	vpop (xrf0);
	(v2sf) =	vpush @p0 v5, $0xF  }
0x57c: {  	(v2sf) =	vpush v6, $0xF;
	_ =	sdelay $0xd  }
0x57d: {  	s12 =	spop @p0 (v2sf)  }
0x57e: {  	s13 =	spop (v2sf);
	s9 =	smov.u32 @p0 s12  }
0x57f: {  	p0 =	sgt.f32 s13, s9;
	_ =	sdelay $0x1  }
0x580: {  	s26 =	sadd.s32 $0x10, s26;
	v5 =	vlaneseq.u32 @p0  }
0x581: {  	v5 =	vor.u32 @p0 s26, v5  }
0x582: {  	(xrf1) =	vsort.dscd.msk.f32 @p0 $0xffff, v4, v5;
	_ =	sdelay $0xd  }
0x583: {  	v4, v5, _ =	vpop @p0 (xrf1)  }
.Ltmp45:
0x584: {  	vm8 =	veq.f32 @p0 v4, v1;
	vm9 =	vlt.s32 @p0 v5, v0;
	(pc) =	sbr.rel @p1 .LBB2_85-.Ltmp45, $4  }
0x585: {  	vm10 =	vgt.f32 @p0 v4, v1;
	vm8 =	vmand @p0 vm8, vm9  }
0x586: {  	vm8 =	vmor @p0 vm10, vm8  }
0x587: {  	v4 =	vsel @p0 vm8, v4, v1;
	v5 =	vsel @p0 vm8, v5, v0  }
0x588: {  	(xrf1) =	vsort.ascd.msk.f32 @p0 $0xffff, v4, v5  }
0x589: {  	_ =	sdelay $0xc  }
0x58a: {  	v4, v5, _ =	vpop @p0 (xrf1)  }
0x58b: {  	(xrf0) =	vmin.scan.msk.f32 @p0 $0xffff, v4;
	_ =	sdelay $0x5  }
0x58c: {  	v6, _, _ =	vpop @p0 (xrf0)  }
0x58d: {  	(v2sf) =	vpush @p0 v6, $0xF;
	_ =	sdelay $0xe  }
0x58e: {  	s10 =	spop @p0 (v2sf)  }
0x58f: {  	v1 =	vpsel p0, v4, v1;
	v0 =	vpsel p0, v5, v0;
	s9 =	smov.u32 @p0 s10  }
.LBB2_87:
0x590: {  	s10 =	simm.s32 $0x0  }
0x591: {  	[tilespmem:s4], [sflag:$0x2] =	stream.linear.gather [hbm4b:s21+s10], $0x8000, $0x38;
	[tilespmem:$0x10180] =	vst v63  }
0x592: {  	_ =	swait.ge [sflag:s5], $0x8000  }
0x593: {  	[sflag:s5] =	ssyncset.done $0x0  }
0x594: {  	s12 =	simm.s32 $0x0;
	[sflag:s5] =	ssyncadd.s32 $0xFFFF8000  }
0x595: {  	v5 =	vld [tilespmem:s12+$0x0]  }
0x596: {  	v6 =	vld [tilespmem:s12+$0x10]  }
0x597: {  	v7 =	vld [tilespmem:s12+$0x30]  }
0x598: {  	v3 =	vbroadcast v3, $0xF;
	v8 =	vld [tilespmem:s12+$0x20]  }
0x599: {  	v13 =	vld [tilespmem:s12+$0x40]  }
0x59a: {  	v3 =	vadd.f32 v3, v2;
	v14 =	vld [tilespmem:s12+$0x50]  }
0x59b: {  	v4 =	vld [tilespmem:s12+$0x70]  }
0x59c: {  	s10 =	simm.s32 $0x80;
	v2 =	vsel vm5, v2, v3;
	v3 =	vld [tilespmem:s12+$0x60]  }
0x59d: {  	v17 =	vimm.f32 $0.0e+00;
	v10 =	vimm.f32 $-Inf;
	v15 =	vld [tilespmem:s10+$0x0];
	v9 =	vmul.f32 v5, v5  }
0x59e: {  	v20 =	vld [tilespmem:s10+$0x10];
	v5 =	vmax.f32 v10, v5;
	v19 =	vmul.f32 v6, v6;
	v6 =	vmax.f32 v10, v6  }
0x59f: {  	v12 =	vmul.f32 v7, v7;
	v16 =	vmax.f32 v6, v7;
	v5 =	vmax.f32 v5, v8;
	v6 =	vld [tilespmem:s10+$0x30]  }
0x5a0: {  	v10 =	vmul.f32 v8, v8;
	v11 =	vmul.f32 v14, v14;
	v7 =	vld [tilespmem:s10+$0x20];
	v18 =	vmax.f32 v5, v13  }
0x5a1: {  	v8 =	vmul.f32 v13, v13;
	v13 =	vmax.f32 v16, v14;
	v5 =	vld [tilespmem:s10+$0x40];
	v14 =	vmax.f32 v18, v3  }
0x5a2: {  	v16 =	vmul.f32 v15, v15;
	v21 =	vmax.f32 v13, v4;
	v18 =	vmax.f32 v14, v15;
	v15 =	vld [tilespmem:s10+$0x50]  }
0x5a3: {  	s26 =	simm.s32 $0x400;
	v19 =	vadd.f32 v19, v17;
	v13 =	vmul.f32 v20, v20;
	v20 =	vmax.f32 v21, v20;
	v14 =	vld [tilespmem:s10+$0x70]  }
.LBB2_88:
0x5a4: {  	p0 =	sne.s32 s26, $0x1FE00;
	v20 =	vmax.f32 v20, v6;
	v17 =	vadd.f32 v9, v17;
	v21 =	vmul.f32 v3, v3;
	v3 =	vld [tilespmem:s10+$0x60];
	s10 =	sshra.s32 s26, $0x2;
	s26 =	sadd.s32 $0x200, s26;
	v9 =	vmovc v16  }
0x5a5: {  	v22 =	vld [tilespmem:s10+$0x0];
	v16 =	vmax.f32 v18, v7;
	v18 =	vadd.f32 v12, v19;
	v12 =	vmul.f32 v6, v6  }
0x5a6: {  	v23 =	vld [tilespmem:s10+$0x10];
	v16 =	vmax.f32 v16, v5;
	v17 =	vadd.f32 v10, v17;
	v10 =	vmul.f32 v7, v7  }
.Ltmp46:
0x5a7: {  	v19 =	vmul.f32 v4, v4;
	v6 =	vld [tilespmem:s10+$0x30];
	v18 =	vadd.f32 v11, v18;
	v11 =	vmul.f32 v15, v15;
	(pc) =	sbr.rel @p0 .LBB2_88-.Ltmp46, $4  }
0x5a8: {  	v15 =	vmax.f32 v20, v15;
	v7 =	vld [tilespmem:s10+$0x20];
	v17 =	vadd.f32 v8, v17;
	v8 =	vmul.f32 v5, v5;
	v4 =	vmovc v14  }
0x5a9: {  	v5 =	vld [tilespmem:s10+$0x40];
	v14 =	vmax.f32 v16, v3;
	v20 =	vmax.f32 v15, v4;
	v19 =	vadd.f32 v19, v18  }
0x5aa: {  	v16 =	vmul.f32 v22, v22;
	v18 =	vmax.f32 v14, v22;
	v15 =	vld [tilespmem:s10+$0x50];
	v17 =	vadd.f32 v21, v17  }
0x5ab: {  	v20 =	vmax.f32 v20, v23;
	v14 =	vld [tilespmem:s10+$0x70];
	v19 =	vadd.f32 v13, v19;
	v13 =	vmul.f32 v23, v23  }
0x5ac: {  	v21 =	vld [tilespmem:s10+$0x60];
	_ =	sdelay $0x2  }
0x5ad: {  	v20 =	vmax.f32 v20, v6;
	v18 =	vmax.f32 v18, v7  }
0x5ae: {  	v55 =	vmax.f32 v18, v5;
	v56 =	vmax.f32 v20, v15  }
0x5af: {  	v9 =	vadd.f32 v9, v17;
	v18 =	vmax.f32 v56, v14;
	v17 =	vmax.f32 v55, v21  }
0x5b0: {  	v57 =	vmax.f32 v17, v18  }
0x5b1: {  	(xrf0) =	vmax.scan.msk.f32 $0xffff, v57;
	_ =	sdelay $0x1  }
0x5b2: {  	v12 =	vadd.f32 v12, v19;
	v9 =	vadd.f32 v10, v9  }
0x5b3: {  	v4 =	vmul.f32 v4, v4  }
0x5b4: {  	v3 =	vmul.f32 v3, v3;
	v11 =	vadd.f32 v11, v12;
	v8 =	vadd.f32 v8, v9;
	_ =	sdelay $0x1  }
0x5b5: {  	v4 =	vadd.f32 v4, v11;
	v3 =	vadd.f32 v3, v8;
	v61, _, _ =	vpop (xrf0)  }
0x5b6: {  	v58 =	vmul.f32 v6, v6;
	(v2sf) =	vpush v61, $0xF  }
0x5b7: {  	v59 =	vmul.f32 v7, v7;
	v4 =	vadd.f32 v13, v4;
	v3 =	vadd.f32 v16, v3  }
0x5b8: {  	v5 =	vmul.f32 v5, v5  }
0x5b9: {  	v60 =	vmul.f32 v15, v15;
	v4 =	vadd.f32 v58, v4;
	v3 =	vadd.f32 v59, v3  }
0x5ba: {  	v63 =	vmul.f32 v14, v14  }
0x5bb: {  	v62 =	vmul.f32 v21, v21;
	v4 =	vadd.f32 v60, v4;
	v3 =	vadd.f32 v5, v3;
	_ =	sdelay $0x1  }
0x5bc: {  	v4 =	vadd.f32 v63, v4;
	v3 =	vadd.f32 v62, v3;
	_ =	sdelay $0x1  }
0x5bd: {  	v3 =	vadd.f32 v4, v3;
	_ =	sdelay $0x1  }
0x5be: {  	(xrf2) =	vadd.scan.msk.f32 $0xffff, v3;
	_ =	sdelay $0x3  }
0x5bf: {  	s26 =	spop (v2sf)  }
0x5c0: {  	p0 =	sgt.f32 s26, s9  }
.Ltmp47:
0x5c1: {  	_ = 	snop;
	(pc) =	sbr.rel @!p0 .LBB2_93-.Ltmp47, $2  }
0x5c2: {  	_ =	sdelay $0x2  }
0x5c3: {  	s10 =	simm.s32 $0x0;
	v3, _, _ =	vpop (xrf2)  }
0x5c4: {  	s12 =	sshra.s32 s10, $0x2  }
0x5c5: {  	v4 =	vld [tilespmem:s12+$0x0];
	_ =	sdelay $0x4  }
0x5c6: {  	(xrf0) =	vmax.scan.msk.f32 $0xffff, v4;
	_ =	sdelay $0x5  }
0x5c7: {  	v5, _, _ =	vpop (xrf0)  }
0x5c8: {  	(v2sf) =	vpush v5, $0xF;
	_ =	sdelay $0xe  }
0x5c9: {  	s26 =	spop (v2sf)  }
0x5ca: {  	p0 =	sgt.f32 s26, s9;
	_ =	sdelay $0x1  }
0x5cb: {  	v5 =	vlaneseq.u32 @p0  }
0x5cc: {  	v5 =	vor.u32 @p0 s1, v5  }
0x5cd: {  	(xrf1) =	vsort.dscd.msk.f32 @p0 $0xffff, v4, v5;
	_ =	sdelay $0xd  }
0x5ce: {  	v4, v5, _ =	vpop @p0 (xrf1)  }
0x5cf: {  	vm8 =	veq.f32 @p0 v4, v1;
	vm9 =	vlt.s32 @p0 v5, v0  }
0x5d0: {  	vm10 =	vgt.f32 @p0 v4, v1;
	vm8 =	vmand @p0 vm8, vm9  }
0x5d1: {  	vm8 =	vmor @p0 vm10, vm8  }
0x5d2: {  	v4 =	vsel @p0 vm8, v4, v1;
	v5 =	vsel @p0 vm8, v5, v0  }
0x5d3: {  	s10 =	sadd.s32 $0x40, s10;
	s26 =	smov.u32 s1;
	(xrf1) =	vsort.ascd.msk.f32 @p0 $0xffff, v4, v5  }
.LBB2_91:
0x5d4: {  	_ =	sdelay $0x8  }
0x5d5: {  	s12 =	sshra.s32 s10, $0x2;
	s10 =	sadd.s32 $0x40, s10  }
0x5d6: {  	v4 =	vld [tilespmem:s12+$0x0];
	p1 =	sne.s32 s10, $0x20000;
	_ =	sdelay $0x2  }
0x5d7: {  	v5, v6, _ =	vpop @p0 (xrf1)  }
0x5d8: {  	v1 =	vpsel p0, v5, v1;
	v0 =	vpsel p0, v6, v0;
	(xrf0) =	vmin.scan.msk.f32 @p0 $0xffff, v5  }
0x5d9: {  	(xrf0) =	vmax.scan.msk.f32 $0xffff, v4;
	_ =	sdelay $0x4  }
0x5da: {  	v5, _, _ =	vpop @p0 (xrf0)  }
0x5db: {  	v6, _, _ =	vpop (xrf0);
	(v2sf) =	vpush @p0 v5, $0xF  }
0x5dc: {  	(v2sf) =	vpush v6, $0xF;
	_ =	sdelay $0xd  }
0x5dd: {  	s12 =	spop @p0 (v2sf)  }
0x5de: {  	s13 =	spop (v2sf);
	s9 =	smov.u32 @p0 s12  }
0x5df: {  	p0 =	sgt.f32 s13, s9;
	_ =	sdelay $0x1  }
0x5e0: {  	s26 =	sadd.s32 $0x10, s26;
	v5 =	vlaneseq.u32 @p0  }
0x5e1: {  	v5 =	vor.u32 @p0 s26, v5  }
0x5e2: {  	(xrf1) =	vsort.dscd.msk.f32 @p0 $0xffff, v4, v5;
	_ =	sdelay $0xd  }
0x5e3: {  	v4, v5, _ =	vpop @p0 (xrf1)  }
.Ltmp48:
0x5e4: {  	vm8 =	veq.f32 @p0 v4, v1;
	vm9 =	vlt.s32 @p0 v5, v0;
	(pc) =	sbr.rel @p1 .LBB2_91-.Ltmp48, $4  }
0x5e5: {  	vm10 =	vgt.f32 @p0 v4, v1;
	vm8 =	vmand @p0 vm8, vm9  }
0x5e6: {  	vm8 =	vmor @p0 vm10, vm8  }
0x5e7: {  	v4 =	vsel @p0 vm8, v4, v1;
	v5 =	vsel @p0 vm8, v5, v0  }
0x5e8: {  	(xrf1) =	vsort.ascd.msk.f32 @p0 $0xffff, v4, v5  }
0x5e9: {  	_ =	sdelay $0xc  }
0x5ea: {  	v4, v5, _ =	vpop @p0 (xrf1)  }
0x5eb: {  	(xrf0) =	vmin.scan.msk.f32 @p0 $0xffff, v4;
	_ =	sdelay $0x5  }
0x5ec: {  	v6, _, _ =	vpop @p0 (xrf0)  }
0x5ed: {  	(v2sf) =	vpush @p0 v6, $0xF;
	_ =	sdelay $0xe  }
0x5ee: {  	s10 =	spop @p0 (v2sf)  }
0x5ef: {  	v1 =	vpsel p0, v4, v1;
	v0 =	vpsel p0, v5, v0;
	s9 =	smov.u32 @p0 s10  }
.LBB2_93:
0x5f0: {  	_ =	swait.ge [sflag:s6], $0x8000  }
0x5f1: {  	[sflag:s6] =	ssyncset.done $0x0  }
0x5f2: {  	s12 =	simm.s32 $0x0;
	[sflag:s6] =	ssyncadd.s32 $0xFFFF8000  }
0x5f3: {  	v5 =	vld [tilespmem:s12+$0x8000]  }
0x5f4: {  	v6 =	vld [tilespmem:s12+$0x8010]  }
0x5f5: {  	v7 =	vld [tilespmem:s12+$0x8030]  }
0x5f6: {  	v3 =	vbroadcast v3, $0xF;
	v8 =	vld [tilespmem:s12+$0x8020]  }
0x5f7: {  	v13 =	vld [tilespmem:s12+$0x8040]  }
0x5f8: {  	v3 =	vadd.f32 v3, v2;
	v14 =	vld [tilespmem:s12+$0x8050]  }
0x5f9: {  	v4 =	vld [tilespmem:s12+$0x8070]  }
0x5fa: {  	s10 =	simm.s32 $0x80;
	v2 =	vsel vm6, v2, v3;
	v3 =	vld [tilespmem:s12+$0x8060]  }
0x5fb: {  	v17 =	vimm.f32 $0.0e+00;
	v10 =	vimm.f32 $-Inf;
	v15 =	vld [tilespmem:s10+$0x8000];
	v9 =	vmul.f32 v5, v5  }
0x5fc: {  	v20 =	vld [tilespmem:s10+$0x8010];
	v5 =	vmax.f32 v10, v5;
	v19 =	vmul.f32 v6, v6;
	v6 =	vmax.f32 v10, v6  }
0x5fd: {  	v12 =	vmul.f32 v7, v7;
	v16 =	vmax.f32 v6, v7;
	v5 =	vmax.f32 v5, v8;
	v6 =	vld [tilespmem:s10+$0x8030]  }
0x5fe: {  	v10 =	vmul.f32 v8, v8;
	v11 =	vmul.f32 v14, v14;
	v7 =	vld [tilespmem:s10+$0x8020];
	v18 =	vmax.f32 v5, v13  }
0x5ff: {  	v8 =	vmul.f32 v13, v13;
	v13 =	vmax.f32 v16, v14;
	v5 =	vld [tilespmem:s10+$0x8040];
	v14 =	vmax.f32 v18, v3  }
0x600: {  	v16 =	vmul.f32 v15, v15;
	v21 =	vmax.f32 v13, v4;
	v18 =	vmax.f32 v14, v15;
	v15 =	vld [tilespmem:s10+$0x8050]  }
0x601: {  	s26 =	simm.s32 $0x400;
	v19 =	vadd.f32 v19, v17;
	v13 =	vmul.f32 v20, v20;
	v20 =	vmax.f32 v21, v20;
	v14 =	vld [tilespmem:s10+$0x8070]  }
.LBB2_94:
0x602: {  	p0 =	sne.s32 s26, $0x1FE00;
	v20 =	vmax.f32 v20, v6;
	v17 =	vadd.f32 v9, v17;
	v21 =	vmul.f32 v3, v3;
	v3 =	vld [tilespmem:s10+$0x8060];
	s10 =	sshra.s32 s26, $0x2;
	s26 =	sadd.s32 $0x200, s26;
	v9 =	vmovc v16  }
0x603: {  	v22 =	vld [tilespmem:s10+$0x8000];
	v16 =	vmax.f32 v18, v7;
	v18 =	vadd.f32 v12, v19;
	v12 =	vmul.f32 v6, v6  }
0x604: {  	v23 =	vld [tilespmem:s10+$0x8010];
	v16 =	vmax.f32 v16, v5;
	v17 =	vadd.f32 v10, v17;
	v10 =	vmul.f32 v7, v7  }
.Ltmp49:
0x605: {  	v19 =	vmul.f32 v4, v4;
	v6 =	vld [tilespmem:s10+$0x8030];
	v18 =	vadd.f32 v11, v18;
	v11 =	vmul.f32 v15, v15;
	(pc) =	sbr.rel @p0 .LBB2_94-.Ltmp49, $4  }
0x606: {  	v15 =	vmax.f32 v20, v15;
	v7 =	vld [tilespmem:s10+$0x8020];
	v17 =	vadd.f32 v8, v17;
	v8 =	vmul.f32 v5, v5;
	v4 =	vmovc v14  }
0x607: {  	v5 =	vld [tilespmem:s10+$0x8040];
	v14 =	vmax.f32 v16, v3;
	v20 =	vmax.f32 v15, v4;
	v19 =	vadd.f32 v19, v18  }
0x608: {  	v16 =	vmul.f32 v22, v22;
	v18 =	vmax.f32 v14, v22;
	v15 =	vld [tilespmem:s10+$0x8050];
	v17 =	vadd.f32 v21, v17  }
0x609: {  	v20 =	vmax.f32 v20, v23;
	v14 =	vld [tilespmem:s10+$0x8070];
	v19 =	vadd.f32 v13, v19;
	v13 =	vmul.f32 v23, v23  }
0x60a: {  	v21 =	vld [tilespmem:s10+$0x8060];
	_ =	sdelay $0x2  }
0x60b: {  	v20 =	vmax.f32 v20, v6;
	v18 =	vmax.f32 v18, v7  }
0x60c: {  	v55 =	vmax.f32 v18, v5;
	v56 =	vmax.f32 v20, v15  }
0x60d: {  	v9 =	vadd.f32 v9, v17;
	v18 =	vmax.f32 v56, v14;
	v17 =	vmax.f32 v55, v21  }
0x60e: {  	v57 =	vmax.f32 v17, v18  }
0x60f: {  	(xrf0) =	vmax.scan.msk.f32 $0xffff, v57;
	_ =	sdelay $0x1  }
0x610: {  	v12 =	vadd.f32 v12, v19;
	v9 =	vadd.f32 v10, v9  }
0x611: {  	v4 =	vmul.f32 v4, v4  }
0x612: {  	v3 =	vmul.f32 v3, v3;
	v11 =	vadd.f32 v11, v12;
	v8 =	vadd.f32 v8, v9;
	_ =	sdelay $0x1  }
0x613: {  	v4 =	vadd.f32 v4, v11;
	v3 =	vadd.f32 v3, v8;
	v61, _, _ =	vpop (xrf0)  }
0x614: {  	v58 =	vmul.f32 v6, v6;
	(v2sf) =	vpush v61, $0xF  }
0x615: {  	v59 =	vmul.f32 v7, v7;
	v4 =	vadd.f32 v13, v4;
	v3 =	vadd.f32 v16, v3  }
0x616: {  	v5 =	vmul.f32 v5, v5  }
0x617: {  	v60 =	vmul.f32 v15, v15;
	v4 =	vadd.f32 v58, v4;
	v3 =	vadd.f32 v59, v3  }
0x618: {  	v63 =	vmul.f32 v14, v14  }
0x619: {  	v62 =	vmul.f32 v21, v21;
	v4 =	vadd.f32 v60, v4;
	v3 =	vadd.f32 v5, v3;
	_ =	sdelay $0x1  }
0x61a: {  	v4 =	vadd.f32 v63, v4;
	v3 =	vadd.f32 v62, v3;
	_ =	sdelay $0x1  }
0x61b: {  	v3 =	vadd.f32 v4, v3;
	_ =	sdelay $0x1  }
0x61c: {  	(xrf2) =	vadd.scan.msk.f32 $0xffff, v3;
	_ =	sdelay $0x3  }
0x61d: {  	s26 =	spop (v2sf)  }
0x61e: {  	p0 =	sgt.f32 s26, s9  }
.Ltmp50:
0x61f: {  	_ = 	snop;
	(pc) =	sbr.rel @!p0 .LBB2_99-.Ltmp50, $2  }
0x620: {  	_ =	sdelay $0x2  }
0x621: {  	s10 =	simm.s32 $0x0;
	v3, _, _ =	vpop (xrf2)  }
0x622: {  	s12 =	sshra.s32 s10, $0x2  }
0x623: {  	v4 =	vld [tilespmem:s12+$0x8000];
	_ =	sdelay $0x4  }
0x624: {  	(xrf0) =	vmax.scan.msk.f32 $0xffff, v4;
	_ =	sdelay $0x5  }
0x625: {  	v5, _, _ =	vpop (xrf0)  }
0x626: {  	(v2sf) =	vpush v5, $0xF;
	_ =	sdelay $0xe  }
0x627: {  	s26 =	spop (v2sf)  }
0x628: {  	p0 =	sgt.f32 s26, s9;
	_ =	sdelay $0x1  }
0x629: {  	v5 =	vlaneseq.u32 @p0  }
0x62a: {  	v5 =	vor.u32 @p0 s3, v5  }
0x62b: {  	(xrf1) =	vsort.dscd.msk.f32 @p0 $0xffff, v4, v5;
	_ =	sdelay $0xd  }
0x62c: {  	v4, v5, _ =	vpop @p0 (xrf1)  }
0x62d: {  	vm8 =	veq.f32 @p0 v4, v1;
	vm9 =	vlt.s32 @p0 v5, v0  }
0x62e: {  	vm10 =	vgt.f32 @p0 v4, v1;
	vm8 =	vmand @p0 vm8, vm9  }
0x62f: {  	vm8 =	vmor @p0 vm10, vm8  }
0x630: {  	v4 =	vsel @p0 vm8, v4, v1;
	v5 =	vsel @p0 vm8, v5, v0  }
0x631: {  	(xrf1) =	vsort.ascd.msk.f32 @p0 $0xffff, v4, v5;
	_ =	sdelay $0x4  }
0x632: {  	s10 =	sadd.s32 $0x40, s10;
	s26 =	smov.u32 s3  }
.LBB2_97:
0x633: {  	_ =	sdelay $0x3  }
0x634: {  	s12 =	sshra.s32 s10, $0x2;
	s10 =	sadd.s32 $0x40, s10  }
0x635: {  	v4 =	vld [tilespmem:s12+$0x8000];
	p1 =	sne.s32 s10, $0x20000;
	_ =	sdelay $0x2  }
0x636: {  	v5, v6, _ =	vpop @p0 (xrf1)  }
0x637: {  	v1 =	vpsel p0, v5, v1;
	v0 =	vpsel p0, v6, v0;
	(xrf0) =	vmin.scan.msk.f32 @p0 $0xffff, v5  }
0x638: {  	(xrf0) =	vmax.scan.msk.f32 $0xffff, v4;
	_ =	sdelay $0x4  }
0x639: {  	v5, _, _ =	vpop @p0 (xrf0)  }
0x63a: {  	v6, _, _ =	vpop (xrf0);
	(v2sf) =	vpush @p0 v5, $0xF  }
0x63b: {  	(v2sf) =	vpush v6, $0xF;
	_ =	sdelay $0xd  }
0x63c: {  	s12 =	spop @p0 (v2sf)  }
0x63d: {  	s13 =	spop (v2sf);
	s9 =	smov.u32 @p0 s12  }
0x63e: {  	p0 =	sgt.f32 s13, s9;
	_ =	sdelay $0x1  }
0x63f: {  	s26 =	sadd.s32 $0x10, s26;
	v5 =	vlaneseq.u32 @p0  }
0x640: {  	v5 =	vor.u32 @p0 s26, v5  }
0x641: {  	(xrf1) =	vsort.dscd.msk.f32 @p0 $0xffff, v4, v5;
	_ =	sdelay $0xd  }
0x642: {  	v4, v5, _ =	vpop @p0 (xrf1)  }
.Ltmp51:
0x643: {  	vm8 =	veq.f32 @p0 v4, v1;
	vm9 =	vlt.s32 @p0 v5, v0;
	(pc) =	sbr.rel @p1 .LBB2_97-.Ltmp51, $4  }
0x644: {  	vm10 =	vgt.f32 @p0 v4, v1;
	vm8 =	vmand @p0 vm8, vm9  }
0x645: {  	vm8 =	vmor @p0 vm10, vm8  }
0x646: {  	v4 =	vsel @p0 vm8, v4, v1;
	v5 =	vsel @p0 vm8, v5, v0  }
0x647: {  	(xrf1) =	vsort.ascd.msk.f32 @p0 $0xffff, v4, v5  }
.Ltmp52:
0x648: {  	_ = 	snop;
	(pc) =	sbr.rel .LBB2_98-.Ltmp52, $1  }
0x649: {  	_ =	sdelay $0x3  }
.LBB2_100:
0x64a: {  	_ =	sfence.sel $0x180000  }
0x64b: {  	[bflag:$0x0] =	sbarrier.arrive $0xFFFF  }
0x64c: {  	_ =	strace $0x9000004D  }
0x64d: {  	s0 =	stileid.u32;
	[bflag:$0x2] =	sbarrier.arrive $0xFFFF  }
0x64e: {  	p0 =	sne.s32 s0, $0x0;
	s0 =	rddreg [dreg:$0x1]  }
0x64f: {  	s0 =	sadd.s32 @!p0 $0x100000, s0  }
0x650: {  	[sflag:s0] =	ssyncadd.tile.s32 @!p0 $0x1;
	_ =	shalt  }
.Lfunc_end2:
_tile_overlayer_lowered:
.L_overlay_start_2:
0x651: {  	(tag) =	ssettag $0x2  }
0x652: {  	s0 =	rddreg [dreg:$0x0];
	s2 =	stileid.u32  }
0x653: {  	s1 =	rddreg [dreg:$0x1];
	p0 =	sne.s32 s2, $0x0  }
0x654: {  	s3 =	rddreg [dreg:$0x2];
	[bflag:$0x3] =	sbarrier.arrive $0xFFFF;
	s2 =	simm.s32 @!p0 $0x1C03  }
0x655: {  	[timem:s3], [sflag:s2] =	dma.local @!p0 [hbm:s0], s1  }
0x656: {  	s0 =	simm.s32 @!p0 $0x3  }
0x657: {  	_ =	swait.ge @!p0 [sflag:s0], s1  }
0x658: {  	s1 =	ssub.s32 @!p0 $0x0, s1;
	[sflag:s0] =	ssyncset.done @!p0 $0x0  }
0x659: {  	[sflag:s0] =	ssyncadd.s32 @!p0 s1  }
0x65a: {  	[bflag:$0x3] =	sbarrier.arrive $0xFFFF  }
0x65b: {  	_ =	shalt  }

// kernel: sparse-core-data-format-call.1.cloned.1.call-start
scs
called_computation.1_lowered:
.L_overlay_start_0:
0x0: {  	s2 =	sld [smem:$0x3FD9]  }
0x1: {  	s3 =	sld [smem:$0x3FFE];
	_ =	sdelay $0x1  }
0x2: {  	s1 =	srdreg.scid  }
0x3: {  	s0 =	sand.u32 $0x1, s1  }
0x4: {  	s18 =	sshll.u32 s0, $0xA;
	s2 =	sadd.s32 s3, s2  }
0x5: {  	s2 =	sadd.s32 s2, s18  }
0x6: {  	[smem:$0x3FC4] =	sst s2  }
0x7: {  	_ = 	snop  }
0x8: {  	s2 =	sld [smem:$0x3FC9];
	(tm) =	ssettm $0x1  }
0x9: {  	s19 =	sld [smem:$0x3FFB];
	_ =	sdelay $0x3  }
0xa: {  	_ =	strace s19  }
0xb: {  	s3 =	sld [smem:$0x3FFC];
	_ =	sdelay $0x3  }
0xc: {  	_ =	strace s3  }
0xd: {  	s3 =	sld [smem:$0x3FFD];
	_ =	sdelay $0x3  }
0xe: {  	_ =	strace s3  }
0xf: {  	_ =	strace $0x8FFFFFFF  }
0x10: {  	s20 =	sld [smem:$0x3FDB];
	_ =	sdelay $0x1  }
0x11: {  	s4 =	simm.s32 $_scs_section_size  }
0x12: {  	s5 =	simm.s32 $_size__tile_overlayer_lowered;
	s6 =	simm.s32 $_tile_overlayer_lowered  }
0x13: {  	s23 =	simm.s32 $0x1BFF;
	s22 =	sshll.u32 s6, $0x1;
	s3 =	sadd.s32 s4, s20  }
0x14: {  	s7 =	simm.s32 $0x0;
	s21 =	sshll.u32 s5, $0x1;
	s5 =	sadd.s32 s22, s3  }
0x15: {  	[timem:s7], [sflag:s23] =	dma.local [hbm:s5], s21  }
0x16: {  	_ =	swait.ge [sflag:s23], s21  }
0x17: {  	s4 =	ssub.s32 $0x0, s21;
	[sflag:s23] =	ssyncset.done $0x0  }
0x18: {  	[sflag:s23] =	ssyncadd.s32 s4;
	_ =	sdelay $0x1  }
0x19: {  	s24 =	simm.s32 $0x1B8B  }
0x1a: {  	_ =	swait.ge [sflag:s24], $0x1  }
0x1b: {  	[sflag:s24] =	ssyncset.done $0x0  }
0x1c: {  	s26 =	simm.s32 $0x1B8E;
	s25 =	sld [smem:$0x3FFE];
	[sflag:s24] =	ssyncadd.s32 $0xFFFFFFFF  }
0x1d: {  	s27 =	simm.s32 $execute0_lowered;
	[smem:$0x3FD2] =	sst s26  }
0x1e: {  	s5 =	sshll.u32 s27, $0x1;
	_ =	strace $0x80000046;
	[dreg:$0x1] =	wrdreg $0xFFFFFFFF  }
0x1f: {  	s28 =	simm.s32 $_size_execute0_lowered;
	s3 =	sadd.s32 s3, s5;
	[dreg:$0x0] =	wrdreg $0x0  }
0x20: {  	s5 =	sshll.u32 s28, $0x1;
	[dreg:$0x2] =	wrdreg s3  }
0x21: {  	[dreg:$0x3] =	wrdreg s5  }
0x22: {  	[dreg:$0x4] =	wrdreg $0xC0  }
0x23: {  	_ =	task [dreg:s7], $0x5FFFF  }
0x24: {  	[dreg:$0x1] =	wrdreg $0xFFFFFFFF  }
0x25: {  	[dreg:$0x0] =	wrdreg $0x60  }
0x26: {  	[dreg:$0x2] =	wrdreg s2  }
0x27: {  	[dreg:$0x3] =	wrdreg s25  }
0x28: {  	[dreg:$0x4] =	wrdreg $0xA  }
0x29: {  	_ =	task.clear_ibuf [dreg:s7], $0x5FFFF;
	_ =	strace $0x90000046  }
0x2a: {  	s29 =	simm.s32 $0xA;
	_ =	strace $0x80000048  }
0x2b: {  	_ =	swait.ge [sflag:s29], $0x1  }
0x2c: {  	[sflag:s29] =	ssyncadd.s32 $0xFFFFFFFF  }
0x2d: {  	_ =	strace $0x90000048  }
0x2e: {  	_ =	sfence  }
0x2f: {  	s30 =	sld [smem:$0x0];
	_ =	sdelay $0x2  }
0x30: {  	s31 =	sshll.u32 s1, $0xD;
	s1 =	sshrl.u32 s1, $0x2  }
0x31: {  	s3 =	sand.u32 $0x4000, s31;
	s1 =	sadd.s32 s1, s30  }
0x32: {  	s0 =	sor.u32 s3, s0;
	s1 =	sshll.u32 s1, $0x11  }
0x33: {  	s0 =	sor.u32 s1, s0  }
0x34: {  	s0 =	sadd.s32 $0x8F2B, s0  }
0x35: {  	[sflag:s0] =	ssyncadd.remote.s32 $0x1  }
0x36: {  	_ =	sfence.sel $0xFFFF  }
0x37: {  	[dreg:$0x0] =	wrdreg $0xFFFFFFFF;
	(pc) =	sbr.abs _section_cstart, $3  }
0x38: {  	[dreg:$0x1] =	wrdreg $0xFFFFFFFF  }
0x39: {  	_ =	task.clear_ibuf [dreg:s7], $0x2FFFF;
	_ =	strace $0x9FFFFFFF  }
0x3a: {  	(tm) =	ssettm $0x7FFFFFFF  }
0x3b: {  	_ =	shalt  }
tec
execute0_lowered:
.L_overlay_start_1:
0x0: {  	(tag) =	ssettag $0x1  }
0x1: {  	s2 =	rddreg [dreg:$0x0]  }
0x2: {  	s1 =	rddreg [dreg:$0x1]  }
0x3: {  	s0 =	rddreg [dreg:$0x2];
	_ =	strace $0x80000047;
	s4 =	srdreg.scid  }
.Ltmp0:
0x4: {  	s6 =	simm.s32 $0x2;
	p0 =	por $0x0, $0x0;
	(pc) =	sbr.rel .LBB1_1-.Ltmp0, $4  }
0x5: {  	s9 =	simm.s32 $0x0;
	s3 =	sadd.s32 $0x400, s1;
	s5 =	sshll.u32 s4, $0x4  }
0x6: {  	s1 =	stileid.u32;
	s4 =	simm.s32 $0x1;
	s5 =	sand.u32 $0x10, s5  }
0x7: {  	s7 =	simm.s32 $0x0;
	[sflag:s4] =	ssyncpa.u1 $0x0;
	s5 =	sor.u32 s1, s5  }
0x8: {  	[sflag:s6] =	ssyncpa.u1 $0x0;
	s6 =	simm.s32 $0x0;
	s8 =	smov.u32 s5  }
.LBB1_7:
0x9: {  	s11 =	sadd.s32 $0x20, s8  }
0xa: {  	p1 =	slt.u32 s7, $0x2;
	s7 =	sadd.s32 $0x1, s7;
	p2 =	sgt.s32 s11, $0x1FF  }
0xb: {  	s11 =	smov.u32 @p2 s5;
	p2 =	sne.s32 s7, $0x12  }
.Ltmp1:
0xc: {  	_ = 	snop;
	(pc) =	sbr.rel @!p2 .LBB1_8-.Ltmp1, $4  }
0xd: {  	s10 =	simm.s32 @!p1 $0x2  }
0xe: {  	_ =	swait.ge @!p1 [sflag:s10], $0x4000  }
0xf: {  	s9 =	smov.u32 s8;
	[sflag:s10] =	ssyncset.done @!p1 $0x0  }
0x10: {  	p0 =	por !p0, !p0;
	s8 =	smov.u32 s11;
	[sflag:s10] =	ssyncadd.s32 @!p1 $0xFFFFC000  }
.LBB1_1:
0x11: {  	p1 =	sgt.u32 s7, $0xF  }
0x12: {  	s10 =	sxor.u32 @!p1 $0xFFFFFFFF, s7  }
0x13: {  	s11 =	sshll.u32 @!p1 s8, $0xB;
	s10 =	sshll.u32 @!p1 s10, $0xE  }
0x14: {  	s12 =	simm.s32 @!p1 $0x0;
	s11 =	sadd.s32 @!p1 s2, s11;
	s10 =	sand.u32 @!p1 $0x4000, s10  }
0x15: {  	[tilespmem:s10], [sflag:$0x1] =	stream.linear.gather @!p1 [hbm4b:s11+s12], $0x4000, $0x38;
	[tilespmem:$0x10000] =	vst v63  }
0x16: {  	p1 =	seq.s32 s7, $0x0  }
0x17: {  	p2 =	seq.s32 @!p1 s7, $0x11  }
0x18: {  	p1 =	por p1, p2  }
.Ltmp2:
0x19: {  	_ = 	snop;
	(pc) =	sbr.rel @p1 .LBB1_7-.Ltmp2, $1  }
0x1a: {  	_ =	sdelay $0x3  }
0x1b: {  	s10 =	simm.s32 $0x1;
	_ =	swait.ge [sflag:s4], $0x4000;
	s12 =	sshll.u32 s7, $0xE  }
0x1c: {  	s13 =	simm.s32 $0x0;
	s10 =	simm.s32 @!p0 $0x0;
	[sflag:s4] =	ssyncset.done $0x0  }
0x1d: {  	s12 =	sand.u32 $0x4000, s12;
	s11 =	sshll.u32 s10, $0xE;
	[sflag:s4] =	ssyncadd.s32 $0xFFFFC000  }
0x1e: {  	s12 =	sor.u32 $0x8000, s12;
	s10 =	sor.u32 $0x8040, s11;
	s11 =	sor.u32 $0x40, s11  }
.LBB1_3:
0x1f: {  	v0 =	vmov s11;
	_ =	sdelay $0x3  }
0x20: {  	s15 =	simm.s32 $0x0  }
0x21: {  	v6 =	vld.idx.msk [tilespmem:v0+s15+$0x30 ss:$0x1], $0xffff  }
0x22: {  	v7 =	vld.idx.msk [tilespmem:v0+s15+$0xFFFFFFC0 ss:$0x1], $0xffff  }
0x23: {  	v5 =	vld.idx.msk [tilespmem:v0+s15+$0xFFFFFFD0 ss:$0x1], $0xffff  }
0x24: {  	v4 =	vld.idx.msk [tilespmem:v0+s15+$0xFFFFFFE0 ss:$0x1], $0xffff  }
0x25: {  	v3 =	vld.idx.msk [tilespmem:v0+s15+$0xFFFFFFF0 ss:$0x1], $0xffff  }
0x26: {  	v1 =	vld.idx.msk [tilespmem:v0+s15+$0x0 ss:$0x1], $0xffff  }
0x27: {  	v2 =	vld.idx.msk [tilespmem:v0+s15+$0x10 ss:$0x1], $0xffff;
	[tilespmem:s10+$0x30] =	vst v6  }
0x28: {  	s14 =	simm.s32 $0x80;
	s16 =	simm.s32 $0x400;
	[tilespmem:s10+$0xFFFFFFC0] =	vst v7;
	v6 =	vld.idx.msk [tilespmem:v0+s15+$0x20 ss:$0x1], $0xffff;
	s15 =	smov.u32 s10  }
.LBB1_4:
0x29: {  	p1 =	sne.s32 s16, $0xE00;
	v7 =	vld.idx.msk [tilespmem:v0+s14+$0x30 ss:$0x1], $0xffff;
	[tilespmem:s15+$0xFFFFFFD0] =	vst v5  }
0x2a: {  	v8 =	vld.idx.msk [tilespmem:v0+s14+$0xFFFFFFC0 ss:$0x1], $0xffff;
	[tilespmem:s15+$0xFFFFFFE0] =	vst v4  }
0x2b: {  	v5 =	vld.idx.msk [tilespmem:v0+s14+$0xFFFFFFD0 ss:$0x1], $0xffff;
	[tilespmem:s15+$0xFFFFFFF0] =	vst v3  }
.Ltmp3:
0x2c: {  	v4 =	vld.idx.msk [tilespmem:v0+s14+$0xFFFFFFE0 ss:$0x1], $0xffff;
	[tilespmem:s15+$0x0] =	vst v1;
	(pc) =	sbr.rel @p1 .LBB1_4-.Ltmp3, $4  }
0x2d: {  	v3 =	vld.idx.msk [tilespmem:v0+s14+$0xFFFFFFF0 ss:$0x1], $0xffff;
	[tilespmem:s15+$0x10] =	vst v2  }
0x2e: {  	v1 =	vld.idx.msk [tilespmem:v0+s14+$0x0 ss:$0x1], $0xffff;
	[tilespmem:s15+$0x20] =	vst v6;
	s15 =	sadd.s32 $0x800, s15  }
0x2f: {  	v2 =	vld.idx.msk [tilespmem:v0+s14+$0x10 ss:$0x1], $0xffff;
	[tilespmem:s15+$0x30] =	vst v7  }
0x30: {  	[tilespmem:s15+$0xFFFFFFC0] =	vst v8;
	v6 =	vld.idx.msk [tilespmem:v0+s14+$0x20 ss:$0x1], $0xffff;
	s14 =	sshra.s32 s16, $0x2;
	s16 =	sadd.s32 $0x200, s16  }
0x31: {  	_ =	sdelay $0x2  }
0x32: {  	[tilespmem:s15+$0xFFFFFFD0] =	vst v5  }
0x33: {  	v56 =	vld.idx.msk [tilespmem:v0+s14+$0x30 ss:$0x1], $0xffff;
	[tilespmem:s15+$0xFFFFFFE0] =	vst v4  }
0x34: {  	v57 =	vld.idx.msk [tilespmem:v0+s14+$0xFFFFFFC0 ss:$0x1], $0xffff;
	[tilespmem:s15+$0xFFFFFFF0] =	vst v3  }
0x35: {  	v58 =	vld.idx.msk [tilespmem:v0+s14+$0xFFFFFFD0 ss:$0x1], $0xffff;
	[tilespmem:s15+$0x0] =	vst v1  }
0x36: {  	v59 =	vld.idx.msk [tilespmem:v0+s14+$0xFFFFFFE0 ss:$0x1], $0xffff;
	[tilespmem:s15+$0x10] =	vst v2  }
0x37: {  	v60 =	vld.idx.msk [tilespmem:v0+s14+$0xFFFFFFF0 ss:$0x1], $0xffff;
	s31 =	sadd.s32 $0x800, s15;
	[tilespmem:s15+$0x20] =	vst v6  }
0x38: {  	v61 =	vld.idx.msk [tilespmem:v0+s14+$0x0 ss:$0x1], $0xffff;
	[tilespmem:s31+$0x30] =	vst v56  }
0x39: {  	v62 =	vld.idx.msk [tilespmem:v0+s14+$0x10 ss:$0x1], $0xffff;
	s13 =	sadd.s32 $0x1, s13;
	[tilespmem:s31+$0xFFFFFFC0] =	vst v57  }
0x3a: {  	v63 =	vld.idx.msk [tilespmem:v0+s14+$0x20 ss:$0x1], $0xffff;
	p1 =	sne.s32 s13, $0x10;
	[tilespmem:s31+$0xFFFFFFD0] =	vst v58  }
.Ltmp4:
0x3b: {  	[tilespmem:s31+$0xFFFFFFE0] =	vst v59;
	(pc) =	sbr.rel @p1 .LBB1_3-.Ltmp4, $4  }
0x3c: {  	[tilespmem:s31+$0xFFFFFFF0] =	vst v60  }
0x3d: {  	[tilespmem:s31+$0x0] =	vst v61  }
0x3e: {  	[tilespmem:s31+$0x10] =	vst v62  }
0x3f: {  	s10 =	sadd.s32 $0x80, s10;
	s11 =	sadd.s32 $0x400, s11;
	[tilespmem:s31+$0x20] =	vst v63  }
.Ltmp5:
0x40: {  	(pc) =	sbr.rel .LBB1_7-.Ltmp5, $4  }
0x41: {  	_ = 	snop  }
0x42: {  	s9 =	sshll.u32 s9, $0xB  }
0x43: {  	s9 =	sadd.s32 s3, s9  }
0x44: {  	[hbm4b:s9+s6] =	stream.linear.scatter [tilespmem:s12], [sflag:$0x2], $0x4000, $0x38;
	[tilespmem:$0x10000] =	vst v63  }
.LBB1_8:
0x45: {  	_ =	sfence.sel $0x180000  }
0x46: {  	s2 =	simm.s32 $0x1;
	[bflag:$0x0] =	sbarrier.arrive $0xFFFF  }
0x47: {  	s31 =	simm.s32 $0x2;
	[sflag:s2] =	ssyncpa.u1 $0x1  }
0x48: {  	[sflag:s31] =	ssyncpa.u1 $0x1  }
0x49: {  	p0 =	sne.s32 s1, $0x0;
	_ =	strace $0x90000047  }
0x4a: {  	s0 =	sadd.s32 @!p0 $0x100000, s0;
	[bflag:$0x2] =	sbarrier.arrive $0xFFFF  }
0x4b: {  	[sflag:s0] =	ssyncadd.tile.s32 @!p0 $0x1;
	_ =	shalt  }
.Lfunc_end1:
_tile_overlayer_lowered:
.L_overlay_start_2:
0x4c: {  	(tag) =	ssettag $0x2  }
0x4d: {  	s0 =	rddreg [dreg:$0x0];
	s2 =	stileid.u32  }
0x4e: {  	s1 =	rddreg [dreg:$0x1];
	p0 =	sne.s32 s2, $0x0  }
0x4f: {  	s3 =	rddreg [dreg:$0x2];
	[bflag:$0x3] =	sbarrier.arrive $0xFFFF;
	s2 =	simm.s32 @!p0 $0x1C01  }
0x50: {  	[timem:s3], [sflag:s2] =	dma.local @!p0 [hbm:s0], s1  }
0x51: {  	s0 =	simm.s32 @!p0 $0x1  }
0x52: {  	_ =	swait.ge @!p0 [sflag:s0], s1  }
0x53: {  	s1 =	ssub.s32 @!p0 $0x0, s1;
	[sflag:s0] =	ssyncset.done @!p0 $0x0  }
0x54: {  	[sflag:s0] =	ssyncadd.s32 @!p0 s1  }
0x55: {  	[bflag:$0x3] =	sbarrier.arrive $0xFFFF  }
0x56: {  	_ =	shalt  }

// kernel: sparse-core-data-format-call.cloned.1.call-start
scs
called_computation_lowered:
.L_overlay_start_0:
0x0: {  	s2 =	sld [smem:$0x3FD9]  }
0x1: {  	s3 =	sld [smem:$0x3FFE];
	_ =	sdelay $0x1  }
0x2: {  	s1 =	srdreg.scid  }
0x3: {  	s0 =	sand.u32 $0x1, s1  }
0x4: {  	s18 =	sshll.u32 s0, $0xA;
	s2 =	sadd.s32 s3, s2  }
0x5: {  	s2 =	sadd.s32 s2, s18  }
0x6: {  	[smem:$0x3FC4] =	sst s2  }
0x7: {  	_ = 	snop  }
0x8: {  	s19 =	sld [smem:$0x3FC8];
	(tm) =	ssettm $0x1  }
0x9: {  	s20 =	sld [smem:$0x3FFB];
	_ =	sdelay $0x3  }
0xa: {  	_ =	strace s20  }
0xb: {  	s2 =	sld [smem:$0x3FFC];
	_ =	sdelay $0x3  }
0xc: {  	_ =	strace s2  }
0xd: {  	s2 =	sld [smem:$0x3FFD];
	_ =	sdelay $0x3  }
0xe: {  	_ =	strace s2  }
0xf: {  	_ =	strace $0x8FFFFFFF  }
0x10: {  	s21 =	sld [smem:$0x3FDB];
	_ =	sdelay $0x1  }
0x11: {  	s4 =	simm.s32 $_scs_section_size  }
0x12: {  	s5 =	simm.s32 $_size__tile_overlayer_lowered;
	s6 =	simm.s32 $_tile_overlayer_lowered  }
0x13: {  	s7 =	simm.s32 $0x1BFF;
	s22 =	sshll.u32 s6, $0x1;
	s4 =	sadd.s32 s4, s21  }
0x14: {  	s23 =	simm.s32 $0x0;
	s5 =	sshll.u32 s5, $0x1;
	s6 =	sadd.s32 s22, s4  }
0x15: {  	[timem:s23], [sflag:s7] =	dma.local [hbm:s6], s5  }
0x16: {  	_ =	swait.ge [sflag:s7], s5  }
0x17: {  	s5 =	ssub.s32 $0x0, s5;
	[sflag:s7] =	ssyncset.done $0x0  }
0x18: {  	[sflag:s7] =	ssyncadd.s32 s5;
	_ =	sdelay $0x1  }
0x19: {  	s24 =	simm.s32 $0x1B8B  }
0x1a: {  	_ =	swait.ge [sflag:s24], $0x1  }
0x1b: {  	[sflag:s24] =	ssyncset.done $0x0  }
0x1c: {  	[sflag:s24] =	ssyncadd.s32 $0xFFFFFFFF  }
0x1d: {  	s5 =	sld [smem:$0x0]  }
0x1e: {  	s6 =	sand.u32 $0xFFFFFFFE, s1  }
0x1f: {  	p0 =	sne.s32 s1, s6  }
0x20: {  	s6 =	sshll.u32 @p0 s6, $0xE  }
0x21: {  	s6 =	sadd.s32 @p0 $0x11B8D, s6;
	s7 =	sshll.u32 @p0 s5, $0x11  }
0x22: {  	s6 =	sor.u32 @p0 s7, s6  }
0x23: {  	[sflag:s6] =	ssyncadd.remote.s32 @p0 $0x1;
	_ =	sdelay $0x1  }
0x24: {  	s6 =	simm.s32 @p0 $0x1B8D  }
0x25: {  	_ =	swait.eq @p0 [sflag:s6], $0x1  }
0x26: {  	[sflag:s6] =	ssyncadd.s32 @p0 $0xFFFFFFFF  }
0x27: {  	s7 =	sshll.u32 @!p0 s1, $0xE  }
0x28: {  	s7 =	sor.u32 @!p0 $0x4000, s7;
	s6 =	simm.s32 @!p0 $0x1B8D  }
0x29: {  	s5 =	sshll.u32 @!p0 s5, $0x11;
	s7 =	sadd.s32 @!p0 $0x11B8D, s7;
	_ =	swait.eq @!p0 [sflag:s6], $0x1  }
0x2a: {  	s5 =	sor.u32 @!p0 s5, s7;
	[sflag:s6] =	ssyncadd.s32 @!p0 $0xFFFFFFFF  }
0x2b: {  	s26 =	simm.s32 $0x1B8E;
	s25 =	sld [smem:$0x3FFE];
	[sflag:s5] =	ssyncadd.remote.s32 @!p0 $0x1  }
0x2c: {  	s27 =	simm.s32 $execute0_lowered;
	[smem:$0x3FD2] =	sst s26  }
0x2d: {  	s6 =	sshll.u32 s27, $0x1;
	_ =	strace $0x80000049;
	[dreg:$0x1] =	wrdreg $0xFFFFFFFF  }
0x2e: {  	s28 =	simm.s32 $_size_execute0_lowered;
	s4 =	sadd.s32 s4, s6;
	[dreg:$0x0] =	wrdreg $0x0  }
0x2f: {  	s6 =	sshll.u32 s28, $0x1;
	[dreg:$0x2] =	wrdreg s4  }
0x30: {  	[dreg:$0x3] =	wrdreg s6  }
0x31: {  	[dreg:$0x4] =	wrdreg $0xC0  }
0x32: {  	_ =	task [dreg:s23], $0x5FFFF  }
0x33: {  	[dreg:$0x1] =	wrdreg $0xFFFFFFFF  }
0x34: {  	[dreg:$0x0] =	wrdreg $0x60  }
0x35: {  	[dreg:$0x2] =	wrdreg s19  }
0x36: {  	[dreg:$0x3] =	wrdreg s25  }
0x37: {  	[dreg:$0x4] =	wrdreg $0x9  }
0x38: {  	_ =	task.clear_ibuf [dreg:s23], $0x5FFFF;
	_ =	strace $0x90000049  }
0x39: {  	s29 =	simm.s32 $0x9;
	_ =	strace $0x8000004B  }
0x3a: {  	_ =	swait.ge [sflag:s29], $0x1  }
0x3b: {  	[sflag:s29] =	ssyncadd.s32 $0xFFFFFFFF  }
0x3c: {  	_ =	strace $0x9000004B  }
0x3d: {  	_ =	sfence  }
0x3e: {  	s30 =	sld [smem:$0x0];
	_ =	sdelay $0x2  }
0x3f: {  	s31 =	sshll.u32 s1, $0xD;
	s1 =	sshrl.u32 s1, $0x2  }
0x40: {  	s4 =	sand.u32 $0x4000, s31;
	s1 =	sadd.s32 s1, s30  }
0x41: {  	s0 =	sor.u32 s4, s0;
	s1 =	sshll.u32 s1, $0x11  }
0x42: {  	s0 =	sor.u32 s1, s0  }
0x43: {  	s0 =	sadd.s32 $0x8F2B, s0  }
0x44: {  	[sflag:s0] =	ssyncadd.remote.s32 $0x1  }
0x45: {  	_ =	sfence.sel $0xFFFF  }
0x46: {  	[dreg:$0x0] =	wrdreg $0xFFFFFFFF;
	(pc) =	sbr.abs _section_cstart, $3  }
0x47: {  	[dreg:$0x1] =	wrdreg $0xFFFFFFFF  }
0x48: {  	_ =	task.clear_ibuf [dreg:s23], $0x2FFFF;
	_ =	strace $0x9FFFFFFF  }
0x49: {  	(tm) =	ssettm $0x7FFFFFFF  }
tec
execute0_lowered:
.L_overlay_start_1:
0x0: {  	(tag) =	ssettag $0x1  }
0x1: {  	s2 =	rddreg [dreg:$0x0]  }
0x2: {  	s1 =	rddreg [dreg:$0x1]  }
0x3: {  	s0 =	rddreg [dreg:$0x2];
	_ =	strace $0x8000004A;
	s4 =	srdreg.scid  }
.Ltmp0:
0x4: {  	s6 =	simm.s32 $0x2;
	p0 =	por $0x0, $0x0;
	(pc) =	sbr.rel .LBB1_1-.Ltmp0, $4  }
0x5: {  	s9 =	simm.s32 $0x0;
	s3 =	sadd.s32 $0x100400, s1;
	s5 =	sshll.u32 s4, $0x4  }
0x6: {  	s1 =	stileid.u32;
	s4 =	simm.s32 $0x1;
	s5 =	sand.u32 $0x10, s5  }
0x7: {  	s7 =	simm.s32 $0x0;
	[sflag:s4] =	ssyncpa.u1 $0x0;
	s5 =	sor.u32 s1, s5  }
0x8: {  	[sflag:s6] =	ssyncpa.u1 $0x0;
	s6 =	simm.s32 $0x0;
	s8 =	smov.u32 s5  }
.LBB1_7:
0x9: {  	s11 =	sadd.s32 $0x20, s8  }
0xa: {  	p1 =	slt.u32 s7, $0x2;
	s7 =	sadd.s32 $0x1, s7;
	p2 =	sgt.s32 s11, $0x1FF  }
0xb: {  	s11 =	smov.u32 @p2 s5;
	p2 =	sne.s32 s7, $0x12  }
.Ltmp1:
0xc: {  	_ = 	snop;
	(pc) =	sbr.rel @!p2 .LBB1_8-.Ltmp1, $4  }
0xd: {  	s10 =	simm.s32 @!p1 $0x2  }
0xe: {  	_ =	swait.ge @!p1 [sflag:s10], $0x4000  }
0xf: {  	s9 =	smov.u32 s8;
	[sflag:s10] =	ssyncset.done @!p1 $0x0  }
0x10: {  	p0 =	por !p0, !p0;
	s8 =	smov.u32 s11;
	[sflag:s10] =	ssyncadd.s32 @!p1 $0xFFFFC000  }
.LBB1_1:
0x11: {  	p1 =	sgt.u32 s7, $0xF  }
0x12: {  	s10 =	sxor.u32 @!p1 $0xFFFFFFFF, s7  }
0x13: {  	s11 =	sshll.u32 @!p1 s8, $0xB;
	s10 =	sshll.u32 @!p1 s10, $0xE  }
0x14: {  	s12 =	simm.s32 @!p1 $0x0;
	s11 =	sadd.s32 @!p1 s2, s11;
	s10 =	sand.u32 @!p1 $0x4000, s10  }
0x15: {  	[tilespmem:s10], [sflag:$0x1] =	stream.linear.gather @!p1 [hbm4b:s11+s12], $0x4000, $0x38;
	[tilespmem:$0x10000] =	vst v63  }
0x16: {  	p1 =	seq.s32 s7, $0x0  }
0x17: {  	p2 =	seq.s32 @!p1 s7, $0x11  }
0x18: {  	p1 =	por p1, p2  }
.Ltmp2:
0x19: {  	_ = 	snop;
	(pc) =	sbr.rel @p1 .LBB1_7-.Ltmp2, $1  }
0x1a: {  	_ =	sdelay $0x3  }
0x1b: {  	s10 =	simm.s32 $0x1;
	_ =	swait.ge [sflag:s4], $0x4000;
	s12 =	sshll.u32 s7, $0xE  }
0x1c: {  	s13 =	simm.s32 $0x0;
	s10 =	simm.s32 @!p0 $0x0;
	[sflag:s4] =	ssyncset.done $0x0  }
0x1d: {  	s12 =	sand.u32 $0x4000, s12;
	s11 =	sshll.u32 s10, $0xE;
	[sflag:s4] =	ssyncadd.s32 $0xFFFFC000  }
0x1e: {  	s12 =	sor.u32 $0x8000, s12;
	s10 =	sor.u32 $0x8040, s11;
	s11 =	sor.u32 $0x40, s11  }
.LBB1_3:
0x1f: {  	v0 =	vmov s11;
	_ =	sdelay $0x3  }
0x20: {  	s15 =	simm.s32 $0x0  }
0x21: {  	v6 =	vld.idx.msk [tilespmem:v0+s15+$0x30 ss:$0x1], $0xffff  }
0x22: {  	v7 =	vld.idx.msk [tilespmem:v0+s15+$0xFFFFFFC0 ss:$0x1], $0xffff  }
0x23: {  	v5 =	vld.idx.msk [tilespmem:v0+s15+$0xFFFFFFD0 ss:$0x1], $0xffff  }
0x24: {  	v4 =	vld.idx.msk [tilespmem:v0+s15+$0xFFFFFFE0 ss:$0x1], $0xffff  }
0x25: {  	v3 =	vld.idx.msk [tilespmem:v0+s15+$0xFFFFFFF0 ss:$0x1], $0xffff  }
0x26: {  	v1 =	vld.idx.msk [tilespmem:v0+s15+$0x0 ss:$0x1], $0xffff  }
0x27: {  	v2 =	vld.idx.msk [tilespmem:v0+s15+$0x10 ss:$0x1], $0xffff;
	[tilespmem:s10+$0x30] =	vst v6  }
0x28: {  	s14 =	simm.s32 $0x80;
	s16 =	simm.s32 $0x400;
	[tilespmem:s10+$0xFFFFFFC0] =	vst v7;
	v6 =	vld.idx.msk [tilespmem:v0+s15+$0x20 ss:$0x1], $0xffff;
	s15 =	smov.u32 s10  }
.LBB1_4:
0x29: {  	p1 =	sne.s32 s16, $0xE00;
	v7 =	vld.idx.msk [tilespmem:v0+s14+$0x30 ss:$0x1], $0xffff;
	[tilespmem:s15+$0xFFFFFFD0] =	vst v5  }
0x2a: {  	v8 =	vld.idx.msk [tilespmem:v0+s14+$0xFFFFFFC0 ss:$0x1], $0xffff;
	[tilespmem:s15+$0xFFFFFFE0] =	vst v4  }
0x2b: {  	v5 =	vld.idx.msk [tilespmem:v0+s14+$0xFFFFFFD0 ss:$0x1], $0xffff;
	[tilespmem:s15+$0xFFFFFFF0] =	vst v3  }
.Ltmp3:
0x2c: {  	v4 =	vld.idx.msk [tilespmem:v0+s14+$0xFFFFFFE0 ss:$0x1], $0xffff;
	[tilespmem:s15+$0x0] =	vst v1;
	(pc) =	sbr.rel @p1 .LBB1_4-.Ltmp3, $4  }
0x2d: {  	v3 =	vld.idx.msk [tilespmem:v0+s14+$0xFFFFFFF0 ss:$0x1], $0xffff;
	[tilespmem:s15+$0x10] =	vst v2  }
0x2e: {  	v1 =	vld.idx.msk [tilespmem:v0+s14+$0x0 ss:$0x1], $0xffff;
	[tilespmem:s15+$0x20] =	vst v6;
	s15 =	sadd.s32 $0x800, s15  }
0x2f: {  	v2 =	vld.idx.msk [tilespmem:v0+s14+$0x10 ss:$0x1], $0xffff;
	[tilespmem:s15+$0x30] =	vst v7  }
0x30: {  	[tilespmem:s15+$0xFFFFFFC0] =	vst v8;
	v6 =	vld.idx.msk [tilespmem:v0+s14+$0x20 ss:$0x1], $0xffff;
	s14 =	sshra.s32 s16, $0x2;
	s16 =	sadd.s32 $0x200, s16  }
0x31: {  	_ =	sdelay $0x2  }
0x32: {  	[tilespmem:s15+$0xFFFFFFD0] =	vst v5  }
0x33: {  	v56 =	vld.idx.msk [tilespmem:v0+s14+$0x30 ss:$0x1], $0xffff;
	[tilespmem:s15+$0xFFFFFFE0] =	vst v4  }
0x34: {  	v57 =	vld.idx.msk [tilespmem:v0+s14+$0xFFFFFFC0 ss:$0x1], $0xffff;
	[tilespmem:s15+$0xFFFFFFF0] =	vst v3  }
0x35: {  	v58 =	vld.idx.msk [tilespmem:v0+s14+$0xFFFFFFD0 ss:$0x1], $0xffff;
	[tilespmem:s15+$0x0] =	vst v1  }
0x36: {  	v59 =	vld.idx.msk [tilespmem:v0+s14+$0xFFFFFFE0 ss:$0x1], $0xffff;
	[tilespmem:s15+$0x10] =	vst v2  }
0x37: {  	v60 =	vld.idx.msk [tilespmem:v0+s14+$0xFFFFFFF0 ss:$0x1], $0xffff;
	s31 =	sadd.s32 $0x800, s15;
	[tilespmem:s15+$0x20] =	vst v6  }
0x38: {  	v61 =	vld.idx.msk [tilespmem:v0+s14+$0x0 ss:$0x1], $0xffff;
	[tilespmem:s31+$0x30] =	vst v56  }
0x39: {  	v62 =	vld.idx.msk [tilespmem:v0+s14+$0x10 ss:$0x1], $0xffff;
	s13 =	sadd.s32 $0x1, s13;
	[tilespmem:s31+$0xFFFFFFC0] =	vst v57  }
0x3a: {  	v63 =	vld.idx.msk [tilespmem:v0+s14+$0x20 ss:$0x1], $0xffff;
	p1 =	sne.s32 s13, $0x10;
	[tilespmem:s31+$0xFFFFFFD0] =	vst v58  }
.Ltmp4:
0x3b: {  	[tilespmem:s31+$0xFFFFFFE0] =	vst v59;
	(pc) =	sbr.rel @p1 .LBB1_3-.Ltmp4, $4  }
0x3c: {  	[tilespmem:s31+$0xFFFFFFF0] =	vst v60  }
0x3d: {  	[tilespmem:s31+$0x0] =	vst v61  }
0x3e: {  	[tilespmem:s31+$0x10] =	vst v62  }
0x3f: {  	s10 =	sadd.s32 $0x80, s10;
	s11 =	sadd.s32 $0x400, s11;
	[tilespmem:s31+$0x20] =	vst v63  }
.Ltmp5:
0x40: {  	(pc) =	sbr.rel .LBB1_7-.Ltmp5, $4  }
0x41: {  	_ = 	snop  }
0x42: {  	s9 =	sshll.u32 s9, $0xB  }
0x43: {  	s9 =	sadd.s32 s3, s9  }
0x44: {  	[hbm4b:s9+s6] =	stream.linear.scatter [tilespmem:s12], [sflag:$0x2], $0x4000, $0x38;
	[tilespmem:$0x10000] =	vst v63  }
.LBB1_8:
0x45: {  	_ =	sfence.sel $0x180000  }
0x46: {  	s2 =	simm.s32 $0x1;
	[bflag:$0x0] =	sbarrier.arrive $0xFFFF  }
0x47: {  	s31 =	simm.s32 $0x2;
	[sflag:s2] =	ssyncpa.u1 $0x1  }
0x48: {  	[sflag:s31] =	ssyncpa.u1 $0x1  }
0x49: {  	p0 =	sne.s32 s1, $0x0;
	_ =	strace $0x9000004A  }
0x4a: {  	s0 =	sadd.s32 @!p0 $0x100000, s0;
	[bflag:$0x2] =	sbarrier.arrive $0xFFFF  }
0x4b: {  	[sflag:s0] =	ssyncadd.tile.s32 @!p0 $0x1;
	_ =	shalt  }
.Lfunc_end1:
_tile_overlayer_lowered:
.L_overlay_start_2:
0x4c: {  	(tag) =	ssettag $0x2  }
0x4d: {  	s0 =	rddreg [dreg:$0x0];
	s2 =	stileid.u32  }
0x4e: {  	s1 =	rddreg [dreg:$0x1];
	p0 =	sne.s32 s2, $0x0  }
0x4f: {  	s3 =	rddreg [dreg:$0x2];
	[bflag:$0x3] =	sbarrier.arrive $0xFFFF;
	s2 =	simm.s32 @!p0 $0x1C01  }
0x50: {  	[timem:s3], [sflag:s2] =	dma.local @!p0 [hbm:s0], s1  }
0x51: {  	s0 =	simm.s32 @!p0 $0x1  }
0x52: {  	_ =	swait.ge @!p0 [sflag:s0], s1  }
0x53: {  	s1 =	ssub.s32 @!p0 $0x0, s1;
	[sflag:s0] =	ssyncset.done @!p0 $0x0  }
0x54: {  	[sflag:s0] =	ssyncadd.s32 @!p0 s1  }
0x55: {  	[bflag:$0x3] =	sbarrier.arrive $0xFFFF  }
0x56: {  	_ =	shalt  }

</sc_bundles>
